<compile_context>
chip_gen: v7x
topology: tpu7x:2x2x1
jax: 0.10.2.dev20260603
libtpu: 0.0.44.dev20260713+nightly
codegen_flags: <defaults>
</compile_context>

<pallas_src>
import functools

import jax
import jax.numpy as jnp
from jax import lax
from jax.experimental import pallas as pl
from jax.experimental.pallas import tpu as pltpu
from jax.experimental.pallas import tpu_sc as plsc

_B, _F, _FW, _L, _V, _D = 4096, 2, 1, 20, 100000, 64
_NF = _F + _FW
_NW = 32
_NP = _NF * _D
_PPW = _NP // _NW
_CB = 128
_NCH = _B // _CB
_NG = _CB // 16


def _body(ebc_t, w_t, idx_hbm, wts_hbm, out_hbm,
          row_v, idx_v0, idx_v1, wts_v0, wts_v1, out_row,
          sem_r, sem_a, sem_b):
    idx_bufs = (idx_v0, idx_v1)
    wts_bufs = (wts_v0, wts_v1)
    slot = lax.axis_index("s")
    sc = lax.axis_index("c")
    wid = slot * 2 + sc

    sems = (sem_a, sem_b)

    def start_chunk(f, c, b, weighted):
        pltpu.async_copy(idx_hbm.at[f, c], idx_bufs[b], sems[b])
        if weighted:
            pltpu.async_copy(wts_hbm.at[c], wts_bufs[b], sems[b])

    def wait_chunk(f, c, b, weighted):
        pltpu.make_async_copy(idx_hbm.at[f, c], idx_bufs[b], sems[b]).wait()
        if weighted:
            pltpu.make_async_copy(wts_hbm.at[c], wts_bufs[b], sems[b]).wait()

    def accum_chunk(c, b, weighted):
        @plsc.parallel_loop(0, _NG, unroll=2)
        def _(g):
            gl = pl.ds(pl.multiple_of(g * 16, 16), 16)
            ivs = [idx_bufs[b][l, gl] for l in range(_L)]
            vals = [plsc.load_gather(row_v, [iv]) for iv in ivs]
            if weighted:
                ws = [wts_bufs[b][l, gl] for l in range(_L)]
                vals = [v * w for v, w in zip(vals, ws)]
            while len(vals) > 1:
                nxt = [vals[i] + vals[i + 1]
                       for i in range(0, len(vals) - 1, 2)]
                if len(vals) % 2:
                    nxt.append(vals[-1])
                vals = nxt
            out_row[pl.ds(pl.multiple_of(c * _CB + g * 16, 16), 16)] = vals[0]

    def do_pair(k):
        p_lo = 32 * k
        f = p_lo // _D
        weighted = f == _F
        d = wid + 32 * (k % 2)
        tab = w_t if weighted else ebc_t
        row_cp = pltpu.make_async_copy(tab.at[0 if weighted else f, d],
                                       row_v, sem_r)
        row_cp.start()
        start_chunk(f, 0, 0, weighted)
        start_chunk(f, 1, 1, weighted)
        row_cp.wait()

        def step(i, carry):
            a = 2 * i
            wait_chunk(f, a, 0, weighted)
            accum_chunk(a, 0, weighted)

            @pl.when(i < _NCH // 2 - 1)
            def _():
                start_chunk(f, a + 2, 0, weighted)
            wait_chunk(f, a + 1, 1, weighted)
            accum_chunk(a + 1, 1, weighted)

            @pl.when(i < _NCH // 2 - 1)
            def _():
                start_chunk(f, a + 3, 1, weighted)
            return carry
        lax.fori_loop(0, _NCH // 2, step, 0)
        pltpu.sync_copy(out_row, out_hbm.at[wid + 32 * k])

    for k in range(_PPW):
        do_pair(k)


@jax.jit
def _run(ebc_t, w_t, idx_all, wts):
    mesh = plsc.VectorSubcoreMesh(core_axis_name="c", subcore_axis_name="s")
    k = functools.partial(
        pl.kernel,
        mesh=mesh,
        out_type=jax.ShapeDtypeStruct((_NP, _B), jnp.float32),
        scratch_types=[
            pltpu.VMEM((_V,), jnp.float32),
            pltpu.VMEM((_L, _CB), jnp.int32),
            pltpu.VMEM((_L, _CB), jnp.int32),
            pltpu.VMEM((_L, _CB), jnp.float32),
            pltpu.VMEM((_L, _CB), jnp.float32),
            pltpu.VMEM((_B,), jnp.float32),
            pltpu.SemaphoreType.DMA,
            pltpu.SemaphoreType.DMA,
            pltpu.SemaphoreType.DMA,
        ],
        compiler_params=pltpu.CompilerParams(needs_layout_passes=False),
    )(_body)
    return k(ebc_t, w_t, idx_all, wts)


def kernel(features_indices, weighted_features_indices,
           weighted_features_weights, ebc_tables, weighted_tables):
    ebc_t = ebc_tables.transpose(0, 2, 1)
    w_t = weighted_tables.transpose(0, 2, 1)
    it = features_indices.astype(jnp.int32).transpose(2, 1, 0)
    f0 = it[:, 0, :].reshape(_L, _NCH, _CB).transpose(1, 0, 2)
    f1 = it[:, 1, :].reshape(_L, _NCH, _CB).transpose(1, 0, 2)
    wi = weighted_features_indices.astype(jnp.int32).transpose(2, 1, 0)
    wi = wi[:, 0, :].reshape(_L, _NCH, _CB).transpose(1, 0, 2)
    idx_all = jnp.stack([f0, f1, wi])
    wts = weighted_features_weights.transpose(2, 1, 0)
    wts = wts[:, 0, :].reshape(_L, _NCH, _CB).transpose(1, 0, 2)
    out = _run(ebc_t, w_t, idx_all, wts)
    return out.T

# --- scband reference (transcript-rebuilt; emitter-appended) ---
"""Pipeline reference for scband-test-sparse-arch-7499012899600 (READ-ONLY COPY).

The authoritative reference and input builder live on the scoring server;
editing this copy changes nothing except your own understanding.
"""

import jax, jax.numpy as jnp
import numpy as np

B, F, FW, L, V, D = 4096, 2, 1, 20, 100000, 64


def setup_inputs(seed: int = 0) -> dict:
    key = jax.random.key(seed)
    k1, k2, k3, k4, k5 = jax.random.split(key, 5)
    features_indices = jax.random.randint(k1, (B, F, L), 0, V, dtype=jnp.int64 if jax.config.jax_enable_x64 else jnp.int32).astype(jnp.int32)
    weighted_features_indices = jax.random.randint(k2, (B, FW, L), 0, V).astype(jnp.int32)
    weighted_features_weights = jax.random.uniform(k3, (B, FW, L), dtype=jnp.float32)
    ebc_tables = jax.random.normal(k4, (F, V, D), dtype=jnp.float32) * 0.01
    weighted_tables = jax.random.normal(k5, (FW, V, D), dtype=jnp.float32) * 0.01
    return {
        "features_indices": features_indices,
        "weighted_features_indices": weighted_features_indices,
        "weighted_features_weights": weighted_features_weights,
        "ebc_tables": ebc_tables,
        "weighted_tables": weighted_tables,
    }


def reference(features_indices, weighted_features_indices, weighted_features_weights, ebc_tables, weighted_tables):
    # EmbeddingBagCollection (unweighted): sum-pool embeddings per feature bag
    ebc_pooled = []
    for f in range(F):
        emb = jnp.take(ebc_tables[f], features_indices[:, f, :], axis=0)  # [B, L, D]
        ebc_pooled.append(emb.sum(axis=1))  # [B, D]
    ebc_values = jnp.concatenate(ebc_pooled, axis=1)  # [B, F*D]

    # Weighted EmbeddingBagCollection: weighted sum-pool per feature bag
    w_pooled = []
    for f in range(FW):
        emb = jnp.take(weighted_tables[f], weighted_features_indices[:, f, :], axis=0)  # [B, L, D]
        w = weighted_features_weights[:, f, :, None]  # [B, L, 1]
        w_pooled.append((emb * w).sum(axis=1))  # [B, D]
    w_ebc_values = jnp.concatenate(w_pooled, axis=1)  # [B, FW*D]

    # _post_sparsenn_forward with fp_ebc=None, batch_size=None: concat along dim 1
    result = jnp.concatenate([ebc_values, w_ebc_values], axis=1)  # [B, (F+FW)*D]
    return result

if __name__ == "__main__":
    import jax
    _d = setup_inputs()
    print(jax.jit(kernel)(*tuple(_d.values())))

</pallas_src>

<mosaic_0001>
#map = affine_map<(d0, d1) -> (0, 0, 0)>
#map1 = affine_map<(d0, d1) -> (0, 0, 0, 0)>
#map2 = affine_map<(d0, d1) -> (0, 0)>
module attributes {stable_mosaic.version = 14 : i64} {
  func.func @_body(%arg0: i32, %arg1: i32, %arg2: memref<2x64x100000xf32, #tpu.memory_space<hbm>>, %arg3: memref<1x64x100000xf32, #tpu.memory_space<hbm>>, %arg4: memref<3x32x20x128xi32, #tpu.memory_space<hbm>>, %arg5: memref<32x20x128xf32, #tpu.memory_space<hbm>>, %arg6: memref<192x4096xf32, #tpu.memory_space<hbm>>, %arg7: memref<100000xf32, #tpu.memory_space<vmem>>, %arg8: memref<20x128xi32, #tpu.memory_space<vmem>>, %arg9: memref<20x128xi32, #tpu.memory_space<vmem>>, %arg10: memref<20x128xf32, #tpu.memory_space<vmem>>, %arg11: memref<20x128xf32, #tpu.memory_space<vmem>>, %arg12: memref<4096xf32, #tpu.memory_space<vmem>>, %arg13: memref<!tpu.dma_semaphore, #tpu.memory_space<semaphore_mem>>, %arg14: memref<!tpu.dma_semaphore, #tpu.memory_space<semaphore_mem>>, %arg15: memref<!tpu.dma_semaphore, #tpu.memory_space<semaphore_mem>>) attributes {dimension_semantics = [#tpu.dimension_semantics<core_parallel>, #tpu.dimension_semantics<subcore_parallel>], iteration_bounds = array<i64: 2, 16>, scalar_prefetch = 0 : i64, scratch_operands = 9 : i64, tpu.core_type = #tpu.core_type<sc_vector_subcore>, window_params = [{transform_indices = #map}, {transform_indices = #map}, {transform_indices = #map1}, {transform_indices = #map}, {transform_indices = #map2}]} {
    %mul3A = arith.constant 2 : i32
    %mul3A_0 = arith.muli %arg1, %mul3A : i32
    %add3A = arith.addi %mul3A_0, %arg0 : i32
    %add3A_1 = arith.constant 0 : i32
    %add3A_2 = arith.addi %add3A, %add3A_1 : i32
    %dma_start3A = arith.constant 0 : i32
    %dma_start3A_3 = arith.constant 0 : i32
    %dma_start3A_4 = tpu.memref_slice %arg2[%dma_start3A, %add3A_2, %dma_start3A_3] : memref<2x64x100000xf32, #tpu.memory_space<hbm>> -> memref<1x1x100000xf32, #tpu.memory_space<hbm>>
    %dma_start3A_5 = tpu.memref_squeeze %dma_start3A_4 : memref<1x1x100000xf32, #tpu.memory_space<hbm>> -> memref<100000xf32, #tpu.memory_space<hbm>>
    %dma_start3A_6 = arith.constant 0 : i32
    %dma_start3A_7 = tpu.memref_slice %arg2[%dma_start3A, %add3A_2, %dma_start3A_6] : memref<2x64x100000xf32, #tpu.memory_space<hbm>> -> memref<1x1x100000xf32, #tpu.memory_space<hbm>>
    %dma_start3A_8 = tpu.memref_squeeze %dma_start3A_7 : memref<1x1x100000xf32, #tpu.memory_space<hbm>> -> memref<100000xf32, #tpu.memory_space<hbm>>
    tpu.enqueue_dma source(%dma_start3A_8 : memref<100000xf32, #tpu.memory_space<hbm>>) target(%arg7 : memref<100000xf32, #tpu.memory_space<vmem>>) target_semaphore(%arg13 : memref<!tpu.dma_semaphore, #tpu.memory_space<semaphore_mem>>)
    %dma_start3A_9 = arith.constant 0 : i32
    %dma_start3A_10 = arith.constant 0 : i32
    %dma_start3A_11 = arith.constant 0 : i32
    %dma_start3A_12 = arith.constant 0 : i32
    %dma_start3A_13 = tpu.memref_slice %arg4[%dma_start3A_9, %dma_start3A_10, %dma_start3A_11, %dma_start3A_12] : memref<3x32x20x128xi32, #tpu.memory_space<hbm>> -> memref<1x1x20x128xi32, #tpu.memory_space<hbm>>
    %dma_start3A_14 = tpu.memref_squeeze %dma_start3A_13 : memref<1x1x20x128xi32, #tpu.memory_space<hbm>> -> memref<20x128xi32, #tpu.memory_space<hbm>>
    %dma_start3A_15 = arith.constant 0 : i32
    %dma_start3A_16 = arith.constant 0 : i32
    %dma_start3A_17 = tpu.memref_slice %arg4[%dma_start3A_9, %dma_start3A_10, %dma_start3A_15, %dma_start3A_16] : memref<3x32x20x128xi32, #tpu.memory_space<hbm>> -> memref<1x1x20x128xi32, #tpu.memory_space<hbm>>
    %dma_start3A_18 = tpu.memref_squeeze %dma_start3A_17 : memref<1x1x20x128xi32, #tpu.memory_space<hbm>> -> memref<20x128xi32, #tpu.memory_space<hbm>>
    tpu.enqueue_dma source(%dma_start3A_18 : memref<20x128xi32, #tpu.memory_space<hbm>>) target(%arg8 : memref<20x128xi32, #tpu.memory_space<vmem>>) target_semaphore(%arg14 : memref<!tpu.dma_semaphore, #tpu.memory_space<semaphore_mem>>)
    %dma_start3A_19 = arith.constant 0 : i32
    %dma_start3A_20 = arith.constant 1 : i32
    %dma_start3A_21 = arith.constant 0 : i32
    %dma_start3A_22 = arith.constant 0 : i32
    %dma_start3A_23 = tpu.memref_slice %arg4[%dma_start3A_19, %dma_start3A_20, %dma_start3A_21, %dma_start3A_22] : memref<3x32x20x128xi32, #tpu.memory_space<hbm>> -> memref<1x1x20x128xi32, #tpu.memory_space<hbm>>
    %dma_start3A_24 = tpu.memref_squeeze %dma_start3A_23 : memref<1x1x20x128xi32, #tpu.memory_space<hbm>> -> memref<20x128xi32, #tpu.memory_space<hbm>>
    %dma_start3A_25 = arith.constant 0 : i32
    %dma_start3A_26 = arith.constant 0 : i32
    %dma_start3A_27 = tpu.memref_slice %arg4[%dma_start3A_19, %dma_start3A_20, %dma_start3A_25, %dma_start3A_26] : memref<3x32x20x128xi32, #tpu.memory_space<hbm>> -> memref<1x1x20x128xi32, #tpu.memory_space<hbm>>
    %dma_start3A_28 = tpu.memref_squeeze %dma_start3A_27 : memref<1x1x20x128xi32, #tpu.memory_space<hbm>> -> memref<20x128xi32, #tpu.memory_space<hbm>>
    tpu.enqueue_dma source(%dma_start3A_28 : memref<20x128xi32, #tpu.memory_space<hbm>>) target(%arg9 : memref<20x128xi32, #tpu.memory_space<vmem>>) target_semaphore(%arg15 : memref<!tpu.dma_semaphore, #tpu.memory_space<semaphore_mem>>)
    %dma_wait3A = arith.constant 0 : i32
    %dma_wait3A_29 = arith.constant 0 : i32
    %dma_wait3A_30 = tpu.memref_slice %arg2[%dma_wait3A, %add3A_2, %dma_wait3A_29] : memref<2x64x100000xf32, #tpu.memory_space<hbm>> -> memref<1x1x100000xf32, #tpu.memory_space<hbm>>
    %dma_wait3A_31 = tpu.memref_squeeze %dma_wait3A_30 : memref<1x1x100000xf32, #tpu.memory_space<hbm>> -> memref<100000xf32, #tpu.memory_space<hbm>>
    %dma_wait3A_32 = arith.constant 0 : i32
    %dma_wait3A_33 = tpu.memref_slice %arg2[%dma_wait3A, %add3A_2, %dma_wait3A_32] : memref<2x64x100000xf32, #tpu.memory_space<hbm>> -> memref<1x1x100000xf32, #tpu.memory_space<hbm>>
    %dma_wait3A_34 = tpu.memref_squeeze %dma_wait3A_33 : memref<1x1x100000xf32, #tpu.memory_space<hbm>> -> memref<100000xf32, #tpu.memory_space<hbm>>
    tpu.wait_dma2 semaphore(%arg13 : memref<!tpu.dma_semaphore, #tpu.memory_space<semaphore_mem>>) src(%dma_wait3A_34 : memref<100000xf32, #tpu.memory_space<hbm>>) dst(%arg7 : memref<100000xf32, #tpu.memory_space<vmem>>)
    %scan3A = arith.constant 0 : i32
    %scan3A_35 = arith.constant 0 : i32
    %scan3A_36 = arith.constant 16 : i32
    %scan3A_37 = arith.addi %scan3A_35, %scan3A_36 : i32
    %scan3A_38 = arith.constant 1 : i32
    scf.for %scan3A_298 = %scan3A_35 to %scan3A_37 step %scan3A_38  : i32 {
      %mul3A_299 = arith.constant 2 : i32
      %mul3A_300 = arith.muli %mul3A_299, %scan3A_298 : i32
      %dma_wait3A_301 = arith.constant 0 : i32
      %dma_wait3A_302 = arith.constant 0 : i32
      %dma_wait3A_303 = arith.constant 0 : i32
      %dma_wait3A_304 = tpu.memref_slice %arg4[%dma_wait3A_301, %mul3A_300, %dma_wait3A_302, %dma_wait3A_303] : memref<3x32x20x128xi32, #tpu.memory_space<hbm>> -> memref<1x1x20x128xi32, #tpu.memory_space<hbm>>
      %dma_wait3A_305 = tpu.memref_squeeze %dma_wait3A_304 : memref<1x1x20x128xi32, #tpu.memory_space<hbm>> -> memref<20x128xi32, #tpu.memory_space<hbm>>
      %dma_wait3A_306 = arith.constant 0 : i32
      %dma_wait3A_307 = arith.constant 0 : i32
      %dma_wait3A_308 = tpu.memref_slice %arg4[%dma_wait3A_301, %mul3A_300, %dma_wait3A_306, %dma_wait3A_307] : memref<3x32x20x128xi32, #tpu.memory_space<hbm>> -> memref<1x1x20x128xi32, #tpu.memory_space<hbm>>
      %dma_wait3A_309 = tpu.memref_squeeze %dma_wait3A_308 : memref<1x1x20x128xi32, #tpu.memory_space<hbm>> -> memref<20x128xi32, #tpu.memory_space<hbm>>
      tpu.wait_dma2 semaphore(%arg14 : memref<!tpu.dma_semaphore, #tpu.memory_space<semaphore_mem>>) src(%dma_wait3A_309 : memref<20x128xi32, #tpu.memory_space<hbm>>) dst(%arg8 : memref<20x128xi32, #tpu.memory_space<vmem>>)
      %parallel_loop3A = arith.constant 0 : i32
      %parallel_loop3A_310 = arith.constant 8 : i32
      %parallel_loop3A_311 = arith.constant 1 : i32
      scf.for %parallel_loop3A_335 = %parallel_loop3A to %parallel_loop3A_310 step %parallel_loop3A_311  : i32 {
        %parallel_loop3A_336 = arith.constant 16 : i32
        %parallel_loop3A_337 = arith.muli %parallel_loop3A_335, %parallel_loop3A_336 : i32
        %parallel_loop3A_338 = tpu.assume_multiple %parallel_loop3A_337, 16 : i32
        %parallel_loop3A_339 = arith.constant 0 : i32
        %parallel_loop3A_340 = arith.index_cast %parallel_loop3A_339 : i32 to index
        %parallel_loop3A_341 = arith.index_cast %parallel_loop3A_338 : i32 to index
        %parallel_loop3A_342 = tpu.vector_load %arg8[%parallel_loop3A_340, %parallel_loop3A_341] {strides = array<i32>} : memref<20x128xi32, #tpu.memory_space<vmem>>, vector<16xi32>,
        %parallel_loop3A_343 = arith.constant 1 : i32
        %parallel_loop3A_344 = arith.index_cast %parallel_loop3A_343 : i32 to index
        %parallel_loop3A_345 = arith.index_cast %parallel_loop3A_338 : i32 to index
        %parallel_loop3A_346 = tpu.vector_load %arg8[%parallel_loop3A_344, %parallel_loop3A_345] {strides = array<i32>} : memref<20x128xi32, #tpu.memory_space<vmem>>, vector<16xi32>,
        %parallel_loop3A_347 = arith.constant 2 : i32
        %parallel_loop3A_348 = arith.index_cast %parallel_loop3A_347 : i32 to index
        %parallel_loop3A_349 = arith.index_cast %parallel_loop3A_338 : i32 to index
        %parallel_loop3A_350 = tpu.vector_load %arg8[%parallel_loop3A_348, %parallel_loop3A_349] {strides = array<i32>} : memref<20x128xi32, #tpu.memory_space<vmem>>, vector<16xi32>,
        %parallel_loop3A_351 = arith.constant 3 : i32
        %parallel_loop3A_352 = arith.index_cast %parallel_loop3A_351 : i32 to index
        %parallel_loop3A_353 = arith.index_cast %parallel_loop3A_338 : i32 to index
        %parallel_loop3A_354 = tpu.vector_load %arg8[%parallel_loop3A_352, %parallel_loop3A_353] {strides = array<i32>} : memref<20x128xi32, #tpu.memory_space<vmem>>, vector<16xi32>,
        %parallel_loop3A_355 = arith.constant 4 : i32
        %parallel_loop3A_356 = arith.index_cast %parallel_loop3A_355 : i32 to index
        %parallel_loop3A_357 = arith.index_cast %parallel_loop3A_338 : i32 to index
        %parallel_loop3A_358 = tpu.vector_load %arg8[%parallel_loop3A_356, %parallel_loop3A_357] {strides = array<i32>} : memref<20x128xi32, #tpu.memory_space<vmem>>, vector<16xi32>,
        %parallel_loop3A_359 = arith.constant 5 : i32
        %parallel_loop3A_360 = arith.index_cast %parallel_loop3A_359 : i32 to index
        %parallel_loop3A_361 = arith.index_cast %parallel_loop3A_338 : i32 to index
        %parallel_loop3A_362 = tpu.vector_load %arg8[%parallel_loop3A_360, %parallel_loop3A_361] {strides = array<i32>} : memref<20x128xi32, #tpu.memory_space<vmem>>, vector<16xi32>,
        %parallel_loop3A_363 = arith.constant 6 : i32
        %parallel_loop3A_364 = arith.index_cast %parallel_loop3A_363 : i32 to index
        %parallel_loop3A_365 = arith.index_cast %parallel_loop3A_338 : i32 to index
        %parallel_loop3A_366 = tpu.vector_load %arg8[%parallel_loop3A_364, %parallel_loop3A_365] {strides = array<i32>} : memref<20x128xi32, #tpu.memory_space<vmem>>, vector<16xi32>,
        %parallel_loop3A_367 = arith.constant 7 : i32
        %parallel_loop3A_368 = arith.index_cast %parallel_loop3A_367 : i32 to index
        %parallel_loop3A_369 = arith.index_cast %parallel_loop3A_338 : i32 to index
        %parallel_loop3A_370 = tpu.vector_load %arg8[%parallel_loop3A_368, %parallel_loop3A_369] {strides = array<i32>} : memref<20x128xi32, #tpu.memory_space<vmem>>, vector<16xi32>,
        %parallel_loop3A_371 = arith.constant 8 : i32
        %parallel_loop3A_372 = arith.index_cast %parallel_loop3A_371 : i32 to index
        %parallel_loop3A_373 = arith.index_cast %parallel_loop3A_338 : i32 to index
        %parallel_loop3A_374 = tpu.vector_load %arg8[%parallel_loop3A_372, %parallel_loop3A_373] {strides = array<i32>} : memref<20x128xi32, #tpu.memory_space<vmem>>, vector<16xi32>,
        %parallel_loop3A_375 = arith.constant 9 : i32
        %parallel_loop3A_376 = arith.index_cast %parallel_loop3A_375 : i32 to index
        %parallel_loop3A_377 = arith.index_cast %parallel_loop3A_338 : i32 to index
        %parallel_loop3A_378 = tpu.vector_load %arg8[%parallel_loop3A_376, %parallel_loop3A_377] {strides = array<i32>} : memref<20x128xi32, #tpu.memory_space<vmem>>, vector<16xi32>,
        %parallel_loop3A_379 = arith.constant 10 : i32
        %parallel_loop3A_380 = arith.index_cast %parallel_loop3A_379 : i32 to index
        %parallel_loop3A_381 = arith.index_cast %parallel_loop3A_338 : i32 to index
        %parallel_loop3A_382 = tpu.vector_load %arg8[%parallel_loop3A_380, %parallel_loop3A_381] {strides = array<i32>} : memref<20x128xi32, #tpu.memory_space<vmem>>, vector<16xi32>,
        %parallel_loop3A_383 = arith.constant 11 : i32
        %parallel_loop3A_384 = arith.index_cast %parallel_loop3A_383 : i32 to index
        %parallel_loop3A_385 = arith.index_cast %parallel_loop3A_338 : i32 to index
        %parallel_loop3A_386 = tpu.vector_load %arg8[%parallel_loop3A_384, %parallel_loop3A_385] {strides = array<i32>} : memref<20x128xi32, #tpu.memory_space<vmem>>, vector<16xi32>,
        %parallel_loop3A_387 = arith.constant 12 : i32
        %parallel_loop3A_388 = arith.index_cast %parallel_loop3A_387 : i32 to index
        %parallel_loop3A_389 = arith.index_cast %parallel_loop3A_338 : i32 to index
        %parallel_loop3A_390 = tpu.vector_load %arg8[%parallel_loop3A_388, %parallel_loop3A_389] {strides = array<i32>} : memref<20x128xi32, #tpu.memory_space<vmem>>, vector<16xi32>,
        %parallel_loop3A_391 = arith.constant 13 : i32
        %parallel_loop3A_392 = arith.index_cast %parallel_loop3A_391 : i32 to index
        %parallel_loop3A_393 = arith.index_cast %parallel_loop3A_338 : i32 to index
        %parallel_loop3A_394 = tpu.vector_load %arg8[%parallel_loop3A_392, %parallel_loop3A_393] {strides = array<i32>} : memref<20x128xi32, #tpu.memory_space<vmem>>, vector<16xi32>,
        %parallel_loop3A_395 = arith.constant 14 : i32
        %parallel_loop3A_396 = arith.index_cast %parallel_loop3A_395 : i32 to index
        %parallel_loop3A_397 = arith.index_cast %parallel_loop3A_338 : i32 to index
        %parallel_loop3A_398 = tpu.vector_load %arg8[%parallel_loop3A_396, %parallel_loop3A_397] {strides = array<i32>} : memref<20x128xi32, #tpu.memory_space<vmem>>, vector<16xi32>,
        %parallel_loop3A_399 = arith.constant 15 : i32
        %parallel_loop3A_400 = arith.index_cast %parallel_loop3A_399 : i32 to index
        %parallel_loop3A_401 = arith.index_cast %parallel_loop3A_338 : i32 to index
        %parallel_loop3A_402 = tpu.vector_load %arg8[%parallel_loop3A_400, %parallel_loop3A_401] {strides = array<i32>} : memref<20x128xi32, #tpu.memory_space<vmem>>, vector<16xi32>,
        %parallel_loop3A_403 = arith.constant 16 : i32
        %parallel_loop3A_404 = arith.index_cast %parallel_loop3A_403 : i32 to index
        %parallel_loop3A_405 = arith.index_cast %parallel_loop3A_338 : i32 to index
        %parallel_loop3A_406 = tpu.vector_load %arg8[%parallel_loop3A_404, %parallel_loop3A_405] {strides = array<i32>} : memref<20x128xi32, #tpu.memory_space<vmem>>, vector<16xi32>,
        %parallel_loop3A_407 = arith.constant 17 : i32
        %parallel_loop3A_408 = arith.index_cast %parallel_loop3A_407 : i32 to index
        %parallel_loop3A_409 = arith.index_cast %parallel_loop3A_338 : i32 to index
        %parallel_loop3A_410 = tpu.vector_load %arg8[%parallel_loop3A_408, %parallel_loop3A_409] {strides = array<i32>} : memref<20x128xi32, #tpu.memory_space<vmem>>, vector<16xi32>,
        %parallel_loop3A_411 = arith.constant 18 : i32
        %parallel_loop3A_412 = arith.index_cast %parallel_loop3A_411 : i32 to index
        %parallel_loop3A_413 = arith.index_cast %parallel_loop3A_338 : i32 to index
        %parallel_loop3A_414 = tpu.vector_load %arg8[%parallel_loop3A_412, %parallel_loop3A_413] {strides = array<i32>} : memref<20x128xi32, #tpu.memory_space<vmem>>, vector<16xi32>,
        %parallel_loop3A_415 = arith.constant 19 : i32
        %parallel_loop3A_416 = arith.index_cast %parallel_loop3A_415 : i32 to index
        %parallel_loop3A_417 = arith.index_cast %parallel_loop3A_338 : i32 to index
        %parallel_loop3A_418 = tpu.vector_load %arg8[%parallel_loop3A_416, %parallel_loop3A_417] {strides = array<i32>} : memref<20x128xi32, #tpu.memory_space<vmem>>, vector<16xi32>,
        %parallel_loop3A_419 = tpu.vector_load_idx %arg7[%parallel_loop3A_342] : memref<100000xf32, #tpu.memory_space<vmem>>[vector<16xi32>], vector<16xf32>,
        %parallel_loop3A_420 = tpu.vector_load_idx %arg7[%parallel_loop3A_346] : memref<100000xf32, #tpu.memory_space<vmem>>[vector<16xi32>], vector<16xf32>,
        %parallel_loop3A_421 = tpu.vector_load_idx %arg7[%parallel_loop3A_350] : memref<100000xf32, #tpu.memory_space<vmem>>[vector<16xi32>], vector<16xf32>,
        %parallel_loop3A_422 = tpu.vector_load_idx %arg7[%parallel_loop3A_354] : memref<100000xf32, #tpu.memory_space<vmem>>[vector<16xi32>], vector<16xf32>,
        %parallel_loop3A_423 = tpu.vector_load_idx %arg7[%parallel_loop3A_358] : memref<100000xf32, #tpu.memory_space<vmem>>[vector<16xi32>], vector<16xf32>,
        %parallel_loop3A_424 = tpu.vector_load_idx %arg7[%parallel_loop3A_362] : memref<100000xf32, #tpu.memory_space<vmem>>[vector<16xi32>], vector<16xf32>,
        %parallel_loop3A_425 = tpu.vector_load_idx %arg7[%parallel_loop3A_366] : memref<100000xf32, #tpu.memory_space<vmem>>[vector<16xi32>], vector<16xf32>,
        %parallel_loop3A_426 = tpu.vector_load_idx %arg7[%parallel_loop3A_370] : memref<100000xf32, #tpu.memory_space<vmem>>[vector<16xi32>], vector<16xf32>,
        %parallel_loop3A_427 = tpu.vector_load_idx %arg7[%parallel_loop3A_374] : memref<100000xf32, #tpu.memory_space<vmem>>[vector<16xi32>], vector<16xf32>,
        %parallel_loop3A_428 = tpu.vector_load_idx %arg7[%parallel_loop3A_378] : memref<100000xf32, #tpu.memory_space<vmem>>[vector<16xi32>], vector<16xf32>,
        %parallel_loop3A_429 = tpu.vector_load_idx %arg7[%parallel_loop3A_382] : memref<100000xf32, #tpu.memory_space<vmem>>[vector<16xi32>], vector<16xf32>,
        %parallel_loop3A_430 = tpu.vector_load_idx %arg7[%parallel_loop3A_386] : memref<100000xf32, #tpu.memory_space<vmem>>[vector<16xi32>], vector<16xf32>,
        %parallel_loop3A_431 = tpu.vector_load_idx %arg7[%parallel_loop3A_390] : memref<100000xf32, #tpu.memory_space<vmem>>[vector<16xi32>], vector<16xf32>,
        %parallel_loop3A_432 = tpu.vector_load_idx %arg7[%parallel_loop3A_394] : memref<100000xf32, #tpu.memory_space<vmem>>[vector<16xi32>], vector<16xf32>,
        %parallel_loop3A_433 = tpu.vector_load_idx %arg7[%parallel_loop3A_398] : memref<100000xf32, #tpu.memory_space<vmem>>[vector<16xi32>], vector<16xf32>,
        %parallel_loop3A_434 = tpu.vector_load_idx %arg7[%parallel_loop3A_402] : memref<100000xf32, #tpu.memory_space<vmem>>[vector<16xi32>], vector<16xf32>,
        %parallel_loop3A_435 = tpu.vector_load_idx %arg7[%parallel_loop3A_406] : memref<100000xf32, #tpu.memory_space<vmem>>[vector<16xi32>], vector<16xf32>,
        %parallel_loop3A_436 = tpu.vector_load_idx %arg7[%parallel_loop3A_410] : memref<100000xf32, #tpu.memory_space<vmem>>[vector<16xi32>], vector<16xf32>,
        %parallel_loop3A_437 = tpu.vector_load_idx %arg7[%parallel_loop3A_414] : memref<100000xf32, #tpu.memory_space<vmem>>[vector<16xi32>], vector<16xf32>,
        %parallel_loop3A_438 = tpu.vector_load_idx %arg7[%parallel_loop3A_418] : memref<100000xf32, #tpu.memory_space<vmem>>[vector<16xi32>], vector<16xf32>,
        %parallel_loop3A_439 = arith.addf %parallel_loop3A_419, %parallel_loop3A_420 : vector<16xf32>
        %parallel_loop3A_440 = arith.addf %parallel_loop3A_421, %parallel_loop3A_422 : vector<16xf32>
        %parallel_loop3A_441 = arith.addf %parallel_loop3A_423, %parallel_loop3A_424 : vector<16xf32>
        %parallel_loop3A_442 = arith.addf %parallel_loop3A_425, %parallel_loop3A_426 : vector<16xf32>
        %parallel_loop3A_443 = arith.addf %parallel_loop3A_427, %parallel_loop3A_428 : vector<16xf32>
        %parallel_loop3A_444 = arith.addf %parallel_loop3A_429, %parallel_loop3A_430 : vector<16xf32>
        %parallel_loop3A_445 = arith.addf %parallel_loop3A_431, %parallel_loop3A_432 : vector<16xf32>
        %parallel_loop3A_446 = arith.addf %parallel_loop3A_433, %parallel_loop3A_434 : vector<16xf32>
        %parallel_loop3A_447 = arith.addf %parallel_loop3A_435, %parallel_loop3A_436 : vector<16xf32>
        %parallel_loop3A_448 = arith.addf %parallel_loop3A_437, %parallel_loop3A_438 : vector<16xf32>
        %parallel_loop3A_449 = arith.addf %parallel_loop3A_439, %parallel_loop3A_440 : vector<16xf32>
        %parallel_loop3A_450 = arith.addf %parallel_loop3A_441, %parallel_loop3A_442 : vector<16xf32>
        %parallel_loop3A_451 = arith.addf %parallel_loop3A_443, %parallel_loop3A_444 : vector<16xf32>
        %parallel_loop3A_452 = arith.addf %parallel_loop3A_445, %parallel_loop3A_446 : vector<16xf32>
        %parallel_loop3A_453 = arith.addf %parallel_loop3A_447, %parallel_loop3A_448 : vector<16xf32>
        %parallel_loop3A_454 = arith.addf %parallel_loop3A_449, %parallel_loop3A_450 : vector<16xf32>
        %parallel_loop3A_455 = arith.addf %parallel_loop3A_451, %parallel_loop3A_452 : vector<16xf32>
        %parallel_loop3A_456 = arith.addf %parallel_loop3A_454, %parallel_loop3A_455 : vector<16xf32>
        %parallel_loop3A_457 = arith.addf %parallel_loop3A_456, %parallel_loop3A_453 : vector<16xf32>
        %parallel_loop3A_458 = arith.constant 128 : i32
        %parallel_loop3A_459 = arith.muli %mul3A_300, %parallel_loop3A_458 : i32
        %parallel_loop3A_460 = arith.constant 16 : i32
        %parallel_loop3A_461 = arith.muli %parallel_loop3A_335, %parallel_loop3A_460 : i32
        %parallel_loop3A_462 = arith.addi %parallel_loop3A_459, %parallel_loop3A_461 : i32
        %parallel_loop3A_463 = tpu.assume_multiple %parallel_loop3A_462, 16 : i32
        %parallel_loop3A_464 = arith.index_cast %parallel_loop3A_463 : i32 to index
        %parallel_loop3A_465 = tpu.vector_load %arg12[%parallel_loop3A_464] {strides = array<i32>} : memref<4096xf32, #tpu.memory_space<vmem>>, vector<16xf32>,
        tpu.vector_store %arg12[%parallel_loop3A_464], %parallel_loop3A_457 {strides = array<i32>} : memref<4096xf32, #tpu.memory_space<vmem>>, vector<16xf32>,
      } {sc.loop_unroll_factor = 2 : i64, sc.parallel_access}
      %lt3A = arith.constant 15 : i32
      %lt3A_312 = arith.cmpi slt, %scan3A_298, %lt3A : i32
      %convert_element_type3A = arith.extui %lt3A_312 : i1 to i32
      %cond3A = arith.constant 0 : i32
      %cond3A_313 = arith.cmpi ne, %convert_element_type3A, %cond3A : i32
      scf.if %cond3A_313 {
        %add3A_335 = arith.constant 2 : i32
        %add3A_336 = arith.addi %mul3A_300, %add3A_335 : i32
        %dma_start3A_337 = arith.constant 0 : i32
        %dma_start3A_338 = arith.constant 0 : i32
        %dma_start3A_339 = arith.constant 0 : i32
        %dma_start3A_340 = tpu.memref_slice %arg4[%dma_start3A_337, %add3A_336, %dma_start3A_338, %dma_start3A_339] : memref<3x32x20x128xi32, #tpu.memory_space<hbm>> -> memref<1x1x20x128xi32, #tpu.memory_space<hbm>>
        %dma_start3A_341 = tpu.memref_squeeze %dma_start3A_340 : memref<1x1x20x128xi32, #tpu.memory_space<hbm>> -> memref<20x128xi32, #tpu.memory_space<hbm>>
        %dma_start3A_342 = arith.constant 0 : i32
        %dma_start3A_343 = arith.constant 0 : i32
        %dma_start3A_344 = tpu.memref_slice %arg4[%dma_start3A_337, %add3A_336, %dma_start3A_342, %dma_start3A_343] : memref<3x32x20x128xi32, #tpu.memory_space<hbm>> -> memref<1x1x20x128xi32, #tpu.memory_space<hbm>>
        %dma_start3A_345 = tpu.memref_squeeze %dma_start3A_344 : memref<1x1x20x128xi32, #tpu.memory_space<hbm>> -> memref<20x128xi32, #tpu.memory_space<hbm>>
        tpu.enqueue_dma source(%dma_start3A_345 : memref<20x128xi32, #tpu.memory_space<hbm>>) target(%arg8 : memref<20x128xi32, #tpu.memory_space<vmem>>) target_semaphore(%arg14 : memref<!tpu.dma_semaphore, #tpu.memory_space<semaphore_mem>>)
      } else {
      }
      %add3A_314 = arith.constant 1 : i32
      %add3A_315 = arith.addi %mul3A_300, %add3A_314 : i32
      %dma_wait3A_316 = arith.constant 0 : i32
      %dma_wait3A_317 = arith.constant 0 : i32
      %dma_wait3A_318 = arith.constant 0 : i32
      %dma_wait3A_319 = tpu.memref_slice %arg4[%dma_wait3A_316, %add3A_315, %dma_wait3A_317, %dma_wait3A_318] : memref<3x32x20x128xi32, #tpu.memory_space<hbm>> -> memref<1x1x20x128xi32, #tpu.memory_space<hbm>>
      %dma_wait3A_320 = tpu.memref_squeeze %dma_wait3A_319 : memref<1x1x20x128xi32, #tpu.memory_space<hbm>> -> memref<20x128xi32, #tpu.memory_space<hbm>>
      %dma_wait3A_321 = arith.constant 0 : i32
      %dma_wait3A_322 = arith.constant 0 : i32
      %dma_wait3A_323 = tpu.memref_slice %arg4[%dma_wait3A_316, %add3A_315, %dma_wait3A_321, %dma_wait3A_322] : memref<3x32x20x128xi32, #tpu.memory_space<hbm>> -> memref<1x1x20x128xi32, #tpu.memory_space<hbm>>
      %dma_wait3A_324 = tpu.memref_squeeze %dma_wait3A_323 : memref<1x1x20x128xi32, #tpu.memory_space<hbm>> -> memref<20x128xi32, #tpu.memory_space<hbm>>
      tpu.wait_dma2 semaphore(%arg15 : memref<!tpu.dma_semaphore, #tpu.memory_space<semaphore_mem>>) src(%dma_wait3A_324 : memref<20x128xi32, #tpu.memory_space<hbm>>) dst(%arg9 : memref<20x128xi32, #tpu.memory_space<vmem>>)
      %add3A_325 = arith.constant 1 : i32
      %add3A_326 = arith.addi %mul3A_300, %add3A_325 : i32
      %parallel_loop3A_327 = arith.constant 0 : i32
      %parallel_loop3A_328 = arith.constant 8 : i32
      %parallel_loop3A_329 = arith.constant 1 : i32
      scf.for %parallel_loop3A_335 = %parallel_loop3A_327 to %parallel_loop3A_328 step %parallel_loop3A_329  : i32 {
        %parallel_loop3A_336 = arith.constant 16 : i32
        %parallel_loop3A_337 = arith.muli %parallel_loop3A_335, %parallel_loop3A_336 : i32
        %parallel_loop3A_338 = tpu.assume_multiple %parallel_loop3A_337, 16 : i32
        %parallel_loop3A_339 = arith.constant 0 : i32
        %parallel_loop3A_340 = arith.index_cast %parallel_loop3A_339 : i32 to index
        %parallel_loop3A_341 = arith.index_cast %parallel_loop3A_338 : i32 to index
        %parallel_loop3A_342 = tpu.vector_load %arg9[%parallel_loop3A_340, %parallel_loop3A_341] {strides = array<i32>} : memref<20x128xi32, #tpu.memory_space<vmem>>, vector<16xi32>,
        %parallel_loop3A_343 = arith.constant 1 : i32
        %parallel_loop3A_344 = arith.index_cast %parallel_loop3A_343 : i32 to index
        %parallel_loop3A_345 = arith.index_cast %parallel_loop3A_338 : i32 to index
        %parallel_loop3A_346 = tpu.vector_load %arg9[%parallel_loop3A_344, %parallel_loop3A_345] {strides = array<i32>} : memref<20x128xi32, #tpu.memory_space<vmem>>, vector<16xi32>,
        %parallel_loop3A_347 = arith.constant 2 : i32
        %parallel_loop3A_348 = arith.index_cast %parallel_loop3A_347 : i32 to index
        %parallel_loop3A_349 = arith.index_cast %parallel_loop3A_338 : i32 to index
        %parallel_loop3A_350 = tpu.vector_load %arg9[%parallel_loop3A_348, %parallel_loop3A_349] {strides = array<i32>} : memref<20x128xi32, #tpu.memory_space<vmem>>, vector<16xi32>,
        %parallel_loop3A_351 = arith.constant 3 : i32
        %parallel_loop3A_352 = arith.index_cast %parallel_loop3A_351 : i32 to index
        %parallel_loop3A_353 = arith.index_cast %parallel_loop3A_338 : i32 to index
        %parallel_loop3A_354 = tpu.vector_load %arg9[%parallel_loop3A_352, %parallel_loop3A_353] {strides = array<i32>} : memref<20x128xi32, #tpu.memory_space<vmem>>, vector<16xi32>,
        %parallel_loop3A_355 = arith.constant 4 : i32
        %parallel_loop3A_356 = arith.index_cast %parallel_loop3A_355 : i32 to index
        %parallel_loop3A_357 = arith.index_cast %parallel_loop3A_338 : i32 to index
        %parallel_loop3A_358 = tpu.vector_load %arg9[%parallel_loop3A_356, %parallel_loop3A_357] {strides = array<i32>} : memref<20x128xi32, #tpu.memory_space<vmem>>, vector<16xi32>,
        %parallel_loop3A_359 = arith.constant 5 : i32
        %parallel_loop3A_360 = arith.index_cast %parallel_loop3A_359 : i32 to index
        %parallel_loop3A_361 = arith.index_cast %parallel_loop3A_338 : i32 to index
        %parallel_loop3A_362 = tpu.vector_load %arg9[%parallel_loop3A_360, %parallel_loop3A_361] {strides = array<i32>} : memref<20x128xi32, #tpu.memory_space<vmem>>, vector<16xi32>,
        %parallel_loop3A_363 = arith.constant 6 : i32
        %parallel_loop3A_364 = arith.index_cast %parallel_loop3A_363 : i32 to index
        %parallel_loop3A_365 = arith.index_cast %parallel_loop3A_338 : i32 to index
        %parallel_loop3A_366 = tpu.vector_load %arg9[%parallel_loop3A_364, %parallel_loop3A_365] {strides = array<i32>} : memref<20x128xi32, #tpu.memory_space<vmem>>, vector<16xi32>,
        %parallel_loop3A_367 = arith.constant 7 : i32
        %parallel_loop3A_368 = arith.index_cast %parallel_loop3A_367 : i32 to index
        %parallel_loop3A_369 = arith.index_cast %parallel_loop3A_338 : i32 to index
        %parallel_loop3A_370 = tpu.vector_load %arg9[%parallel_loop3A_368, %parallel_loop3A_369] {strides = array<i32>} : memref<20x128xi32, #tpu.memory_space<vmem>>, vector<16xi32>,
        %parallel_loop3A_371 = arith.constant 8 : i32
        %parallel_loop3A_372 = arith.index_cast %parallel_loop3A_371 : i32 to index
        %parallel_loop3A_373 = arith.index_cast %parallel_loop3A_338 : i32 to index
        %parallel_loop3A_374 = tpu.vector_load %arg9[%parallel_loop3A_372, %parallel_loop3A_373] {strides = array<i32>} : memref<20x128xi32, #tpu.memory_space<vmem>>, vector<16xi32>,
        %parallel_loop3A_375 = arith.constant 9 : i32
        %parallel_loop3A_376 = arith.index_cast %parallel_loop3A_375 : i32 to index
        %parallel_loop3A_377 = arith.index_cast %parallel_loop3A_338 : i32 to index
        %parallel_loop3A_378 = tpu.vector_load %arg9[%parallel_loop3A_376, %parallel_loop3A_377] {strides = array<i32>} : memref<20x128xi32, #tpu.memory_space<vmem>>, vector<16xi32>,
        %parallel_loop3A_379 = arith.constant 10 : i32
        %parallel_loop3A_380 = arith.index_cast %parallel_loop3A_379 : i32 to index
        %parallel_loop3A_381 = arith.index_cast %parallel_loop3A_338 : i32 to index
        %parallel_loop3A_382 = tpu.vector_load %arg9[%parallel_loop3A_380, %parallel_loop3A_381] {strides = array<i32>} : memref<20x128xi32, #tpu.memory_space<vmem>>, vector<16xi32>,
        %parallel_loop3A_383 = arith.constant 11 : i32
        %parallel_loop3A_384 = arith.index_cast %parallel_loop3A_383 : i32 to index
        %parallel_loop3A_385 = arith.index_cast %parallel_loop3A_338 : i32 to index
        %parallel_loop3A_386 = tpu.vector_load %arg9[%parallel_loop3A_384, %parallel_loop3A_385] {strides = array<i32>} : memref<20x128xi32, #tpu.memory_space<vmem>>, vector<16xi32>,
        %parallel_loop3A_387 = arith.constant 12 : i32
        %parallel_loop3A_388 = arith.index_cast %parallel_loop3A_387 : i32 to index
        %parallel_loop3A_389 = arith.index_cast %parallel_loop3A_338 : i32 to index
        %parallel_loop3A_390 = tpu.vector_load %arg9[%parallel_loop3A_388, %parallel_loop3A_389] {strides = array<i32>} : memref<20x128xi32, #tpu.memory_space<vmem>>, vector<16xi32>,
        %parallel_loop3A_391 = arith.constant 13 : i32
        %parallel_loop3A_392 = arith.index_cast %parallel_loop3A_391 : i32 to index
        %parallel_loop3A_393 = arith.index_cast %parallel_loop3A_338 : i32 to index
        %parallel_loop3A_394 = tpu.vector_load %arg9[%parallel_loop3A_392, %parallel_loop3A_393] {strides = array<i32>} : memref<20x128xi32, #tpu.memory_space<vmem>>, vector<16xi32>,
        %parallel_loop3A_395 = arith.constant 14 : i32
        %parallel_loop3A_396 = arith.index_cast %parallel_loop3A_395 : i32 to index
        %parallel_loop3A_397 = arith.index_cast %parallel_loop3A_338 : i32 to index
        %parallel_loop3A_398 = tpu.vector_load %arg9[%parallel_loop3A_396, %parallel_loop3A_397] {strides = array<i32>} : memref<20x128xi32, #tpu.memory_space<vmem>>, vector<16xi32>,
        %parallel_loop3A_399 = arith.constant 15 : i32
        %parallel_loop3A_400 = arith.index_cast %parallel_loop3A_399 : i32 to index
        %parallel_loop3A_401 = arith.index_cast %parallel_loop3A_338 : i32 to index
        %parallel_loop3A_402 = tpu.vector_load %arg9[%parallel_loop3A_400, %parallel_loop3A_401] {strides = array<i32>} : memref<20x128xi32, #tpu.memory_space<vmem>>, vector<16xi32>,
        %parallel_loop3A_403 = arith.constant 16 : i32
        %parallel_loop3A_404 = arith.index_cast %parallel_loop3A_403 : i32 to index
        %parallel_loop3A_405 = arith.index_cast %parallel_loop3A_338 : i32 to index
        %parallel_loop3A_406 = tpu.vector_load %arg9[%parallel_loop3A_404, %parallel_loop3A_405] {strides = array<i32>} : memref<20x128xi32, #tpu.memory_space<vmem>>, vector<16xi32>,
        %parallel_loop3A_407 = arith.constant 17 : i32
        %parallel_loop3A_408 = arith.index_cast %parallel_loop3A_407 : i32 to index
        %parallel_loop3A_409 = arith.index_cast %parallel_loop3A_338 : i32 to index
        %parallel_loop3A_410 = tpu.vector_load %arg9[%parallel_loop3A_408, %parallel_loop3A_409] {strides = array<i32>} : memref<20x128xi32, #tpu.memory_space<vmem>>, vector<16xi32>,
        %parallel_loop3A_411 = arith.constant 18 : i32
        %parallel_loop3A_412 = arith.index_cast %parallel_loop3A_411 : i32 to index
        %parallel_loop3A_413 = arith.index_cast %parallel_loop3A_338 : i32 to index
        %parallel_loop3A_414 = tpu.vector_load %arg9[%parallel_loop3A_412, %parallel_loop3A_413] {strides = array<i32>} : memref<20x128xi32, #tpu.memory_space<vmem>>, vector<16xi32>,
        %parallel_loop3A_415 = arith.constant 19 : i32
        %parallel_loop3A_416 = arith.index_cast %parallel_loop3A_415 : i32 to index
        %parallel_loop3A_417 = arith.index_cast %parallel_loop3A_338 : i32 to index
        %parallel_loop3A_418 = tpu.vector_load %arg9[%parallel_loop3A_416, %parallel_loop3A_417] {strides = array<i32>} : memref<20x128xi32, #tpu.memory_space<vmem>>, vector<16xi32>,
        %parallel_loop3A_419 = tpu.vector_load_idx %arg7[%parallel_loop3A_342] : memref<100000xf32, #tpu.memory_space<vmem>>[vector<16xi32>], vector<16xf32>,
        %parallel_loop3A_420 = tpu.vector_load_idx %arg7[%parallel_loop3A_346] : memref<100000xf32, #tpu.memory_space<vmem>>[vector<16xi32>], vector<16xf32>,
        %parallel_loop3A_421 = tpu.vector_load_idx %arg7[%parallel_loop3A_350] : memref<100000xf32, #tpu.memory_space<vmem>>[vector<16xi32>], vector<16xf32>,
        %parallel_loop3A_422 = tpu.vector_load_idx %arg7[%parallel_loop3A_354] : memref<100000xf32, #tpu.memory_space<vmem>>[vector<16xi32>], vector<16xf32>,
        %parallel_loop3A_423 = tpu.vector_load_idx %arg7[%parallel_loop3A_358] : memref<100000xf32, #tpu.memory_space<vmem>>[vector<16xi32>], vector<16xf32>,
        %parallel_loop3A_424 = tpu.vector_load_idx %arg7[%parallel_loop3A_362] : memref<100000xf32, #tpu.memory_space<vmem>>[vector<16xi32>], vector<16xf32>,
        %parallel_loop3A_425 = tpu.vector_load_idx %arg7[%parallel_loop3A_366] : memref<100000xf32, #tpu.memory_space<vmem>>[vector<16xi32>], vector<16xf32>,
        %parallel_loop3A_426 = tpu.vector_load_idx %arg7[%parallel_loop3A_370] : memref<100000xf32, #tpu.memory_space<vmem>>[vector<16xi32>], vector<16xf32>,
        %parallel_loop3A_427 = tpu.vector_load_idx %arg7[%parallel_loop3A_374] : memref<100000xf32, #tpu.memory_space<vmem>>[vector<16xi32>], vector<16xf32>,
        %parallel_loop3A_428 = tpu.vector_load_idx %arg7[%parallel_loop3A_378] : memref<100000xf32, #tpu.memory_space<vmem>>[vector<16xi32>], vector<16xf32>,
        %parallel_loop3A_429 = tpu.vector_load_idx %arg7[%parallel_loop3A_382] : memref<100000xf32, #tpu.memory_space<vmem>>[vector<16xi32>], vector<16xf32>,
        %parallel_loop3A_430 = tpu.vector_load_idx %arg7[%parallel_loop3A_386] : memref<100000xf32, #tpu.memory_space<vmem>>[vector<16xi32>], vector<16xf32>,
        %parallel_loop3A_431 = tpu.vector_load_idx %arg7[%parallel_loop3A_390] : memref<100000xf32, #tpu.memory_space<vmem>>[vector<16xi32>], vector<16xf32>,
        %parallel_loop3A_432 = tpu.vector_load_idx %arg7[%parallel_loop3A_394] : memref<100000xf32, #tpu.memory_space<vmem>>[vector<16xi32>], vector<16xf32>,
        %parallel_loop3A_433 = tpu.vector_load_idx %arg7[%parallel_loop3A_398] : memref<100000xf32, #tpu.memory_space<vmem>>[vector<16xi32>], vector<16xf32>,
        %parallel_loop3A_434 = tpu.vector_load_idx %arg7[%parallel_loop3A_402] : memref<100000xf32, #tpu.memory_space<vmem>>[vector<16xi32>], vector<16xf32>,
        %parallel_loop3A_435 = tpu.vector_load_idx %arg7[%parallel_loop3A_406] : memref<100000xf32, #tpu.memory_space<vmem>>[vector<16xi32>], vector<16xf32>,
        %parallel_loop3A_436 = tpu.vector_load_idx %arg7[%parallel_loop3A_410] : memref<100000xf32, #tpu.memory_space<vmem>>[vector<16xi32>], vector<16xf32>,
        %parallel_loop3A_437 = tpu.vector_load_idx %arg7[%parallel_loop3A_414] : memref<100000xf32, #tpu.memory_space<vmem>>[vector<16xi32>], vector<16xf32>,
        %parallel_loop3A_438 = tpu.vector_load_idx %arg7[%parallel_loop3A_418] : memref<100000xf32, #tpu.memory_space<vmem>>[vector<16xi32>], vector<16xf32>,
        %parallel_loop3A_439 = arith.addf %parallel_loop3A_419, %parallel_loop3A_420 : vector<16xf32>
        %parallel_loop3A_440 = arith.addf %parallel_loop3A_421, %parallel_loop3A_422 : vector<16xf32>
        %parallel_loop3A_441 = arith.addf %parallel_loop3A_423, %parallel_loop3A_424 : vector<16xf32>
        %parallel_loop3A_442 = arith.addf %parallel_loop3A_425, %parallel_loop3A_426 : vector<16xf32>
        %parallel_loop3A_443 = arith.addf %parallel_loop3A_427, %parallel_loop3A_428 : vector<16xf32>
        %parallel_loop3A_444 = arith.addf %parallel_loop3A_429, %parallel_loop3A_430 : vector<16xf32>
        %parallel_loop3A_445 = arith.addf %parallel_loop3A_431, %parallel_loop3A_432 : vector<16xf32>
        %parallel_loop3A_446 = arith.addf %parallel_loop3A_433, %parallel_loop3A_434 : vector<16xf32>
        %parallel_loop3A_447 = arith.addf %parallel_loop3A_435, %parallel_loop3A_436 : vector<16xf32>
        %parallel_loop3A_448 = arith.addf %parallel_loop3A_437, %parallel_loop3A_438 : vector<16xf32>
        %parallel_loop3A_449 = arith.addf %parallel_loop3A_439, %parallel_loop3A_440 : vector<16xf32>
        %parallel_loop3A_450 = arith.addf %parallel_loop3A_441, %parallel_loop3A_442 : vector<16xf32>
        %parallel_loop3A_451 = arith.addf %parallel_loop3A_443, %parallel_loop3A_444 : vector<16xf32>
        %parallel_loop3A_452 = arith.addf %parallel_loop3A_445, %parallel_loop3A_446 : vector<16xf32>
        %parallel_loop3A_453 = arith.addf %parallel_loop3A_447, %parallel_loop3A_448 : vector<16xf32>
        %parallel_loop3A_454 = arith.addf %parallel_loop3A_449, %parallel_loop3A_450 : vector<16xf32>
        %parallel_loop3A_455 = arith.addf %parallel_loop3A_451, %parallel_loop3A_452 : vector<16xf32>
        %parallel_loop3A_456 = arith.addf %parallel_loop3A_454, %parallel_loop3A_455 : vector<16xf32>
        %parallel_loop3A_457 = arith.addf %parallel_loop3A_456, %parallel_loop3A_453 : vector<16xf32>
        %parallel_loop3A_458 = arith.constant 128 : i32
        %parallel_loop3A_459 = arith.muli %add3A_326, %parallel_loop3A_458 : i32
        %parallel_loop3A_460 = arith.constant 16 : i32
        %parallel_loop3A_461 = arith.muli %parallel_loop3A_335, %parallel_loop3A_460 : i32
        %parallel_loop3A_462 = arith.addi %parallel_loop3A_459, %parallel_loop3A_461 : i32
        %parallel_loop3A_463 = tpu.assume_multiple %parallel_loop3A_462, 16 : i32
        %parallel_loop3A_464 = arith.index_cast %parallel_loop3A_463 : i32 to index
        %parallel_loop3A_465 = tpu.vector_load %arg12[%parallel_loop3A_464] {strides = array<i32>} : memref<4096xf32, #tpu.memory_space<vmem>>, vector<16xf32>,
        tpu.vector_store %arg12[%parallel_loop3A_464], %parallel_loop3A_457 {strides = array<i32>} : memref<4096xf32, #tpu.memory_space<vmem>>, vector<16xf32>,
      } {sc.loop_unroll_factor = 2 : i64, sc.parallel_access}
      %lt3A_330 = arith.constant 15 : i32
      %lt3A_331 = arith.cmpi slt, %scan3A_298, %lt3A_330 : i32
      %convert_element_type3A_332 = arith.extui %lt3A_331 : i1 to i32
      %cond3A_333 = arith.constant 0 : i32
      %cond3A_334 = arith.cmpi ne, %convert_element_type3A_332, %cond3A_333 : i32
      scf.if %cond3A_334 {
        %add3A_335 = arith.constant 3 : i32
        %add3A_336 = arith.addi %mul3A_300, %add3A_335 : i32
        %dma_start3A_337 = arith.constant 0 : i32
        %dma_start3A_338 = arith.constant 0 : i32
        %dma_start3A_339 = arith.constant 0 : i32
        %dma_start3A_340 = tpu.memref_slice %arg4[%dma_start3A_337, %add3A_336, %dma_start3A_338, %dma_start3A_339] : memref<3x32x20x128xi32, #tpu.memory_space<hbm>> -> memref<1x1x20x128xi32, #tpu.memory_space<hbm>>
        %dma_start3A_341 = tpu.memref_squeeze %dma_start3A_340 : memref<1x1x20x128xi32, #tpu.memory_space<hbm>> -> memref<20x128xi32, #tpu.memory_space<hbm>>
        %dma_start3A_342 = arith.constant 0 : i32
        %dma_start3A_343 = arith.constant 0 : i32
        %dma_start3A_344 = tpu.memref_slice %arg4[%dma_start3A_337, %add3A_336, %dma_start3A_342, %dma_start3A_343] : memref<3x32x20x128xi32, #tpu.memory_space<hbm>> -> memref<1x1x20x128xi32, #tpu.memory_space<hbm>>
        %dma_start3A_345 = tpu.memref_squeeze %dma_start3A_344 : memref<1x1x20x128xi32, #tpu.memory_space<hbm>> -> memref<20x128xi32, #tpu.memory_space<hbm>>
        tpu.enqueue_dma source(%dma_start3A_345 : memref<20x128xi32, #tpu.memory_space<hbm>>) target(%arg9 : memref<20x128xi32, #tpu.memory_space<vmem>>) target_semaphore(%arg15 : memref<!tpu.dma_semaphore, #tpu.memory_space<semaphore_mem>>)
      } else {
      }
    }
    %scan3A_39 = arith.constant 16 : i32
    %add3A_40 = arith.constant 0 : i32
    %add3A_41 = arith.addi %add3A, %add3A_40 : i32
    "tpu.region"() ({
      %run_scoped3A = tpu.sem_alloc : memref<!tpu.dma_semaphore, #tpu.memory_space<semaphore_mem>>
      %dma_start3A_298 = arith.constant 0 : i32
      %dma_start3A_299 = tpu.memref_slice %arg6[%add3A_41, %dma_start3A_298] : memref<192x4096xf32, #tpu.memory_space<hbm>> -> memref<1x4096xf32, #tpu.memory_space<hbm>>
      %dma_start3A_300 = tpu.memref_squeeze %dma_start3A_299 : memref<1x4096xf32, #tpu.memory_space<hbm>> -> memref<4096xf32, #tpu.memory_space<hbm>>
      %dma_start3A_301 = arith.constant 0 : i32
      %dma_start3A_302 = tpu.memref_slice %arg6[%add3A_41, %dma_start3A_301] : memref<192x4096xf32, #tpu.memory_space<hbm>> -> memref<1x4096xf32, #tpu.memory_space<hbm>>
      %dma_start3A_303 = tpu.memref_squeeze %dma_start3A_302 : memref<1x4096xf32, #tpu.memory_space<hbm>> -> memref<4096xf32, #tpu.memory_space<hbm>>
      tpu.enqueue_dma source(%arg12 : memref<4096xf32, #tpu.memory_space<vmem>>) target(%dma_start3A_303 : memref<4096xf32, #tpu.memory_space<hbm>>) target_semaphore(%run_scoped3A : memref<!tpu.dma_semaphore, #tpu.memory_space<semaphore_mem>>)
      %dma_wait3A_304 = arith.constant 0 : i32
      %dma_wait3A_305 = tpu.memref_slice %arg6[%add3A_41, %dma_wait3A_304] : memref<192x4096xf32, #tpu.memory_space<hbm>> -> memref<1x4096xf32, #tpu.memory_space<hbm>>
      %dma_wait3A_306 = tpu.memref_squeeze %dma_wait3A_305 : memref<1x4096xf32, #tpu.memory_space<hbm>> -> memref<4096xf32, #tpu.memory_space<hbm>>
      %dma_wait3A_307 = arith.constant 0 : i32
      %dma_wait3A_308 = tpu.memref_slice %arg6[%add3A_41, %dma_wait3A_307] : memref<192x4096xf32, #tpu.memory_space<hbm>> -> memref<1x4096xf32, #tpu.memory_space<hbm>>
      %dma_wait3A_309 = tpu.memref_squeeze %dma_wait3A_308 : memref<1x4096xf32, #tpu.memory_space<hbm>> -> memref<4096xf32, #tpu.memory_space<hbm>>
      tpu.wait_dma2 semaphore(%run_scoped3A : memref<!tpu.dma_semaphore, #tpu.memory_space<semaphore_mem>>) src(%arg12 : memref<4096xf32, #tpu.memory_space<vmem>>) dst(%dma_wait3A_309 : memref<4096xf32, #tpu.memory_space<hbm>>)
      tpu.yield
    }) : () -> ()
    %add3A_42 = arith.constant 32 : i32
    %add3A_43 = arith.addi %add3A, %add3A_42 : i32
    %dma_start3A_44 = arith.constant 0 : i32
    %dma_start3A_45 = arith.constant 0 : i32
    %dma_start3A_46 = tpu.memref_slice %arg2[%dma_start3A_44, %add3A_43, %dma_start3A_45] : memref<2x64x100000xf32, #tpu.memory_space<hbm>> -> memref<1x1x100000xf32, #tpu.memory_space<hbm>>
    %dma_start3A_47 = tpu.memref_squeeze %dma_start3A_46 : memref<1x1x100000xf32, #tpu.memory_space<hbm>> -> memref<100000xf32, #tpu.memory_space<hbm>>
    %dma_start3A_48 = arith.constant 0 : i32
    %dma_start3A_49 = tpu.memref_slice %arg2[%dma_start3A_44, %add3A_43, %dma_start3A_48] : memref<2x64x100000xf32, #tpu.memory_space<hbm>> -> memref<1x1x100000xf32, #tpu.memory_space<hbm>>
    %dma_start3A_50 = tpu.memref_squeeze %dma_start3A_49 : memref<1x1x100000xf32, #tpu.memory_space<hbm>> -> memref<100000xf32, #tpu.memory_space<hbm>>
    tpu.enqueue_dma source(%dma_start3A_50 : memref<100000xf32, #tpu.memory_space<hbm>>) target(%arg7 : memref<100000xf32, #tpu.memory_space<vmem>>) target_semaphore(%arg13 : memref<!tpu.dma_semaphore, #tpu.memory_space<semaphore_mem>>)
    %dma_start3A_51 = arith.constant 0 : i32
    %dma_start3A_52 = arith.constant 0 : i32
    %dma_start3A_53 = arith.constant 0 : i32
    %dma_start3A_54 = arith.constant 0 : i32
    %dma_start3A_55 = tpu.memref_slice %arg4[%dma_start3A_51, %dma_start3A_52, %dma_start3A_53, %dma_start3A_54] : memref<3x32x20x128xi32, #tpu.memory_space<hbm>> -> memref<1x1x20x128xi32, #tpu.memory_space<hbm>>
    %dma_start3A_56 = tpu.memref_squeeze %dma_start3A_55 : memref<1x1x20x128xi32, #tpu.memory_space<hbm>> -> memref<20x128xi32, #tpu.memory_space<hbm>>
    %dma_start3A_57 = arith.constant 0 : i32
    %dma_start3A_58 = arith.constant 0 : i32
    %dma_start3A_59 = tpu.memref_slice %arg4[%dma_start3A_51, %dma_start3A_52, %dma_start3A_57, %dma_start3A_58] : memref<3x32x20x128xi32, #tpu.memory_space<hbm>> -> memref<1x1x20x128xi32, #tpu.memory_space<hbm>>
    %dma_start3A_60 = tpu.memref_squeeze %dma_start3A_59 : memref<1x1x20x128xi32, #tpu.memory_space<hbm>> -> memref<20x128xi32, #tpu.memory_space<hbm>>
    tpu.enqueue_dma source(%dma_start3A_60 : memref<20x128xi32, #tpu.memory_space<hbm>>) target(%arg8 : memref<20x128xi32, #tpu.memory_space<vmem>>) target_semaphore(%arg14 : memref<!tpu.dma_semaphore, #tpu.memory_space<semaphore_mem>>)
    %dma_start3A_61 = arith.constant 0 : i32
    %dma_start3A_62 = arith.constant 1 : i32
    %dma_start3A_63 = arith.constant 0 : i32
    %dma_start3A_64 = arith.constant 0 : i32
    %dma_start3A_65 = tpu.memref_slice %arg4[%dma_start3A_61, %dma_start3A_62, %dma_start3A_63, %dma_start3A_64] : memref<3x32x20x128xi32, #tpu.memory_space<hbm>> -> memref<1x1x20x128xi32, #tpu.memory_space<hbm>>
    %dma_start3A_66 = tpu.memref_squeeze %dma_start3A_65 : memref<1x1x20x128xi32, #tpu.memory_space<hbm>> -> memref<20x128xi32, #tpu.memory_space<hbm>>
    %dma_start3A_67 = arith.constant 0 : i32
    %dma_start3A_68 = arith.constant 0 : i32
    %dma_start3A_69 = tpu.memref_slice %arg4[%dma_start3A_61, %dma_start3A_62, %dma_start3A_67, %dma_start3A_68] : memref<3x32x20x128xi32, #tpu.memory_space<hbm>> -> memref<1x1x20x128xi32, #tpu.memory_space<hbm>>
    %dma_start3A_70 = tpu.memref_squeeze %dma_start3A_69 : memref<1x1x20x128xi32, #tpu.memory_space<hbm>> -> memref<20x128xi32, #tpu.memory_space<hbm>>
    tpu.enqueue_dma source(%dma_start3A_70 : memref<20x128xi32, #tpu.memory_space<hbm>>) target(%arg9 : memref<20x128xi32, #tpu.memory_space<vmem>>) target_semaphore(%arg15 : memref<!tpu.dma_semaphore, #tpu.memory_space<semaphore_mem>>)
    %dma_wait3A_71 = arith.constant 0 : i32
    %dma_wait3A_72 = arith.constant 0 : i32
    %dma_wait3A_73 = tpu.memref_slice %arg2[%dma_wait3A_71, %add3A_43, %dma_wait3A_72] : memref<2x64x100000xf32, #tpu.memory_space<hbm>> -> memref<1x1x100000xf32, #tpu.memory_space<hbm>>
    %dma_wait3A_74 = tpu.memref_squeeze %dma_wait3A_73 : memref<1x1x100000xf32, #tpu.memory_space<hbm>> -> memref<100000xf32, #tpu.memory_space<hbm>>
    %dma_wait3A_75 = arith.constant 0 : i32
    %dma_wait3A_76 = tpu.memref_slice %arg2[%dma_wait3A_71, %add3A_43, %dma_wait3A_75] : memref<2x64x100000xf32, #tpu.memory_space<hbm>> -> memref<1x1x100000xf32, #tpu.memory_space<hbm>>
    %dma_wait3A_77 = tpu.memref_squeeze %dma_wait3A_76 : memref<1x1x100000xf32, #tpu.memory_space<hbm>> -> memref<100000xf32, #tpu.memory_space<hbm>>
    tpu.wait_dma2 semaphore(%arg13 : memref<!tpu.dma_semaphore, #tpu.memory_space<semaphore_mem>>) src(%dma_wait3A_77 : memref<100000xf32, #tpu.memory_space<hbm>>) dst(%arg7 : memref<100000xf32, #tpu.memory_space<vmem>>)
    %scan3A_78 = arith.constant 0 : i32
    %scan3A_79 = arith.constant 0 : i32
    %scan3A_80 = arith.constant 16 : i32
    %scan3A_81 = arith.addi %scan3A_79, %scan3A_80 : i32
    %scan3A_82 = arith.constant 1 : i32
    scf.for %scan3A_298 = %scan3A_79 to %scan3A_81 step %scan3A_82  : i32 {
      %mul3A_299 = arith.constant 2 : i32
      %mul3A_300 = arith.muli %mul3A_299, %scan3A_298 : i32
      %dma_wait3A_301 = arith.constant 0 : i32
      %dma_wait3A_302 = arith.constant 0 : i32
      %dma_wait3A_303 = arith.constant 0 : i32
      %dma_wait3A_304 = tpu.memref_slice %arg4[%dma_wait3A_301, %mul3A_300, %dma_wait3A_302, %dma_wait3A_303] : memref<3x32x20x128xi32, #tpu.memory_space<hbm>> -> memref<1x1x20x128xi32, #tpu.memory_space<hbm>>
      %dma_wait3A_305 = tpu.memref_squeeze %dma_wait3A_304 : memref<1x1x20x128xi32, #tpu.memory_space<hbm>> -> memref<20x128xi32, #tpu.memory_space<hbm>>
      %dma_wait3A_306 = arith.constant 0 : i32
      %dma_wait3A_307 = arith.constant 0 : i32
      %dma_wait3A_308 = tpu.memref_slice %arg4[%dma_wait3A_301, %mul3A_300, %dma_wait3A_306, %dma_wait3A_307] : memref<3x32x20x128xi32, #tpu.memory_space<hbm>> -> memref<1x1x20x128xi32, #tpu.memory_space<hbm>>
      %dma_wait3A_309 = tpu.memref_squeeze %dma_wait3A_308 : memref<1x1x20x128xi32, #tpu.memory_space<hbm>> -> memref<20x128xi32, #tpu.memory_space<hbm>>
      tpu.wait_dma2 semaphore(%arg14 : memref<!tpu.dma_semaphore, #tpu.memory_space<semaphore_mem>>) src(%dma_wait3A_309 : memref<20x128xi32, #tpu.memory_space<hbm>>) dst(%arg8 : memref<20x128xi32, #tpu.memory_space<vmem>>)
      %parallel_loop3A = arith.constant 0 : i32
      %parallel_loop3A_310 = arith.constant 8 : i32
      %parallel_loop3A_311 = arith.constant 1 : i32
      scf.for %parallel_loop3A_335 = %parallel_loop3A to %parallel_loop3A_310 step %parallel_loop3A_311  : i32 {
        %parallel_loop3A_336 = arith.constant 16 : i32
        %parallel_loop3A_337 = arith.muli %parallel_loop3A_335, %parallel_loop3A_336 : i32
        %parallel_loop3A_338 = tpu.assume_multiple %parallel_loop3A_337, 16 : i32
        %parallel_loop3A_339 = arith.constant 0 : i32
        %parallel_loop3A_340 = arith.index_cast %parallel_loop3A_339 : i32 to index
        %parallel_loop3A_341 = arith.index_cast %parallel_loop3A_338 : i32 to index
        %parallel_loop3A_342 = tpu.vector_load %arg8[%parallel_loop3A_340, %parallel_loop3A_341] {strides = array<i32>} : memref<20x128xi32, #tpu.memory_space<vmem>>, vector<16xi32>,
        %parallel_loop3A_343 = arith.constant 1 : i32
        %parallel_loop3A_344 = arith.index_cast %parallel_loop3A_343 : i32 to index
        %parallel_loop3A_345 = arith.index_cast %parallel_loop3A_338 : i32 to index
        %parallel_loop3A_346 = tpu.vector_load %arg8[%parallel_loop3A_344, %parallel_loop3A_345] {strides = array<i32>} : memref<20x128xi32, #tpu.memory_space<vmem>>, vector<16xi32>,
        %parallel_loop3A_347 = arith.constant 2 : i32
        %parallel_loop3A_348 = arith.index_cast %parallel_loop3A_347 : i32 to index
        %parallel_loop3A_349 = arith.index_cast %parallel_loop3A_338 : i32 to index
        %parallel_loop3A_350 = tpu.vector_load %arg8[%parallel_loop3A_348, %parallel_loop3A_349] {strides = array<i32>} : memref<20x128xi32, #tpu.memory_space<vmem>>, vector<16xi32>,
        %parallel_loop3A_351 = arith.constant 3 : i32
        %parallel_loop3A_352 = arith.index_cast %parallel_loop3A_351 : i32 to index
        %parallel_loop3A_353 = arith.index_cast %parallel_loop3A_338 : i32 to index
        %parallel_loop3A_354 = tpu.vector_load %arg8[%parallel_loop3A_352, %parallel_loop3A_353] {strides = array<i32>} : memref<20x128xi32, #tpu.memory_space<vmem>>, vector<16xi32>,
        %parallel_loop3A_355 = arith.constant 4 : i32
        %parallel_loop3A_356 = arith.index_cast %parallel_loop3A_355 : i32 to index
        %parallel_loop3A_357 = arith.index_cast %parallel_loop3A_338 : i32 to index
        %parallel_loop3A_358 = tpu.vector_load %arg8[%parallel_loop3A_356, %parallel_loop3A_357] {strides = array<i32>} : memref<20x128xi32, #tpu.memory_space<vmem>>, vector<16xi32>,
        %parallel_loop3A_359 = arith.constant 5 : i32
        %parallel_loop3A_360 = arith.index_cast %parallel_loop3A_359 : i32 to index
        %parallel_loop3A_361 = arith.index_cast %parallel_loop3A_338 : i32 to index
        %parallel_loop3A_362 = tpu.vector_load %arg8[%parallel_loop3A_360, %parallel_loop3A_361] {strides = array<i32>} : memref<20x128xi32, #tpu.memory_space<vmem>>, vector<16xi32>,
        %parallel_loop3A_363 = arith.constant 6 : i32
        %parallel_loop3A_364 = arith.index_cast %parallel_loop3A_363 : i32 to index
        %parallel_loop3A_365 = arith.index_cast %parallel_loop3A_338 : i32 to index
        %parallel_loop3A_366 = tpu.vector_load %arg8[%parallel_loop3A_364, %parallel_loop3A_365] {strides = array<i32>} : memref<20x128xi32, #tpu.memory_space<vmem>>, vector<16xi32>,
        %parallel_loop3A_367 = arith.constant 7 : i32
        %parallel_loop3A_368 = arith.index_cast %parallel_loop3A_367 : i32 to index
        %parallel_loop3A_369 = arith.index_cast %parallel_loop3A_338 : i32 to index
        %parallel_loop3A_370 = tpu.vector_load %arg8[%parallel_loop3A_368, %parallel_loop3A_369] {strides = array<i32>} : memref<20x128xi32, #tpu.memory_space<vmem>>, vector<16xi32>,
        %parallel_loop3A_371 = arith.constant 8 : i32
        %parallel_loop3A_372 = arith.index_cast %parallel_loop3A_371 : i32 to index
        %parallel_loop3A_373 = arith.index_cast %parallel_loop3A_338 : i32 to index
        %parallel_loop3A_374 = tpu.vector_load %arg8[%parallel_loop3A_372, %parallel_loop3A_373] {strides = array<i32>} : memref<20x128xi32, #tpu.memory_space<vmem>>, vector<16xi32>,
        %parallel_loop3A_375 = arith.constant 9 : i32
        %parallel_loop3A_376 = arith.index_cast %parallel_loop3A_375 : i32 to index
        %parallel_loop3A_377 = arith.index_cast %parallel_loop3A_338 : i32 to index
        %parallel_loop3A_378 = tpu.vector_load %arg8[%parallel_loop3A_376, %parallel_loop3A_377] {strides = array<i32>} : memref<20x128xi32, #tpu.memory_space<vmem>>, vector<16xi32>,
        %parallel_loop3A_379 = arith.constant 10 : i32
        %parallel_loop3A_380 = arith.index_cast %parallel_loop3A_379 : i32 to index
        %parallel_loop3A_381 = arith.index_cast %parallel_loop3A_338 : i32 to index
        %parallel_loop3A_382 = tpu.vector_load %arg8[%parallel_loop3A_380, %parallel_loop3A_381] {strides = array<i32>} : memref<20x128xi32, #tpu.memory_space<vmem>>, vector<16xi32>,
        %parallel_loop3A_383 = arith.constant 11 : i32
        %parallel_loop3A_384 = arith.index_cast %parallel_loop3A_383 : i32 to index
        %parallel_loop3A_385 = arith.index_cast %parallel_loop3A_338 : i32 to index
        %parallel_loop3A_386 = tpu.vector_load %arg8[%parallel_loop3A_384, %parallel_loop3A_385] {strides = array<i32>} : memref<20x128xi32, #tpu.memory_space<vmem>>, vector<16xi32>,
        %parallel_loop3A_387 = arith.constant 12 : i32
        %parallel_loop3A_388 = arith.index_cast %parallel_loop3A_387 : i32 to index
        %parallel_loop3A_389 = arith.index_cast %parallel_loop3A_338 : i32 to index
        %parallel_loop3A_390 = tpu.vector_load %arg8[%parallel_loop3A_388, %parallel_loop3A_389] {strides = array<i32>} : memref<20x128xi32, #tpu.memory_space<vmem>>, vector<16xi32>,
        %parallel_loop3A_391 = arith.constant 13 : i32
        %parallel_loop3A_392 = arith.index_cast %parallel_loop3A_391 : i32 to index
        %parallel_loop3A_393 = arith.index_cast %parallel_loop3A_338 : i32 to index
        %parallel_loop3A_394 = tpu.vector_load %arg8[%parallel_loop3A_392, %parallel_loop3A_393] {strides = array<i32>} : memref<20x128xi32, #tpu.memory_space<vmem>>, vector<16xi32>,
        %parallel_loop3A_395 = arith.constant 14 : i32
        %parallel_loop3A_396 = arith.index_cast %parallel_loop3A_395 : i32 to index
        %parallel_loop3A_397 = arith.index_cast %parallel_loop3A_338 : i32 to index
        %parallel_loop3A_398 = tpu.vector_load %arg8[%parallel_loop3A_396, %parallel_loop3A_397] {strides = array<i32>} : memref<20x128xi32, #tpu.memory_space<vmem>>, vector<16xi32>,
        %parallel_loop3A_399 = arith.constant 15 : i32
        %parallel_loop3A_400 = arith.index_cast %parallel_loop3A_399 : i32 to index
        %parallel_loop3A_401 = arith.index_cast %parallel_loop3A_338 : i32 to index
        %parallel_loop3A_402 = tpu.vector_load %arg8[%parallel_loop3A_400, %parallel_loop3A_401] {strides = array<i32>} : memref<20x128xi32, #tpu.memory_space<vmem>>, vector<16xi32>,
        %parallel_loop3A_403 = arith.constant 16 : i32
        %parallel_loop3A_404 = arith.index_cast %parallel_loop3A_403 : i32 to index
        %parallel_loop3A_405 = arith.index_cast %parallel_loop3A_338 : i32 to index
        %parallel_loop3A_406 = tpu.vector_load %arg8[%parallel_loop3A_404, %parallel_loop3A_405] {strides = array<i32>} : memref<20x128xi32, #tpu.memory_space<vmem>>, vector<16xi32>,
        %parallel_loop3A_407 = arith.constant 17 : i32
        %parallel_loop3A_408 = arith.index_cast %parallel_loop3A_407 : i32 to index
        %parallel_loop3A_409 = arith.index_cast %parallel_loop3A_338 : i32 to index
        %parallel_loop3A_410 = tpu.vector_load %arg8[%parallel_loop3A_408, %parallel_loop3A_409] {strides = array<i32>} : memref<20x128xi32, #tpu.memory_space<vmem>>, vector<16xi32>,
        %parallel_loop3A_411 = arith.constant 18 : i32
        %parallel_loop3A_412 = arith.index_cast %parallel_loop3A_411 : i32 to index
        %parallel_loop3A_413 = arith.index_cast %parallel_loop3A_338 : i32 to index
        %parallel_loop3A_414 = tpu.vector_load %arg8[%parallel_loop3A_412, %parallel_loop3A_413] {strides = array<i32>} : memref<20x128xi32, #tpu.memory_space<vmem>>, vector<16xi32>,
        %parallel_loop3A_415 = arith.constant 19 : i32
        %parallel_loop3A_416 = arith.index_cast %parallel_loop3A_415 : i32 to index
        %parallel_loop3A_417 = arith.index_cast %parallel_loop3A_338 : i32 to index
        %parallel_loop3A_418 = tpu.vector_load %arg8[%parallel_loop3A_416, %parallel_loop3A_417] {strides = array<i32>} : memref<20x128xi32, #tpu.memory_space<vmem>>, vector<16xi32>,
        %parallel_loop3A_419 = tpu.vector_load_idx %arg7[%parallel_loop3A_342] : memref<100000xf32, #tpu.memory_space<vmem>>[vector<16xi32>], vector<16xf32>,
        %parallel_loop3A_420 = tpu.vector_load_idx %arg7[%parallel_loop3A_346] : memref<100000xf32, #tpu.memory_space<vmem>>[vector<16xi32>], vector<16xf32>,
        %parallel_loop3A_421 = tpu.vector_load_idx %arg7[%parallel_loop3A_350] : memref<100000xf32, #tpu.memory_space<vmem>>[vector<16xi32>], vector<16xf32>,
        %parallel_loop3A_422 = tpu.vector_load_idx %arg7[%parallel_loop3A_354] : memref<100000xf32, #tpu.memory_space<vmem>>[vector<16xi32>], vector<16xf32>,
        %parallel_loop3A_423 = tpu.vector_load_idx %arg7[%parallel_loop3A_358] : memref<100000xf32, #tpu.memory_space<vmem>>[vector<16xi32>], vector<16xf32>,
        %parallel_loop3A_424 = tpu.vector_load_idx %arg7[%parallel_loop3A_362] : memref<100000xf32, #tpu.memory_space<vmem>>[vector<16xi32>], vector<16xf32>,
        %parallel_loop3A_425 = tpu.vector_load_idx %arg7[%parallel_loop3A_366] : memref<100000xf32, #tpu.memory_space<vmem>>[vector<16xi32>], vector<16xf32>,
        %parallel_loop3A_426 = tpu.vector_load_idx %arg7[%parallel_loop3A_370] : memref<100000xf32, #tpu.memory_space<vmem>>[vector<16xi32>], vector<16xf32>,
        %parallel_loop3A_427 = tpu.vector_load_idx %arg7[%parallel_loop3A_374] : memref<100000xf32, #tpu.memory_space<vmem>>[vector<16xi32>], vector<16xf32>,
        %parallel_loop3A_428 = tpu.vector_load_idx %arg7[%parallel_loop3A_378] : memref<100000xf32, #tpu.memory_space<vmem>>[vector<16xi32>], vector<16xf32>,
        %parallel_loop3A_429 = tpu.vector_load_idx %arg7[%parallel_loop3A_382] : memref<100000xf32, #tpu.memory_space<vmem>>[vector<16xi32>], vector<16xf32>,
        %parallel_loop3A_430 = tpu.vector_load_idx %arg7[%parallel_loop3A_386] : memref<100000xf32, #tpu.memory_space<vmem>>[vector<16xi32>], vector<16xf32>,
        %parallel_loop3A_431 = tpu.vector_load_idx %arg7[%parallel_loop3A_390] : memref<100000xf32, #tpu.memory_space<vmem>>[vector<16xi32>], vector<16xf32>,
        %parallel_loop3A_432 = tpu.vector_load_idx %arg7[%parallel_loop3A_394] : memref<100000xf32, #tpu.memory_space<vmem>>[vector<16xi32>], vector<16xf32>,
        %parallel_loop3A_433 = tpu.vector_load_idx %arg7[%parallel_loop3A_398] : memref<100000xf32, #tpu.memory_space<vmem>>[vector<16xi32>], vector<16xf32>,
        %parallel_loop3A_434 = tpu.vector_load_idx %arg7[%parallel_loop3A_402] : memref<100000xf32, #tpu.memory_space<vmem>>[vector<16xi32>], vector<16xf32>,
        %parallel_loop3A_435 = tpu.vector_load_idx %arg7[%parallel_loop3A_406] : memref<100000xf32, #tpu.memory_space<vmem>>[vector<16xi32>], vector<16xf32>,
        %parallel_loop3A_436 = tpu.vector_load_idx %arg7[%parallel_loop3A_410] : memref<100000xf32, #tpu.memory_space<vmem>>[vector<16xi32>], vector<16xf32>,
        %parallel_loop3A_437 = tpu.vector_load_idx %arg7[%parallel_loop3A_414] : memref<100000xf32, #tpu.memory_space<vmem>>[vector<16xi32>], vector<16xf32>,
        %parallel_loop3A_438 = tpu.vector_load_idx %arg7[%parallel_loop3A_418] : memref<100000xf32, #tpu.memory_space<vmem>>[vector<16xi32>], vector<16xf32>,
        %parallel_loop3A_439 = arith.addf %parallel_loop3A_419, %parallel_loop3A_420 : vector<16xf32>
        %parallel_loop3A_440 = arith.addf %parallel_loop3A_421, %parallel_loop3A_422 : vector<16xf32>
        %parallel_loop3A_441 = arith.addf %parallel_loop3A_423, %parallel_loop3A_424 : vector<16xf32>
        %parallel_loop3A_442 = arith.addf %parallel_loop3A_425, %parallel_loop3A_426 : vector<16xf32>
        %parallel_loop3A_443 = arith.addf %parallel_loop3A_427, %parallel_loop3A_428 : vector<16xf32>
        %parallel_loop3A_444 = arith.addf %parallel_loop3A_429, %parallel_loop3A_430 : vector<16xf32>
        %parallel_loop3A_445 = arith.addf %parallel_loop3A_431, %parallel_loop3A_432 : vector<16xf32>
        %parallel_loop3A_446 = arith.addf %parallel_loop3A_433, %parallel_loop3A_434 : vector<16xf32>
        %parallel_loop3A_447 = arith.addf %parallel_loop3A_435, %parallel_loop3A_436 : vector<16xf32>
        %parallel_loop3A_448 = arith.addf %parallel_loop3A_437, %parallel_loop3A_438 : vector<16xf32>
        %parallel_loop3A_449 = arith.addf %parallel_loop3A_439, %parallel_loop3A_440 : vector<16xf32>
        %parallel_loop3A_450 = arith.addf %parallel_loop3A_441, %parallel_loop3A_442 : vector<16xf32>
        %parallel_loop3A_451 = arith.addf %parallel_loop3A_443, %parallel_loop3A_444 : vector<16xf32>
        %parallel_loop3A_452 = arith.addf %parallel_loop3A_445, %parallel_loop3A_446 : vector<16xf32>
        %parallel_loop3A_453 = arith.addf %parallel_loop3A_447, %parallel_loop3A_448 : vector<16xf32>
        %parallel_loop3A_454 = arith.addf %parallel_loop3A_449, %parallel_loop3A_450 : vector<16xf32>
        %parallel_loop3A_455 = arith.addf %parallel_loop3A_451, %parallel_loop3A_452 : vector<16xf32>
        %parallel_loop3A_456 = arith.addf %parallel_loop3A_454, %parallel_loop3A_455 : vector<16xf32>
        %parallel_loop3A_457 = arith.addf %parallel_loop3A_456, %parallel_loop3A_453 : vector<16xf32>
        %parallel_loop3A_458 = arith.constant 128 : i32
        %parallel_loop3A_459 = arith.muli %mul3A_300, %parallel_loop3A_458 : i32
        %parallel_loop3A_460 = arith.constant 16 : i32
        %parallel_loop3A_461 = arith.muli %parallel_loop3A_335, %parallel_loop3A_460 : i32
        %parallel_loop3A_462 = arith.addi %parallel_loop3A_459, %parallel_loop3A_461 : i32
        %parallel_loop3A_463 = tpu.assume_multiple %parallel_loop3A_462, 16 : i32
        %parallel_loop3A_464 = arith.index_cast %parallel_loop3A_463 : i32 to index
        %parallel_loop3A_465 = tpu.vector_load %arg12[%parallel_loop3A_464] {strides = array<i32>} : memref<4096xf32, #tpu.memory_space<vmem>>, vector<16xf32>,
        tpu.vector_store %arg12[%parallel_loop3A_464], %parallel_loop3A_457 {strides = array<i32>} : memref<4096xf32, #tpu.memory_space<vmem>>, vector<16xf32>,
      } {sc.loop_unroll_factor = 2 : i64, sc.parallel_access}
      %lt3A = arith.constant 15 : i32
      %lt3A_312 = arith.cmpi slt, %scan3A_298, %lt3A : i32
      %convert_element_type3A = arith.extui %lt3A_312 : i1 to i32
      %cond3A = arith.constant 0 : i32
      %cond3A_313 = arith.cmpi ne, %convert_element_type3A, %cond3A : i32
      scf.if %cond3A_313 {
        %add3A_335 = arith.constant 2 : i32
        %add3A_336 = arith.addi %mul3A_300, %add3A_335 : i32
        %dma_start3A_337 = arith.constant 0 : i32
        %dma_start3A_338 = arith.constant 0 : i32
        %dma_start3A_339 = arith.constant 0 : i32
        %dma_start3A_340 = tpu.memref_slice %arg4[%dma_start3A_337, %add3A_336, %dma_start3A_338, %dma_start3A_339] : memref<3x32x20x128xi32, #tpu.memory_space<hbm>> -> memref<1x1x20x128xi32, #tpu.memory_space<hbm>>
        %dma_start3A_341 = tpu.memref_squeeze %dma_start3A_340 : memref<1x1x20x128xi32, #tpu.memory_space<hbm>> -> memref<20x128xi32, #tpu.memory_space<hbm>>
        %dma_start3A_342 = arith.constant 0 : i32
        %dma_start3A_343 = arith.constant 0 : i32
        %dma_start3A_344 = tpu.memref_slice %arg4[%dma_start3A_337, %add3A_336, %dma_start3A_342, %dma_start3A_343] : memref<3x32x20x128xi32, #tpu.memory_space<hbm>> -> memref<1x1x20x128xi32, #tpu.memory_space<hbm>>
        %dma_start3A_345 = tpu.memref_squeeze %dma_start3A_344 : memref<1x1x20x128xi32, #tpu.memory_space<hbm>> -> memref<20x128xi32, #tpu.memory_space<hbm>>
        tpu.enqueue_dma source(%dma_start3A_345 : memref<20x128xi32, #tpu.memory_space<hbm>>) target(%arg8 : memref<20x128xi32, #tpu.memory_space<vmem>>) target_semaphore(%arg14 : memref<!tpu.dma_semaphore, #tpu.memory_space<semaphore_mem>>)
      } else {
      }
      %add3A_314 = arith.constant 1 : i32
      %add3A_315 = arith.addi %mul3A_300, %add3A_314 : i32
      %dma_wait3A_316 = arith.constant 0 : i32
      %dma_wait3A_317 = arith.constant 0 : i32
      %dma_wait3A_318 = arith.constant 0 : i32
      %dma_wait3A_319 = tpu.memref_slice %arg4[%dma_wait3A_316, %add3A_315, %dma_wait3A_317, %dma_wait3A_318] : memref<3x32x20x128xi32, #tpu.memory_space<hbm>> -> memref<1x1x20x128xi32, #tpu.memory_space<hbm>>
      %dma_wait3A_320 = tpu.memref_squeeze %dma_wait3A_319 : memref<1x1x20x128xi32, #tpu.memory_space<hbm>> -> memref<20x128xi32, #tpu.memory_space<hbm>>
      %dma_wait3A_321 = arith.constant 0 : i32
      %dma_wait3A_322 = arith.constant 0 : i32
      %dma_wait3A_323 = tpu.memref_slice %arg4[%dma_wait3A_316, %add3A_315, %dma_wait3A_321, %dma_wait3A_322] : memref<3x32x20x128xi32, #tpu.memory_space<hbm>> -> memref<1x1x20x128xi32, #tpu.memory_space<hbm>>
      %dma_wait3A_324 = tpu.memref_squeeze %dma_wait3A_323 : memref<1x1x20x128xi32, #tpu.memory_space<hbm>> -> memref<20x128xi32, #tpu.memory_space<hbm>>
      tpu.wait_dma2 semaphore(%arg15 : memref<!tpu.dma_semaphore, #tpu.memory_space<semaphore_mem>>) src(%dma_wait3A_324 : memref<20x128xi32, #tpu.memory_space<hbm>>) dst(%arg9 : memref<20x128xi32, #tpu.memory_space<vmem>>)
      %add3A_325 = arith.constant 1 : i32
      %add3A_326 = arith.addi %mul3A_300, %add3A_325 : i32
      %parallel_loop3A_327 = arith.constant 0 : i32
      %parallel_loop3A_328 = arith.constant 8 : i32
      %parallel_loop3A_329 = arith.constant 1 : i32
      scf.for %parallel_loop3A_335 = %parallel_loop3A_327 to %parallel_loop3A_328 step %parallel_loop3A_329  : i32 {
        %parallel_loop3A_336 = arith.constant 16 : i32
        %parallel_loop3A_337 = arith.muli %parallel_loop3A_335, %parallel_loop3A_336 : i32
        %parallel_loop3A_338 = tpu.assume_multiple %parallel_loop3A_337, 16 : i32
        %parallel_loop3A_339 = arith.constant 0 : i32
        %parallel_loop3A_340 = arith.index_cast %parallel_loop3A_339 : i32 to index
        %parallel_loop3A_341 = arith.index_cast %parallel_loop3A_338 : i32 to index
        %parallel_loop3A_342 = tpu.vector_load %arg9[%parallel_loop3A_340, %parallel_loop3A_341] {strides = array<i32>} : memref<20x128xi32, #tpu.memory_space<vmem>>, vector<16xi32>,
        %parallel_loop3A_343 = arith.constant 1 : i32
        %parallel_loop3A_344 = arith.index_cast %parallel_loop3A_343 : i32 to index
        %parallel_loop3A_345 = arith.index_cast %parallel_loop3A_338 : i32 to index
        %parallel_loop3A_346 = tpu.vector_load %arg9[%parallel_loop3A_344, %parallel_loop3A_345] {strides = array<i32>} : memref<20x128xi32, #tpu.memory_space<vmem>>, vector<16xi32>,
        %parallel_loop3A_347 = arith.constant 2 : i32
        %parallel_loop3A_348 = arith.index_cast %parallel_loop3A_347 : i32 to index
        %parallel_loop3A_349 = arith.index_cast %parallel_loop3A_338 : i32 to index
        %parallel_loop3A_350 = tpu.vector_load %arg9[%parallel_loop3A_348, %parallel_loop3A_349] {strides = array<i32>} : memref<20x128xi32, #tpu.memory_space<vmem>>, vector<16xi32>,
        %parallel_loop3A_351 = arith.constant 3 : i32
        %parallel_loop3A_352 = arith.index_cast %parallel_loop3A_351 : i32 to index
        %parallel_loop3A_353 = arith.index_cast %parallel_loop3A_338 : i32 to index
        %parallel_loop3A_354 = tpu.vector_load %arg9[%parallel_loop3A_352, %parallel_loop3A_353] {strides = array<i32>} : memref<20x128xi32, #tpu.memory_space<vmem>>, vector<16xi32>,
        %parallel_loop3A_355 = arith.constant 4 : i32
        %parallel_loop3A_356 = arith.index_cast %parallel_loop3A_355 : i32 to index
        %parallel_loop3A_357 = arith.index_cast %parallel_loop3A_338 : i32 to index
        %parallel_loop3A_358 = tpu.vector_load %arg9[%parallel_loop3A_356, %parallel_loop3A_357] {strides = array<i32>} : memref<20x128xi32, #tpu.memory_space<vmem>>, vector<16xi32>,
        %parallel_loop3A_359 = arith.constant 5 : i32
        %parallel_loop3A_360 = arith.index_cast %parallel_loop3A_359 : i32 to index
        %parallel_loop3A_361 = arith.index_cast %parallel_loop3A_338 : i32 to index
        %parallel_loop3A_362 = tpu.vector_load %arg9[%parallel_loop3A_360, %parallel_loop3A_361] {strides = array<i32>} : memref<20x128xi32, #tpu.memory_space<vmem>>, vector<16xi32>,
        %parallel_loop3A_363 = arith.constant 6 : i32
        %parallel_loop3A_364 = arith.index_cast %parallel_loop3A_363 : i32 to index
        %parallel_loop3A_365 = arith.index_cast %parallel_loop3A_338 : i32 to index
        %parallel_loop3A_366 = tpu.vector_load %arg9[%parallel_loop3A_364, %parallel_loop3A_365] {strides = array<i32>} : memref<20x128xi32, #tpu.memory_space<vmem>>, vector<16xi32>,
        %parallel_loop3A_367 = arith.constant 7 : i32
        %parallel_loop3A_368 = arith.index_cast %parallel_loop3A_367 : i32 to index
        %parallel_loop3A_369 = arith.index_cast %parallel_loop3A_338 : i32 to index
        %parallel_loop3A_370 = tpu.vector_load %arg9[%parallel_loop3A_368, %parallel_loop3A_369] {strides = array<i32>} : memref<20x128xi32, #tpu.memory_space<vmem>>, vector<16xi32>,
        %parallel_loop3A_371 = arith.constant 8 : i32
        %parallel_loop3A_372 = arith.index_cast %parallel_loop3A_371 : i32 to index
        %parallel_loop3A_373 = arith.index_cast %parallel_loop3A_338 : i32 to index
        %parallel_loop3A_374 = tpu.vector_load %arg9[%parallel_loop3A_372, %parallel_loop3A_373] {strides = array<i32>} : memref<20x128xi32, #tpu.memory_space<vmem>>, vector<16xi32>,
        %parallel_loop3A_375 = arith.constant 9 : i32
        %parallel_loop3A_376 = arith.index_cast %parallel_loop3A_375 : i32 to index
        %parallel_loop3A_377 = arith.index_cast %parallel_loop3A_338 : i32 to index
        %parallel_loop3A_378 = tpu.vector_load %arg9[%parallel_loop3A_376, %parallel_loop3A_377] {strides = array<i32>} : memref<20x128xi32, #tpu.memory_space<vmem>>, vector<16xi32>,
        %parallel_loop3A_379 = arith.constant 10 : i32
        %parallel_loop3A_380 = arith.index_cast %parallel_loop3A_379 : i32 to index
        %parallel_loop3A_381 = arith.index_cast %parallel_loop3A_338 : i32 to index
        %parallel_loop3A_382 = tpu.vector_load %arg9[%parallel_loop3A_380, %parallel_loop3A_381] {strides = array<i32>} : memref<20x128xi32, #tpu.memory_space<vmem>>, vector<16xi32>,
        %parallel_loop3A_383 = arith.constant 11 : i32
        %parallel_loop3A_384 = arith.index_cast %parallel_loop3A_383 : i32 to index
        %parallel_loop3A_385 = arith.index_cast %parallel_loop3A_338 : i32 to index
        %parallel_loop3A_386 = tpu.vector_load %arg9[%parallel_loop3A_384, %parallel_loop3A_385] {strides = array<i32>} : memref<20x128xi32, #tpu.memory_space<vmem>>, vector<16xi32>,
        %parallel_loop3A_387 = arith.constant 12 : i32
        %parallel_loop3A_388 = arith.index_cast %parallel_loop3A_387 : i32 to index
        %parallel_loop3A_389 = arith.index_cast %parallel_loop3A_338 : i32 to index
        %parallel_loop3A_390 = tpu.vector_load %arg9[%parallel_loop3A_388, %parallel_loop3A_389] {strides = array<i32>} : memref<20x128xi32, #tpu.memory_space<vmem>>, vector<16xi32>,
        %parallel_loop3A_391 = arith.constant 13 : i32
        %parallel_loop3A_392 = arith.index_cast %parallel_loop3A_391 : i32 to index
        %parallel_loop3A_393 = arith.index_cast %parallel_loop3A_338 : i32 to index
        %parallel_loop3A_394 = tpu.vector_load %arg9[%parallel_loop3A_392, %parallel_loop3A_393] {strides = array<i32>} : memref<20x128xi32, #tpu.memory_space<vmem>>, vector<16xi32>,
        %parallel_loop3A_395 = arith.constant 14 : i32
        %parallel_loop3A_396 = arith.index_cast %parallel_loop3A_395 : i32 to index
        %parallel_loop3A_397 = arith.index_cast %parallel_loop3A_338 : i32 to index
        %parallel_loop3A_398 = tpu.vector_load %arg9[%parallel_loop3A_396, %parallel_loop3A_397] {strides = array<i32>} : memref<20x128xi32, #tpu.memory_space<vmem>>, vector<16xi32>,
        %parallel_loop3A_399 = arith.constant 15 : i32
        %parallel_loop3A_400 = arith.index_cast %parallel_loop3A_399 : i32 to index
        %parallel_loop3A_401 = arith.index_cast %parallel_loop3A_338 : i32 to index
        %parallel_loop3A_402 = tpu.vector_load %arg9[%parallel_loop3A_400, %parallel_loop3A_401] {strides = array<i32>} : memref<20x128xi32, #tpu.memory_space<vmem>>, vector<16xi32>,
        %parallel_loop3A_403 = arith.constant 16 : i32
        %parallel_loop3A_404 = arith.index_cast %parallel_loop3A_403 : i32 to index
        %parallel_loop3A_405 = arith.index_cast %parallel_loop3A_338 : i32 to index
        %parallel_loop3A_406 = tpu.vector_load %arg9[%parallel_loop3A_404, %parallel_loop3A_405] {strides = array<i32>} : memref<20x128xi32, #tpu.memory_space<vmem>>, vector<16xi32>,
        %parallel_loop3A_407 = arith.constant 17 : i32
        %parallel_loop3A_408 = arith.index_cast %parallel_loop3A_407 : i32 to index
        %parallel_loop3A_409 = arith.index_cast %parallel_loop3A_338 : i32 to index
        %parallel_loop3A_410 = tpu.vector_load %arg9[%parallel_loop3A_408, %parallel_loop3A_409] {strides = array<i32>} : memref<20x128xi32, #tpu.memory_space<vmem>>, vector<16xi32>,
        %parallel_loop3A_411 = arith.constant 18 : i32
        %parallel_loop3A_412 = arith.index_cast %parallel_loop3A_411 : i32 to index
        %parallel_loop3A_413 = arith.index_cast %parallel_loop3A_338 : i32 to index
        %parallel_loop3A_414 = tpu.vector_load %arg9[%parallel_loop3A_412, %parallel_loop3A_413] {strides = array<i32>} : memref<20x128xi32, #tpu.memory_space<vmem>>, vector<16xi32>,
        %parallel_loop3A_415 = arith.constant 19 : i32
        %parallel_loop3A_416 = arith.index_cast %parallel_loop3A_415 : i32 to index
        %parallel_loop3A_417 = arith.index_cast %parallel_loop3A_338 : i32 to index
        %parallel_loop3A_418 = tpu.vector_load %arg9[%parallel_loop3A_416, %parallel_loop3A_417] {strides = array<i32>} : memref<20x128xi32, #tpu.memory_space<vmem>>, vector<16xi32>,
        %parallel_loop3A_419 = tpu.vector_load_idx %arg7[%parallel_loop3A_342] : memref<100000xf32, #tpu.memory_space<vmem>>[vector<16xi32>], vector<16xf32>,
        %parallel_loop3A_420 = tpu.vector_load_idx %arg7[%parallel_loop3A_346] : memref<100000xf32, #tpu.memory_space<vmem>>[vector<16xi32>], vector<16xf32>,
        %parallel_loop3A_421 = tpu.vector_load_idx %arg7[%parallel_loop3A_350] : memref<100000xf32, #tpu.memory_space<vmem>>[vector<16xi32>], vector<16xf32>,
        %parallel_loop3A_422 = tpu.vector_load_idx %arg7[%parallel_loop3A_354] : memref<100000xf32, #tpu.memory_space<vmem>>[vector<16xi32>], vector<16xf32>,
        %parallel_loop3A_423 = tpu.vector_load_idx %arg7[%parallel_loop3A_358] : memref<100000xf32, #tpu.memory_space<vmem>>[vector<16xi32>], vector<16xf32>,
        %parallel_loop3A_424 = tpu.vector_load_idx %arg7[%parallel_loop3A_362] : memref<100000xf32, #tpu.memory_space<vmem>>[vector<16xi32>], vector<16xf32>,
        %parallel_loop3A_425 = tpu.vector_load_idx %arg7[%parallel_loop3A_366] : memref<100000xf32, #tpu.memory_space<vmem>>[vector<16xi32>], vector<16xf32>,
        %parallel_loop3A_426 = tpu.vector_load_idx %arg7[%parallel_loop3A_370] : memref<100000xf32, #tpu.memory_space<vmem>>[vector<16xi32>], vector<16xf32>,
        %parallel_loop3A_427 = tpu.vector_load_idx %arg7[%parallel_loop3A_374] : memref<100000xf32, #tpu.memory_space<vmem>>[vector<16xi32>], vector<16xf32>,
        %parallel_loop3A_428 = tpu.vector_load_idx %arg7[%parallel_loop3A_378] : memref<100000xf32, #tpu.memory_space<vmem>>[vector<16xi32>], vector<16xf32>,
        %parallel_loop3A_429 = tpu.vector_load_idx %arg7[%parallel_loop3A_382] : memref<100000xf32, #tpu.memory_space<vmem>>[vector<16xi32>], vector<16xf32>,
        %parallel_loop3A_430 = tpu.vector_load_idx %arg7[%parallel_loop3A_386] : memref<100000xf32, #tpu.memory_space<vmem>>[vector<16xi32>], vector<16xf32>,
        %parallel_loop3A_431 = tpu.vector_load_idx %arg7[%parallel_loop3A_390] : memref<100000xf32, #tpu.memory_space<vmem>>[vector<16xi32>], vector<16xf32>,
        %parallel_loop3A_432 = tpu.vector_load_idx %arg7[%parallel_loop3A_394] : memref<100000xf32, #tpu.memory_space<vmem>>[vector<16xi32>], vector<16xf32>,
        %parallel_loop3A_433 = tpu.vector_load_idx %arg7[%parallel_loop3A_398] : memref<100000xf32, #tpu.memory_space<vmem>>[vector<16xi32>], vector<16xf32>,
        %parallel_loop3A_434 = tpu.vector_load_idx %arg7[%parallel_loop3A_402] : memref<100000xf32, #tpu.memory_space<vmem>>[vector<16xi32>], vector<16xf32>,
        %parallel_loop3A_435 = tpu.vector_load_idx %arg7[%parallel_loop3A_406] : memref<100000xf32, #tpu.memory_space<vmem>>[vector<16xi32>], vector<16xf32>,
        %parallel_loop3A_436 = tpu.vector_load_idx %arg7[%parallel_loop3A_410] : memref<100000xf32, #tpu.memory_space<vmem>>[vector<16xi32>], vector<16xf32>,
        %parallel_loop3A_437 = tpu.vector_load_idx %arg7[%parallel_loop3A_414] : memref<100000xf32, #tpu.memory_space<vmem>>[vector<16xi32>], vector<16xf32>,
        %parallel_loop3A_438 = tpu.vector_load_idx %arg7[%parallel_loop3A_418] : memref<100000xf32, #tpu.memory_space<vmem>>[vector<16xi32>], vector<16xf32>,
        %parallel_loop3A_439 = arith.addf %parallel_loop3A_419, %parallel_loop3A_420 : vector<16xf32>
        %parallel_loop3A_440 = arith.addf %parallel_loop3A_421, %parallel_loop3A_422 : vector<16xf32>
        %parallel_loop3A_441 = arith.addf %parallel_loop3A_423, %parallel_loop3A_424 : vector<16xf32>
        %parallel_loop3A_442 = arith.addf %parallel_loop3A_425, %parallel_loop3A_426 : vector<16xf32>
        %parallel_loop3A_443 = arith.addf %parallel_loop3A_427, %parallel_loop3A_428 : vector<16xf32>
        %parallel_loop3A_444 = arith.addf %parallel_loop3A_429, %parallel_loop3A_430 : vector<16xf32>
        %parallel_loop3A_445 = arith.addf %parallel_loop3A_431, %parallel_loop3A_432 : vector<16xf32>
        %parallel_loop3A_446 = arith.addf %parallel_loop3A_433, %parallel_loop3A_434 : vector<16xf32>
        %parallel_loop3A_447 = arith.addf %parallel_loop3A_435, %parallel_loop3A_436 : vector<16xf32>
        %parallel_loop3A_448 = arith.addf %parallel_loop3A_437, %parallel_loop3A_438 : vector<16xf32>
        %parallel_loop3A_449 = arith.addf %parallel_loop3A_439, %parallel_loop3A_440 : vector<16xf32>
        %parallel_loop3A_450 = arith.addf %parallel_loop3A_441, %parallel_loop3A_442 : vector<16xf32>
        %parallel_loop3A_451 = arith.addf %parallel_loop3A_443, %parallel_loop3A_444 : vector<16xf32>
        %parallel_loop3A_452 = arith.addf %parallel_loop3A_445, %parallel_loop3A_446 : vector<16xf32>
        %parallel_loop3A_453 = arith.addf %parallel_loop3A_447, %parallel_loop3A_448 : vector<16xf32>
        %parallel_loop3A_454 = arith.addf %parallel_loop3A_449, %parallel_loop3A_450 : vector<16xf32>
        %parallel_loop3A_455 = arith.addf %parallel_loop3A_451, %parallel_loop3A_452 : vector<16xf32>
        %parallel_loop3A_456 = arith.addf %parallel_loop3A_454, %parallel_loop3A_455 : vector<16xf32>
        %parallel_loop3A_457 = arith.addf %parallel_loop3A_456, %parallel_loop3A_453 : vector<16xf32>
        %parallel_loop3A_458 = arith.constant 128 : i32
        %parallel_loop3A_459 = arith.muli %add3A_326, %parallel_loop3A_458 : i32
        %parallel_loop3A_460 = arith.constant 16 : i32
        %parallel_loop3A_461 = arith.muli %parallel_loop3A_335, %parallel_loop3A_460 : i32
        %parallel_loop3A_462 = arith.addi %parallel_loop3A_459, %parallel_loop3A_461 : i32
        %parallel_loop3A_463 = tpu.assume_multiple %parallel_loop3A_462, 16 : i32
        %parallel_loop3A_464 = arith.index_cast %parallel_loop3A_463 : i32 to index
        %parallel_loop3A_465 = tpu.vector_load %arg12[%parallel_loop3A_464] {strides = array<i32>} : memref<4096xf32, #tpu.memory_space<vmem>>, vector<16xf32>,
        tpu.vector_store %arg12[%parallel_loop3A_464], %parallel_loop3A_457 {strides = array<i32>} : memref<4096xf32, #tpu.memory_space<vmem>>, vector<16xf32>,
      } {sc.loop_unroll_factor = 2 : i64, sc.parallel_access}
      %lt3A_330 = arith.constant 15 : i32
      %lt3A_331 = arith.cmpi slt, %scan3A_298, %lt3A_330 : i32
      %convert_element_type3A_332 = arith.extui %lt3A_331 : i1 to i32
      %cond3A_333 = arith.constant 0 : i32
      %cond3A_334 = arith.cmpi ne, %convert_element_type3A_332, %cond3A_333 : i32
      scf.if %cond3A_334 {
        %add3A_335 = arith.constant 3 : i32
        %add3A_336 = arith.addi %mul3A_300, %add3A_335 : i32
        %dma_start3A_337 = arith.constant 0 : i32
        %dma_start3A_338 = arith.constant 0 : i32
        %dma_start3A_339 = arith.constant 0 : i32
        %dma_start3A_340 = tpu.memref_slice %arg4[%dma_start3A_337, %add3A_336, %dma_start3A_338, %dma_start3A_339] : memref<3x32x20x128xi32, #tpu.memory_space<hbm>> -> memref<1x1x20x128xi32, #tpu.memory_space<hbm>>
        %dma_start3A_341 = tpu.memref_squeeze %dma_start3A_340 : memref<1x1x20x128xi32, #tpu.memory_space<hbm>> -> memref<20x128xi32, #tpu.memory_space<hbm>>
        %dma_start3A_342 = arith.constant 0 : i32
        %dma_start3A_343 = arith.constant 0 : i32
        %dma_start3A_344 = tpu.memref_slice %arg4[%dma_start3A_337, %add3A_336, %dma_start3A_342, %dma_start3A_343] : memref<3x32x20x128xi32, #tpu.memory_space<hbm>> -> memref<1x1x20x128xi32, #tpu.memory_space<hbm>>
        %dma_start3A_345 = tpu.memref_squeeze %dma_start3A_344 : memref<1x1x20x128xi32, #tpu.memory_space<hbm>> -> memref<20x128xi32, #tpu.memory_space<hbm>>
        tpu.enqueue_dma source(%dma_start3A_345 : memref<20x128xi32, #tpu.memory_space<hbm>>) target(%arg9 : memref<20x128xi32, #tpu.memory_space<vmem>>) target_semaphore(%arg15 : memref<!tpu.dma_semaphore, #tpu.memory_space<semaphore_mem>>)
      } else {
      }
    }
    %scan3A_83 = arith.constant 16 : i32
    %add3A_84 = arith.constant 32 : i32
    %add3A_85 = arith.addi %add3A, %add3A_84 : i32
    "tpu.region"() ({
      %run_scoped3A = tpu.sem_alloc : memref<!tpu.dma_semaphore, #tpu.memory_space<semaphore_mem>>
      %dma_start3A_298 = arith.constant 0 : i32
      %dma_start3A_299 = tpu.memref_slice %arg6[%add3A_85, %dma_start3A_298] : memref<192x4096xf32, #tpu.memory_space<hbm>> -> memref<1x4096xf32, #tpu.memory_space<hbm>>
      %dma_start3A_300 = tpu.memref_squeeze %dma_start3A_299 : memref<1x4096xf32, #tpu.memory_space<hbm>> -> memref<4096xf32, #tpu.memory_space<hbm>>
      %dma_start3A_301 = arith.constant 0 : i32
      %dma_start3A_302 = tpu.memref_slice %arg6[%add3A_85, %dma_start3A_301] : memref<192x4096xf32, #tpu.memory_space<hbm>> -> memref<1x4096xf32, #tpu.memory_space<hbm>>
      %dma_start3A_303 = tpu.memref_squeeze %dma_start3A_302 : memref<1x4096xf32, #tpu.memory_space<hbm>> -> memref<4096xf32, #tpu.memory_space<hbm>>
      tpu.enqueue_dma source(%arg12 : memref<4096xf32, #tpu.memory_space<vmem>>) target(%dma_start3A_303 : memref<4096xf32, #tpu.memory_space<hbm>>) target_semaphore(%run_scoped3A : memref<!tpu.dma_semaphore, #tpu.memory_space<semaphore_mem>>)
      %dma_wait3A_304 = arith.constant 0 : i32
      %dma_wait3A_305 = tpu.memref_slice %arg6[%add3A_85, %dma_wait3A_304] : memref<192x4096xf32, #tpu.memory_space<hbm>> -> memref<1x4096xf32, #tpu.memory_space<hbm>>
      %dma_wait3A_306 = tpu.memref_squeeze %dma_wait3A_305 : memref<1x4096xf32, #tpu.memory_space<hbm>> -> memref<4096xf32, #tpu.memory_space<hbm>>
      %dma_wait3A_307 = arith.constant 0 : i32
      %dma_wait3A_308 = tpu.memref_slice %arg6[%add3A_85, %dma_wait3A_307] : memref<192x4096xf32, #tpu.memory_space<hbm>> -> memref<1x4096xf32, #tpu.memory_space<hbm>>
      %dma_wait3A_309 = tpu.memref_squeeze %dma_wait3A_308 : memref<1x4096xf32, #tpu.memory_space<hbm>> -> memref<4096xf32, #tpu.memory_space<hbm>>
      tpu.wait_dma2 semaphore(%run_scoped3A : memref<!tpu.dma_semaphore, #tpu.memory_space<semaphore_mem>>) src(%arg12 : memref<4096xf32, #tpu.memory_space<vmem>>) dst(%dma_wait3A_309 : memref<4096xf32, #tpu.memory_space<hbm>>)
      tpu.yield
    }) : () -> ()
    %add3A_86 = arith.constant 0 : i32
    %add3A_87 = arith.addi %add3A, %add3A_86 : i32
    %dma_start3A_88 = arith.constant 1 : i32
    %dma_start3A_89 = arith.constant 0 : i32
    %dma_start3A_90 = tpu.memref_slice %arg2[%dma_start3A_88, %add3A_87, %dma_start3A_89] : memref<2x64x100000xf32, #tpu.memory_space<hbm>> -> memref<1x1x100000xf32, #tpu.memory_space<hbm>>
    %dma_start3A_91 = tpu.memref_squeeze %dma_start3A_90 : memref<1x1x100000xf32, #tpu.memory_space<hbm>> -> memref<100000xf32, #tpu.memory_space<hbm>>
    %dma_start3A_92 = arith.constant 0 : i32
    %dma_start3A_93 = tpu.memref_slice %arg2[%dma_start3A_88, %add3A_87, %dma_start3A_92] : memref<2x64x100000xf32, #tpu.memory_space<hbm>> -> memref<1x1x100000xf32, #tpu.memory_space<hbm>>
    %dma_start3A_94 = tpu.memref_squeeze %dma_start3A_93 : memref<1x1x100000xf32, #tpu.memory_space<hbm>> -> memref<100000xf32, #tpu.memory_space<hbm>>
    tpu.enqueue_dma source(%dma_start3A_94 : memref<100000xf32, #tpu.memory_space<hbm>>) target(%arg7 : memref<100000xf32, #tpu.memory_space<vmem>>) target_semaphore(%arg13 : memref<!tpu.dma_semaphore, #tpu.memory_space<semaphore_mem>>)
    %dma_start3A_95 = arith.constant 1 : i32
    %dma_start3A_96 = arith.constant 0 : i32
    %dma_start3A_97 = arith.constant 0 : i32
    %dma_start3A_98 = arith.constant 0 : i32
    %dma_start3A_99 = tpu.memref_slice %arg4[%dma_start3A_95, %dma_start3A_96, %dma_start3A_97, %dma_start3A_98] : memref<3x32x20x128xi32, #tpu.memory_space<hbm>> -> memref<1x1x20x128xi32, #tpu.memory_space<hbm>>
    %dma_start3A_100 = tpu.memref_squeeze %dma_start3A_99 : memref<1x1x20x128xi32, #tpu.memory_space<hbm>> -> memref<20x128xi32, #tpu.memory_space<hbm>>
    %dma_start3A_101 = arith.constant 0 : i32
    %dma_start3A_102 = arith.constant 0 : i32
    %dma_start3A_103 = tpu.memref_slice %arg4[%dma_start3A_95, %dma_start3A_96, %dma_start3A_101, %dma_start3A_102] : memref<3x32x20x128xi32, #tpu.memory_space<hbm>> -> memref<1x1x20x128xi32, #tpu.memory_space<hbm>>
    %dma_start3A_104 = tpu.memref_squeeze %dma_start3A_103 : memref<1x1x20x128xi32, #tpu.memory_space<hbm>> -> memref<20x128xi32, #tpu.memory_space<hbm>>
    tpu.enqueue_dma source(%dma_start3A_104 : memref<20x128xi32, #tpu.memory_space<hbm>>) target(%arg8 : memref<20x128xi32, #tpu.memory_space<vmem>>) target_semaphore(%arg14 : memref<!tpu.dma_semaphore, #tpu.memory_space<semaphore_mem>>)
    %dma_start3A_105 = arith.constant 1 : i32
    %dma_start3A_106 = arith.constant 1 : i32
    %dma_start3A_107 = arith.constant 0 : i32
    %dma_start3A_108 = arith.constant 0 : i32
    %dma_start3A_109 = tpu.memref_slice %arg4[%dma_start3A_105, %dma_start3A_106, %dma_start3A_107, %dma_start3A_108] : memref<3x32x20x128xi32, #tpu.memory_space<hbm>> -> memref<1x1x20x128xi32, #tpu.memory_space<hbm>>
    %dma_start3A_110 = tpu.memref_squeeze %dma_start3A_109 : memref<1x1x20x128xi32, #tpu.memory_space<hbm>> -> memref<20x128xi32, #tpu.memory_space<hbm>>
    %dma_start3A_111 = arith.constant 0 : i32
    %dma_start3A_112 = arith.constant 0 : i32
    %dma_start3A_113 = tpu.memref_slice %arg4[%dma_start3A_105, %dma_start3A_106, %dma_start3A_111, %dma_start3A_112] : memref<3x32x20x128xi32, #tpu.memory_space<hbm>> -> memref<1x1x20x128xi32, #tpu.memory_space<hbm>>
    %dma_start3A_114 = tpu.memref_squeeze %dma_start3A_113 : memref<1x1x20x128xi32, #tpu.memory_space<hbm>> -> memref<20x128xi32, #tpu.memory_space<hbm>>
    tpu.enqueue_dma source(%dma_start3A_114 : memref<20x128xi32, #tpu.memory_space<hbm>>) target(%arg9 : memref<20x128xi32, #tpu.memory_space<vmem>>) target_semaphore(%arg15 : memref<!tpu.dma_semaphore, #tpu.memory_space<semaphore_mem>>)
    %dma_wait3A_115 = arith.constant 1 : i32
    %dma_wait3A_116 = arith.constant 0 : i32
    %dma_wait3A_117 = tpu.memref_slice %arg2[%dma_wait3A_115, %add3A_87, %dma_wait3A_116] : memref<2x64x100000xf32, #tpu.memory_space<hbm>> -> memref<1x1x100000xf32, #tpu.memory_space<hbm>>
    %dma_wait3A_118 = tpu.memref_squeeze %dma_wait3A_117 : memref<1x1x100000xf32, #tpu.memory_space<hbm>> -> memref<100000xf32, #tpu.memory_space<hbm>>
    %dma_wait3A_119 = arith.constant 0 : i32
    %dma_wait3A_120 = tpu.memref_slice %arg2[%dma_wait3A_115, %add3A_87, %dma_wait3A_119] : memref<2x64x100000xf32, #tpu.memory_space<hbm>> -> memref<1x1x100000xf32, #tpu.memory_space<hbm>>
    %dma_wait3A_121 = tpu.memref_squeeze %dma_wait3A_120 : memref<1x1x100000xf32, #tpu.memory_space<hbm>> -> memref<100000xf32, #tpu.memory_space<hbm>>
    tpu.wait_dma2 semaphore(%arg13 : memref<!tpu.dma_semaphore, #tpu.memory_space<semaphore_mem>>) src(%dma_wait3A_121 : memref<100000xf32, #tpu.memory_space<hbm>>) dst(%arg7 : memref<100000xf32, #tpu.memory_space<vmem>>)
    %scan3A_122 = arith.constant 0 : i32
    %scan3A_123 = arith.constant 0 : i32
    %scan3A_124 = arith.constant 16 : i32
    %scan3A_125 = arith.addi %scan3A_123, %scan3A_124 : i32
    %scan3A_126 = arith.constant 1 : i32
    scf.for %scan3A_298 = %scan3A_123 to %scan3A_125 step %scan3A_126  : i32 {
      %mul3A_299 = arith.constant 2 : i32
      %mul3A_300 = arith.muli %mul3A_299, %scan3A_298 : i32
      %dma_wait3A_301 = arith.constant 1 : i32
      %dma_wait3A_302 = arith.constant 0 : i32
      %dma_wait3A_303 = arith.constant 0 : i32
      %dma_wait3A_304 = tpu.memref_slice %arg4[%dma_wait3A_301, %mul3A_300, %dma_wait3A_302, %dma_wait3A_303] : memref<3x32x20x128xi32, #tpu.memory_space<hbm>> -> memref<1x1x20x128xi32, #tpu.memory_space<hbm>>
      %dma_wait3A_305 = tpu.memref_squeeze %dma_wait3A_304 : memref<1x1x20x128xi32, #tpu.memory_space<hbm>> -> memref<20x128xi32, #tpu.memory_space<hbm>>
      %dma_wait3A_306 = arith.constant 0 : i32
      %dma_wait3A_307 = arith.constant 0 : i32
      %dma_wait3A_308 = tpu.memref_slice %arg4[%dma_wait3A_301, %mul3A_300, %dma_wait3A_306, %dma_wait3A_307] : memref<3x32x20x128xi32, #tpu.memory_space<hbm>> -> memref<1x1x20x128xi32, #tpu.memory_space<hbm>>
      %dma_wait3A_309 = tpu.memref_squeeze %dma_wait3A_308 : memref<1x1x20x128xi32, #tpu.memory_space<hbm>> -> memref<20x128xi32, #tpu.memory_space<hbm>>
      tpu.wait_dma2 semaphore(%arg14 : memref<!tpu.dma_semaphore, #tpu.memory_space<semaphore_mem>>) src(%dma_wait3A_309 : memref<20x128xi32, #tpu.memory_space<hbm>>) dst(%arg8 : memref<20x128xi32, #tpu.memory_space<vmem>>)
      %parallel_loop3A = arith.constant 0 : i32
      %parallel_loop3A_310 = arith.constant 8 : i32
      %parallel_loop3A_311 = arith.constant 1 : i32
      scf.for %parallel_loop3A_335 = %parallel_loop3A to %parallel_loop3A_310 step %parallel_loop3A_311  : i32 {
        %parallel_loop3A_336 = arith.constant 16 : i32
        %parallel_loop3A_337 = arith.muli %parallel_loop3A_335, %parallel_loop3A_336 : i32
        %parallel_loop3A_338 = tpu.assume_multiple %parallel_loop3A_337, 16 : i32
        %parallel_loop3A_339 = arith.constant 0 : i32
        %parallel_loop3A_340 = arith.index_cast %parallel_loop3A_339 : i32 to index
        %parallel_loop3A_341 = arith.index_cast %parallel_loop3A_338 : i32 to index
        %parallel_loop3A_342 = tpu.vector_load %arg8[%parallel_loop3A_340, %parallel_loop3A_341] {strides = array<i32>} : memref<20x128xi32, #tpu.memory_space<vmem>>, vector<16xi32>,
        %parallel_loop3A_343 = arith.constant 1 : i32
        %parallel_loop3A_344 = arith.index_cast %parallel_loop3A_343 : i32 to index
        %parallel_loop3A_345 = arith.index_cast %parallel_loop3A_338 : i32 to index
        %parallel_loop3A_346 = tpu.vector_load %arg8[%parallel_loop3A_344, %parallel_loop3A_345] {strides = array<i32>} : memref<20x128xi32, #tpu.memory_space<vmem>>, vector<16xi32>,
        %parallel_loop3A_347 = arith.constant 2 : i32
        %parallel_loop3A_348 = arith.index_cast %parallel_loop3A_347 : i32 to index
        %parallel_loop3A_349 = arith.index_cast %parallel_loop3A_338 : i32 to index
        %parallel_loop3A_350 = tpu.vector_load %arg8[%parallel_loop3A_348, %parallel_loop3A_349] {strides = array<i32>} : memref<20x128xi32, #tpu.memory_space<vmem>>, vector<16xi32>,
        %parallel_loop3A_351 = arith.constant 3 : i32
        %parallel_loop3A_352 = arith.index_cast %parallel_loop3A_351 : i32 to index
        %parallel_loop3A_353 = arith.index_cast %parallel_loop3A_338 : i32 to index
        %parallel_loop3A_354 = tpu.vector_load %arg8[%parallel_loop3A_352, %parallel_loop3A_353] {strides = array<i32>} : memref<20x128xi32, #tpu.memory_space<vmem>>, vector<16xi32>,
        %parallel_loop3A_355 = arith.constant 4 : i32
        %parallel_loop3A_356 = arith.index_cast %parallel_loop3A_355 : i32 to index
        %parallel_loop3A_357 = arith.index_cast %parallel_loop3A_338 : i32 to index
        %parallel_loop3A_358 = tpu.vector_load %arg8[%parallel_loop3A_356, %parallel_loop3A_357] {strides = array<i32>} : memref<20x128xi32, #tpu.memory_space<vmem>>, vector<16xi32>,
        %parallel_loop3A_359 = arith.constant 5 : i32
        %parallel_loop3A_360 = arith.index_cast %parallel_loop3A_359 : i32 to index
        %parallel_loop3A_361 = arith.index_cast %parallel_loop3A_338 : i32 to index
        %parallel_loop3A_362 = tpu.vector_load %arg8[%parallel_loop3A_360, %parallel_loop3A_361] {strides = array<i32>} : memref<20x128xi32, #tpu.memory_space<vmem>>, vector<16xi32>,
        %parallel_loop3A_363 = arith.constant 6 : i32
        %parallel_loop3A_364 = arith.index_cast %parallel_loop3A_363 : i32 to index
        %parallel_loop3A_365 = arith.index_cast %parallel_loop3A_338 : i32 to index
        %parallel_loop3A_366 = tpu.vector_load %arg8[%parallel_loop3A_364, %parallel_loop3A_365] {strides = array<i32>} : memref<20x128xi32, #tpu.memory_space<vmem>>, vector<16xi32>,
        %parallel_loop3A_367 = arith.constant 7 : i32
        %parallel_loop3A_368 = arith.index_cast %parallel_loop3A_367 : i32 to index
        %parallel_loop3A_369 = arith.index_cast %parallel_loop3A_338 : i32 to index
        %parallel_loop3A_370 = tpu.vector_load %arg8[%parallel_loop3A_368, %parallel_loop3A_369] {strides = array<i32>} : memref<20x128xi32, #tpu.memory_space<vmem>>, vector<16xi32>,
        %parallel_loop3A_371 = arith.constant 8 : i32
        %parallel_loop3A_372 = arith.index_cast %parallel_loop3A_371 : i32 to index
        %parallel_loop3A_373 = arith.index_cast %parallel_loop3A_338 : i32 to index
        %parallel_loop3A_374 = tpu.vector_load %arg8[%parallel_loop3A_372, %parallel_loop3A_373] {strides = array<i32>} : memref<20x128xi32, #tpu.memory_space<vmem>>, vector<16xi32>,
        %parallel_loop3A_375 = arith.constant 9 : i32
        %parallel_loop3A_376 = arith.index_cast %parallel_loop3A_375 : i32 to index
        %parallel_loop3A_377 = arith.index_cast %parallel_loop3A_338 : i32 to index
        %parallel_loop3A_378 = tpu.vector_load %arg8[%parallel_loop3A_376, %parallel_loop3A_377] {strides = array<i32>} : memref<20x128xi32, #tpu.memory_space<vmem>>, vector<16xi32>,
        %parallel_loop3A_379 = arith.constant 10 : i32
        %parallel_loop3A_380 = arith.index_cast %parallel_loop3A_379 : i32 to index
        %parallel_loop3A_381 = arith.index_cast %parallel_loop3A_338 : i32 to index
        %parallel_loop3A_382 = tpu.vector_load %arg8[%parallel_loop3A_380, %parallel_loop3A_381] {strides = array<i32>} : memref<20x128xi32, #tpu.memory_space<vmem>>, vector<16xi32>,
        %parallel_loop3A_383 = arith.constant 11 : i32
        %parallel_loop3A_384 = arith.index_cast %parallel_loop3A_383 : i32 to index
        %parallel_loop3A_385 = arith.index_cast %parallel_loop3A_338 : i32 to index
        %parallel_loop3A_386 = tpu.vector_load %arg8[%parallel_loop3A_384, %parallel_loop3A_385] {strides = array<i32>} : memref<20x128xi32, #tpu.memory_space<vmem>>, vector<16xi32>,
        %parallel_loop3A_387 = arith.constant 12 : i32
        %parallel_loop3A_388 = arith.index_cast %parallel_loop3A_387 : i32 to index
        %parallel_loop3A_389 = arith.index_cast %parallel_loop3A_338 : i32 to index
        %parallel_loop3A_390 = tpu.vector_load %arg8[%parallel_loop3A_388, %parallel_loop3A_389] {strides = array<i32>} : memref<20x128xi32, #tpu.memory_space<vmem>>, vector<16xi32>,
        %parallel_loop3A_391 = arith.constant 13 : i32
        %parallel_loop3A_392 = arith.index_cast %parallel_loop3A_391 : i32 to index
        %parallel_loop3A_393 = arith.index_cast %parallel_loop3A_338 : i32 to index
        %parallel_loop3A_394 = tpu.vector_load %arg8[%parallel_loop3A_392, %parallel_loop3A_393] {strides = array<i32>} : memref<20x128xi32, #tpu.memory_space<vmem>>, vector<16xi32>,
        %parallel_loop3A_395 = arith.constant 14 : i32
        %parallel_loop3A_396 = arith.index_cast %parallel_loop3A_395 : i32 to index
        %parallel_loop3A_397 = arith.index_cast %parallel_loop3A_338 : i32 to index
        %parallel_loop3A_398 = tpu.vector_load %arg8[%parallel_loop3A_396, %parallel_loop3A_397] {strides = array<i32>} : memref<20x128xi32, #tpu.memory_space<vmem>>, vector<16xi32>,
        %parallel_loop3A_399 = arith.constant 15 : i32
        %parallel_loop3A_400 = arith.index_cast %parallel_loop3A_399 : i32 to index
        %parallel_loop3A_401 = arith.index_cast %parallel_loop3A_338 : i32 to index
        %parallel_loop3A_402 = tpu.vector_load %arg8[%parallel_loop3A_400, %parallel_loop3A_401] {strides = array<i32>} : memref<20x128xi32, #tpu.memory_space<vmem>>, vector<16xi32>,
        %parallel_loop3A_403 = arith.constant 16 : i32
        %parallel_loop3A_404 = arith.index_cast %parallel_loop3A_403 : i32 to index
        %parallel_loop3A_405 = arith.index_cast %parallel_loop3A_338 : i32 to index
        %parallel_loop3A_406 = tpu.vector_load %arg8[%parallel_loop3A_404, %parallel_loop3A_405] {strides = array<i32>} : memref<20x128xi32, #tpu.memory_space<vmem>>, vector<16xi32>,
        %parallel_loop3A_407 = arith.constant 17 : i32
        %parallel_loop3A_408 = arith.index_cast %parallel_loop3A_407 : i32 to index
        %parallel_loop3A_409 = arith.index_cast %parallel_loop3A_338 : i32 to index
        %parallel_loop3A_410 = tpu.vector_load %arg8[%parallel_loop3A_408, %parallel_loop3A_409] {strides = array<i32>} : memref<20x128xi32, #tpu.memory_space<vmem>>, vector<16xi32>,
        %parallel_loop3A_411 = arith.constant 18 : i32
        %parallel_loop3A_412 = arith.index_cast %parallel_loop3A_411 : i32 to index
        %parallel_loop3A_413 = arith.index_cast %parallel_loop3A_338 : i32 to index
        %parallel_loop3A_414 = tpu.vector_load %arg8[%parallel_loop3A_412, %parallel_loop3A_413] {strides = array<i32>} : memref<20x128xi32, #tpu.memory_space<vmem>>, vector<16xi32>,
        %parallel_loop3A_415 = arith.constant 19 : i32
        %parallel_loop3A_416 = arith.index_cast %parallel_loop3A_415 : i32 to index
        %parallel_loop3A_417 = arith.index_cast %parallel_loop3A_338 : i32 to index
        %parallel_loop3A_418 = tpu.vector_load %arg8[%parallel_loop3A_416, %parallel_loop3A_417] {strides = array<i32>} : memref<20x128xi32, #tpu.memory_space<vmem>>, vector<16xi32>,
        %parallel_loop3A_419 = tpu.vector_load_idx %arg7[%parallel_loop3A_342] : memref<100000xf32, #tpu.memory_space<vmem>>[vector<16xi32>], vector<16xf32>,
        %parallel_loop3A_420 = tpu.vector_load_idx %arg7[%parallel_loop3A_346] : memref<100000xf32, #tpu.memory_space<vmem>>[vector<16xi32>], vector<16xf32>,
        %parallel_loop3A_421 = tpu.vector_load_idx %arg7[%parallel_loop3A_350] : memref<100000xf32, #tpu.memory_space<vmem>>[vector<16xi32>], vector<16xf32>,
        %parallel_loop3A_422 = tpu.vector_load_idx %arg7[%parallel_loop3A_354] : memref<100000xf32, #tpu.memory_space<vmem>>[vector<16xi32>], vector<16xf32>,
        %parallel_loop3A_423 = tpu.vector_load_idx %arg7[%parallel_loop3A_358] : memref<100000xf32, #tpu.memory_space<vmem>>[vector<16xi32>], vector<16xf32>,
        %parallel_loop3A_424 = tpu.vector_load_idx %arg7[%parallel_loop3A_362] : memref<100000xf32, #tpu.memory_space<vmem>>[vector<16xi32>], vector<16xf32>,
        %parallel_loop3A_425 = tpu.vector_load_idx %arg7[%parallel_loop3A_366] : memref<100000xf32, #tpu.memory_space<vmem>>[vector<16xi32>], vector<16xf32>,
        %parallel_loop3A_426 = tpu.vector_load_idx %arg7[%parallel_loop3A_370] : memref<100000xf32, #tpu.memory_space<vmem>>[vector<16xi32>], vector<16xf32>,
        %parallel_loop3A_427 = tpu.vector_load_idx %arg7[%parallel_loop3A_374] : memref<100000xf32, #tpu.memory_space<vmem>>[vector<16xi32>], vector<16xf32>,
        %parallel_loop3A_428 = tpu.vector_load_idx %arg7[%parallel_loop3A_378] : memref<100000xf32, #tpu.memory_space<vmem>>[vector<16xi32>], vector<16xf32>,
        %parallel_loop3A_429 = tpu.vector_load_idx %arg7[%parallel_loop3A_382] : memref<100000xf32, #tpu.memory_space<vmem>>[vector<16xi32>], vector<16xf32>,
        %parallel_loop3A_430 = tpu.vector_load_idx %arg7[%parallel_loop3A_386] : memref<100000xf32, #tpu.memory_space<vmem>>[vector<16xi32>], vector<16xf32>,
        %parallel_loop3A_431 = tpu.vector_load_idx %arg7[%parallel_loop3A_390] : memref<100000xf32, #tpu.memory_space<vmem>>[vector<16xi32>], vector<16xf32>,
        %parallel_loop3A_432 = tpu.vector_load_idx %arg7[%parallel_loop3A_394] : memref<100000xf32, #tpu.memory_space<vmem>>[vector<16xi32>], vector<16xf32>,
        %parallel_loop3A_433 = tpu.vector_load_idx %arg7[%parallel_loop3A_398] : memref<100000xf32, #tpu.memory_space<vmem>>[vector<16xi32>], vector<16xf32>,
        %parallel_loop3A_434 = tpu.vector_load_idx %arg7[%parallel_loop3A_402] : memref<100000xf32, #tpu.memory_space<vmem>>[vector<16xi32>], vector<16xf32>,
        %parallel_loop3A_435 = tpu.vector_load_idx %arg7[%parallel_loop3A_406] : memref<100000xf32, #tpu.memory_space<vmem>>[vector<16xi32>], vector<16xf32>,
        %parallel_loop3A_436 = tpu.vector_load_idx %arg7[%parallel_loop3A_410] : memref<100000xf32, #tpu.memory_space<vmem>>[vector<16xi32>], vector<16xf32>,
        %parallel_loop3A_437 = tpu.vector_load_idx %arg7[%parallel_loop3A_414] : memref<100000xf32, #tpu.memory_space<vmem>>[vector<16xi32>], vector<16xf32>,
        %parallel_loop3A_438 = tpu.vector_load_idx %arg7[%parallel_loop3A_418] : memref<100000xf32, #tpu.memory_space<vmem>>[vector<16xi32>], vector<16xf32>,
        %parallel_loop3A_439 = arith.addf %parallel_loop3A_419, %parallel_loop3A_420 : vector<16xf32>
        %parallel_loop3A_440 = arith.addf %parallel_loop3A_421, %parallel_loop3A_422 : vector<16xf32>
        %parallel_loop3A_441 = arith.addf %parallel_loop3A_423, %parallel_loop3A_424 : vector<16xf32>
        %parallel_loop3A_442 = arith.addf %parallel_loop3A_425, %parallel_loop3A_426 : vector<16xf32>
        %parallel_loop3A_443 = arith.addf %parallel_loop3A_427, %parallel_loop3A_428 : vector<16xf32>
        %parallel_loop3A_444 = arith.addf %parallel_loop3A_429, %parallel_loop3A_430 : vector<16xf32>
        %parallel_loop3A_445 = arith.addf %parallel_loop3A_431, %parallel_loop3A_432 : vector<16xf32>
        %parallel_loop3A_446 = arith.addf %parallel_loop3A_433, %parallel_loop3A_434 : vector<16xf32>
        %parallel_loop3A_447 = arith.addf %parallel_loop3A_435, %parallel_loop3A_436 : vector<16xf32>
        %parallel_loop3A_448 = arith.addf %parallel_loop3A_437, %parallel_loop3A_438 : vector<16xf32>
        %parallel_loop3A_449 = arith.addf %parallel_loop3A_439, %parallel_loop3A_440 : vector<16xf32>
        %parallel_loop3A_450 = arith.addf %parallel_loop3A_441, %parallel_loop3A_442 : vector<16xf32>
        %parallel_loop3A_451 = arith.addf %parallel_loop3A_443, %parallel_loop3A_444 : vector<16xf32>
        %parallel_loop3A_452 = arith.addf %parallel_loop3A_445, %parallel_loop3A_446 : vector<16xf32>
        %parallel_loop3A_453 = arith.addf %parallel_loop3A_447, %parallel_loop3A_448 : vector<16xf32>
        %parallel_loop3A_454 = arith.addf %parallel_loop3A_449, %parallel_loop3A_450 : vector<16xf32>
        %parallel_loop3A_455 = arith.addf %parallel_loop3A_451, %parallel_loop3A_452 : vector<16xf32>
        %parallel_loop3A_456 = arith.addf %parallel_loop3A_454, %parallel_loop3A_455 : vector<16xf32>
        %parallel_loop3A_457 = arith.addf %parallel_loop3A_456, %parallel_loop3A_453 : vector<16xf32>
        %parallel_loop3A_458 = arith.constant 128 : i32
        %parallel_loop3A_459 = arith.muli %mul3A_300, %parallel_loop3A_458 : i32
        %parallel_loop3A_460 = arith.constant 16 : i32
        %parallel_loop3A_461 = arith.muli %parallel_loop3A_335, %parallel_loop3A_460 : i32
        %parallel_loop3A_462 = arith.addi %parallel_loop3A_459, %parallel_loop3A_461 : i32
        %parallel_loop3A_463 = tpu.assume_multiple %parallel_loop3A_462, 16 : i32
        %parallel_loop3A_464 = arith.index_cast %parallel_loop3A_463 : i32 to index
        %parallel_loop3A_465 = tpu.vector_load %arg12[%parallel_loop3A_464] {strides = array<i32>} : memref<4096xf32, #tpu.memory_space<vmem>>, vector<16xf32>,
        tpu.vector_store %arg12[%parallel_loop3A_464], %parallel_loop3A_457 {strides = array<i32>} : memref<4096xf32, #tpu.memory_space<vmem>>, vector<16xf32>,
      } {sc.loop_unroll_factor = 2 : i64, sc.parallel_access}
      %lt3A = arith.constant 15 : i32
      %lt3A_312 = arith.cmpi slt, %scan3A_298, %lt3A : i32
      %convert_element_type3A = arith.extui %lt3A_312 : i1 to i32
      %cond3A = arith.constant 0 : i32
      %cond3A_313 = arith.cmpi ne, %convert_element_type3A, %cond3A : i32
      scf.if %cond3A_313 {
        %add3A_335 = arith.constant 2 : i32
        %add3A_336 = arith.addi %mul3A_300, %add3A_335 : i32
        %dma_start3A_337 = arith.constant 1 : i32
        %dma_start3A_338 = arith.constant 0 : i32
        %dma_start3A_339 = arith.constant 0 : i32
        %dma_start3A_340 = tpu.memref_slice %arg4[%dma_start3A_337, %add3A_336, %dma_start3A_338, %dma_start3A_339] : memref<3x32x20x128xi32, #tpu.memory_space<hbm>> -> memref<1x1x20x128xi32, #tpu.memory_space<hbm>>
        %dma_start3A_341 = tpu.memref_squeeze %dma_start3A_340 : memref<1x1x20x128xi32, #tpu.memory_space<hbm>> -> memref<20x128xi32, #tpu.memory_space<hbm>>
        %dma_start3A_342 = arith.constant 0 : i32
        %dma_start3A_343 = arith.constant 0 : i32
        %dma_start3A_344 = tpu.memref_slice %arg4[%dma_start3A_337, %add3A_336, %dma_start3A_342, %dma_start3A_343] : memref<3x32x20x128xi32, #tpu.memory_space<hbm>> -> memref<1x1x20x128xi32, #tpu.memory_space<hbm>>
        %dma_start3A_345 = tpu.memref_squeeze %dma_start3A_344 : memref<1x1x20x128xi32, #tpu.memory_space<hbm>> -> memref<20x128xi32, #tpu.memory_space<hbm>>
        tpu.enqueue_dma source(%dma_start3A_345 : memref<20x128xi32, #tpu.memory_space<hbm>>) target(%arg8 : memref<20x128xi32, #tpu.memory_space<vmem>>) target_semaphore(%arg14 : memref<!tpu.dma_semaphore, #tpu.memory_space<semaphore_mem>>)
      } else {
      }
      %add3A_314 = arith.constant 1 : i32
      %add3A_315 = arith.addi %mul3A_300, %add3A_314 : i32
      %dma_wait3A_316 = arith.constant 1 : i32
      %dma_wait3A_317 = arith.constant 0 : i32
      %dma_wait3A_318 = arith.constant 0 : i32
      %dma_wait3A_319 = tpu.memref_slice %arg4[%dma_wait3A_316, %add3A_315, %dma_wait3A_317, %dma_wait3A_318] : memref<3x32x20x128xi32, #tpu.memory_space<hbm>> -> memref<1x1x20x128xi32, #tpu.memory_space<hbm>>
      %dma_wait3A_320 = tpu.memref_squeeze %dma_wait3A_319 : memref<1x1x20x128xi32, #tpu.memory_space<hbm>> -> memref<20x128xi32, #tpu.memory_space<hbm>>
      %dma_wait3A_321 = arith.constant 0 : i32
      %dma_wait3A_322 = arith.constant 0 : i32
      %dma_wait3A_323 = tpu.memref_slice %arg4[%dma_wait3A_316, %add3A_315, %dma_wait3A_321, %dma_wait3A_322] : memref<3x32x20x128xi32, #tpu.memory_space<hbm>> -> memref<1x1x20x128xi32, #tpu.memory_space<hbm>>
      %dma_wait3A_324 = tpu.memref_squeeze %dma_wait3A_323 : memref<1x1x20x128xi32, #tpu.memory_space<hbm>> -> memref<20x128xi32, #tpu.memory_space<hbm>>
      tpu.wait_dma2 semaphore(%arg15 : memref<!tpu.dma_semaphore, #tpu.memory_space<semaphore_mem>>) src(%dma_wait3A_324 : memref<20x128xi32, #tpu.memory_space<hbm>>) dst(%arg9 : memref<20x128xi32, #tpu.memory_space<vmem>>)
      %add3A_325 = arith.constant 1 : i32
      %add3A_326 = arith.addi %mul3A_300, %add3A_325 : i32
      %parallel_loop3A_327 = arith.constant 0 : i32
      %parallel_loop3A_328 = arith.constant 8 : i32
      %parallel_loop3A_329 = arith.constant 1 : i32
      scf.for %parallel_loop3A_335 = %parallel_loop3A_327 to %parallel_loop3A_328 step %parallel_loop3A_329  : i32 {
        %parallel_loop3A_336 = arith.constant 16 : i32
        %parallel_loop3A_337 = arith.muli %parallel_loop3A_335, %parallel_loop3A_336 : i32
        %parallel_loop3A_338 = tpu.assume_multiple %parallel_loop3A_337, 16 : i32
        %parallel_loop3A_339 = arith.constant 0 : i32
        %parallel_loop3A_340 = arith.index_cast %parallel_loop3A_339 : i32 to index
        %parallel_loop3A_341 = arith.index_cast %parallel_loop3A_338 : i32 to index
        %parallel_loop3A_342 = tpu.vector_load %arg9[%parallel_loop3A_340, %parallel_loop3A_341] {strides = array<i32>} : memref<20x128xi32, #tpu.memory_space<vmem>>, vector<16xi32>,
        %parallel_loop3A_343 = arith.constant 1 : i32
        %parallel_loop3A_344 = arith.index_cast %parallel_loop3A_343 : i32 to index
        %parallel_loop3A_345 = arith.index_cast %parallel_loop3A_338 : i32 to index
        %parallel_loop3A_346 = tpu.vector_load %arg9[%parallel_loop3A_344, %parallel_loop3A_345] {strides = array<i32>} : memref<20x128xi32, #tpu.memory_space<vmem>>, vector<16xi32>,
        %parallel_loop3A_347 = arith.constant 2 : i32
        %parallel_loop3A_348 = arith.index_cast %parallel_loop3A_347 : i32 to index
        %parallel_loop3A_349 = arith.index_cast %parallel_loop3A_338 : i32 to index
        %parallel_loop3A_350 = tpu.vector_load %arg9[%parallel_loop3A_348, %parallel_loop3A_349] {strides = array<i32>} : memref<20x128xi32, #tpu.memory_space<vmem>>, vector<16xi32>,
        %parallel_loop3A_351 = arith.constant 3 : i32
        %parallel_loop3A_352 = arith.index_cast %parallel_loop3A_351 : i32 to index
        %parallel_loop3A_353 = arith.index_cast %parallel_loop3A_338 : i32 to index
        %parallel_loop3A_354 = tpu.vector_load %arg9[%parallel_loop3A_352, %parallel_loop3A_353] {strides = array<i32>} : memref<20x128xi32, #tpu.memory_space<vmem>>, vector<16xi32>,
        %parallel_loop3A_355 = arith.constant 4 : i32
        %parallel_loop3A_356 = arith.index_cast %parallel_loop3A_355 : i32 to index
        %parallel_loop3A_357 = arith.index_cast %parallel_loop3A_338 : i32 to index
        %parallel_loop3A_358 = tpu.vector_load %arg9[%parallel_loop3A_356, %parallel_loop3A_357] {strides = array<i32>} : memref<20x128xi32, #tpu.memory_space<vmem>>, vector<16xi32>,
        %parallel_loop3A_359 = arith.constant 5 : i32
        %parallel_loop3A_360 = arith.index_cast %parallel_loop3A_359 : i32 to index
        %parallel_loop3A_361 = arith.index_cast %parallel_loop3A_338 : i32 to index
        %parallel_loop3A_362 = tpu.vector_load %arg9[%parallel_loop3A_360, %parallel_loop3A_361] {strides = array<i32>} : memref<20x128xi32, #tpu.memory_space<vmem>>, vector<16xi32>,
        %parallel_loop3A_363 = arith.constant 6 : i32
        %parallel_loop3A_364 = arith.index_cast %parallel_loop3A_363 : i32 to index
        %parallel_loop3A_365 = arith.index_cast %parallel_loop3A_338 : i32 to index
        %parallel_loop3A_366 = tpu.vector_load %arg9[%parallel_loop3A_364, %parallel_loop3A_365] {strides = array<i32>} : memref<20x128xi32, #tpu.memory_space<vmem>>, vector<16xi32>,
        %parallel_loop3A_367 = arith.constant 7 : i32
        %parallel_loop3A_368 = arith.index_cast %parallel_loop3A_367 : i32 to index
        %parallel_loop3A_369 = arith.index_cast %parallel_loop3A_338 : i32 to index
        %parallel_loop3A_370 = tpu.vector_load %arg9[%parallel_loop3A_368, %parallel_loop3A_369] {strides = array<i32>} : memref<20x128xi32, #tpu.memory_space<vmem>>, vector<16xi32>,
        %parallel_loop3A_371 = arith.constant 8 : i32
        %parallel_loop3A_372 = arith.index_cast %parallel_loop3A_371 : i32 to index
        %parallel_loop3A_373 = arith.index_cast %parallel_loop3A_338 : i32 to index
        %parallel_loop3A_374 = tpu.vector_load %arg9[%parallel_loop3A_372, %parallel_loop3A_373] {strides = array<i32>} : memref<20x128xi32, #tpu.memory_space<vmem>>, vector<16xi32>,
        %parallel_loop3A_375 = arith.constant 9 : i32
        %parallel_loop3A_376 = arith.index_cast %parallel_loop3A_375 : i32 to index
        %parallel_loop3A_377 = arith.index_cast %parallel_loop3A_338 : i32 to index
        %parallel_loop3A_378 = tpu.vector_load %arg9[%parallel_loop3A_376, %parallel_loop3A_377] {strides = array<i32>} : memref<20x128xi32, #tpu.memory_space<vmem>>, vector<16xi32>,
        %parallel_loop3A_379 = arith.constant 10 : i32
        %parallel_loop3A_380 = arith.index_cast %parallel_loop3A_379 : i32 to index
        %parallel_loop3A_381 = arith.index_cast %parallel_loop3A_338 : i32 to index
        %parallel_loop3A_382 = tpu.vector_load %arg9[%parallel_loop3A_380, %parallel_loop3A_381] {strides = array<i32>} : memref<20x128xi32, #tpu.memory_space<vmem>>, vector<16xi32>,
        %parallel_loop3A_383 = arith.constant 11 : i32
        %parallel_loop3A_384 = arith.index_cast %parallel_loop3A_383 : i32 to index
        %parallel_loop3A_385 = arith.index_cast %parallel_loop3A_338 : i32 to index
        %parallel_loop3A_386 = tpu.vector_load %arg9[%parallel_loop3A_384, %parallel_loop3A_385] {strides = array<i32>} : memref<20x128xi32, #tpu.memory_space<vmem>>, vector<16xi32>,
        %parallel_loop3A_387 = arith.constant 12 : i32
        %parallel_loop3A_388 = arith.index_cast %parallel_loop3A_387 : i32 to index
        %parallel_loop3A_389 = arith.index_cast %parallel_loop3A_338 : i32 to index
        %parallel_loop3A_390 = tpu.vector_load %arg9[%parallel_loop3A_388, %parallel_loop3A_389] {strides = array<i32>} : memref<20x128xi32, #tpu.memory_space<vmem>>, vector<16xi32>,
        %parallel_loop3A_391 = arith.constant 13 : i32
        %parallel_loop3A_392 = arith.index_cast %parallel_loop3A_391 : i32 to index
        %parallel_loop3A_393 = arith.index_cast %parallel_loop3A_338 : i32 to index
        %parallel_loop3A_394 = tpu.vector_load %arg9[%parallel_loop3A_392, %parallel_loop3A_393] {strides = array<i32>} : memref<20x128xi32, #tpu.memory_space<vmem>>, vector<16xi32>,
        %parallel_loop3A_395 = arith.constant 14 : i32
        %parallel_loop3A_396 = arith.index_cast %parallel_loop3A_395 : i32 to index
        %parallel_loop3A_397 = arith.index_cast %parallel_loop3A_338 : i32 to index
        %parallel_loop3A_398 = tpu.vector_load %arg9[%parallel_loop3A_396, %parallel_loop3A_397] {strides = array<i32>} : memref<20x128xi32, #tpu.memory_space<vmem>>, vector<16xi32>,
        %parallel_loop3A_399 = arith.constant 15 : i32
        %parallel_loop3A_400 = arith.index_cast %parallel_loop3A_399 : i32 to index
        %parallel_loop3A_401 = arith.index_cast %parallel_loop3A_338 : i32 to index
        %parallel_loop3A_402 = tpu.vector_load %arg9[%parallel_loop3A_400, %parallel_loop3A_401] {strides = array<i32>} : memref<20x128xi32, #tpu.memory_space<vmem>>, vector<16xi32>,
        %parallel_loop3A_403 = arith.constant 16 : i32
        %parallel_loop3A_404 = arith.index_cast %parallel_loop3A_403 : i32 to index
        %parallel_loop3A_405 = arith.index_cast %parallel_loop3A_338 : i32 to index
        %parallel_loop3A_406 = tpu.vector_load %arg9[%parallel_loop3A_404, %parallel_loop3A_405] {strides = array<i32>} : memref<20x128xi32, #tpu.memory_space<vmem>>, vector<16xi32>,
        %parallel_loop3A_407 = arith.constant 17 : i32
        %parallel_loop3A_408 = arith.index_cast %parallel_loop3A_407 : i32 to index
        %parallel_loop3A_409 = arith.index_cast %parallel_loop3A_338 : i32 to index
        %parallel_loop3A_410 = tpu.vector_load %arg9[%parallel_loop3A_408, %parallel_loop3A_409] {strides = array<i32>} : memref<20x128xi32, #tpu.memory_space<vmem>>, vector<16xi32>,
        %parallel_loop3A_411 = arith.constant 18 : i32
        %parallel_loop3A_412 = arith.index_cast %parallel_loop3A_411 : i32 to index
        %parallel_loop3A_413 = arith.index_cast %parallel_loop3A_338 : i32 to index
        %parallel_loop3A_414 = tpu.vector_load %arg9[%parallel_loop3A_412, %parallel_loop3A_413] {strides = array<i32>} : memref<20x128xi32, #tpu.memory_space<vmem>>, vector<16xi32>,
        %parallel_loop3A_415 = arith.constant 19 : i32
        %parallel_loop3A_416 = arith.index_cast %parallel_loop3A_415 : i32 to index
        %parallel_loop3A_417 = arith.index_cast %parallel_loop3A_338 : i32 to index
        %parallel_loop3A_418 = tpu.vector_load %arg9[%parallel_loop3A_416, %parallel_loop3A_417] {strides = array<i32>} : memref<20x128xi32, #tpu.memory_space<vmem>>, vector<16xi32>,
        %parallel_loop3A_419 = tpu.vector_load_idx %arg7[%parallel_loop3A_342] : memref<100000xf32, #tpu.memory_space<vmem>>[vector<16xi32>], vector<16xf32>,
        %parallel_loop3A_420 = tpu.vector_load_idx %arg7[%parallel_loop3A_346] : memref<100000xf32, #tpu.memory_space<vmem>>[vector<16xi32>], vector<16xf32>,
        %parallel_loop3A_421 = tpu.vector_load_idx %arg7[%parallel_loop3A_350] : memref<100000xf32, #tpu.memory_space<vmem>>[vector<16xi32>], vector<16xf32>,
        %parallel_loop3A_422 = tpu.vector_load_idx %arg7[%parallel_loop3A_354] : memref<100000xf32, #tpu.memory_space<vmem>>[vector<16xi32>], vector<16xf32>,
        %parallel_loop3A_423 = tpu.vector_load_idx %arg7[%parallel_loop3A_358] : memref<100000xf32, #tpu.memory_space<vmem>>[vector<16xi32>], vector<16xf32>,
        %parallel_loop3A_424 = tpu.vector_load_idx %arg7[%parallel_loop3A_362] : memref<100000xf32, #tpu.memory_space<vmem>>[vector<16xi32>], vector<16xf32>,
        %parallel_loop3A_425 = tpu.vector_load_idx %arg7[%parallel_loop3A_366] : memref<100000xf32, #tpu.memory_space<vmem>>[vector<16xi32>], vector<16xf32>,
        %parallel_loop3A_426 = tpu.vector_load_idx %arg7[%parallel_loop3A_370] : memref<100000xf32, #tpu.memory_space<vmem>>[vector<16xi32>], vector<16xf32>,
        %parallel_loop3A_427 = tpu.vector_load_idx %arg7[%parallel_loop3A_374] : memref<100000xf32, #tpu.memory_space<vmem>>[vector<16xi32>], vector<16xf32>,
        %parallel_loop3A_428 = tpu.vector_load_idx %arg7[%parallel_loop3A_378] : memref<100000xf32, #tpu.memory_space<vmem>>[vector<16xi32>], vector<16xf32>,
        %parallel_loop3A_429 = tpu.vector_load_idx %arg7[%parallel_loop3A_382] : memref<100000xf32, #tpu.memory_space<vmem>>[vector<16xi32>], vector<16xf32>,
        %parallel_loop3A_430 = tpu.vector_load_idx %arg7[%parallel_loop3A_386] : memref<100000xf32, #tpu.memory_space<vmem>>[vector<16xi32>], vector<16xf32>,
        %parallel_loop3A_431 = tpu.vector_load_idx %arg7[%parallel_loop3A_390] : memref<100000xf32, #tpu.memory_space<vmem>>[vector<16xi32>], vector<16xf32>,
        %parallel_loop3A_432 = tpu.vector_load_idx %arg7[%parallel_loop3A_394] : memref<100000xf32, #tpu.memory_space<vmem>>[vector<16xi32>], vector<16xf32>,
        %parallel_loop3A_433 = tpu.vector_load_idx %arg7[%parallel_loop3A_398] : memref<100000xf32, #tpu.memory_space<vmem>>[vector<16xi32>], vector<16xf32>,
        %parallel_loop3A_434 = tpu.vector_load_idx %arg7[%parallel_loop3A_402] : memref<100000xf32, #tpu.memory_space<vmem>>[vector<16xi32>], vector<16xf32>,
        %parallel_loop3A_435 = tpu.vector_load_idx %arg7[%parallel_loop3A_406] : memref<100000xf32, #tpu.memory_space<vmem>>[vector<16xi32>], vector<16xf32>,
        %parallel_loop3A_436 = tpu.vector_load_idx %arg7[%parallel_loop3A_410] : memref<100000xf32, #tpu.memory_space<vmem>>[vector<16xi32>], vector<16xf32>,
        %parallel_loop3A_437 = tpu.vector_load_idx %arg7[%parallel_loop3A_414] : memref<100000xf32, #tpu.memory_space<vmem>>[vector<16xi32>], vector<16xf32>,
        %parallel_loop3A_438 = tpu.vector_load_idx %arg7[%parallel_loop3A_418] : memref<100000xf32, #tpu.memory_space<vmem>>[vector<16xi32>], vector<16xf32>,
        %parallel_loop3A_439 = arith.addf %parallel_loop3A_419, %parallel_loop3A_420 : vector<16xf32>
        %parallel_loop3A_440 = arith.addf %parallel_loop3A_421, %parallel_loop3A_422 : vector<16xf32>
        %parallel_loop3A_441 = arith.addf %parallel_loop3A_423, %parallel_loop3A_424 : vector<16xf32>
        %parallel_loop3A_442 = arith.addf %parallel_loop3A_425, %parallel_loop3A_426 : vector<16xf32>
        %parallel_loop3A_443 = arith.addf %parallel_loop3A_427, %parallel_loop3A_428 : vector<16xf32>
        %parallel_loop3A_444 = arith.addf %parallel_loop3A_429, %parallel_loop3A_430 : vector<16xf32>
        %parallel_loop3A_445 = arith.addf %parallel_loop3A_431, %parallel_loop3A_432 : vector<16xf32>
        %parallel_loop3A_446 = arith.addf %parallel_loop3A_433, %parallel_loop3A_434 : vector<16xf32>
        %parallel_loop3A_447 = arith.addf %parallel_loop3A_435, %parallel_loop3A_436 : vector<16xf32>
        %parallel_loop3A_448 = arith.addf %parallel_loop3A_437, %parallel_loop3A_438 : vector<16xf32>
        %parallel_loop3A_449 = arith.addf %parallel_loop3A_439, %parallel_loop3A_440 : vector<16xf32>
        %parallel_loop3A_450 = arith.addf %parallel_loop3A_441, %parallel_loop3A_442 : vector<16xf32>
        %parallel_loop3A_451 = arith.addf %parallel_loop3A_443, %parallel_loop3A_444 : vector<16xf32>
        %parallel_loop3A_452 = arith.addf %parallel_loop3A_445, %parallel_loop3A_446 : vector<16xf32>
        %parallel_loop3A_453 = arith.addf %parallel_loop3A_447, %parallel_loop3A_448 : vector<16xf32>
        %parallel_loop3A_454 = arith.addf %parallel_loop3A_449, %parallel_loop3A_450 : vector<16xf32>
        %parallel_loop3A_455 = arith.addf %parallel_loop3A_451, %parallel_loop3A_452 : vector<16xf32>
        %parallel_loop3A_456 = arith.addf %parallel_loop3A_454, %parallel_loop3A_455 : vector<16xf32>
        %parallel_loop3A_457 = arith.addf %parallel_loop3A_456, %parallel_loop3A_453 : vector<16xf32>
        %parallel_loop3A_458 = arith.constant 128 : i32
        %parallel_loop3A_459 = arith.muli %add3A_326, %parallel_loop3A_458 : i32
        %parallel_loop3A_460 = arith.constant 16 : i32
        %parallel_loop3A_461 = arith.muli %parallel_loop3A_335, %parallel_loop3A_460 : i32
        %parallel_loop3A_462 = arith.addi %parallel_loop3A_459, %parallel_loop3A_461 : i32
        %parallel_loop3A_463 = tpu.assume_multiple %parallel_loop3A_462, 16 : i32
        %parallel_loop3A_464 = arith.index_cast %parallel_loop3A_463 : i32 to index
        %parallel_loop3A_465 = tpu.vector_load %arg12[%parallel_loop3A_464] {strides = array<i32>} : memref<4096xf32, #tpu.memory_space<vmem>>, vector<16xf32>,
        tpu.vector_store %arg12[%parallel_loop3A_464], %parallel_loop3A_457 {strides = array<i32>} : memref<4096xf32, #tpu.memory_space<vmem>>, vector<16xf32>,
      } {sc.loop_unroll_factor = 2 : i64, sc.parallel_access}
      %lt3A_330 = arith.constant 15 : i32
      %lt3A_331 = arith.cmpi slt, %scan3A_298, %lt3A_330 : i32
      %convert_element_type3A_332 = arith.extui %lt3A_331 : i1 to i32
      %cond3A_333 = arith.constant 0 : i32
      %cond3A_334 = arith.cmpi ne, %convert_element_type3A_332, %cond3A_333 : i32
      scf.if %cond3A_334 {
        %add3A_335 = arith.constant 3 : i32
        %add3A_336 = arith.addi %mul3A_300, %add3A_335 : i32
        %dma_start3A_337 = arith.constant 1 : i32
        %dma_start3A_338 = arith.constant 0 : i32
        %dma_start3A_339 = arith.constant 0 : i32
        %dma_start3A_340 = tpu.memref_slice %arg4[%dma_start3A_337, %add3A_336, %dma_start3A_338, %dma_start3A_339] : memref<3x32x20x128xi32, #tpu.memory_space<hbm>> -> memref<1x1x20x128xi32, #tpu.memory_space<hbm>>
        %dma_start3A_341 = tpu.memref_squeeze %dma_start3A_340 : memref<1x1x20x128xi32, #tpu.memory_space<hbm>> -> memref<20x128xi32, #tpu.memory_space<hbm>>
        %dma_start3A_342 = arith.constant 0 : i32
        %dma_start3A_343 = arith.constant 0 : i32
        %dma_start3A_344 = tpu.memref_slice %arg4[%dma_start3A_337, %add3A_336, %dma_start3A_342, %dma_start3A_343] : memref<3x32x20x128xi32, #tpu.memory_space<hbm>> -> memref<1x1x20x128xi32, #tpu.memory_space<hbm>>
        %dma_start3A_345 = tpu.memref_squeeze %dma_start3A_344 : memref<1x1x20x128xi32, #tpu.memory_space<hbm>> -> memref<20x128xi32, #tpu.memory_space<hbm>>
        tpu.enqueue_dma source(%dma_start3A_345 : memref<20x128xi32, #tpu.memory_space<hbm>>) target(%arg9 : memref<20x128xi32, #tpu.memory_space<vmem>>) target_semaphore(%arg15 : memref<!tpu.dma_semaphore, #tpu.memory_space<semaphore_mem>>)
      } else {
      }
    }
    %scan3A_127 = arith.constant 16 : i32
    %add3A_128 = arith.constant 64 : i32
    %add3A_129 = arith.addi %add3A, %add3A_128 : i32
    "tpu.region"() ({
      %run_scoped3A = tpu.sem_alloc : memref<!tpu.dma_semaphore, #tpu.memory_space<semaphore_mem>>
      %dma_start3A_298 = arith.constant 0 : i32
      %dma_start3A_299 = tpu.memref_slice %arg6[%add3A_129, %dma_start3A_298] : memref<192x4096xf32, #tpu.memory_space<hbm>> -> memref<1x4096xf32, #tpu.memory_space<hbm>>
      %dma_start3A_300 = tpu.memref_squeeze %dma_start3A_299 : memref<1x4096xf32, #tpu.memory_space<hbm>> -> memref<4096xf32, #tpu.memory_space<hbm>>
      %dma_start3A_301 = arith.constant 0 : i32
      %dma_start3A_302 = tpu.memref_slice %arg6[%add3A_129, %dma_start3A_301] : memref<192x4096xf32, #tpu.memory_space<hbm>> -> memref<1x4096xf32, #tpu.memory_space<hbm>>
      %dma_start3A_303 = tpu.memref_squeeze %dma_start3A_302 : memref<1x4096xf32, #tpu.memory_space<hbm>> -> memref<4096xf32, #tpu.memory_space<hbm>>
      tpu.enqueue_dma source(%arg12 : memref<4096xf32, #tpu.memory_space<vmem>>) target(%dma_start3A_303 : memref<4096xf32, #tpu.memory_space<hbm>>) target_semaphore(%run_scoped3A : memref<!tpu.dma_semaphore, #tpu.memory_space<semaphore_mem>>)
      %dma_wait3A_304 = arith.constant 0 : i32
      %dma_wait3A_305 = tpu.memref_slice %arg6[%add3A_129, %dma_wait3A_304] : memref<192x4096xf32, #tpu.memory_space<hbm>> -> memref<1x4096xf32, #tpu.memory_space<hbm>>
      %dma_wait3A_306 = tpu.memref_squeeze %dma_wait3A_305 : memref<1x4096xf32, #tpu.memory_space<hbm>> -> memref<4096xf32, #tpu.memory_space<hbm>>
      %dma_wait3A_307 = arith.constant 0 : i32
      %dma_wait3A_308 = tpu.memref_slice %arg6[%add3A_129, %dma_wait3A_307] : memref<192x4096xf32, #tpu.memory_space<hbm>> -> memref<1x4096xf32, #tpu.memory_space<hbm>>
      %dma_wait3A_309 = tpu.memref_squeeze %dma_wait3A_308 : memref<1x4096xf32, #tpu.memory_space<hbm>> -> memref<4096xf32, #tpu.memory_space<hbm>>
      tpu.wait_dma2 semaphore(%run_scoped3A : memref<!tpu.dma_semaphore, #tpu.memory_space<semaphore_mem>>) src(%arg12 : memref<4096xf32, #tpu.memory_space<vmem>>) dst(%dma_wait3A_309 : memref<4096xf32, #tpu.memory_space<hbm>>)
      tpu.yield
    }) : () -> ()
    %add3A_130 = arith.constant 32 : i32
    %add3A_131 = arith.addi %add3A, %add3A_130 : i32
    %dma_start3A_132 = arith.constant 1 : i32
    %dma_start3A_133 = arith.constant 0 : i32
    %dma_start3A_134 = tpu.memref_slice %arg2[%dma_start3A_132, %add3A_131, %dma_start3A_133] : memref<2x64x100000xf32, #tpu.memory_space<hbm>> -> memref<1x1x100000xf32, #tpu.memory_space<hbm>>
    %dma_start3A_135 = tpu.memref_squeeze %dma_start3A_134 : memref<1x1x100000xf32, #tpu.memory_space<hbm>> -> memref<100000xf32, #tpu.memory_space<hbm>>
    %dma_start3A_136 = arith.constant 0 : i32
    %dma_start3A_137 = tpu.memref_slice %arg2[%dma_start3A_132, %add3A_131, %dma_start3A_136] : memref<2x64x100000xf32, #tpu.memory_space<hbm>> -> memref<1x1x100000xf32, #tpu.memory_space<hbm>>
    %dma_start3A_138 = tpu.memref_squeeze %dma_start3A_137 : memref<1x1x100000xf32, #tpu.memory_space<hbm>> -> memref<100000xf32, #tpu.memory_space<hbm>>
    tpu.enqueue_dma source(%dma_start3A_138 : memref<100000xf32, #tpu.memory_space<hbm>>) target(%arg7 : memref<100000xf32, #tpu.memory_space<vmem>>) target_semaphore(%arg13 : memref<!tpu.dma_semaphore, #tpu.memory_space<semaphore_mem>>)
    %dma_start3A_139 = arith.constant 1 : i32
    %dma_start3A_140 = arith.constant 0 : i32
    %dma_start3A_141 = arith.constant 0 : i32
    %dma_start3A_142 = arith.constant 0 : i32
    %dma_start3A_143 = tpu.memref_slice %arg4[%dma_start3A_139, %dma_start3A_140, %dma_start3A_141, %dma_start3A_142] : memref<3x32x20x128xi32, #tpu.memory_space<hbm>> -> memref<1x1x20x128xi32, #tpu.memory_space<hbm>>
    %dma_start3A_144 = tpu.memref_squeeze %dma_start3A_143 : memref<1x1x20x128xi32, #tpu.memory_space<hbm>> -> memref<20x128xi32, #tpu.memory_space<hbm>>
    %dma_start3A_145 = arith.constant 0 : i32
    %dma_start3A_146 = arith.constant 0 : i32
    %dma_start3A_147 = tpu.memref_slice %arg4[%dma_start3A_139, %dma_start3A_140, %dma_start3A_145, %dma_start3A_146] : memref<3x32x20x128xi32, #tpu.memory_space<hbm>> -> memref<1x1x20x128xi32, #tpu.memory_space<hbm>>
    %dma_start3A_148 = tpu.memref_squeeze %dma_start3A_147 : memref<1x1x20x128xi32, #tpu.memory_space<hbm>> -> memref<20x128xi32, #tpu.memory_space<hbm>>
    tpu.enqueue_dma source(%dma_start3A_148 : memref<20x128xi32, #tpu.memory_space<hbm>>) target(%arg8 : memref<20x128xi32, #tpu.memory_space<vmem>>) target_semaphore(%arg14 : memref<!tpu.dma_semaphore, #tpu.memory_space<semaphore_mem>>)
    %dma_start3A_149 = arith.constant 1 : i32
    %dma_start3A_150 = arith.constant 1 : i32
    %dma_start3A_151 = arith.constant 0 : i32
    %dma_start3A_152 = arith.constant 0 : i32
    %dma_start3A_153 = tpu.memref_slice %arg4[%dma_start3A_149, %dma_start3A_150, %dma_start3A_151, %dma_start3A_152] : memref<3x32x20x128xi32, #tpu.memory_space<hbm>> -> memref<1x1x20x128xi32, #tpu.memory_space<hbm>>
    %dma_start3A_154 = tpu.memref_squeeze %dma_start3A_153 : memref<1x1x20x128xi32, #tpu.memory_space<hbm>> -> memref<20x128xi32, #tpu.memory_space<hbm>>
    %dma_start3A_155 = arith.constant 0 : i32
    %dma_start3A_156 = arith.constant 0 : i32
    %dma_start3A_157 = tpu.memref_slice %arg4[%dma_start3A_149, %dma_start3A_150, %dma_start3A_155, %dma_start3A_156] : memref<3x32x20x128xi32, #tpu.memory_space<hbm>> -> memref<1x1x20x128xi32, #tpu.memory_space<hbm>>
    %dma_start3A_158 = tpu.memref_squeeze %dma_start3A_157 : memref<1x1x20x128xi32, #tpu.memory_space<hbm>> -> memref<20x128xi32, #tpu.memory_space<hbm>>
    tpu.enqueue_dma source(%dma_start3A_158 : memref<20x128xi32, #tpu.memory_space<hbm>>) target(%arg9 : memref<20x128xi32, #tpu.memory_space<vmem>>) target_semaphore(%arg15 : memref<!tpu.dma_semaphore, #tpu.memory_space<semaphore_mem>>)
    %dma_wait3A_159 = arith.constant 1 : i32
    %dma_wait3A_160 = arith.constant 0 : i32
    %dma_wait3A_161 = tpu.memref_slice %arg2[%dma_wait3A_159, %add3A_131, %dma_wait3A_160] : memref<2x64x100000xf32, #tpu.memory_space<hbm>> -> memref<1x1x100000xf32, #tpu.memory_space<hbm>>
    %dma_wait3A_162 = tpu.memref_squeeze %dma_wait3A_161 : memref<1x1x100000xf32, #tpu.memory_space<hbm>> -> memref<100000xf32, #tpu.memory_space<hbm>>
    %dma_wait3A_163 = arith.constant 0 : i32
    %dma_wait3A_164 = tpu.memref_slice %arg2[%dma_wait3A_159, %add3A_131, %dma_wait3A_163] : memref<2x64x100000xf32, #tpu.memory_space<hbm>> -> memref<1x1x100000xf32, #tpu.memory_space<hbm>>
    %dma_wait3A_165 = tpu.memref_squeeze %dma_wait3A_164 : memref<1x1x100000xf32, #tpu.memory_space<hbm>> -> memref<100000xf32, #tpu.memory_space<hbm>>
    tpu.wait_dma2 semaphore(%arg13 : memref<!tpu.dma_semaphore, #tpu.memory_space<semaphore_mem>>) src(%dma_wait3A_165 : memref<100000xf32, #tpu.memory_space<hbm>>) dst(%arg7 : memref<100000xf32, #tpu.memory_space<vmem>>)
    %scan3A_166 = arith.constant 0 : i32
    %scan3A_167 = arith.constant 0 : i32
    %scan3A_168 = arith.constant 16 : i32
    %scan3A_169 = arith.addi %scan3A_167, %scan3A_168 : i32
    %scan3A_170 = arith.constant 1 : i32
    scf.for %scan3A_298 = %scan3A_167 to %scan3A_169 step %scan3A_170  : i32 {
      %mul3A_299 = arith.constant 2 : i32
      %mul3A_300 = arith.muli %mul3A_299, %scan3A_298 : i32
      %dma_wait3A_301 = arith.constant 1 : i32
      %dma_wait3A_302 = arith.constant 0 : i32
      %dma_wait3A_303 = arith.constant 0 : i32
      %dma_wait3A_304 = tpu.memref_slice %arg4[%dma_wait3A_301, %mul3A_300, %dma_wait3A_302, %dma_wait3A_303] : memref<3x32x20x128xi32, #tpu.memory_space<hbm>> -> memref<1x1x20x128xi32, #tpu.memory_space<hbm>>
      %dma_wait3A_305 = tpu.memref_squeeze %dma_wait3A_304 : memref<1x1x20x128xi32, #tpu.memory_space<hbm>> -> memref<20x128xi32, #tpu.memory_space<hbm>>
      %dma_wait3A_306 = arith.constant 0 : i32
      %dma_wait3A_307 = arith.constant 0 : i32
      %dma_wait3A_308 = tpu.memref_slice %arg4[%dma_wait3A_301, %mul3A_300, %dma_wait3A_306, %dma_wait3A_307] : memref<3x32x20x128xi32, #tpu.memory_space<hbm>> -> memref<1x1x20x128xi32, #tpu.memory_space<hbm>>
      %dma_wait3A_309 = tpu.memref_squeeze %dma_wait3A_308 : memref<1x1x20x128xi32, #tpu.memory_space<hbm>> -> memref<20x128xi32, #tpu.memory_space<hbm>>
      tpu.wait_dma2 semaphore(%arg14 : memref<!tpu.dma_semaphore, #tpu.memory_space<semaphore_mem>>) src(%dma_wait3A_309 : memref<20x128xi32, #tpu.memory_space<hbm>>) dst(%arg8 : memref<20x128xi32, #tpu.memory_space<vmem>>)
      %parallel_loop3A = arith.constant 0 : i32
      %parallel_loop3A_310 = arith.constant 8 : i32
      %parallel_loop3A_311 = arith.constant 1 : i32
      scf.for %parallel_loop3A_335 = %parallel_loop3A to %parallel_loop3A_310 step %parallel_loop3A_311  : i32 {
        %parallel_loop3A_336 = arith.constant 16 : i32
        %parallel_loop3A_337 = arith.muli %parallel_loop3A_335, %parallel_loop3A_336 : i32
        %parallel_loop3A_338 = tpu.assume_multiple %parallel_loop3A_337, 16 : i32
        %parallel_loop3A_339 = arith.constant 0 : i32
        %parallel_loop3A_340 = arith.index_cast %parallel_loop3A_339 : i32 to index
        %parallel_loop3A_341 = arith.index_cast %parallel_loop3A_338 : i32 to index
        %parallel_loop3A_342 = tpu.vector_load %arg8[%parallel_loop3A_340, %parallel_loop3A_341] {strides = array<i32>} : memref<20x128xi32, #tpu.memory_space<vmem>>, vector<16xi32>,
        %parallel_loop3A_343 = arith.constant 1 : i32
        %parallel_loop3A_344 = arith.index_cast %parallel_loop3A_343 : i32 to index
        %parallel_loop3A_345 = arith.index_cast %parallel_loop3A_338 : i32 to index
        %parallel_loop3A_346 = tpu.vector_load %arg8[%parallel_loop3A_344, %parallel_loop3A_345] {strides = array<i32>} : memref<20x128xi32, #tpu.memory_space<vmem>>, vector<16xi32>,
        %parallel_loop3A_347 = arith.constant 2 : i32
        %parallel_loop3A_348 = arith.index_cast %parallel_loop3A_347 : i32 to index
        %parallel_loop3A_349 = arith.index_cast %parallel_loop3A_338 : i32 to index
        %parallel_loop3A_350 = tpu.vector_load %arg8[%parallel_loop3A_348, %parallel_loop3A_349] {strides = array<i32>} : memref<20x128xi32, #tpu.memory_space<vmem>>, vector<16xi32>,
        %parallel_loop3A_351 = arith.constant 3 : i32
        %parallel_loop3A_352 = arith.index_cast %parallel_loop3A_351 : i32 to index
        %parallel_loop3A_353 = arith.index_cast %parallel_loop3A_338 : i32 to index
        %parallel_loop3A_354 = tpu.vector_load %arg8[%parallel_loop3A_352, %parallel_loop3A_353] {strides = array<i32>} : memref<20x128xi32, #tpu.memory_space<vmem>>, vector<16xi32>,
        %parallel_loop3A_355 = arith.constant 4 : i32
        %parallel_loop3A_356 = arith.index_cast %parallel_loop3A_355 : i32 to index
        %parallel_loop3A_357 = arith.index_cast %parallel_loop3A_338 : i32 to index
        %parallel_loop3A_358 = tpu.vector_load %arg8[%parallel_loop3A_356, %parallel_loop3A_357] {strides = array<i32>} : memref<20x128xi32, #tpu.memory_space<vmem>>, vector<16xi32>,
        %parallel_loop3A_359 = arith.constant 5 : i32
        %parallel_loop3A_360 = arith.index_cast %parallel_loop3A_359 : i32 to index
        %parallel_loop3A_361 = arith.index_cast %parallel_loop3A_338 : i32 to index
        %parallel_loop3A_362 = tpu.vector_load %arg8[%parallel_loop3A_360, %parallel_loop3A_361] {strides = array<i32>} : memref<20x128xi32, #tpu.memory_space<vmem>>, vector<16xi32>,
        %parallel_loop3A_363 = arith.constant 6 : i32
        %parallel_loop3A_364 = arith.index_cast %parallel_loop3A_363 : i32 to index
        %parallel_loop3A_365 = arith.index_cast %parallel_loop3A_338 : i32 to index
        %parallel_loop3A_366 = tpu.vector_load %arg8[%parallel_loop3A_364, %parallel_loop3A_365] {strides = array<i32>} : memref<20x128xi32, #tpu.memory_space<vmem>>, vector<16xi32>,
        %parallel_loop3A_367 = arith.constant 7 : i32
        %parallel_loop3A_368 = arith.index_cast %parallel_loop3A_367 : i32 to index
        %parallel_loop3A_369 = arith.index_cast %parallel_loop3A_338 : i32 to index
        %parallel_loop3A_370 = tpu.vector_load %arg8[%parallel_loop3A_368, %parallel_loop3A_369] {strides = array<i32>} : memref<20x128xi32, #tpu.memory_space<vmem>>, vector<16xi32>,
        %parallel_loop3A_371 = arith.constant 8 : i32
        %parallel_loop3A_372 = arith.index_cast %parallel_loop3A_371 : i32 to index
        %parallel_loop3A_373 = arith.index_cast %parallel_loop3A_338 : i32 to index
        %parallel_loop3A_374 = tpu.vector_load %arg8[%parallel_loop3A_372, %parallel_loop3A_373] {strides = array<i32>} : memref<20x128xi32, #tpu.memory_space<vmem>>, vector<16xi32>,
        %parallel_loop3A_375 = arith.constant 9 : i32
        %parallel_loop3A_376 = arith.index_cast %parallel_loop3A_375 : i32 to index
        %parallel_loop3A_377 = arith.index_cast %parallel_loop3A_338 : i32 to index
        %parallel_loop3A_378 = tpu.vector_load %arg8[%parallel_loop3A_376, %parallel_loop3A_377] {strides = array<i32>} : memref<20x128xi32, #tpu.memory_space<vmem>>, vector<16xi32>,
        %parallel_loop3A_379 = arith.constant 10 : i32
        %parallel_loop3A_380 = arith.index_cast %parallel_loop3A_379 : i32 to index
        %parallel_loop3A_381 = arith.index_cast %parallel_loop3A_338 : i32 to index
        %parallel_loop3A_382 = tpu.vector_load %arg8[%parallel_loop3A_380, %parallel_loop3A_381] {strides = array<i32>} : memref<20x128xi32, #tpu.memory_space<vmem>>, vector<16xi32>,
        %parallel_loop3A_383 = arith.constant 11 : i32
        %parallel_loop3A_384 = arith.index_cast %parallel_loop3A_383 : i32 to index
        %parallel_loop3A_385 = arith.index_cast %parallel_loop3A_338 : i32 to index
        %parallel_loop3A_386 = tpu.vector_load %arg8[%parallel_loop3A_384, %parallel_loop3A_385] {strides = array<i32>} : memref<20x128xi32, #tpu.memory_space<vmem>>, vector<16xi32>,
        %parallel_loop3A_387 = arith.constant 12 : i32
        %parallel_loop3A_388 = arith.index_cast %parallel_loop3A_387 : i32 to index
        %parallel_loop3A_389 = arith.index_cast %parallel_loop3A_338 : i32 to index
        %parallel_loop3A_390 = tpu.vector_load %arg8[%parallel_loop3A_388, %parallel_loop3A_389] {strides = array<i32>} : memref<20x128xi32, #tpu.memory_space<vmem>>, vector<16xi32>,
        %parallel_loop3A_391 = arith.constant 13 : i32
        %parallel_loop3A_392 = arith.index_cast %parallel_loop3A_391 : i32 to index
        %parallel_loop3A_393 = arith.index_cast %parallel_loop3A_338 : i32 to index
        %parallel_loop3A_394 = tpu.vector_load %arg8[%parallel_loop3A_392, %parallel_loop3A_393] {strides = array<i32>} : memref<20x128xi32, #tpu.memory_space<vmem>>, vector<16xi32>,
        %parallel_loop3A_395 = arith.constant 14 : i32
        %parallel_loop3A_396 = arith.index_cast %parallel_loop3A_395 : i32 to index
        %parallel_loop3A_397 = arith.index_cast %parallel_loop3A_338 : i32 to index
        %parallel_loop3A_398 = tpu.vector_load %arg8[%parallel_loop3A_396, %parallel_loop3A_397] {strides = array<i32>} : memref<20x128xi32, #tpu.memory_space<vmem>>, vector<16xi32>,
        %parallel_loop3A_399 = arith.constant 15 : i32
        %parallel_loop3A_400 = arith.index_cast %parallel_loop3A_399 : i32 to index
        %parallel_loop3A_401 = arith.index_cast %parallel_loop3A_338 : i32 to index
        %parallel_loop3A_402 = tpu.vector_load %arg8[%parallel_loop3A_400, %parallel_loop3A_401] {strides = array<i32>} : memref<20x128xi32, #tpu.memory_space<vmem>>, vector<16xi32>,
        %parallel_loop3A_403 = arith.constant 16 : i32
        %parallel_loop3A_404 = arith.index_cast %parallel_loop3A_403 : i32 to index
        %parallel_loop3A_405 = arith.index_cast %parallel_loop3A_338 : i32 to index
        %parallel_loop3A_406 = tpu.vector_load %arg8[%parallel_loop3A_404, %parallel_loop3A_405] {strides = array<i32>} : memref<20x128xi32, #tpu.memory_space<vmem>>, vector<16xi32>,
        %parallel_loop3A_407 = arith.constant 17 : i32
        %parallel_loop3A_408 = arith.index_cast %parallel_loop3A_407 : i32 to index
        %parallel_loop3A_409 = arith.index_cast %parallel_loop3A_338 : i32 to index
        %parallel_loop3A_410 = tpu.vector_load %arg8[%parallel_loop3A_408, %parallel_loop3A_409] {strides = array<i32>} : memref<20x128xi32, #tpu.memory_space<vmem>>, vector<16xi32>,
        %parallel_loop3A_411 = arith.constant 18 : i32
        %parallel_loop3A_412 = arith.index_cast %parallel_loop3A_411 : i32 to index
        %parallel_loop3A_413 = arith.index_cast %parallel_loop3A_338 : i32 to index
        %parallel_loop3A_414 = tpu.vector_load %arg8[%parallel_loop3A_412, %parallel_loop3A_413] {strides = array<i32>} : memref<20x128xi32, #tpu.memory_space<vmem>>, vector<16xi32>,
        %parallel_loop3A_415 = arith.constant 19 : i32
        %parallel_loop3A_416 = arith.index_cast %parallel_loop3A_415 : i32 to index
        %parallel_loop3A_417 = arith.index_cast %parallel_loop3A_338 : i32 to index
        %parallel_loop3A_418 = tpu.vector_load %arg8[%parallel_loop3A_416, %parallel_loop3A_417] {strides = array<i32>} : memref<20x128xi32, #tpu.memory_space<vmem>>, vector<16xi32>,
        %parallel_loop3A_419 = tpu.vector_load_idx %arg7[%parallel_loop3A_342] : memref<100000xf32, #tpu.memory_space<vmem>>[vector<16xi32>], vector<16xf32>,
        %parallel_loop3A_420 = tpu.vector_load_idx %arg7[%parallel_loop3A_346] : memref<100000xf32, #tpu.memory_space<vmem>>[vector<16xi32>], vector<16xf32>,
        %parallel_loop3A_421 = tpu.vector_load_idx %arg7[%parallel_loop3A_350] : memref<100000xf32, #tpu.memory_space<vmem>>[vector<16xi32>], vector<16xf32>,
        %parallel_loop3A_422 = tpu.vector_load_idx %arg7[%parallel_loop3A_354] : memref<100000xf32, #tpu.memory_space<vmem>>[vector<16xi32>], vector<16xf32>,
        %parallel_loop3A_423 = tpu.vector_load_idx %arg7[%parallel_loop3A_358] : memref<100000xf32, #tpu.memory_space<vmem>>[vector<16xi32>], vector<16xf32>,
        %parallel_loop3A_424 = tpu.vector_load_idx %arg7[%parallel_loop3A_362] : memref<100000xf32, #tpu.memory_space<vmem>>[vector<16xi32>], vector<16xf32>,
        %parallel_loop3A_425 = tpu.vector_load_idx %arg7[%parallel_loop3A_366] : memref<100000xf32, #tpu.memory_space<vmem>>[vector<16xi32>], vector<16xf32>,
        %parallel_loop3A_426 = tpu.vector_load_idx %arg7[%parallel_loop3A_370] : memref<100000xf32, #tpu.memory_space<vmem>>[vector<16xi32>], vector<16xf32>,
        %parallel_loop3A_427 = tpu.vector_load_idx %arg7[%parallel_loop3A_374] : memref<100000xf32, #tpu.memory_space<vmem>>[vector<16xi32>], vector<16xf32>,
        %parallel_loop3A_428 = tpu.vector_load_idx %arg7[%parallel_loop3A_378] : memref<100000xf32, #tpu.memory_space<vmem>>[vector<16xi32>], vector<16xf32>,
        %parallel_loop3A_429 = tpu.vector_load_idx %arg7[%parallel_loop3A_382] : memref<100000xf32, #tpu.memory_space<vmem>>[vector<16xi32>], vector<16xf32>,
        %parallel_loop3A_430 = tpu.vector_load_idx %arg7[%parallel_loop3A_386] : memref<100000xf32, #tpu.memory_space<vmem>>[vector<16xi32>], vector<16xf32>,
        %parallel_loop3A_431 = tpu.vector_load_idx %arg7[%parallel_loop3A_390] : memref<100000xf32, #tpu.memory_space<vmem>>[vector<16xi32>], vector<16xf32>,
        %parallel_loop3A_432 = tpu.vector_load_idx %arg7[%parallel_loop3A_394] : memref<100000xf32, #tpu.memory_space<vmem>>[vector<16xi32>], vector<16xf32>,
        %parallel_loop3A_433 = tpu.vector_load_idx %arg7[%parallel_loop3A_398] : memref<100000xf32, #tpu.memory_space<vmem>>[vector<16xi32>], vector<16xf32>,
        %parallel_loop3A_434 = tpu.vector_load_idx %arg7[%parallel_loop3A_402] : memref<100000xf32, #tpu.memory_space<vmem>>[vector<16xi32>], vector<16xf32>,
        %parallel_loop3A_435 = tpu.vector_load_idx %arg7[%parallel_loop3A_406] : memref<100000xf32, #tpu.memory_space<vmem>>[vector<16xi32>], vector<16xf32>,
        %parallel_loop3A_436 = tpu.vector_load_idx %arg7[%parallel_loop3A_410] : memref<100000xf32, #tpu.memory_space<vmem>>[vector<16xi32>], vector<16xf32>,
        %parallel_loop3A_437 = tpu.vector_load_idx %arg7[%parallel_loop3A_414] : memref<100000xf32, #tpu.memory_space<vmem>>[vector<16xi32>], vector<16xf32>,
        %parallel_loop3A_438 = tpu.vector_load_idx %arg7[%parallel_loop3A_418] : memref<100000xf32, #tpu.memory_space<vmem>>[vector<16xi32>], vector<16xf32>,
        %parallel_loop3A_439 = arith.addf %parallel_loop3A_419, %parallel_loop3A_420 : vector<16xf32>
        %parallel_loop3A_440 = arith.addf %parallel_loop3A_421, %parallel_loop3A_422 : vector<16xf32>
        %parallel_loop3A_441 = arith.addf %parallel_loop3A_423, %parallel_loop3A_424 : vector<16xf32>
        %parallel_loop3A_442 = arith.addf %parallel_loop3A_425, %parallel_loop3A_426 : vector<16xf32>
        %parallel_loop3A_443 = arith.addf %parallel_loop3A_427, %parallel_loop3A_428 : vector<16xf32>
        %parallel_loop3A_444 = arith.addf %parallel_loop3A_429, %parallel_loop3A_430 : vector<16xf32>
        %parallel_loop3A_445 = arith.addf %parallel_loop3A_431, %parallel_loop3A_432 : vector<16xf32>
        %parallel_loop3A_446 = arith.addf %parallel_loop3A_433, %parallel_loop3A_434 : vector<16xf32>
        %parallel_loop3A_447 = arith.addf %parallel_loop3A_435, %parallel_loop3A_436 : vector<16xf32>
        %parallel_loop3A_448 = arith.addf %parallel_loop3A_437, %parallel_loop3A_438 : vector<16xf32>
        %parallel_loop3A_449 = arith.addf %parallel_loop3A_439, %parallel_loop3A_440 : vector<16xf32>
        %parallel_loop3A_450 = arith.addf %parallel_loop3A_441, %parallel_loop3A_442 : vector<16xf32>
        %parallel_loop3A_451 = arith.addf %parallel_loop3A_443, %parallel_loop3A_444 : vector<16xf32>
        %parallel_loop3A_452 = arith.addf %parallel_loop3A_445, %parallel_loop3A_446 : vector<16xf32>
        %parallel_loop3A_453 = arith.addf %parallel_loop3A_447, %parallel_loop3A_448 : vector<16xf32>
        %parallel_loop3A_454 = arith.addf %parallel_loop3A_449, %parallel_loop3A_450 : vector<16xf32>
        %parallel_loop3A_455 = arith.addf %parallel_loop3A_451, %parallel_loop3A_452 : vector<16xf32>
        %parallel_loop3A_456 = arith.addf %parallel_loop3A_454, %parallel_loop3A_455 : vector<16xf32>
        %parallel_loop3A_457 = arith.addf %parallel_loop3A_456, %parallel_loop3A_453 : vector<16xf32>
        %parallel_loop3A_458 = arith.constant 128 : i32
        %parallel_loop3A_459 = arith.muli %mul3A_300, %parallel_loop3A_458 : i32
        %parallel_loop3A_460 = arith.constant 16 : i32
        %parallel_loop3A_461 = arith.muli %parallel_loop3A_335, %parallel_loop3A_460 : i32
        %parallel_loop3A_462 = arith.addi %parallel_loop3A_459, %parallel_loop3A_461 : i32
        %parallel_loop3A_463 = tpu.assume_multiple %parallel_loop3A_462, 16 : i32
        %parallel_loop3A_464 = arith.index_cast %parallel_loop3A_463 : i32 to index
        %parallel_loop3A_465 = tpu.vector_load %arg12[%parallel_loop3A_464] {strides = array<i32>} : memref<4096xf32, #tpu.memory_space<vmem>>, vector<16xf32>,
        tpu.vector_store %arg12[%parallel_loop3A_464], %parallel_loop3A_457 {strides = array<i32>} : memref<4096xf32, #tpu.memory_space<vmem>>, vector<16xf32>,
      } {sc.loop_unroll_factor = 2 : i64, sc.parallel_access}
      %lt3A = arith.constant 15 : i32
      %lt3A_312 = arith.cmpi slt, %scan3A_298, %lt3A : i32
      %convert_element_type3A = arith.extui %lt3A_312 : i1 to i32
      %cond3A = arith.constant 0 : i32
      %cond3A_313 = arith.cmpi ne, %convert_element_type3A, %cond3A : i32
      scf.if %cond3A_313 {
        %add3A_335 = arith.constant 2 : i32
        %add3A_336 = arith.addi %mul3A_300, %add3A_335 : i32
        %dma_start3A_337 = arith.constant 1 : i32
        %dma_start3A_338 = arith.constant 0 : i32
        %dma_start3A_339 = arith.constant 0 : i32
        %dma_start3A_340 = tpu.memref_slice %arg4[%dma_start3A_337, %add3A_336, %dma_start3A_338, %dma_start3A_339] : memref<3x32x20x128xi32, #tpu.memory_space<hbm>> -> memref<1x1x20x128xi32, #tpu.memory_space<hbm>>
        %dma_start3A_341 = tpu.memref_squeeze %dma_start3A_340 : memref<1x1x20x128xi32, #tpu.memory_space<hbm>> -> memref<20x128xi32, #tpu.memory_space<hbm>>
        %dma_start3A_342 = arith.constant 0 : i32
        %dma_start3A_343 = arith.constant 0 : i32
        %dma_start3A_344 = tpu.memref_slice %arg4[%dma_start3A_337, %add3A_336, %dma_start3A_342, %dma_start3A_343] : memref<3x32x20x128xi32, #tpu.memory_space<hbm>> -> memref<1x1x20x128xi32, #tpu.memory_space<hbm>>
        %dma_start3A_345 = tpu.memref_squeeze %dma_start3A_344 : memref<1x1x20x128xi32, #tpu.memory_space<hbm>> -> memref<20x128xi32, #tpu.memory_space<hbm>>
        tpu.enqueue_dma source(%dma_start3A_345 : memref<20x128xi32, #tpu.memory_space<hbm>>) target(%arg8 : memref<20x128xi32, #tpu.memory_space<vmem>>) target_semaphore(%arg14 : memref<!tpu.dma_semaphore, #tpu.memory_space<semaphore_mem>>)
      } else {
      }
      %add3A_314 = arith.constant 1 : i32
      %add3A_315 = arith.addi %mul3A_300, %add3A_314 : i32
      %dma_wait3A_316 = arith.constant 1 : i32
      %dma_wait3A_317 = arith.constant 0 : i32
      %dma_wait3A_318 = arith.constant 0 : i32
      %dma_wait3A_319 = tpu.memref_slice %arg4[%dma_wait3A_316, %add3A_315, %dma_wait3A_317, %dma_wait3A_318] : memref<3x32x20x128xi32, #tpu.memory_space<hbm>> -> memref<1x1x20x128xi32, #tpu.memory_space<hbm>>
      %dma_wait3A_320 = tpu.memref_squeeze %dma_wait3A_319 : memref<1x1x20x128xi32, #tpu.memory_space<hbm>> -> memref<20x128xi32, #tpu.memory_space<hbm>>
      %dma_wait3A_321 = arith.constant 0 : i32
      %dma_wait3A_322 = arith.constant 0 : i32
      %dma_wait3A_323 = tpu.memref_slice %arg4[%dma_wait3A_316, %add3A_315, %dma_wait3A_321, %dma_wait3A_322] : memref<3x32x20x128xi32, #tpu.memory_space<hbm>> -> memref<1x1x20x128xi32, #tpu.memory_space<hbm>>
      %dma_wait3A_324 = tpu.memref_squeeze %dma_wait3A_323 : memref<1x1x20x128xi32, #tpu.memory_space<hbm>> -> memref<20x128xi32, #tpu.memory_space<hbm>>
      tpu.wait_dma2 semaphore(%arg15 : memref<!tpu.dma_semaphore, #tpu.memory_space<semaphore_mem>>) src(%dma_wait3A_324 : memref<20x128xi32, #tpu.memory_space<hbm>>) dst(%arg9 : memref<20x128xi32, #tpu.memory_space<vmem>>)
      %add3A_325 = arith.constant 1 : i32
      %add3A_326 = arith.addi %mul3A_300, %add3A_325 : i32
      %parallel_loop3A_327 = arith.constant 0 : i32
      %parallel_loop3A_328 = arith.constant 8 : i32
      %parallel_loop3A_329 = arith.constant 1 : i32
      scf.for %parallel_loop3A_335 = %parallel_loop3A_327 to %parallel_loop3A_328 step %parallel_loop3A_329  : i32 {
        %parallel_loop3A_336 = arith.constant 16 : i32
        %parallel_loop3A_337 = arith.muli %parallel_loop3A_335, %parallel_loop3A_336 : i32
        %parallel_loop3A_338 = tpu.assume_multiple %parallel_loop3A_337, 16 : i32
        %parallel_loop3A_339 = arith.constant 0 : i32
        %parallel_loop3A_340 = arith.index_cast %parallel_loop3A_339 : i32 to index
        %parallel_loop3A_341 = arith.index_cast %parallel_loop3A_338 : i32 to index
        %parallel_loop3A_342 = tpu.vector_load %arg9[%parallel_loop3A_340, %parallel_loop3A_341] {strides = array<i32>} : memref<20x128xi32, #tpu.memory_space<vmem>>, vector<16xi32>,
        %parallel_loop3A_343 = arith.constant 1 : i32
        %parallel_loop3A_344 = arith.index_cast %parallel_loop3A_343 : i32 to index
        %parallel_loop3A_345 = arith.index_cast %parallel_loop3A_338 : i32 to index
        %parallel_loop3A_346 = tpu.vector_load %arg9[%parallel_loop3A_344, %parallel_loop3A_345] {strides = array<i32>} : memref<20x128xi32, #tpu.memory_space<vmem>>, vector<16xi32>,
        %parallel_loop3A_347 = arith.constant 2 : i32
        %parallel_loop3A_348 = arith.index_cast %parallel_loop3A_347 : i32 to index
        %parallel_loop3A_349 = arith.index_cast %parallel_loop3A_338 : i32 to index
        %parallel_loop3A_350 = tpu.vector_load %arg9[%parallel_loop3A_348, %parallel_loop3A_349] {strides = array<i32>} : memref<20x128xi32, #tpu.memory_space<vmem>>, vector<16xi32>,
        %parallel_loop3A_351 = arith.constant 3 : i32
        %parallel_loop3A_352 = arith.index_cast %parallel_loop3A_351 : i32 to index
        %parallel_loop3A_353 = arith.index_cast %parallel_loop3A_338 : i32 to index
        %parallel_loop3A_354 = tpu.vector_load %arg9[%parallel_loop3A_352, %parallel_loop3A_353] {strides = array<i32>} : memref<20x128xi32, #tpu.memory_space<vmem>>, vector<16xi32>,
        %parallel_loop3A_355 = arith.constant 4 : i32
        %parallel_loop3A_356 = arith.index_cast %parallel_loop3A_355 : i32 to index
        %parallel_loop3A_357 = arith.index_cast %parallel_loop3A_338 : i32 to index
        %parallel_loop3A_358 = tpu.vector_load %arg9[%parallel_loop3A_356, %parallel_loop3A_357] {strides = array<i32>} : memref<20x128xi32, #tpu.memory_space<vmem>>, vector<16xi32>,
        %parallel_loop3A_359 = arith.constant 5 : i32
        %parallel_loop3A_360 = arith.index_cast %parallel_loop3A_359 : i32 to index
        %parallel_loop3A_361 = arith.index_cast %parallel_loop3A_338 : i32 to index
        %parallel_loop3A_362 = tpu.vector_load %arg9[%parallel_loop3A_360, %parallel_loop3A_361] {strides = array<i32>} : memref<20x128xi32, #tpu.memory_space<vmem>>, vector<16xi32>,
        %parallel_loop3A_363 = arith.constant 6 : i32
        %parallel_loop3A_364 = arith.index_cast %parallel_loop3A_363 : i32 to index
        %parallel_loop3A_365 = arith.index_cast %parallel_loop3A_338 : i32 to index
        %parallel_loop3A_366 = tpu.vector_load %arg9[%parallel_loop3A_364, %parallel_loop3A_365] {strides = array<i32>} : memref<20x128xi32, #tpu.memory_space<vmem>>, vector<16xi32>,
        %parallel_loop3A_367 = arith.constant 7 : i32
        %parallel_loop3A_368 = arith.index_cast %parallel_loop3A_367 : i32 to index
        %parallel_loop3A_369 = arith.index_cast %parallel_loop3A_338 : i32 to index
        %parallel_loop3A_370 = tpu.vector_load %arg9[%parallel_loop3A_368, %parallel_loop3A_369] {strides = array<i32>} : memref<20x128xi32, #tpu.memory_space<vmem>>, vector<16xi32>,
        %parallel_loop3A_371 = arith.constant 8 : i32
        %parallel_loop3A_372 = arith.index_cast %parallel_loop3A_371 : i32 to index
        %parallel_loop3A_373 = arith.index_cast %parallel_loop3A_338 : i32 to index
        %parallel_loop3A_374 = tpu.vector_load %arg9[%parallel_loop3A_372, %parallel_loop3A_373] {strides = array<i32>} : memref<20x128xi32, #tpu.memory_space<vmem>>, vector<16xi32>,
        %parallel_loop3A_375 = arith.constant 9 : i32
        %parallel_loop3A_376 = arith.index_cast %parallel_loop3A_375 : i32 to index
        %parallel_loop3A_377 = arith.index_cast %parallel_loop3A_338 : i32 to index
        %parallel_loop3A_378 = tpu.vector_load %arg9[%parallel_loop3A_376, %parallel_loop3A_377] {strides = array<i32>} : memref<20x128xi32, #tpu.memory_space<vmem>>, vector<16xi32>,
        %parallel_loop3A_379 = arith.constant 10 : i32
        %parallel_loop3A_380 = arith.index_cast %parallel_loop3A_379 : i32 to index
        %parallel_loop3A_381 = arith.index_cast %parallel_loop3A_338 : i32 to index
        %parallel_loop3A_382 = tpu.vector_load %arg9[%parallel_loop3A_380, %parallel_loop3A_381] {strides = array<i32>} : memref<20x128xi32, #tpu.memory_space<vmem>>, vector<16xi32>,
        %parallel_loop3A_383 = arith.constant 11 : i32
        %parallel_loop3A_384 = arith.index_cast %parallel_loop3A_383 : i32 to index
        %parallel_loop3A_385 = arith.index_cast %parallel_loop3A_338 : i32 to index
        %parallel_loop3A_386 = tpu.vector_load %arg9[%parallel_loop3A_384, %parallel_loop3A_385] {strides = array<i32>} : memref<20x128xi32, #tpu.memory_space<vmem>>, vector<16xi32>,
        %parallel_loop3A_387 = arith.constant 12 : i32
        %parallel_loop3A_388 = arith.index_cast %parallel_loop3A_387 : i32 to index
        %parallel_loop3A_389 = arith.index_cast %parallel_loop3A_338 : i32 to index
        %parallel_loop3A_390 = tpu.vector_load %arg9[%parallel_loop3A_388, %parallel_loop3A_389] {strides = array<i32>} : memref<20x128xi32, #tpu.memory_space<vmem>>, vector<16xi32>,
        %parallel_loop3A_391 = arith.constant 13 : i32
        %parallel_loop3A_392 = arith.index_cast %parallel_loop3A_391 : i32 to index
        %parallel_loop3A_393 = arith.index_cast %parallel_loop3A_338 : i32 to index
        %parallel_loop3A_394 = tpu.vector_load %arg9[%parallel_loop3A_392, %parallel_loop3A_393] {strides = array<i32>} : memref<20x128xi32, #tpu.memory_space<vmem>>, vector<16xi32>,
        %parallel_loop3A_395 = arith.constant 14 : i32
        %parallel_loop3A_396 = arith.index_cast %parallel_loop3A_395 : i32 to index
        %parallel_loop3A_397 = arith.index_cast %parallel_loop3A_338 : i32 to index
        %parallel_loop3A_398 = tpu.vector_load %arg9[%parallel_loop3A_396, %parallel_loop3A_397] {strides = array<i32>} : memref<20x128xi32, #tpu.memory_space<vmem>>, vector<16xi32>,
        %parallel_loop3A_399 = arith.constant 15 : i32
        %parallel_loop3A_400 = arith.index_cast %parallel_loop3A_399 : i32 to index
        %parallel_loop3A_401 = arith.index_cast %parallel_loop3A_338 : i32 to index
        %parallel_loop3A_402 = tpu.vector_load %arg9[%parallel_loop3A_400, %parallel_loop3A_401] {strides = array<i32>} : memref<20x128xi32, #tpu.memory_space<vmem>>, vector<16xi32>,
        %parallel_loop3A_403 = arith.constant 16 : i32
        %parallel_loop3A_404 = arith.index_cast %parallel_loop3A_403 : i32 to index
        %parallel_loop3A_405 = arith.index_cast %parallel_loop3A_338 : i32 to index
        %parallel_loop3A_406 = tpu.vector_load %arg9[%parallel_loop3A_404, %parallel_loop3A_405] {strides = array<i32>} : memref<20x128xi32, #tpu.memory_space<vmem>>, vector<16xi32>,
        %parallel_loop3A_407 = arith.constant 17 : i32
        %parallel_loop3A_408 = arith.index_cast %parallel_loop3A_407 : i32 to index
        %parallel_loop3A_409 = arith.index_cast %parallel_loop3A_338 : i32 to index
        %parallel_loop3A_410 = tpu.vector_load %arg9[%parallel_loop3A_408, %parallel_loop3A_409] {strides = array<i32>} : memref<20x128xi32, #tpu.memory_space<vmem>>, vector<16xi32>,
        %parallel_loop3A_411 = arith.constant 18 : i32
        %parallel_loop3A_412 = arith.index_cast %parallel_loop3A_411 : i32 to index
        %parallel_loop3A_413 = arith.index_cast %parallel_loop3A_338 : i32 to index
        %parallel_loop3A_414 = tpu.vector_load %arg9[%parallel_loop3A_412, %parallel_loop3A_413] {strides = array<i32>} : memref<20x128xi32, #tpu.memory_space<vmem>>, vector<16xi32>,
        %parallel_loop3A_415 = arith.constant 19 : i32
        %parallel_loop3A_416 = arith.index_cast %parallel_loop3A_415 : i32 to index
        %parallel_loop3A_417 = arith.index_cast %parallel_loop3A_338 : i32 to index
        %parallel_loop3A_418 = tpu.vector_load %arg9[%parallel_loop3A_416, %parallel_loop3A_417] {strides = array<i32>} : memref<20x128xi32, #tpu.memory_space<vmem>>, vector<16xi32>,
        %parallel_loop3A_419 = tpu.vector_load_idx %arg7[%parallel_loop3A_342] : memref<100000xf32, #tpu.memory_space<vmem>>[vector<16xi32>], vector<16xf32>,
        %parallel_loop3A_420 = tpu.vector_load_idx %arg7[%parallel_loop3A_346] : memref<100000xf32, #tpu.memory_space<vmem>>[vector<16xi32>], vector<16xf32>,
        %parallel_loop3A_421 = tpu.vector_load_idx %arg7[%parallel_loop3A_350] : memref<100000xf32, #tpu.memory_space<vmem>>[vector<16xi32>], vector<16xf32>,
        %parallel_loop3A_422 = tpu.vector_load_idx %arg7[%parallel_loop3A_354] : memref<100000xf32, #tpu.memory_space<vmem>>[vector<16xi32>], vector<16xf32>,
        %parallel_loop3A_423 = tpu.vector_load_idx %arg7[%parallel_loop3A_358] : memref<100000xf32, #tpu.memory_space<vmem>>[vector<16xi32>], vector<16xf32>,
        %parallel_loop3A_424 = tpu.vector_load_idx %arg7[%parallel_loop3A_362] : memref<100000xf32, #tpu.memory_space<vmem>>[vector<16xi32>], vector<16xf32>,
        %parallel_loop3A_425 = tpu.vector_load_idx %arg7[%parallel_loop3A_366] : memref<100000xf32, #tpu.memory_space<vmem>>[vector<16xi32>], vector<16xf32>,
        %parallel_loop3A_426 = tpu.vector_load_idx %arg7[%parallel_loop3A_370] : memref<100000xf32, #tpu.memory_space<vmem>>[vector<16xi32>], vector<16xf32>,
        %parallel_loop3A_427 = tpu.vector_load_idx %arg7[%parallel_loop3A_374] : memref<100000xf32, #tpu.memory_space<vmem>>[vector<16xi32>], vector<16xf32>,
        %parallel_loop3A_428 = tpu.vector_load_idx %arg7[%parallel_loop3A_378] : memref<100000xf32, #tpu.memory_space<vmem>>[vector<16xi32>], vector<16xf32>,
        %parallel_loop3A_429 = tpu.vector_load_idx %arg7[%parallel_loop3A_382] : memref<100000xf32, #tpu.memory_space<vmem>>[vector<16xi32>], vector<16xf32>,
        %parallel_loop3A_430 = tpu.vector_load_idx %arg7[%parallel_loop3A_386] : memref<100000xf32, #tpu.memory_space<vmem>>[vector<16xi32>], vector<16xf32>,
        %parallel_loop3A_431 = tpu.vector_load_idx %arg7[%parallel_loop3A_390] : memref<100000xf32, #tpu.memory_space<vmem>>[vector<16xi32>], vector<16xf32>,
        %parallel_loop3A_432 = tpu.vector_load_idx %arg7[%parallel_loop3A_394] : memref<100000xf32, #tpu.memory_space<vmem>>[vector<16xi32>], vector<16xf32>,
        %parallel_loop3A_433 = tpu.vector_load_idx %arg7[%parallel_loop3A_398] : memref<100000xf32, #tpu.memory_space<vmem>>[vector<16xi32>], vector<16xf32>,
        %parallel_loop3A_434 = tpu.vector_load_idx %arg7[%parallel_loop3A_402] : memref<100000xf32, #tpu.memory_space<vmem>>[vector<16xi32>], vector<16xf32>,
        %parallel_loop3A_435 = tpu.vector_load_idx %arg7[%parallel_loop3A_406] : memref<100000xf32, #tpu.memory_space<vmem>>[vector<16xi32>], vector<16xf32>,
        %parallel_loop3A_436 = tpu.vector_load_idx %arg7[%parallel_loop3A_410] : memref<100000xf32, #tpu.memory_space<vmem>>[vector<16xi32>], vector<16xf32>,
        %parallel_loop3A_437 = tpu.vector_load_idx %arg7[%parallel_loop3A_414] : memref<100000xf32, #tpu.memory_space<vmem>>[vector<16xi32>], vector<16xf32>,
        %parallel_loop3A_438 = tpu.vector_load_idx %arg7[%parallel_loop3A_418] : memref<100000xf32, #tpu.memory_space<vmem>>[vector<16xi32>], vector<16xf32>,
        %parallel_loop3A_439 = arith.addf %parallel_loop3A_419, %parallel_loop3A_420 : vector<16xf32>
        %parallel_loop3A_440 = arith.addf %parallel_loop3A_421, %parallel_loop3A_422 : vector<16xf32>
        %parallel_loop3A_441 = arith.addf %parallel_loop3A_423, %parallel_loop3A_424 : vector<16xf32>
        %parallel_loop3A_442 = arith.addf %parallel_loop3A_425, %parallel_loop3A_426 : vector<16xf32>
        %parallel_loop3A_443 = arith.addf %parallel_loop3A_427, %parallel_loop3A_428 : vector<16xf32>
        %parallel_loop3A_444 = arith.addf %parallel_loop3A_429, %parallel_loop3A_430 : vector<16xf32>
        %parallel_loop3A_445 = arith.addf %parallel_loop3A_431, %parallel_loop3A_432 : vector<16xf32>
        %parallel_loop3A_446 = arith.addf %parallel_loop3A_433, %parallel_loop3A_434 : vector<16xf32>
        %parallel_loop3A_447 = arith.addf %parallel_loop3A_435, %parallel_loop3A_436 : vector<16xf32>
        %parallel_loop3A_448 = arith.addf %parallel_loop3A_437, %parallel_loop3A_438 : vector<16xf32>
        %parallel_loop3A_449 = arith.addf %parallel_loop3A_439, %parallel_loop3A_440 : vector<16xf32>
        %parallel_loop3A_450 = arith.addf %parallel_loop3A_441, %parallel_loop3A_442 : vector<16xf32>
        %parallel_loop3A_451 = arith.addf %parallel_loop3A_443, %parallel_loop3A_444 : vector<16xf32>
        %parallel_loop3A_452 = arith.addf %parallel_loop3A_445, %parallel_loop3A_446 : vector<16xf32>
        %parallel_loop3A_453 = arith.addf %parallel_loop3A_447, %parallel_loop3A_448 : vector<16xf32>
        %parallel_loop3A_454 = arith.addf %parallel_loop3A_449, %parallel_loop3A_450 : vector<16xf32>
        %parallel_loop3A_455 = arith.addf %parallel_loop3A_451, %parallel_loop3A_452 : vector<16xf32>
        %parallel_loop3A_456 = arith.addf %parallel_loop3A_454, %parallel_loop3A_455 : vector<16xf32>
        %parallel_loop3A_457 = arith.addf %parallel_loop3A_456, %parallel_loop3A_453 : vector<16xf32>
        %parallel_loop3A_458 = arith.constant 128 : i32
        %parallel_loop3A_459 = arith.muli %add3A_326, %parallel_loop3A_458 : i32
        %parallel_loop3A_460 = arith.constant 16 : i32
        %parallel_loop3A_461 = arith.muli %parallel_loop3A_335, %parallel_loop3A_460 : i32
        %parallel_loop3A_462 = arith.addi %parallel_loop3A_459, %parallel_loop3A_461 : i32
        %parallel_loop3A_463 = tpu.assume_multiple %parallel_loop3A_462, 16 : i32
        %parallel_loop3A_464 = arith.index_cast %parallel_loop3A_463 : i32 to index
        %parallel_loop3A_465 = tpu.vector_load %arg12[%parallel_loop3A_464] {strides = array<i32>} : memref<4096xf32, #tpu.memory_space<vmem>>, vector<16xf32>,
        tpu.vector_store %arg12[%parallel_loop3A_464], %parallel_loop3A_457 {strides = array<i32>} : memref<4096xf32, #tpu.memory_space<vmem>>, vector<16xf32>,
      } {sc.loop_unroll_factor = 2 : i64, sc.parallel_access}
      %lt3A_330 = arith.constant 15 : i32
      %lt3A_331 = arith.cmpi slt, %scan3A_298, %lt3A_330 : i32
      %convert_element_type3A_332 = arith.extui %lt3A_331 : i1 to i32
      %cond3A_333 = arith.constant 0 : i32
      %cond3A_334 = arith.cmpi ne, %convert_element_type3A_332, %cond3A_333 : i32
      scf.if %cond3A_334 {
        %add3A_335 = arith.constant 3 : i32
        %add3A_336 = arith.addi %mul3A_300, %add3A_335 : i32
        %dma_start3A_337 = arith.constant 1 : i32
        %dma_start3A_338 = arith.constant 0 : i32
        %dma_start3A_339 = arith.constant 0 : i32
        %dma_start3A_340 = tpu.memref_slice %arg4[%dma_start3A_337, %add3A_336, %dma_start3A_338, %dma_start3A_339] : memref<3x32x20x128xi32, #tpu.memory_space<hbm>> -> memref<1x1x20x128xi32, #tpu.memory_space<hbm>>
        %dma_start3A_341 = tpu.memref_squeeze %dma_start3A_340 : memref<1x1x20x128xi32, #tpu.memory_space<hbm>> -> memref<20x128xi32, #tpu.memory_space<hbm>>
        %dma_start3A_342 = arith.constant 0 : i32
        %dma_start3A_343 = arith.constant 0 : i32
        %dma_start3A_344 = tpu.memref_slice %arg4[%dma_start3A_337, %add3A_336, %dma_start3A_342, %dma_start3A_343] : memref<3x32x20x128xi32, #tpu.memory_space<hbm>> -> memref<1x1x20x128xi32, #tpu.memory_space<hbm>>
        %dma_start3A_345 = tpu.memref_squeeze %dma_start3A_344 : memref<1x1x20x128xi32, #tpu.memory_space<hbm>> -> memref<20x128xi32, #tpu.memory_space<hbm>>
        tpu.enqueue_dma source(%dma_start3A_345 : memref<20x128xi32, #tpu.memory_space<hbm>>) target(%arg9 : memref<20x128xi32, #tpu.memory_space<vmem>>) target_semaphore(%arg15 : memref<!tpu.dma_semaphore, #tpu.memory_space<semaphore_mem>>)
      } else {
      }
    }
    %scan3A_171 = arith.constant 16 : i32
    %add3A_172 = arith.constant 96 : i32
    %add3A_173 = arith.addi %add3A, %add3A_172 : i32
    "tpu.region"() ({
      %run_scoped3A = tpu.sem_alloc : memref<!tpu.dma_semaphore, #tpu.memory_space<semaphore_mem>>
      %dma_start3A_298 = arith.constant 0 : i32
      %dma_start3A_299 = tpu.memref_slice %arg6[%add3A_173, %dma_start3A_298] : memref<192x4096xf32, #tpu.memory_space<hbm>> -> memref<1x4096xf32, #tpu.memory_space<hbm>>
      %dma_start3A_300 = tpu.memref_squeeze %dma_start3A_299 : memref<1x4096xf32, #tpu.memory_space<hbm>> -> memref<4096xf32, #tpu.memory_space<hbm>>
      %dma_start3A_301 = arith.constant 0 : i32
      %dma_start3A_302 = tpu.memref_slice %arg6[%add3A_173, %dma_start3A_301] : memref<192x4096xf32, #tpu.memory_space<hbm>> -> memref<1x4096xf32, #tpu.memory_space<hbm>>
      %dma_start3A_303 = tpu.memref_squeeze %dma_start3A_302 : memref<1x4096xf32, #tpu.memory_space<hbm>> -> memref<4096xf32, #tpu.memory_space<hbm>>
      tpu.enqueue_dma source(%arg12 : memref<4096xf32, #tpu.memory_space<vmem>>) target(%dma_start3A_303 : memref<4096xf32, #tpu.memory_space<hbm>>) target_semaphore(%run_scoped3A : memref<!tpu.dma_semaphore, #tpu.memory_space<semaphore_mem>>)
      %dma_wait3A_304 = arith.constant 0 : i32
      %dma_wait3A_305 = tpu.memref_slice %arg6[%add3A_173, %dma_wait3A_304] : memref<192x4096xf32, #tpu.memory_space<hbm>> -> memref<1x4096xf32, #tpu.memory_space<hbm>>
      %dma_wait3A_306 = tpu.memref_squeeze %dma_wait3A_305 : memref<1x4096xf32, #tpu.memory_space<hbm>> -> memref<4096xf32, #tpu.memory_space<hbm>>
      %dma_wait3A_307 = arith.constant 0 : i32
      %dma_wait3A_308 = tpu.memref_slice %arg6[%add3A_173, %dma_wait3A_307] : memref<192x4096xf32, #tpu.memory_space<hbm>> -> memref<1x4096xf32, #tpu.memory_space<hbm>>
      %dma_wait3A_309 = tpu.memref_squeeze %dma_wait3A_308 : memref<1x4096xf32, #tpu.memory_space<hbm>> -> memref<4096xf32, #tpu.memory_space<hbm>>
      tpu.wait_dma2 semaphore(%run_scoped3A : memref<!tpu.dma_semaphore, #tpu.memory_space<semaphore_mem>>) src(%arg12 : memref<4096xf32, #tpu.memory_space<vmem>>) dst(%dma_wait3A_309 : memref<4096xf32, #tpu.memory_space<hbm>>)
      tpu.yield
    }) : () -> ()
    %add3A_174 = arith.constant 0 : i32
    %add3A_175 = arith.addi %add3A, %add3A_174 : i32
    %dma_start3A_176 = arith.constant 0 : i32
    %dma_start3A_177 = arith.constant 0 : i32
    %dma_start3A_178 = tpu.memref_slice %arg3[%dma_start3A_176, %add3A_175, %dma_start3A_177] : memref<1x64x100000xf32, #tpu.memory_space<hbm>> -> memref<1x1x100000xf32, #tpu.memory_space<hbm>>
    %dma_start3A_179 = tpu.memref_squeeze %dma_start3A_178 : memref<1x1x100000xf32, #tpu.memory_space<hbm>> -> memref<100000xf32, #tpu.memory_space<hbm>>
    %dma_start3A_180 = arith.constant 0 : i32
    %dma_start3A_181 = tpu.memref_slice %arg3[%dma_start3A_176, %add3A_175, %dma_start3A_180] : memref<1x64x100000xf32, #tpu.memory_space<hbm>> -> memref<1x1x100000xf32, #tpu.memory_space<hbm>>
    %dma_start3A_182 = tpu.memref_squeeze %dma_start3A_181 : memref<1x1x100000xf32, #tpu.memory_space<hbm>> -> memref<100000xf32, #tpu.memory_space<hbm>>
    tpu.enqueue_dma source(%dma_start3A_182 : memref<100000xf32, #tpu.memory_space<hbm>>) target(%arg7 : memref<100000xf32, #tpu.memory_space<vmem>>) target_semaphore(%arg13 : memref<!tpu.dma_semaphore, #tpu.memory_space<semaphore_mem>>)
    %dma_start3A_183 = arith.constant 2 : i32
    %dma_start3A_184 = arith.constant 0 : i32
    %dma_start3A_185 = arith.constant 0 : i32
    %dma_start3A_186 = arith.constant 0 : i32
    %dma_start3A_187 = tpu.memref_slice %arg4[%dma_start3A_183, %dma_start3A_184, %dma_start3A_185, %dma_start3A_186] : memref<3x32x20x128xi32, #tpu.memory_space<hbm>> -> memref<1x1x20x128xi32, #tpu.memory_space<hbm>>
    %dma_start3A_188 = tpu.memref_squeeze %dma_start3A_187 : memref<1x1x20x128xi32, #tpu.memory_space<hbm>> -> memref<20x128xi32, #tpu.memory_space<hbm>>
    %dma_start3A_189 = arith.constant 0 : i32
    %dma_start3A_190 = arith.constant 0 : i32
    %dma_start3A_191 = tpu.memref_slice %arg4[%dma_start3A_183, %dma_start3A_184, %dma_start3A_189, %dma_start3A_190] : memref<3x32x20x128xi32, #tpu.memory_space<hbm>> -> memref<1x1x20x128xi32, #tpu.memory_space<hbm>>
    %dma_start3A_192 = tpu.memref_squeeze %dma_start3A_191 : memref<1x1x20x128xi32, #tpu.memory_space<hbm>> -> memref<20x128xi32, #tpu.memory_space<hbm>>
    tpu.enqueue_dma source(%dma_start3A_192 : memref<20x128xi32, #tpu.memory_space<hbm>>) target(%arg8 : memref<20x128xi32, #tpu.memory_space<vmem>>) target_semaphore(%arg14 : memref<!tpu.dma_semaphore, #tpu.memory_space<semaphore_mem>>)
    %dma_start3A_193 = arith.constant 0 : i32
    %dma_start3A_194 = arith.constant 0 : i32
    %dma_start3A_195 = arith.constant 0 : i32
    %dma_start3A_196 = tpu.memref_slice %arg5[%dma_start3A_193, %dma_start3A_194, %dma_start3A_195] : memref<32x20x128xf32, #tpu.memory_space<hbm>> -> memref<1x20x128xf32, #tpu.memory_space<hbm>>
    %dma_start3A_197 = tpu.memref_squeeze %dma_start3A_196 : memref<1x20x128xf32, #tpu.memory_space<hbm>> -> memref<20x128xf32, #tpu.memory_space<hbm>>
    %dma_start3A_198 = arith.constant 0 : i32
    %dma_start3A_199 = arith.constant 0 : i32
    %dma_start3A_200 = tpu.memref_slice %arg5[%dma_start3A_193, %dma_start3A_198, %dma_start3A_199] : memref<32x20x128xf32, #tpu.memory_space<hbm>> -> memref<1x20x128xf32, #tpu.memory_space<hbm>>
    %dma_start3A_201 = tpu.memref_squeeze %dma_start3A_200 : memref<1x20x128xf32, #tpu.memory_space<hbm>> -> memref<20x128xf32, #tpu.memory_space<hbm>>
    tpu.enqueue_dma source(%dma_start3A_201 : memref<20x128xf32, #tpu.memory_space<hbm>>) target(%arg10 : memref<20x128xf32, #tpu.memory_space<vmem>>) target_semaphore(%arg14 : memref<!tpu.dma_semaphore, #tpu.memory_space<semaphore_mem>>)
    %dma_start3A_202 = arith.constant 2 : i32
    %dma_start3A_203 = arith.constant 1 : i32
    %dma_start3A_204 = arith.constant 0 : i32
    %dma_start3A_205 = arith.constant 0 : i32
    %dma_start3A_206 = tpu.memref_slice %arg4[%dma_start3A_202, %dma_start3A_203, %dma_start3A_204, %dma_start3A_205] : memref<3x32x20x128xi32, #tpu.memory_space<hbm>> -> memref<1x1x20x128xi32, #tpu.memory_space<hbm>>
    %dma_start3A_207 = tpu.memref_squeeze %dma_start3A_206 : memref<1x1x20x128xi32, #tpu.memory_space<hbm>> -> memref<20x128xi32, #tpu.memory_space<hbm>>
    %dma_start3A_208 = arith.constant 0 : i32
    %dma_start3A_209 = arith.constant 0 : i32
    %dma_start3A_210 = tpu.memref_slice %arg4[%dma_start3A_202, %dma_start3A_203, %dma_start3A_208, %dma_start3A_209] : memref<3x32x20x128xi32, #tpu.memory_space<hbm>> -> memref<1x1x20x128xi32, #tpu.memory_space<hbm>>
    %dma_start3A_211 = tpu.memref_squeeze %dma_start3A_210 : memref<1x1x20x128xi32, #tpu.memory_space<hbm>> -> memref<20x128xi32, #tpu.memory_space<hbm>>
    tpu.enqueue_dma source(%dma_start3A_211 : memref<20x128xi32, #tpu.memory_space<hbm>>) target(%arg9 : memref<20x128xi32, #tpu.memory_space<vmem>>) target_semaphore(%arg15 : memref<!tpu.dma_semaphore, #tpu.memory_space<semaphore_mem>>)
    %dma_start3A_212 = arith.constant 1 : i32
    %dma_start3A_213 = arith.constant 0 : i32
    %dma_start3A_214 = arith.constant 0 : i32
    %dma_start3A_215 = tpu.memref_slice %arg5[%dma_start3A_212, %dma_start3A_213, %dma_start3A_214] : memref<32x20x128xf32, #tpu.memory_space<hbm>> -> memref<1x20x128xf32, #tpu.memory_space<hbm>>
    %dma_start3A_216 = tpu.memref_squeeze %dma_start3A_215 : memref<1x20x128xf32, #tpu.memory_space<hbm>> -> memref<20x128xf32, #tpu.memory_space<hbm>>
    %dma_start3A_217 = arith.constant 0 : i32
    %dma_start3A_218 = arith.constant 0 : i32
    %dma_start3A_219 = tpu.memref_slice %arg5[%dma_start3A_212, %dma_start3A_217, %dma_start3A_218] : memref<32x20x128xf32, #tpu.memory_space<hbm>> -> memref<1x20x128xf32, #tpu.memory_space<hbm>>
    %dma_start3A_220 = tpu.memref_squeeze %dma_start3A_219 : memref<1x20x128xf32, #tpu.memory_space<hbm>> -> memref<20x128xf32, #tpu.memory_space<hbm>>
    tpu.enqueue_dma source(%dma_start3A_220 : memref<20x128xf32, #tpu.memory_space<hbm>>) target(%arg11 : memref<20x128xf32, #tpu.memory_space<vmem>>) target_semaphore(%arg15 : memref<!tpu.dma_semaphore, #tpu.memory_space<semaphore_mem>>)
    %dma_wait3A_221 = arith.constant 0 : i32
    %dma_wait3A_222 = arith.constant 0 : i32
    %dma_wait3A_223 = tpu.memref_slice %arg3[%dma_wait3A_221, %add3A_175, %dma_wait3A_222] : memref<1x64x100000xf32, #tpu.memory_space<hbm>> -> memref<1x1x100000xf32, #tpu.memory_space<hbm>>
    %dma_wait3A_224 = tpu.memref_squeeze %dma_wait3A_223 : memref<1x1x100000xf32, #tpu.memory_space<hbm>> -> memref<100000xf32, #tpu.memory_space<hbm>>
    %dma_wait3A_225 = arith.constant 0 : i32
    %dma_wait3A_226 = tpu.memref_slice %arg3[%dma_wait3A_221, %add3A_175, %dma_wait3A_225] : memref<1x64x100000xf32, #tpu.memory_space<hbm>> -> memref<1x1x100000xf32, #tpu.memory_space<hbm>>
    %dma_wait3A_227 = tpu.memref_squeeze %dma_wait3A_226 : memref<1x1x100000xf32, #tpu.memory_space<hbm>> -> memref<100000xf32, #tpu.memory_space<hbm>>
    tpu.wait_dma2 semaphore(%arg13 : memref<!tpu.dma_semaphore, #tpu.memory_space<semaphore_mem>>) src(%dma_wait3A_227 : memref<100000xf32, #tpu.memory_space<hbm>>) dst(%arg7 : memref<100000xf32, #tpu.memory_space<vmem>>)
    %scan3A_228 = arith.constant 0 : i32
    %scan3A_229 = arith.constant 0 : i32
    %scan3A_230 = arith.constant 16 : i32
    %scan3A_231 = arith.addi %scan3A_229, %scan3A_230 : i32
    %scan3A_232 = arith.constant 1 : i32
    scf.for %scan3A_298 = %scan3A_229 to %scan3A_231 step %scan3A_232  : i32 {
      %mul3A_299 = arith.constant 2 : i32
      %mul3A_300 = arith.muli %mul3A_299, %scan3A_298 : i32
      %dma_wait3A_301 = arith.constant 2 : i32
      %dma_wait3A_302 = arith.constant 0 : i32
      %dma_wait3A_303 = arith.constant 0 : i32
      %dma_wait3A_304 = tpu.memref_slice %arg4[%dma_wait3A_301, %mul3A_300, %dma_wait3A_302, %dma_wait3A_303] : memref<3x32x20x128xi32, #tpu.memory_space<hbm>> -> memref<1x1x20x128xi32, #tpu.memory_space<hbm>>
      %dma_wait3A_305 = tpu.memref_squeeze %dma_wait3A_304 : memref<1x1x20x128xi32, #tpu.memory_space<hbm>> -> memref<20x128xi32, #tpu.memory_space<hbm>>
      %dma_wait3A_306 = arith.constant 0 : i32
      %dma_wait3A_307 = arith.constant 0 : i32
      %dma_wait3A_308 = tpu.memref_slice %arg4[%dma_wait3A_301, %mul3A_300, %dma_wait3A_306, %dma_wait3A_307] : memref<3x32x20x128xi32, #tpu.memory_space<hbm>> -> memref<1x1x20x128xi32, #tpu.memory_space<hbm>>
      %dma_wait3A_309 = tpu.memref_squeeze %dma_wait3A_308 : memref<1x1x20x128xi32, #tpu.memory_space<hbm>> -> memref<20x128xi32, #tpu.memory_space<hbm>>
      tpu.wait_dma2 semaphore(%arg14 : memref<!tpu.dma_semaphore, #tpu.memory_space<semaphore_mem>>) src(%dma_wait3A_309 : memref<20x128xi32, #tpu.memory_space<hbm>>) dst(%arg8 : memref<20x128xi32, #tpu.memory_space<vmem>>)
      %dma_wait3A_310 = arith.constant 0 : i32
      %dma_wait3A_311 = arith.constant 0 : i32
      %dma_wait3A_312 = tpu.memref_slice %arg5[%mul3A_300, %dma_wait3A_310, %dma_wait3A_311] : memref<32x20x128xf32, #tpu.memory_space<hbm>> -> memref<1x20x128xf32, #tpu.memory_space<hbm>>
      %dma_wait3A_313 = tpu.memref_squeeze %dma_wait3A_312 : memref<1x20x128xf32, #tpu.memory_space<hbm>> -> memref<20x128xf32, #tpu.memory_space<hbm>>
      %dma_wait3A_314 = arith.constant 0 : i32
      %dma_wait3A_315 = arith.constant 0 : i32
      %dma_wait3A_316 = tpu.memref_slice %arg5[%mul3A_300, %dma_wait3A_314, %dma_wait3A_315] : memref<32x20x128xf32, #tpu.memory_space<hbm>> -> memref<1x20x128xf32, #tpu.memory_space<hbm>>
      %dma_wait3A_317 = tpu.memref_squeeze %dma_wait3A_316 : memref<1x20x128xf32, #tpu.memory_space<hbm>> -> memref<20x128xf32, #tpu.memory_space<hbm>>
      tpu.wait_dma2 semaphore(%arg14 : memref<!tpu.dma_semaphore, #tpu.memory_space<semaphore_mem>>) src(%dma_wait3A_317 : memref<20x128xf32, #tpu.memory_space<hbm>>) dst(%arg10 : memref<20x128xf32, #tpu.memory_space<vmem>>)
      %parallel_loop3A = arith.constant 0 : i32
      %parallel_loop3A_318 = arith.constant 8 : i32
      %parallel_loop3A_319 = arith.constant 1 : i32
      scf.for %parallel_loop3A_351 = %parallel_loop3A to %parallel_loop3A_318 step %parallel_loop3A_319  : i32 {
        %parallel_loop3A_352 = arith.constant 16 : i32
        %parallel_loop3A_353 = arith.muli %parallel_loop3A_351, %parallel_loop3A_352 : i32
        %parallel_loop3A_354 = tpu.assume_multiple %parallel_loop3A_353, 16 : i32
        %parallel_loop3A_355 = arith.constant 0 : i32
        %parallel_loop3A_356 = arith.index_cast %parallel_loop3A_355 : i32 to index
        %parallel_loop3A_357 = arith.index_cast %parallel_loop3A_354 : i32 to index
        %parallel_loop3A_358 = tpu.vector_load %arg8[%parallel_loop3A_356, %parallel_loop3A_357] {strides = array<i32>} : memref<20x128xi32, #tpu.memory_space<vmem>>, vector<16xi32>,
        %parallel_loop3A_359 = arith.constant 1 : i32
        %parallel_loop3A_360 = arith.index_cast %parallel_loop3A_359 : i32 to index
        %parallel_loop3A_361 = arith.index_cast %parallel_loop3A_354 : i32 to index
        %parallel_loop3A_362 = tpu.vector_load %arg8[%parallel_loop3A_360, %parallel_loop3A_361] {strides = array<i32>} : memref<20x128xi32, #tpu.memory_space<vmem>>, vector<16xi32>,
        %parallel_loop3A_363 = arith.constant 2 : i32
        %parallel_loop3A_364 = arith.index_cast %parallel_loop3A_363 : i32 to index
        %parallel_loop3A_365 = arith.index_cast %parallel_loop3A_354 : i32 to index
        %parallel_loop3A_366 = tpu.vector_load %arg8[%parallel_loop3A_364, %parallel_loop3A_365] {strides = array<i32>} : memref<20x128xi32, #tpu.memory_space<vmem>>, vector<16xi32>,
        %parallel_loop3A_367 = arith.constant 3 : i32
        %parallel_loop3A_368 = arith.index_cast %parallel_loop3A_367 : i32 to index
        %parallel_loop3A_369 = arith.index_cast %parallel_loop3A_354 : i32 to index
        %parallel_loop3A_370 = tpu.vector_load %arg8[%parallel_loop3A_368, %parallel_loop3A_369] {strides = array<i32>} : memref<20x128xi32, #tpu.memory_space<vmem>>, vector<16xi32>,
        %parallel_loop3A_371 = arith.constant 4 : i32
        %parallel_loop3A_372 = arith.index_cast %parallel_loop3A_371 : i32 to index
        %parallel_loop3A_373 = arith.index_cast %parallel_loop3A_354 : i32 to index
        %parallel_loop3A_374 = tpu.vector_load %arg8[%parallel_loop3A_372, %parallel_loop3A_373] {strides = array<i32>} : memref<20x128xi32, #tpu.memory_space<vmem>>, vector<16xi32>,
        %parallel_loop3A_375 = arith.constant 5 : i32
        %parallel_loop3A_376 = arith.index_cast %parallel_loop3A_375 : i32 to index
        %parallel_loop3A_377 = arith.index_cast %parallel_loop3A_354 : i32 to index
        %parallel_loop3A_378 = tpu.vector_load %arg8[%parallel_loop3A_376, %parallel_loop3A_377] {strides = array<i32>} : memref<20x128xi32, #tpu.memory_space<vmem>>, vector<16xi32>,
        %parallel_loop3A_379 = arith.constant 6 : i32
        %parallel_loop3A_380 = arith.index_cast %parallel_loop3A_379 : i32 to index
        %parallel_loop3A_381 = arith.index_cast %parallel_loop3A_354 : i32 to index
        %parallel_loop3A_382 = tpu.vector_load %arg8[%parallel_loop3A_380, %parallel_loop3A_381] {strides = array<i32>} : memref<20x128xi32, #tpu.memory_space<vmem>>, vector<16xi32>,
        %parallel_loop3A_383 = arith.constant 7 : i32
        %parallel_loop3A_384 = arith.index_cast %parallel_loop3A_383 : i32 to index
        %parallel_loop3A_385 = arith.index_cast %parallel_loop3A_354 : i32 to index
        %parallel_loop3A_386 = tpu.vector_load %arg8[%parallel_loop3A_384, %parallel_loop3A_385] {strides = array<i32>} : memref<20x128xi32, #tpu.memory_space<vmem>>, vector<16xi32>,
        %parallel_loop3A_387 = arith.constant 8 : i32
        %parallel_loop3A_388 = arith.index_cast %parallel_loop3A_387 : i32 to index
        %parallel_loop3A_389 = arith.index_cast %parallel_loop3A_354 : i32 to index
        %parallel_loop3A_390 = tpu.vector_load %arg8[%parallel_loop3A_388, %parallel_loop3A_389] {strides = array<i32>} : memref<20x128xi32, #tpu.memory_space<vmem>>, vector<16xi32>,
        %parallel_loop3A_391 = arith.constant 9 : i32
        %parallel_loop3A_392 = arith.index_cast %parallel_loop3A_391 : i32 to index
        %parallel_loop3A_393 = arith.index_cast %parallel_loop3A_354 : i32 to index
        %parallel_loop3A_394 = tpu.vector_load %arg8[%parallel_loop3A_392, %parallel_loop3A_393] {strides = array<i32>} : memref<20x128xi32, #tpu.memory_space<vmem>>, vector<16xi32>,
        %parallel_loop3A_395 = arith.constant 10 : i32
        %parallel_loop3A_396 = arith.index_cast %parallel_loop3A_395 : i32 to index
        %parallel_loop3A_397 = arith.index_cast %parallel_loop3A_354 : i32 to index
        %parallel_loop3A_398 = tpu.vector_load %arg8[%parallel_loop3A_396, %parallel_loop3A_397] {strides = array<i32>} : memref<20x128xi32, #tpu.memory_space<vmem>>, vector<16xi32>,
        %parallel_loop3A_399 = arith.constant 11 : i32
        %parallel_loop3A_400 = arith.index_cast %parallel_loop3A_399 : i32 to index
        %parallel_loop3A_401 = arith.index_cast %parallel_loop3A_354 : i32 to index
        %parallel_loop3A_402 = tpu.vector_load %arg8[%parallel_loop3A_400, %parallel_loop3A_401] {strides = array<i32>} : memref<20x128xi32, #tpu.memory_space<vmem>>, vector<16xi32>,
        %parallel_loop3A_403 = arith.constant 12 : i32
        %parallel_loop3A_404 = arith.index_cast %parallel_loop3A_403 : i32 to index
        %parallel_loop3A_405 = arith.index_cast %parallel_loop3A_354 : i32 to index
        %parallel_loop3A_406 = tpu.vector_load %arg8[%parallel_loop3A_404, %parallel_loop3A_405] {strides = array<i32>} : memref<20x128xi32, #tpu.memory_space<vmem>>, vector<16xi32>,
        %parallel_loop3A_407 = arith.constant 13 : i32
        %parallel_loop3A_408 = arith.index_cast %parallel_loop3A_407 : i32 to index
        %parallel_loop3A_409 = arith.index_cast %parallel_loop3A_354 : i32 to index
        %parallel_loop3A_410 = tpu.vector_load %arg8[%parallel_loop3A_408, %parallel_loop3A_409] {strides = array<i32>} : memref<20x128xi32, #tpu.memory_space<vmem>>, vector<16xi32>,
        %parallel_loop3A_411 = arith.constant 14 : i32
        %parallel_loop3A_412 = arith.index_cast %parallel_loop3A_411 : i32 to index
        %parallel_loop3A_413 = arith.index_cast %parallel_loop3A_354 : i32 to index
        %parallel_loop3A_414 = tpu.vector_load %arg8[%parallel_loop3A_412, %parallel_loop3A_413] {strides = array<i32>} : memref<20x128xi32, #tpu.memory_space<vmem>>, vector<16xi32>,
        %parallel_loop3A_415 = arith.constant 15 : i32
        %parallel_loop3A_416 = arith.index_cast %parallel_loop3A_415 : i32 to index
        %parallel_loop3A_417 = arith.index_cast %parallel_loop3A_354 : i32 to index
        %parallel_loop3A_418 = tpu.vector_load %arg8[%parallel_loop3A_416, %parallel_loop3A_417] {strides = array<i32>} : memref<20x128xi32, #tpu.memory_space<vmem>>, vector<16xi32>,
        %parallel_loop3A_419 = arith.constant 16 : i32
        %parallel_loop3A_420 = arith.index_cast %parallel_loop3A_419 : i32 to index
        %parallel_loop3A_421 = arith.index_cast %parallel_loop3A_354 : i32 to index
        %parallel_loop3A_422 = tpu.vector_load %arg8[%parallel_loop3A_420, %parallel_loop3A_421] {strides = array<i32>} : memref<20x128xi32, #tpu.memory_space<vmem>>, vector<16xi32>,
        %parallel_loop3A_423 = arith.constant 17 : i32
        %parallel_loop3A_424 = arith.index_cast %parallel_loop3A_423 : i32 to index
        %parallel_loop3A_425 = arith.index_cast %parallel_loop3A_354 : i32 to index
        %parallel_loop3A_426 = tpu.vector_load %arg8[%parallel_loop3A_424, %parallel_loop3A_425] {strides = array<i32>} : memref<20x128xi32, #tpu.memory_space<vmem>>, vector<16xi32>,
        %parallel_loop3A_427 = arith.constant 18 : i32
        %parallel_loop3A_428 = arith.index_cast %parallel_loop3A_427 : i32 to index
        %parallel_loop3A_429 = arith.index_cast %parallel_loop3A_354 : i32 to index
        %parallel_loop3A_430 = tpu.vector_load %arg8[%parallel_loop3A_428, %parallel_loop3A_429] {strides = array<i32>} : memref<20x128xi32, #tpu.memory_space<vmem>>, vector<16xi32>,
        %parallel_loop3A_431 = arith.constant 19 : i32
        %parallel_loop3A_432 = arith.index_cast %parallel_loop3A_431 : i32 to index
        %parallel_loop3A_433 = arith.index_cast %parallel_loop3A_354 : i32 to index
        %parallel_loop3A_434 = tpu.vector_load %arg8[%parallel_loop3A_432, %parallel_loop3A_433] {strides = array<i32>} : memref<20x128xi32, #tpu.memory_space<vmem>>, vector<16xi32>,
        %parallel_loop3A_435 = tpu.vector_load_idx %arg7[%parallel_loop3A_358] : memref<100000xf32, #tpu.memory_space<vmem>>[vector<16xi32>], vector<16xf32>,
        %parallel_loop3A_436 = tpu.vector_load_idx %arg7[%parallel_loop3A_362] : memref<100000xf32, #tpu.memory_space<vmem>>[vector<16xi32>], vector<16xf32>,
        %parallel_loop3A_437 = tpu.vector_load_idx %arg7[%parallel_loop3A_366] : memref<100000xf32, #tpu.memory_space<vmem>>[vector<16xi32>], vector<16xf32>,
        %parallel_loop3A_438 = tpu.vector_load_idx %arg7[%parallel_loop3A_370] : memref<100000xf32, #tpu.memory_space<vmem>>[vector<16xi32>], vector<16xf32>,
        %parallel_loop3A_439 = tpu.vector_load_idx %arg7[%parallel_loop3A_374] : memref<100000xf32, #tpu.memory_space<vmem>>[vector<16xi32>], vector<16xf32>,
        %parallel_loop3A_440 = tpu.vector_load_idx %arg7[%parallel_loop3A_378] : memref<100000xf32, #tpu.memory_space<vmem>>[vector<16xi32>], vector<16xf32>,
        %parallel_loop3A_441 = tpu.vector_load_idx %arg7[%parallel_loop3A_382] : memref<100000xf32, #tpu.memory_space<vmem>>[vector<16xi32>], vector<16xf32>,
        %parallel_loop3A_442 = tpu.vector_load_idx %arg7[%parallel_loop3A_386] : memref<100000xf32, #tpu.memory_space<vmem>>[vector<16xi32>], vector<16xf32>,
        %parallel_loop3A_443 = tpu.vector_load_idx %arg7[%parallel_loop3A_390] : memref<100000xf32, #tpu.memory_space<vmem>>[vector<16xi32>], vector<16xf32>,
        %parallel_loop3A_444 = tpu.vector_load_idx %arg7[%parallel_loop3A_394] : memref<100000xf32, #tpu.memory_space<vmem>>[vector<16xi32>], vector<16xf32>,
        %parallel_loop3A_445 = tpu.vector_load_idx %arg7[%parallel_loop3A_398] : memref<100000xf32, #tpu.memory_space<vmem>>[vector<16xi32>], vector<16xf32>,
        %parallel_loop3A_446 = tpu.vector_load_idx %arg7[%parallel_loop3A_402] : memref<100000xf32, #tpu.memory_space<vmem>>[vector<16xi32>], vector<16xf32>,
        %parallel_loop3A_447 = tpu.vector_load_idx %arg7[%parallel_loop3A_406] : memref<100000xf32, #tpu.memory_space<vmem>>[vector<16xi32>], vector<16xf32>,
        %parallel_loop3A_448 = tpu.vector_load_idx %arg7[%parallel_loop3A_410] : memref<100000xf32, #tpu.memory_space<vmem>>[vector<16xi32>], vector<16xf32>,
        %parallel_loop3A_449 = tpu.vector_load_idx %arg7[%parallel_loop3A_414] : memref<100000xf32, #tpu.memory_space<vmem>>[vector<16xi32>], vector<16xf32>,
        %parallel_loop3A_450 = tpu.vector_load_idx %arg7[%parallel_loop3A_418] : memref<100000xf32, #tpu.memory_space<vmem>>[vector<16xi32>], vector<16xf32>,
        %parallel_loop3A_451 = tpu.vector_load_idx %arg7[%parallel_loop3A_422] : memref<100000xf32, #tpu.memory_space<vmem>>[vector<16xi32>], vector<16xf32>,
        %parallel_loop3A_452 = tpu.vector_load_idx %arg7[%parallel_loop3A_426] : memref<100000xf32, #tpu.memory_space<vmem>>[vector<16xi32>], vector<16xf32>,
        %parallel_loop3A_453 = tpu.vector_load_idx %arg7[%parallel_loop3A_430] : memref<100000xf32, #tpu.memory_space<vmem>>[vector<16xi32>], vector<16xf32>,
        %parallel_loop3A_454 = tpu.vector_load_idx %arg7[%parallel_loop3A_434] : memref<100000xf32, #tpu.memory_space<vmem>>[vector<16xi32>], vector<16xf32>,
        %parallel_loop3A_455 = arith.constant 0 : i32
        %parallel_loop3A_456 = arith.index_cast %parallel_loop3A_455 : i32 to index
        %parallel_loop3A_457 = arith.index_cast %parallel_loop3A_354 : i32 to index
        %parallel_loop3A_458 = tpu.vector_load %arg10[%parallel_loop3A_456, %parallel_loop3A_457] {strides = array<i32>} : memref<20x128xf32, #tpu.memory_space<vmem>>, vector<16xf32>,
        %parallel_loop3A_459 = arith.constant 1 : i32
        %parallel_loop3A_460 = arith.index_cast %parallel_loop3A_459 : i32 to index
        %parallel_loop3A_461 = arith.index_cast %parallel_loop3A_354 : i32 to index
        %parallel_loop3A_462 = tpu.vector_load %arg10[%parallel_loop3A_460, %parallel_loop3A_461] {strides = array<i32>} : memref<20x128xf32, #tpu.memory_space<vmem>>, vector<16xf32>,
        %parallel_loop3A_463 = arith.constant 2 : i32
        %parallel_loop3A_464 = arith.index_cast %parallel_loop3A_463 : i32 to index
        %parallel_loop3A_465 = arith.index_cast %parallel_loop3A_354 : i32 to index
        %parallel_loop3A_466 = tpu.vector_load %arg10[%parallel_loop3A_464, %parallel_loop3A_465] {strides = array<i32>} : memref<20x128xf32, #tpu.memory_space<vmem>>, vector<16xf32>,
        %parallel_loop3A_467 = arith.constant 3 : i32
        %parallel_loop3A_468 = arith.index_cast %parallel_loop3A_467 : i32 to index
        %parallel_loop3A_469 = arith.index_cast %parallel_loop3A_354 : i32 to index
        %parallel_loop3A_470 = tpu.vector_load %arg10[%parallel_loop3A_468, %parallel_loop3A_469] {strides = array<i32>} : memref<20x128xf32, #tpu.memory_space<vmem>>, vector<16xf32>,
        %parallel_loop3A_471 = arith.constant 4 : i32
        %parallel_loop3A_472 = arith.index_cast %parallel_loop3A_471 : i32 to index
        %parallel_loop3A_473 = arith.index_cast %parallel_loop3A_354 : i32 to index
        %parallel_loop3A_474 = tpu.vector_load %arg10[%parallel_loop3A_472, %parallel_loop3A_473] {strides = array<i32>} : memref<20x128xf32, #tpu.memory_space<vmem>>, vector<16xf32>,
        %parallel_loop3A_475 = arith.constant 5 : i32
        %parallel_loop3A_476 = arith.index_cast %parallel_loop3A_475 : i32 to index
        %parallel_loop3A_477 = arith.index_cast %parallel_loop3A_354 : i32 to index
        %parallel_loop3A_478 = tpu.vector_load %arg10[%parallel_loop3A_476, %parallel_loop3A_477] {strides = array<i32>} : memref<20x128xf32, #tpu.memory_space<vmem>>, vector<16xf32>,
        %parallel_loop3A_479 = arith.constant 6 : i32
        %parallel_loop3A_480 = arith.index_cast %parallel_loop3A_479 : i32 to index
        %parallel_loop3A_481 = arith.index_cast %parallel_loop3A_354 : i32 to index
        %parallel_loop3A_482 = tpu.vector_load %arg10[%parallel_loop3A_480, %parallel_loop3A_481] {strides = array<i32>} : memref<20x128xf32, #tpu.memory_space<vmem>>, vector<16xf32>,
        %parallel_loop3A_483 = arith.constant 7 : i32
        %parallel_loop3A_484 = arith.index_cast %parallel_loop3A_483 : i32 to index
        %parallel_loop3A_485 = arith.index_cast %parallel_loop3A_354 : i32 to index
        %parallel_loop3A_486 = tpu.vector_load %arg10[%parallel_loop3A_484, %parallel_loop3A_485] {strides = array<i32>} : memref<20x128xf32, #tpu.memory_space<vmem>>, vector<16xf32>,
        %parallel_loop3A_487 = arith.constant 8 : i32
        %parallel_loop3A_488 = arith.index_cast %parallel_loop3A_487 : i32 to index
        %parallel_loop3A_489 = arith.index_cast %parallel_loop3A_354 : i32 to index
        %parallel_loop3A_490 = tpu.vector_load %arg10[%parallel_loop3A_488, %parallel_loop3A_489] {strides = array<i32>} : memref<20x128xf32, #tpu.memory_space<vmem>>, vector<16xf32>,
        %parallel_loop3A_491 = arith.constant 9 : i32
        %parallel_loop3A_492 = arith.index_cast %parallel_loop3A_491 : i32 to index
        %parallel_loop3A_493 = arith.index_cast %parallel_loop3A_354 : i32 to index
        %parallel_loop3A_494 = tpu.vector_load %arg10[%parallel_loop3A_492, %parallel_loop3A_493] {strides = array<i32>} : memref<20x128xf32, #tpu.memory_space<vmem>>, vector<16xf32>,
        %parallel_loop3A_495 = arith.constant 10 : i32
        %parallel_loop3A_496 = arith.index_cast %parallel_loop3A_495 : i32 to index
        %parallel_loop3A_497 = arith.index_cast %parallel_loop3A_354 : i32 to index
        %parallel_loop3A_498 = tpu.vector_load %arg10[%parallel_loop3A_496, %parallel_loop3A_497] {strides = array<i32>} : memref<20x128xf32, #tpu.memory_space<vmem>>, vector<16xf32>,
        %parallel_loop3A_499 = arith.constant 11 : i32
        %parallel_loop3A_500 = arith.index_cast %parallel_loop3A_499 : i32 to index
        %parallel_loop3A_501 = arith.index_cast %parallel_loop3A_354 : i32 to index
        %parallel_loop3A_502 = tpu.vector_load %arg10[%parallel_loop3A_500, %parallel_loop3A_501] {strides = array<i32>} : memref<20x128xf32, #tpu.memory_space<vmem>>, vector<16xf32>,
        %parallel_loop3A_503 = arith.constant 12 : i32
        %parallel_loop3A_504 = arith.index_cast %parallel_loop3A_503 : i32 to index
        %parallel_loop3A_505 = arith.index_cast %parallel_loop3A_354 : i32 to index
        %parallel_loop3A_506 = tpu.vector_load %arg10[%parallel_loop3A_504, %parallel_loop3A_505] {strides = array<i32>} : memref<20x128xf32, #tpu.memory_space<vmem>>, vector<16xf32>,
        %parallel_loop3A_507 = arith.constant 13 : i32
        %parallel_loop3A_508 = arith.index_cast %parallel_loop3A_507 : i32 to index
        %parallel_loop3A_509 = arith.index_cast %parallel_loop3A_354 : i32 to index
        %parallel_loop3A_510 = tpu.vector_load %arg10[%parallel_loop3A_508, %parallel_loop3A_509] {strides = array<i32>} : memref<20x128xf32, #tpu.memory_space<vmem>>, vector<16xf32>,
        %parallel_loop3A_511 = arith.constant 14 : i32
        %parallel_loop3A_512 = arith.index_cast %parallel_loop3A_511 : i32 to index
        %parallel_loop3A_513 = arith.index_cast %parallel_loop3A_354 : i32 to index
        %parallel_loop3A_514 = tpu.vector_load %arg10[%parallel_loop3A_512, %parallel_loop3A_513] {strides = array<i32>} : memref<20x128xf32, #tpu.memory_space<vmem>>, vector<16xf32>,
        %parallel_loop3A_515 = arith.constant 15 : i32
        %parallel_loop3A_516 = arith.index_cast %parallel_loop3A_515 : i32 to index
        %parallel_loop3A_517 = arith.index_cast %parallel_loop3A_354 : i32 to index
        %parallel_loop3A_518 = tpu.vector_load %arg10[%parallel_loop3A_516, %parallel_loop3A_517] {strides = array<i32>} : memref<20x128xf32, #tpu.memory_space<vmem>>, vector<16xf32>,
        %parallel_loop3A_519 = arith.constant 16 : i32
        %parallel_loop3A_520 = arith.index_cast %parallel_loop3A_519 : i32 to index
        %parallel_loop3A_521 = arith.index_cast %parallel_loop3A_354 : i32 to index
        %parallel_loop3A_522 = tpu.vector_load %arg10[%parallel_loop3A_520, %parallel_loop3A_521] {strides = array<i32>} : memref<20x128xf32, #tpu.memory_space<vmem>>, vector<16xf32>,
        %parallel_loop3A_523 = arith.constant 17 : i32
        %parallel_loop3A_524 = arith.index_cast %parallel_loop3A_523 : i32 to index
        %parallel_loop3A_525 = arith.index_cast %parallel_loop3A_354 : i32 to index
        %parallel_loop3A_526 = tpu.vector_load %arg10[%parallel_loop3A_524, %parallel_loop3A_525] {strides = array<i32>} : memref<20x128xf32, #tpu.memory_space<vmem>>, vector<16xf32>,
        %parallel_loop3A_527 = arith.constant 18 : i32
        %parallel_loop3A_528 = arith.index_cast %parallel_loop3A_527 : i32 to index
        %parallel_loop3A_529 = arith.index_cast %parallel_loop3A_354 : i32 to index
        %parallel_loop3A_530 = tpu.vector_load %arg10[%parallel_loop3A_528, %parallel_loop3A_529] {strides = array<i32>} : memref<20x128xf32, #tpu.memory_space<vmem>>, vector<16xf32>,
        %parallel_loop3A_531 = arith.constant 19 : i32
        %parallel_loop3A_532 = arith.index_cast %parallel_loop3A_531 : i32 to index
        %parallel_loop3A_533 = arith.index_cast %parallel_loop3A_354 : i32 to index
        %parallel_loop3A_534 = tpu.vector_load %arg10[%parallel_loop3A_532, %parallel_loop3A_533] {strides = array<i32>} : memref<20x128xf32, #tpu.memory_space<vmem>>, vector<16xf32>,
        %parallel_loop3A_535 = arith.mulf %parallel_loop3A_435, %parallel_loop3A_458 : vector<16xf32>
        %parallel_loop3A_536 = arith.mulf %parallel_loop3A_436, %parallel_loop3A_462 : vector<16xf32>
        %parallel_loop3A_537 = arith.mulf %parallel_loop3A_437, %parallel_loop3A_466 : vector<16xf32>
        %parallel_loop3A_538 = arith.mulf %parallel_loop3A_438, %parallel_loop3A_470 : vector<16xf32>
        %parallel_loop3A_539 = arith.mulf %parallel_loop3A_439, %parallel_loop3A_474 : vector<16xf32>
        %parallel_loop3A_540 = arith.mulf %parallel_loop3A_440, %parallel_loop3A_478 : vector<16xf32>
        %parallel_loop3A_541 = arith.mulf %parallel_loop3A_441, %parallel_loop3A_482 : vector<16xf32>
        %parallel_loop3A_542 = arith.mulf %parallel_loop3A_442, %parallel_loop3A_486 : vector<16xf32>
        %parallel_loop3A_543 = arith.mulf %parallel_loop3A_443, %parallel_loop3A_490 : vector<16xf32>
        %parallel_loop3A_544 = arith.mulf %parallel_loop3A_444, %parallel_loop3A_494 : vector<16xf32>
        %parallel_loop3A_545 = arith.mulf %parallel_loop3A_445, %parallel_loop3A_498 : vector<16xf32>
        %parallel_loop3A_546 = arith.mulf %parallel_loop3A_446, %parallel_loop3A_502 : vector<16xf32>
        %parallel_loop3A_547 = arith.mulf %parallel_loop3A_447, %parallel_loop3A_506 : vector<16xf32>
        %parallel_loop3A_548 = arith.mulf %parallel_loop3A_448, %parallel_loop3A_510 : vector<16xf32>
        %parallel_loop3A_549 = arith.mulf %parallel_loop3A_449, %parallel_loop3A_514 : vector<16xf32>
        %parallel_loop3A_550 = arith.mulf %parallel_loop3A_450, %parallel_loop3A_518 : vector<16xf32>
        %parallel_loop3A_551 = arith.mulf %parallel_loop3A_451, %parallel_loop3A_522 : vector<16xf32>
        %parallel_loop3A_552 = arith.mulf %parallel_loop3A_452, %parallel_loop3A_526 : vector<16xf32>
        %parallel_loop3A_553 = arith.mulf %parallel_loop3A_453, %parallel_loop3A_530 : vector<16xf32>
        %parallel_loop3A_554 = arith.mulf %parallel_loop3A_454, %parallel_loop3A_534 : vector<16xf32>
        %parallel_loop3A_555 = arith.addf %parallel_loop3A_535, %parallel_loop3A_536 : vector<16xf32>
        %parallel_loop3A_556 = arith.addf %parallel_loop3A_537, %parallel_loop3A_538 : vector<16xf32>
        %parallel_loop3A_557 = arith.addf %parallel_loop3A_539, %parallel_loop3A_540 : vector<16xf32>
        %parallel_loop3A_558 = arith.addf %parallel_loop3A_541, %parallel_loop3A_542 : vector<16xf32>
        %parallel_loop3A_559 = arith.addf %parallel_loop3A_543, %parallel_loop3A_544 : vector<16xf32>
        %parallel_loop3A_560 = arith.addf %parallel_loop3A_545, %parallel_loop3A_546 : vector<16xf32>
        %parallel_loop3A_561 = arith.addf %parallel_loop3A_547, %parallel_loop3A_548 : vector<16xf32>
        %parallel_loop3A_562 = arith.addf %parallel_loop3A_549, %parallel_loop3A_550 : vector<16xf32>
        %parallel_loop3A_563 = arith.addf %parallel_loop3A_551, %parallel_loop3A_552 : vector<16xf32>
        %parallel_loop3A_564 = arith.addf %parallel_loop3A_553, %parallel_loop3A_554 : vector<16xf32>
        %parallel_loop3A_565 = arith.addf %parallel_loop3A_555, %parallel_loop3A_556 : vector<16xf32>
        %parallel_loop3A_566 = arith.addf %parallel_loop3A_557, %parallel_loop3A_558 : vector<16xf32>
        %parallel_loop3A_567 = arith.addf %parallel_loop3A_559, %parallel_loop3A_560 : vector<16xf32>
        %parallel_loop3A_568 = arith.addf %parallel_loop3A_561, %parallel_loop3A_562 : vector<16xf32>
        %parallel_loop3A_569 = arith.addf %parallel_loop3A_563, %parallel_loop3A_564 : vector<16xf32>
        %parallel_loop3A_570 = arith.addf %parallel_loop3A_565, %parallel_loop3A_566 : vector<16xf32>
        %parallel_loop3A_571 = arith.addf %parallel_loop3A_567, %parallel_loop3A_568 : vector<16xf32>
        %parallel_loop3A_572 = arith.addf %parallel_loop3A_570, %parallel_loop3A_571 : vector<16xf32>
        %parallel_loop3A_573 = arith.addf %parallel_loop3A_572, %parallel_loop3A_569 : vector<16xf32>
        %parallel_loop3A_574 = arith.constant 128 : i32
        %parallel_loop3A_575 = arith.muli %mul3A_300, %parallel_loop3A_574 : i32
        %parallel_loop3A_576 = arith.constant 16 : i32
        %parallel_loop3A_577 = arith.muli %parallel_loop3A_351, %parallel_loop3A_576 : i32
        %parallel_loop3A_578 = arith.addi %parallel_loop3A_575, %parallel_loop3A_577 : i32
        %parallel_loop3A_579 = tpu.assume_multiple %parallel_loop3A_578, 16 : i32
        %parallel_loop3A_580 = arith.index_cast %parallel_loop3A_579 : i32 to index
        %parallel_loop3A_581 = tpu.vector_load %arg12[%parallel_loop3A_580] {strides = array<i32>} : memref<4096xf32, #tpu.memory_space<vmem>>, vector<16xf32>,
        tpu.vector_store %arg12[%parallel_loop3A_580], %parallel_loop3A_573 {strides = array<i32>} : memref<4096xf32, #tpu.memory_space<vmem>>, vector<16xf32>,
      } {sc.loop_unroll_factor = 2 : i64, sc.parallel_access}
      %lt3A = arith.constant 15 : i32
      %lt3A_320 = arith.cmpi slt, %scan3A_298, %lt3A : i32
      %convert_element_type3A = arith.extui %lt3A_320 : i1 to i32
      %cond3A = arith.constant 0 : i32
      %cond3A_321 = arith.cmpi ne, %convert_element_type3A, %cond3A : i32
      scf.if %cond3A_321 {
        %add3A_351 = arith.constant 2 : i32
        %add3A_352 = arith.addi %mul3A_300, %add3A_351 : i32
        %dma_start3A_353 = arith.constant 2 : i32
        %dma_start3A_354 = arith.constant 0 : i32
        %dma_start3A_355 = arith.constant 0 : i32
        %dma_start3A_356 = tpu.memref_slice %arg4[%dma_start3A_353, %add3A_352, %dma_start3A_354, %dma_start3A_355] : memref<3x32x20x128xi32, #tpu.memory_space<hbm>> -> memref<1x1x20x128xi32, #tpu.memory_space<hbm>>
        %dma_start3A_357 = tpu.memref_squeeze %dma_start3A_356 : memref<1x1x20x128xi32, #tpu.memory_space<hbm>> -> memref<20x128xi32, #tpu.memory_space<hbm>>
        %dma_start3A_358 = arith.constant 0 : i32
        %dma_start3A_359 = arith.constant 0 : i32
        %dma_start3A_360 = tpu.memref_slice %arg4[%dma_start3A_353, %add3A_352, %dma_start3A_358, %dma_start3A_359] : memref<3x32x20x128xi32, #tpu.memory_space<hbm>> -> memref<1x1x20x128xi32, #tpu.memory_space<hbm>>
        %dma_start3A_361 = tpu.memref_squeeze %dma_start3A_360 : memref<1x1x20x128xi32, #tpu.memory_space<hbm>> -> memref<20x128xi32, #tpu.memory_space<hbm>>
        tpu.enqueue_dma source(%dma_start3A_361 : memref<20x128xi32, #tpu.memory_space<hbm>>) target(%arg8 : memref<20x128xi32, #tpu.memory_space<vmem>>) target_semaphore(%arg14 : memref<!tpu.dma_semaphore, #tpu.memory_space<semaphore_mem>>)
        %dma_start3A_362 = arith.constant 0 : i32
        %dma_start3A_363 = arith.constant 0 : i32
        %dma_start3A_364 = tpu.memref_slice %arg5[%add3A_352, %dma_start3A_362, %dma_start3A_363] : memref<32x20x128xf32, #tpu.memory_space<hbm>> -> memref<1x20x128xf32, #tpu.memory_space<hbm>>
        %dma_start3A_365 = tpu.memref_squeeze %dma_start3A_364 : memref<1x20x128xf32, #tpu.memory_space<hbm>> -> memref<20x128xf32, #tpu.memory_space<hbm>>
        %dma_start3A_366 = arith.constant 0 : i32
        %dma_start3A_367 = arith.constant 0 : i32
        %dma_start3A_368 = tpu.memref_slice %arg5[%add3A_352, %dma_start3A_366, %dma_start3A_367] : memref<32x20x128xf32, #tpu.memory_space<hbm>> -> memref<1x20x128xf32, #tpu.memory_space<hbm>>
        %dma_start3A_369 = tpu.memref_squeeze %dma_start3A_368 : memref<1x20x128xf32, #tpu.memory_space<hbm>> -> memref<20x128xf32, #tpu.memory_space<hbm>>
        tpu.enqueue_dma source(%dma_start3A_369 : memref<20x128xf32, #tpu.memory_space<hbm>>) target(%arg10 : memref<20x128xf32, #tpu.memory_space<vmem>>) target_semaphore(%arg14 : memref<!tpu.dma_semaphore, #tpu.memory_space<semaphore_mem>>)
      } else {
      }
      %add3A_322 = arith.constant 1 : i32
      %add3A_323 = arith.addi %mul3A_300, %add3A_322 : i32
      %dma_wait3A_324 = arith.constant 2 : i32
      %dma_wait3A_325 = arith.constant 0 : i32
      %dma_wait3A_326 = arith.constant 0 : i32
      %dma_wait3A_327 = tpu.memref_slice %arg4[%dma_wait3A_324, %add3A_323, %dma_wait3A_325, %dma_wait3A_326] : memref<3x32x20x128xi32, #tpu.memory_space<hbm>> -> memref<1x1x20x128xi32, #tpu.memory_space<hbm>>
      %dma_wait3A_328 = tpu.memref_squeeze %dma_wait3A_327 : memref<1x1x20x128xi32, #tpu.memory_space<hbm>> -> memref<20x128xi32, #tpu.memory_space<hbm>>
      %dma_wait3A_329 = arith.constant 0 : i32
      %dma_wait3A_330 = arith.constant 0 : i32
      %dma_wait3A_331 = tpu.memref_slice %arg4[%dma_wait3A_324, %add3A_323, %dma_wait3A_329, %dma_wait3A_330] : memref<3x32x20x128xi32, #tpu.memory_space<hbm>> -> memref<1x1x20x128xi32, #tpu.memory_space<hbm>>
      %dma_wait3A_332 = tpu.memref_squeeze %dma_wait3A_331 : memref<1x1x20x128xi32, #tpu.memory_space<hbm>> -> memref<20x128xi32, #tpu.memory_space<hbm>>
      tpu.wait_dma2 semaphore(%arg15 : memref<!tpu.dma_semaphore, #tpu.memory_space<semaphore_mem>>) src(%dma_wait3A_332 : memref<20x128xi32, #tpu.memory_space<hbm>>) dst(%arg9 : memref<20x128xi32, #tpu.memory_space<vmem>>)
      %dma_wait3A_333 = arith.constant 0 : i32
      %dma_wait3A_334 = arith.constant 0 : i32
      %dma_wait3A_335 = tpu.memref_slice %arg5[%add3A_323, %dma_wait3A_333, %dma_wait3A_334] : memref<32x20x128xf32, #tpu.memory_space<hbm>> -> memref<1x20x128xf32, #tpu.memory_space<hbm>>
      %dma_wait3A_336 = tpu.memref_squeeze %dma_wait3A_335 : memref<1x20x128xf32, #tpu.memory_space<hbm>> -> memref<20x128xf32, #tpu.memory_space<hbm>>
      %dma_wait3A_337 = arith.constant 0 : i32
      %dma_wait3A_338 = arith.constant 0 : i32
      %dma_wait3A_339 = tpu.memref_slice %arg5[%add3A_323, %dma_wait3A_337, %dma_wait3A_338] : memref<32x20x128xf32, #tpu.memory_space<hbm>> -> memref<1x20x128xf32, #tpu.memory_space<hbm>>
      %dma_wait3A_340 = tpu.memref_squeeze %dma_wait3A_339 : memref<1x20x128xf32, #tpu.memory_space<hbm>> -> memref<20x128xf32, #tpu.memory_space<hbm>>
      tpu.wait_dma2 semaphore(%arg15 : memref<!tpu.dma_semaphore, #tpu.memory_space<semaphore_mem>>) src(%dma_wait3A_340 : memref<20x128xf32, #tpu.memory_space<hbm>>) dst(%arg11 : memref<20x128xf32, #tpu.memory_space<vmem>>)
      %add3A_341 = arith.constant 1 : i32
      %add3A_342 = arith.addi %mul3A_300, %add3A_341 : i32
      %parallel_loop3A_343 = arith.constant 0 : i32
      %parallel_loop3A_344 = arith.constant 8 : i32
      %parallel_loop3A_345 = arith.constant 1 : i32
      scf.for %parallel_loop3A_351 = %parallel_loop3A_343 to %parallel_loop3A_344 step %parallel_loop3A_345  : i32 {
        %parallel_loop3A_352 = arith.constant 16 : i32
        %parallel_loop3A_353 = arith.muli %parallel_loop3A_351, %parallel_loop3A_352 : i32
        %parallel_loop3A_354 = tpu.assume_multiple %parallel_loop3A_353, 16 : i32
        %parallel_loop3A_355 = arith.constant 0 : i32
        %parallel_loop3A_356 = arith.index_cast %parallel_loop3A_355 : i32 to index
        %parallel_loop3A_357 = arith.index_cast %parallel_loop3A_354 : i32 to index
        %parallel_loop3A_358 = tpu.vector_load %arg9[%parallel_loop3A_356, %parallel_loop3A_357] {strides = array<i32>} : memref<20x128xi32, #tpu.memory_space<vmem>>, vector<16xi32>,
        %parallel_loop3A_359 = arith.constant 1 : i32
        %parallel_loop3A_360 = arith.index_cast %parallel_loop3A_359 : i32 to index
        %parallel_loop3A_361 = arith.index_cast %parallel_loop3A_354 : i32 to index
        %parallel_loop3A_362 = tpu.vector_load %arg9[%parallel_loop3A_360, %parallel_loop3A_361] {strides = array<i32>} : memref<20x128xi32, #tpu.memory_space<vmem>>, vector<16xi32>,
        %parallel_loop3A_363 = arith.constant 2 : i32
        %parallel_loop3A_364 = arith.index_cast %parallel_loop3A_363 : i32 to index
        %parallel_loop3A_365 = arith.index_cast %parallel_loop3A_354 : i32 to index
        %parallel_loop3A_366 = tpu.vector_load %arg9[%parallel_loop3A_364, %parallel_loop3A_365] {strides = array<i32>} : memref<20x128xi32, #tpu.memory_space<vmem>>, vector<16xi32>,
        %parallel_loop3A_367 = arith.constant 3 : i32
        %parallel_loop3A_368 = arith.index_cast %parallel_loop3A_367 : i32 to index
        %parallel_loop3A_369 = arith.index_cast %parallel_loop3A_354 : i32 to index
        %parallel_loop3A_370 = tpu.vector_load %arg9[%parallel_loop3A_368, %parallel_loop3A_369] {strides = array<i32>} : memref<20x128xi32, #tpu.memory_space<vmem>>, vector<16xi32>,
        %parallel_loop3A_371 = arith.constant 4 : i32
        %parallel_loop3A_372 = arith.index_cast %parallel_loop3A_371 : i32 to index
        %parallel_loop3A_373 = arith.index_cast %parallel_loop3A_354 : i32 to index
        %parallel_loop3A_374 = tpu.vector_load %arg9[%parallel_loop3A_372, %parallel_loop3A_373] {strides = array<i32>} : memref<20x128xi32, #tpu.memory_space<vmem>>, vector<16xi32>,
        %parallel_loop3A_375 = arith.constant 5 : i32
        %parallel_loop3A_376 = arith.index_cast %parallel_loop3A_375 : i32 to index
        %parallel_loop3A_377 = arith.index_cast %parallel_loop3A_354 : i32 to index
        %parallel_loop3A_378 = tpu.vector_load %arg9[%parallel_loop3A_376, %parallel_loop3A_377] {strides = array<i32>} : memref<20x128xi32, #tpu.memory_space<vmem>>, vector<16xi32>,
        %parallel_loop3A_379 = arith.constant 6 : i32
        %parallel_loop3A_380 = arith.index_cast %parallel_loop3A_379 : i32 to index
        %parallel_loop3A_381 = arith.index_cast %parallel_loop3A_354 : i32 to index
        %parallel_loop3A_382 = tpu.vector_load %arg9[%parallel_loop3A_380, %parallel_loop3A_381] {strides = array<i32>} : memref<20x128xi32, #tpu.memory_space<vmem>>, vector<16xi32>,
        %parallel_loop3A_383 = arith.constant 7 : i32
        %parallel_loop3A_384 = arith.index_cast %parallel_loop3A_383 : i32 to index
        %parallel_loop3A_385 = arith.index_cast %parallel_loop3A_354 : i32 to index
        %parallel_loop3A_386 = tpu.vector_load %arg9[%parallel_loop3A_384, %parallel_loop3A_385] {strides = array<i32>} : memref<20x128xi32, #tpu.memory_space<vmem>>, vector<16xi32>,
        %parallel_loop3A_387 = arith.constant 8 : i32
        %parallel_loop3A_388 = arith.index_cast %parallel_loop3A_387 : i32 to index
        %parallel_loop3A_389 = arith.index_cast %parallel_loop3A_354 : i32 to index
        %parallel_loop3A_390 = tpu.vector_load %arg9[%parallel_loop3A_388, %parallel_loop3A_389] {strides = array<i32>} : memref<20x128xi32, #tpu.memory_space<vmem>>, vector<16xi32>,
        %parallel_loop3A_391 = arith.constant 9 : i32
        %parallel_loop3A_392 = arith.index_cast %parallel_loop3A_391 : i32 to index
        %parallel_loop3A_393 = arith.index_cast %parallel_loop3A_354 : i32 to index
        %parallel_loop3A_394 = tpu.vector_load %arg9[%parallel_loop3A_392, %parallel_loop3A_393] {strides = array<i32>} : memref<20x128xi32, #tpu.memory_space<vmem>>, vector<16xi32>,
        %parallel_loop3A_395 = arith.constant 10 : i32
        %parallel_loop3A_396 = arith.index_cast %parallel_loop3A_395 : i32 to index
        %parallel_loop3A_397 = arith.index_cast %parallel_loop3A_354 : i32 to index
        %parallel_loop3A_398 = tpu.vector_load %arg9[%parallel_loop3A_396, %parallel_loop3A_397] {strides = array<i32>} : memref<20x128xi32, #tpu.memory_space<vmem>>, vector<16xi32>,
        %parallel_loop3A_399 = arith.constant 11 : i32
        %parallel_loop3A_400 = arith.index_cast %parallel_loop3A_399 : i32 to index
        %parallel_loop3A_401 = arith.index_cast %parallel_loop3A_354 : i32 to index
        %parallel_loop3A_402 = tpu.vector_load %arg9[%parallel_loop3A_400, %parallel_loop3A_401] {strides = array<i32>} : memref<20x128xi32, #tpu.memory_space<vmem>>, vector<16xi32>,
        %parallel_loop3A_403 = arith.constant 12 : i32
        %parallel_loop3A_404 = arith.index_cast %parallel_loop3A_403 : i32 to index
        %parallel_loop3A_405 = arith.index_cast %parallel_loop3A_354 : i32 to index
        %parallel_loop3A_406 = tpu.vector_load %arg9[%parallel_loop3A_404, %parallel_loop3A_405] {strides = array<i32>} : memref<20x128xi32, #tpu.memory_space<vmem>>, vector<16xi32>,
        %parallel_loop3A_407 = arith.constant 13 : i32
        %parallel_loop3A_408 = arith.index_cast %parallel_loop3A_407 : i32 to index
        %parallel_loop3A_409 = arith.index_cast %parallel_loop3A_354 : i32 to index
        %parallel_loop3A_410 = tpu.vector_load %arg9[%parallel_loop3A_408, %parallel_loop3A_409] {strides = array<i32>} : memref<20x128xi32, #tpu.memory_space<vmem>>, vector<16xi32>,
        %parallel_loop3A_411 = arith.constant 14 : i32
        %parallel_loop3A_412 = arith.index_cast %parallel_loop3A_411 : i32 to index
        %parallel_loop3A_413 = arith.index_cast %parallel_loop3A_354 : i32 to index
        %parallel_loop3A_414 = tpu.vector_load %arg9[%parallel_loop3A_412, %parallel_loop3A_413] {strides = array<i32>} : memref<20x128xi32, #tpu.memory_space<vmem>>, vector<16xi32>,
        %parallel_loop3A_415 = arith.constant 15 : i32
        %parallel_loop3A_416 = arith.index_cast %parallel_loop3A_415 : i32 to index
        %parallel_loop3A_417 = arith.index_cast %parallel_loop3A_354 : i32 to index
        %parallel_loop3A_418 = tpu.vector_load %arg9[%parallel_loop3A_416, %parallel_loop3A_417] {strides = array<i32>} : memref<20x128xi32, #tpu.memory_space<vmem>>, vector<16xi32>,
        %parallel_loop3A_419 = arith.constant 16 : i32
        %parallel_loop3A_420 = arith.index_cast %parallel_loop3A_419 : i32 to index
        %parallel_loop3A_421 = arith.index_cast %parallel_loop3A_354 : i32 to index
        %parallel_loop3A_422 = tpu.vector_load %arg9[%parallel_loop3A_420, %parallel_loop3A_421] {strides = array<i32>} : memref<20x128xi32, #tpu.memory_space<vmem>>, vector<16xi32>,
        %parallel_loop3A_423 = arith.constant 17 : i32
        %parallel_loop3A_424 = arith.index_cast %parallel_loop3A_423 : i32 to index
        %parallel_loop3A_425 = arith.index_cast %parallel_loop3A_354 : i32 to index
        %parallel_loop3A_426 = tpu.vector_load %arg9[%parallel_loop3A_424, %parallel_loop3A_425] {strides = array<i32>} : memref<20x128xi32, #tpu.memory_space<vmem>>, vector<16xi32>,
        %parallel_loop3A_427 = arith.constant 18 : i32
        %parallel_loop3A_428 = arith.index_cast %parallel_loop3A_427 : i32 to index
        %parallel_loop3A_429 = arith.index_cast %parallel_loop3A_354 : i32 to index
        %parallel_loop3A_430 = tpu.vector_load %arg9[%parallel_loop3A_428, %parallel_loop3A_429] {strides = array<i32>} : memref<20x128xi32, #tpu.memory_space<vmem>>, vector<16xi32>,
        %parallel_loop3A_431 = arith.constant 19 : i32
        %parallel_loop3A_432 = arith.index_cast %parallel_loop3A_431 : i32 to index
        %parallel_loop3A_433 = arith.index_cast %parallel_loop3A_354 : i32 to index
        %parallel_loop3A_434 = tpu.vector_load %arg9[%parallel_loop3A_432, %parallel_loop3A_433] {strides = array<i32>} : memref<20x128xi32, #tpu.memory_space<vmem>>, vector<16xi32>,
        %parallel_loop3A_435 = tpu.vector_load_idx %arg7[%parallel_loop3A_358] : memref<100000xf32, #tpu.memory_space<vmem>>[vector<16xi32>], vector<16xf32>,
        %parallel_loop3A_436 = tpu.vector_load_idx %arg7[%parallel_loop3A_362] : memref<100000xf32, #tpu.memory_space<vmem>>[vector<16xi32>], vector<16xf32>,
        %parallel_loop3A_437 = tpu.vector_load_idx %arg7[%parallel_loop3A_366] : memref<100000xf32, #tpu.memory_space<vmem>>[vector<16xi32>], vector<16xf32>,
        %parallel_loop3A_438 = tpu.vector_load_idx %arg7[%parallel_loop3A_370] : memref<100000xf32, #tpu.memory_space<vmem>>[vector<16xi32>], vector<16xf32>,
        %parallel_loop3A_439 = tpu.vector_load_idx %arg7[%parallel_loop3A_374] : memref<100000xf32, #tpu.memory_space<vmem>>[vector<16xi32>], vector<16xf32>,
        %parallel_loop3A_440 = tpu.vector_load_idx %arg7[%parallel_loop3A_378] : memref<100000xf32, #tpu.memory_space<vmem>>[vector<16xi32>], vector<16xf32>,
        %parallel_loop3A_441 = tpu.vector_load_idx %arg7[%parallel_loop3A_382] : memref<100000xf32, #tpu.memory_space<vmem>>[vector<16xi32>], vector<16xf32>,
        %parallel_loop3A_442 = tpu.vector_load_idx %arg7[%parallel_loop3A_386] : memref<100000xf32, #tpu.memory_space<vmem>>[vector<16xi32>], vector<16xf32>,
        %parallel_loop3A_443 = tpu.vector_load_idx %arg7[%parallel_loop3A_390] : memref<100000xf32, #tpu.memory_space<vmem>>[vector<16xi32>], vector<16xf32>,
        %parallel_loop3A_444 = tpu.vector_load_idx %arg7[%parallel_loop3A_394] : memref<100000xf32, #tpu.memory_space<vmem>>[vector<16xi32>], vector<16xf32>,
        %parallel_loop3A_445 = tpu.vector_load_idx %arg7[%parallel_loop3A_398] : memref<100000xf32, #tpu.memory_space<vmem>>[vector<16xi32>], vector<16xf32>,
        %parallel_loop3A_446 = tpu.vector_load_idx %arg7[%parallel_loop3A_402] : memref<100000xf32, #tpu.memory_space<vmem>>[vector<16xi32>], vector<16xf32>,
        %parallel_loop3A_447 = tpu.vector_load_idx %arg7[%parallel_loop3A_406] : memref<100000xf32, #tpu.memory_space<vmem>>[vector<16xi32>], vector<16xf32>,
        %parallel_loop3A_448 = tpu.vector_load_idx %arg7[%parallel_loop3A_410] : memref<100000xf32, #tpu.memory_space<vmem>>[vector<16xi32>], vector<16xf32>,
        %parallel_loop3A_449 = tpu.vector_load_idx %arg7[%parallel_loop3A_414] : memref<100000xf32, #tpu.memory_space<vmem>>[vector<16xi32>], vector<16xf32>,
        %parallel_loop3A_450 = tpu.vector_load_idx %arg7[%parallel_loop3A_418] : memref<100000xf32, #tpu.memory_space<vmem>>[vector<16xi32>], vector<16xf32>,
        %parallel_loop3A_451 = tpu.vector_load_idx %arg7[%parallel_loop3A_422] : memref<100000xf32, #tpu.memory_space<vmem>>[vector<16xi32>], vector<16xf32>,
        %parallel_loop3A_452 = tpu.vector_load_idx %arg7[%parallel_loop3A_426] : memref<100000xf32, #tpu.memory_space<vmem>>[vector<16xi32>], vector<16xf32>,
        %parallel_loop3A_453 = tpu.vector_load_idx %arg7[%parallel_loop3A_430] : memref<100000xf32, #tpu.memory_space<vmem>>[vector<16xi32>], vector<16xf32>,
        %parallel_loop3A_454 = tpu.vector_load_idx %arg7[%parallel_loop3A_434] : memref<100000xf32, #tpu.memory_space<vmem>>[vector<16xi32>], vector<16xf32>,
        %parallel_loop3A_455 = arith.constant 0 : i32
        %parallel_loop3A_456 = arith.index_cast %parallel_loop3A_455 : i32 to index
        %parallel_loop3A_457 = arith.index_cast %parallel_loop3A_354 : i32 to index
        %parallel_loop3A_458 = tpu.vector_load %arg11[%parallel_loop3A_456, %parallel_loop3A_457] {strides = array<i32>} : memref<20x128xf32, #tpu.memory_space<vmem>>, vector<16xf32>,
        %parallel_loop3A_459 = arith.constant 1 : i32
        %parallel_loop3A_460 = arith.index_cast %parallel_loop3A_459 : i32 to index
        %parallel_loop3A_461 = arith.index_cast %parallel_loop3A_354 : i32 to index
        %parallel_loop3A_462 = tpu.vector_load %arg11[%parallel_loop3A_460, %parallel_loop3A_461] {strides = array<i32>} : memref<20x128xf32, #tpu.memory_space<vmem>>, vector<16xf32>,
        %parallel_loop3A_463 = arith.constant 2 : i32
        %parallel_loop3A_464 = arith.index_cast %parallel_loop3A_463 : i32 to index
        %parallel_loop3A_465 = arith.index_cast %parallel_loop3A_354 : i32 to index
        %parallel_loop3A_466 = tpu.vector_load %arg11[%parallel_loop3A_464, %parallel_loop3A_465] {strides = array<i32>} : memref<20x128xf32, #tpu.memory_space<vmem>>, vector<16xf32>,
        %parallel_loop3A_467 = arith.constant 3 : i32
        %parallel_loop3A_468 = arith.index_cast %parallel_loop3A_467 : i32 to index
        %parallel_loop3A_469 = arith.index_cast %parallel_loop3A_354 : i32 to index
        %parallel_loop3A_470 = tpu.vector_load %arg11[%parallel_loop3A_468, %parallel_loop3A_469] {strides = array<i32>} : memref<20x128xf32, #tpu.memory_space<vmem>>, vector<16xf32>,
        %parallel_loop3A_471 = arith.constant 4 : i32
        %parallel_loop3A_472 = arith.index_cast %parallel_loop3A_471 : i32 to index
        %parallel_loop3A_473 = arith.index_cast %parallel_loop3A_354 : i32 to index
        %parallel_loop3A_474 = tpu.vector_load %arg11[%parallel_loop3A_472, %parallel_loop3A_473] {strides = array<i32>} : memref<20x128xf32, #tpu.memory_space<vmem>>, vector<16xf32>,
        %parallel_loop3A_475 = arith.constant 5 : i32
        %parallel_loop3A_476 = arith.index_cast %parallel_loop3A_475 : i32 to index
        %parallel_loop3A_477 = arith.index_cast %parallel_loop3A_354 : i32 to index
        %parallel_loop3A_478 = tpu.vector_load %arg11[%parallel_loop3A_476, %parallel_loop3A_477] {strides = array<i32>} : memref<20x128xf32, #tpu.memory_space<vmem>>, vector<16xf32>,
        %parallel_loop3A_479 = arith.constant 6 : i32
        %parallel_loop3A_480 = arith.index_cast %parallel_loop3A_479 : i32 to index
        %parallel_loop3A_481 = arith.index_cast %parallel_loop3A_354 : i32 to index
        %parallel_loop3A_482 = tpu.vector_load %arg11[%parallel_loop3A_480, %parallel_loop3A_481] {strides = array<i32>} : memref<20x128xf32, #tpu.memory_space<vmem>>, vector<16xf32>,
        %parallel_loop3A_483 = arith.constant 7 : i32
        %parallel_loop3A_484 = arith.index_cast %parallel_loop3A_483 : i32 to index
        %parallel_loop3A_485 = arith.index_cast %parallel_loop3A_354 : i32 to index
        %parallel_loop3A_486 = tpu.vector_load %arg11[%parallel_loop3A_484, %parallel_loop3A_485] {strides = array<i32>} : memref<20x128xf32, #tpu.memory_space<vmem>>, vector<16xf32>,
        %parallel_loop3A_487 = arith.constant 8 : i32
        %parallel_loop3A_488 = arith.index_cast %parallel_loop3A_487 : i32 to index
        %parallel_loop3A_489 = arith.index_cast %parallel_loop3A_354 : i32 to index
        %parallel_loop3A_490 = tpu.vector_load %arg11[%parallel_loop3A_488, %parallel_loop3A_489] {strides = array<i32>} : memref<20x128xf32, #tpu.memory_space<vmem>>, vector<16xf32>,
        %parallel_loop3A_491 = arith.constant 9 : i32
        %parallel_loop3A_492 = arith.index_cast %parallel_loop3A_491 : i32 to index
        %parallel_loop3A_493 = arith.index_cast %parallel_loop3A_354 : i32 to index
        %parallel_loop3A_494 = tpu.vector_load %arg11[%parallel_loop3A_492, %parallel_loop3A_493] {strides = array<i32>} : memref<20x128xf32, #tpu.memory_space<vmem>>, vector<16xf32>,
        %parallel_loop3A_495 = arith.constant 10 : i32
        %parallel_loop3A_496 = arith.index_cast %parallel_loop3A_495 : i32 to index
        %parallel_loop3A_497 = arith.index_cast %parallel_loop3A_354 : i32 to index
        %parallel_loop3A_498 = tpu.vector_load %arg11[%parallel_loop3A_496, %parallel_loop3A_497] {strides = array<i32>} : memref<20x128xf32, #tpu.memory_space<vmem>>, vector<16xf32>,
        %parallel_loop3A_499 = arith.constant 11 : i32
        %parallel_loop3A_500 = arith.index_cast %parallel_loop3A_499 : i32 to index
        %parallel_loop3A_501 = arith.index_cast %parallel_loop3A_354 : i32 to index
        %parallel_loop3A_502 = tpu.vector_load %arg11[%parallel_loop3A_500, %parallel_loop3A_501] {strides = array<i32>} : memref<20x128xf32, #tpu.memory_space<vmem>>, vector<16xf32>,
        %parallel_loop3A_503 = arith.constant 12 : i32
        %parallel_loop3A_504 = arith.index_cast %parallel_loop3A_503 : i32 to index
        %parallel_loop3A_505 = arith.index_cast %parallel_loop3A_354 : i32 to index
        %parallel_loop3A_506 = tpu.vector_load %arg11[%parallel_loop3A_504, %parallel_loop3A_505] {strides = array<i32>} : memref<20x128xf32, #tpu.memory_space<vmem>>, vector<16xf32>,
        %parallel_loop3A_507 = arith.constant 13 : i32
        %parallel_loop3A_508 = arith.index_cast %parallel_loop3A_507 : i32 to index
        %parallel_loop3A_509 = arith.index_cast %parallel_loop3A_354 : i32 to index
        %parallel_loop3A_510 = tpu.vector_load %arg11[%parallel_loop3A_508, %parallel_loop3A_509] {strides = array<i32>} : memref<20x128xf32, #tpu.memory_space<vmem>>, vector<16xf32>,
        %parallel_loop3A_511 = arith.constant 14 : i32
        %parallel_loop3A_512 = arith.index_cast %parallel_loop3A_511 : i32 to index
        %parallel_loop3A_513 = arith.index_cast %parallel_loop3A_354 : i32 to index
        %parallel_loop3A_514 = tpu.vector_load %arg11[%parallel_loop3A_512, %parallel_loop3A_513] {strides = array<i32>} : memref<20x128xf32, #tpu.memory_space<vmem>>, vector<16xf32>,
        %parallel_loop3A_515 = arith.constant 15 : i32
        %parallel_loop3A_516 = arith.index_cast %parallel_loop3A_515 : i32 to index
        %parallel_loop3A_517 = arith.index_cast %parallel_loop3A_354 : i32 to index
        %parallel_loop3A_518 = tpu.vector_load %arg11[%parallel_loop3A_516, %parallel_loop3A_517] {strides = array<i32>} : memref<20x128xf32, #tpu.memory_space<vmem>>, vector<16xf32>,
        %parallel_loop3A_519 = arith.constant 16 : i32
        %parallel_loop3A_520 = arith.index_cast %parallel_loop3A_519 : i32 to index
        %parallel_loop3A_521 = arith.index_cast %parallel_loop3A_354 : i32 to index
        %parallel_loop3A_522 = tpu.vector_load %arg11[%parallel_loop3A_520, %parallel_loop3A_521] {strides = array<i32>} : memref<20x128xf32, #tpu.memory_space<vmem>>, vector<16xf32>,
        %parallel_loop3A_523 = arith.constant 17 : i32
        %parallel_loop3A_524 = arith.index_cast %parallel_loop3A_523 : i32 to index
        %parallel_loop3A_525 = arith.index_cast %parallel_loop3A_354 : i32 to index
        %parallel_loop3A_526 = tpu.vector_load %arg11[%parallel_loop3A_524, %parallel_loop3A_525] {strides = array<i32>} : memref<20x128xf32, #tpu.memory_space<vmem>>, vector<16xf32>,
        %parallel_loop3A_527 = arith.constant 18 : i32
        %parallel_loop3A_528 = arith.index_cast %parallel_loop3A_527 : i32 to index
        %parallel_loop3A_529 = arith.index_cast %parallel_loop3A_354 : i32 to index
        %parallel_loop3A_530 = tpu.vector_load %arg11[%parallel_loop3A_528, %parallel_loop3A_529] {strides = array<i32>} : memref<20x128xf32, #tpu.memory_space<vmem>>, vector<16xf32>,
        %parallel_loop3A_531 = arith.constant 19 : i32
        %parallel_loop3A_532 = arith.index_cast %parallel_loop3A_531 : i32 to index
        %parallel_loop3A_533 = arith.index_cast %parallel_loop3A_354 : i32 to index
        %parallel_loop3A_534 = tpu.vector_load %arg11[%parallel_loop3A_532, %parallel_loop3A_533] {strides = array<i32>} : memref<20x128xf32, #tpu.memory_space<vmem>>, vector<16xf32>,
        %parallel_loop3A_535 = arith.mulf %parallel_loop3A_435, %parallel_loop3A_458 : vector<16xf32>
        %parallel_loop3A_536 = arith.mulf %parallel_loop3A_436, %parallel_loop3A_462 : vector<16xf32>
        %parallel_loop3A_537 = arith.mulf %parallel_loop3A_437, %parallel_loop3A_466 : vector<16xf32>
        %parallel_loop3A_538 = arith.mulf %parallel_loop3A_438, %parallel_loop3A_470 : vector<16xf32>
        %parallel_loop3A_539 = arith.mulf %parallel_loop3A_439, %parallel_loop3A_474 : vector<16xf32>
        %parallel_loop3A_540 = arith.mulf %parallel_loop3A_440, %parallel_loop3A_478 : vector<16xf32>
        %parallel_loop3A_541 = arith.mulf %parallel_loop3A_441, %parallel_loop3A_482 : vector<16xf32>
        %parallel_loop3A_542 = arith.mulf %parallel_loop3A_442, %parallel_loop3A_486 : vector<16xf32>
        %parallel_loop3A_543 = arith.mulf %parallel_loop3A_443, %parallel_loop3A_490 : vector<16xf32>
        %parallel_loop3A_544 = arith.mulf %parallel_loop3A_444, %parallel_loop3A_494 : vector<16xf32>
        %parallel_loop3A_545 = arith.mulf %parallel_loop3A_445, %parallel_loop3A_498 : vector<16xf32>
        %parallel_loop3A_546 = arith.mulf %parallel_loop3A_446, %parallel_loop3A_502 : vector<16xf32>
        %parallel_loop3A_547 = arith.mulf %parallel_loop3A_447, %parallel_loop3A_506 : vector<16xf32>
        %parallel_loop3A_548 = arith.mulf %parallel_loop3A_448, %parallel_loop3A_510 : vector<16xf32>
        %parallel_loop3A_549 = arith.mulf %parallel_loop3A_449, %parallel_loop3A_514 : vector<16xf32>
        %parallel_loop3A_550 = arith.mulf %parallel_loop3A_450, %parallel_loop3A_518 : vector<16xf32>
        %parallel_loop3A_551 = arith.mulf %parallel_loop3A_451, %parallel_loop3A_522 : vector<16xf32>
        %parallel_loop3A_552 = arith.mulf %parallel_loop3A_452, %parallel_loop3A_526 : vector<16xf32>
        %parallel_loop3A_553 = arith.mulf %parallel_loop3A_453, %parallel_loop3A_530 : vector<16xf32>
        %parallel_loop3A_554 = arith.mulf %parallel_loop3A_454, %parallel_loop3A_534 : vector<16xf32>
        %parallel_loop3A_555 = arith.addf %parallel_loop3A_535, %parallel_loop3A_536 : vector<16xf32>
        %parallel_loop3A_556 = arith.addf %parallel_loop3A_537, %parallel_loop3A_538 : vector<16xf32>
        %parallel_loop3A_557 = arith.addf %parallel_loop3A_539, %parallel_loop3A_540 : vector<16xf32>
        %parallel_loop3A_558 = arith.addf %parallel_loop3A_541, %parallel_loop3A_542 : vector<16xf32>
        %parallel_loop3A_559 = arith.addf %parallel_loop3A_543, %parallel_loop3A_544 : vector<16xf32>
        %parallel_loop3A_560 = arith.addf %parallel_loop3A_545, %parallel_loop3A_546 : vector<16xf32>
        %parallel_loop3A_561 = arith.addf %parallel_loop3A_547, %parallel_loop3A_548 : vector<16xf32>
        %parallel_loop3A_562 = arith.addf %parallel_loop3A_549, %parallel_loop3A_550 : vector<16xf32>
        %parallel_loop3A_563 = arith.addf %parallel_loop3A_551, %parallel_loop3A_552 : vector<16xf32>
        %parallel_loop3A_564 = arith.addf %parallel_loop3A_553, %parallel_loop3A_554 : vector<16xf32>
        %parallel_loop3A_565 = arith.addf %parallel_loop3A_555, %parallel_loop3A_556 : vector<16xf32>
        %parallel_loop3A_566 = arith.addf %parallel_loop3A_557, %parallel_loop3A_558 : vector<16xf32>
        %parallel_loop3A_567 = arith.addf %parallel_loop3A_559, %parallel_loop3A_560 : vector<16xf32>
        %parallel_loop3A_568 = arith.addf %parallel_loop3A_561, %parallel_loop3A_562 : vector<16xf32>
        %parallel_loop3A_569 = arith.addf %parallel_loop3A_563, %parallel_loop3A_564 : vector<16xf32>
        %parallel_loop3A_570 = arith.addf %parallel_loop3A_565, %parallel_loop3A_566 : vector<16xf32>
        %parallel_loop3A_571 = arith.addf %parallel_loop3A_567, %parallel_loop3A_568 : vector<16xf32>
        %parallel_loop3A_572 = arith.addf %parallel_loop3A_570, %parallel_loop3A_571 : vector<16xf32>
        %parallel_loop3A_573 = arith.addf %parallel_loop3A_572, %parallel_loop3A_569 : vector<16xf32>
        %parallel_loop3A_574 = arith.constant 128 : i32
        %parallel_loop3A_575 = arith.muli %add3A_342, %parallel_loop3A_574 : i32
        %parallel_loop3A_576 = arith.constant 16 : i32
        %parallel_loop3A_577 = arith.muli %parallel_loop3A_351, %parallel_loop3A_576 : i32
        %parallel_loop3A_578 = arith.addi %parallel_loop3A_575, %parallel_loop3A_577 : i32
        %parallel_loop3A_579 = tpu.assume_multiple %parallel_loop3A_578, 16 : i32
        %parallel_loop3A_580 = arith.index_cast %parallel_loop3A_579 : i32 to index
        %parallel_loop3A_581 = tpu.vector_load %arg12[%parallel_loop3A_580] {strides = array<i32>} : memref<4096xf32, #tpu.memory_space<vmem>>, vector<16xf32>,
        tpu.vector_store %arg12[%parallel_loop3A_580], %parallel_loop3A_573 {strides = array<i32>} : memref<4096xf32, #tpu.memory_space<vmem>>, vector<16xf32>,
      } {sc.loop_unroll_factor = 2 : i64, sc.parallel_access}
      %lt3A_346 = arith.constant 15 : i32
      %lt3A_347 = arith.cmpi slt, %scan3A_298, %lt3A_346 : i32
      %convert_element_type3A_348 = arith.extui %lt3A_347 : i1 to i32
      %cond3A_349 = arith.constant 0 : i32
      %cond3A_350 = arith.cmpi ne, %convert_element_type3A_348, %cond3A_349 : i32
      scf.if %cond3A_350 {
        %add3A_351 = arith.constant 3 : i32
        %add3A_352 = arith.addi %mul3A_300, %add3A_351 : i32
        %dma_start3A_353 = arith.constant 2 : i32
        %dma_start3A_354 = arith.constant 0 : i32
        %dma_start3A_355 = arith.constant 0 : i32
        %dma_start3A_356 = tpu.memref_slice %arg4[%dma_start3A_353, %add3A_352, %dma_start3A_354, %dma_start3A_355] : memref<3x32x20x128xi32, #tpu.memory_space<hbm>> -> memref<1x1x20x128xi32, #tpu.memory_space<hbm>>
        %dma_start3A_357 = tpu.memref_squeeze %dma_start3A_356 : memref<1x1x20x128xi32, #tpu.memory_space<hbm>> -> memref<20x128xi32, #tpu.memory_space<hbm>>
        %dma_start3A_358 = arith.constant 0 : i32
        %dma_start3A_359 = arith.constant 0 : i32
        %dma_start3A_360 = tpu.memref_slice %arg4[%dma_start3A_353, %add3A_352, %dma_start3A_358, %dma_start3A_359] : memref<3x32x20x128xi32, #tpu.memory_space<hbm>> -> memref<1x1x20x128xi32, #tpu.memory_space<hbm>>
        %dma_start3A_361 = tpu.memref_squeeze %dma_start3A_360 : memref<1x1x20x128xi32, #tpu.memory_space<hbm>> -> memref<20x128xi32, #tpu.memory_space<hbm>>
        tpu.enqueue_dma source(%dma_start3A_361 : memref<20x128xi32, #tpu.memory_space<hbm>>) target(%arg9 : memref<20x128xi32, #tpu.memory_space<vmem>>) target_semaphore(%arg15 : memref<!tpu.dma_semaphore, #tpu.memory_space<semaphore_mem>>)
        %dma_start3A_362 = arith.constant 0 : i32
        %dma_start3A_363 = arith.constant 0 : i32
        %dma_start3A_364 = tpu.memref_slice %arg5[%add3A_352, %dma_start3A_362, %dma_start3A_363] : memref<32x20x128xf32, #tpu.memory_space<hbm>> -> memref<1x20x128xf32, #tpu.memory_space<hbm>>
        %dma_start3A_365 = tpu.memref_squeeze %dma_start3A_364 : memref<1x20x128xf32, #tpu.memory_space<hbm>> -> memref<20x128xf32, #tpu.memory_space<hbm>>
        %dma_start3A_366 = arith.constant 0 : i32
        %dma_start3A_367 = arith.constant 0 : i32
        %dma_start3A_368 = tpu.memref_slice %arg5[%add3A_352, %dma_start3A_366, %dma_start3A_367] : memref<32x20x128xf32, #tpu.memory_space<hbm>> -> memref<1x20x128xf32, #tpu.memory_space<hbm>>
        %dma_start3A_369 = tpu.memref_squeeze %dma_start3A_368 : memref<1x20x128xf32, #tpu.memory_space<hbm>> -> memref<20x128xf32, #tpu.memory_space<hbm>>
        tpu.enqueue_dma source(%dma_start3A_369 : memref<20x128xf32, #tpu.memory_space<hbm>>) target(%arg11 : memref<20x128xf32, #tpu.memory_space<vmem>>) target_semaphore(%arg15 : memref<!tpu.dma_semaphore, #tpu.memory_space<semaphore_mem>>)
      } else {
      }
    }
    %scan3A_233 = arith.constant 16 : i32
    %add3A_234 = arith.constant 128 : i32
    %add3A_235 = arith.addi %add3A, %add3A_234 : i32
    "tpu.region"() ({
      %run_scoped3A = tpu.sem_alloc : memref<!tpu.dma_semaphore, #tpu.memory_space<semaphore_mem>>
      %dma_start3A_298 = arith.constant 0 : i32
      %dma_start3A_299 = tpu.memref_slice %arg6[%add3A_235, %dma_start3A_298] : memref<192x4096xf32, #tpu.memory_space<hbm>> -> memref<1x4096xf32, #tpu.memory_space<hbm>>
      %dma_start3A_300 = tpu.memref_squeeze %dma_start3A_299 : memref<1x4096xf32, #tpu.memory_space<hbm>> -> memref<4096xf32, #tpu.memory_space<hbm>>
      %dma_start3A_301 = arith.constant 0 : i32
      %dma_start3A_302 = tpu.memref_slice %arg6[%add3A_235, %dma_start3A_301] : memref<192x4096xf32, #tpu.memory_space<hbm>> -> memref<1x4096xf32, #tpu.memory_space<hbm>>
      %dma_start3A_303 = tpu.memref_squeeze %dma_start3A_302 : memref<1x4096xf32, #tpu.memory_space<hbm>> -> memref<4096xf32, #tpu.memory_space<hbm>>
      tpu.enqueue_dma source(%arg12 : memref<4096xf32, #tpu.memory_space<vmem>>) target(%dma_start3A_303 : memref<4096xf32, #tpu.memory_space<hbm>>) target_semaphore(%run_scoped3A : memref<!tpu.dma_semaphore, #tpu.memory_space<semaphore_mem>>)
      %dma_wait3A_304 = arith.constant 0 : i32
      %dma_wait3A_305 = tpu.memref_slice %arg6[%add3A_235, %dma_wait3A_304] : memref<192x4096xf32, #tpu.memory_space<hbm>> -> memref<1x4096xf32, #tpu.memory_space<hbm>>
      %dma_wait3A_306 = tpu.memref_squeeze %dma_wait3A_305 : memref<1x4096xf32, #tpu.memory_space<hbm>> -> memref<4096xf32, #tpu.memory_space<hbm>>
      %dma_wait3A_307 = arith.constant 0 : i32
      %dma_wait3A_308 = tpu.memref_slice %arg6[%add3A_235, %dma_wait3A_307] : memref<192x4096xf32, #tpu.memory_space<hbm>> -> memref<1x4096xf32, #tpu.memory_space<hbm>>
      %dma_wait3A_309 = tpu.memref_squeeze %dma_wait3A_308 : memref<1x4096xf32, #tpu.memory_space<hbm>> -> memref<4096xf32, #tpu.memory_space<hbm>>
      tpu.wait_dma2 semaphore(%run_scoped3A : memref<!tpu.dma_semaphore, #tpu.memory_space<semaphore_mem>>) src(%arg12 : memref<4096xf32, #tpu.memory_space<vmem>>) dst(%dma_wait3A_309 : memref<4096xf32, #tpu.memory_space<hbm>>)
      tpu.yield
    }) : () -> ()
    %add3A_236 = arith.constant 32 : i32
    %add3A_237 = arith.addi %add3A, %add3A_236 : i32
    %dma_start3A_238 = arith.constant 0 : i32
    %dma_start3A_239 = arith.constant 0 : i32
    %dma_start3A_240 = tpu.memref_slice %arg3[%dma_start3A_238, %add3A_237, %dma_start3A_239] : memref<1x64x100000xf32, #tpu.memory_space<hbm>> -> memref<1x1x100000xf32, #tpu.memory_space<hbm>>
    %dma_start3A_241 = tpu.memref_squeeze %dma_start3A_240 : memref<1x1x100000xf32, #tpu.memory_space<hbm>> -> memref<100000xf32, #tpu.memory_space<hbm>>
    %dma_start3A_242 = arith.constant 0 : i32
    %dma_start3A_243 = tpu.memref_slice %arg3[%dma_start3A_238, %add3A_237, %dma_start3A_242] : memref<1x64x100000xf32, #tpu.memory_space<hbm>> -> memref<1x1x100000xf32, #tpu.memory_space<hbm>>
    %dma_start3A_244 = tpu.memref_squeeze %dma_start3A_243 : memref<1x1x100000xf32, #tpu.memory_space<hbm>> -> memref<100000xf32, #tpu.memory_space<hbm>>
    tpu.enqueue_dma source(%dma_start3A_244 : memref<100000xf32, #tpu.memory_space<hbm>>) target(%arg7 : memref<100000xf32, #tpu.memory_space<vmem>>) target_semaphore(%arg13 : memref<!tpu.dma_semaphore, #tpu.memory_space<semaphore_mem>>)
    %dma_start3A_245 = arith.constant 2 : i32
    %dma_start3A_246 = arith.constant 0 : i32
    %dma_start3A_247 = arith.constant 0 : i32
    %dma_start3A_248 = arith.constant 0 : i32
    %dma_start3A_249 = tpu.memref_slice %arg4[%dma_start3A_245, %dma_start3A_246, %dma_start3A_247, %dma_start3A_248] : memref<3x32x20x128xi32, #tpu.memory_space<hbm>> -> memref<1x1x20x128xi32, #tpu.memory_space<hbm>>
    %dma_start3A_250 = tpu.memref_squeeze %dma_start3A_249 : memref<1x1x20x128xi32, #tpu.memory_space<hbm>> -> memref<20x128xi32, #tpu.memory_space<hbm>>
    %dma_start3A_251 = arith.constant 0 : i32
    %dma_start3A_252 = arith.constant 0 : i32
    %dma_start3A_253 = tpu.memref_slice %arg4[%dma_start3A_245, %dma_start3A_246, %dma_start3A_251, %dma_start3A_252] : memref<3x32x20x128xi32, #tpu.memory_space<hbm>> -> memref<1x1x20x128xi32, #tpu.memory_space<hbm>>
    %dma_start3A_254 = tpu.memref_squeeze %dma_start3A_253 : memref<1x1x20x128xi32, #tpu.memory_space<hbm>> -> memref<20x128xi32, #tpu.memory_space<hbm>>
    tpu.enqueue_dma source(%dma_start3A_254 : memref<20x128xi32, #tpu.memory_space<hbm>>) target(%arg8 : memref<20x128xi32, #tpu.memory_space<vmem>>) target_semaphore(%arg14 : memref<!tpu.dma_semaphore, #tpu.memory_space<semaphore_mem>>)
    %dma_start3A_255 = arith.constant 0 : i32
    %dma_start3A_256 = arith.constant 0 : i32
    %dma_start3A_257 = arith.constant 0 : i32
    %dma_start3A_258 = tpu.memref_slice %arg5[%dma_start3A_255, %dma_start3A_256, %dma_start3A_257] : memref<32x20x128xf32, #tpu.memory_space<hbm>> -> memref<1x20x128xf32, #tpu.memory_space<hbm>>
    %dma_start3A_259 = tpu.memref_squeeze %dma_start3A_258 : memref<1x20x128xf32, #tpu.memory_space<hbm>> -> memref<20x128xf32, #tpu.memory_space<hbm>>
    %dma_start3A_260 = arith.constant 0 : i32
    %dma_start3A_261 = arith.constant 0 : i32
    %dma_start3A_262 = tpu.memref_slice %arg5[%dma_start3A_255, %dma_start3A_260, %dma_start3A_261] : memref<32x20x128xf32, #tpu.memory_space<hbm>> -> memref<1x20x128xf32, #tpu.memory_space<hbm>>
    %dma_start3A_263 = tpu.memref_squeeze %dma_start3A_262 : memref<1x20x128xf32, #tpu.memory_space<hbm>> -> memref<20x128xf32, #tpu.memory_space<hbm>>
    tpu.enqueue_dma source(%dma_start3A_263 : memref<20x128xf32, #tpu.memory_space<hbm>>) target(%arg10 : memref<20x128xf32, #tpu.memory_space<vmem>>) target_semaphore(%arg14 : memref<!tpu.dma_semaphore, #tpu.memory_space<semaphore_mem>>)
    %dma_start3A_264 = arith.constant 2 : i32
    %dma_start3A_265 = arith.constant 1 : i32
    %dma_start3A_266 = arith.constant 0 : i32
    %dma_start3A_267 = arith.constant 0 : i32
    %dma_start3A_268 = tpu.memref_slice %arg4[%dma_start3A_264, %dma_start3A_265, %dma_start3A_266, %dma_start3A_267] : memref<3x32x20x128xi32, #tpu.memory_space<hbm>> -> memref<1x1x20x128xi32, #tpu.memory_space<hbm>>
    %dma_start3A_269 = tpu.memref_squeeze %dma_start3A_268 : memref<1x1x20x128xi32, #tpu.memory_space<hbm>> -> memref<20x128xi32, #tpu.memory_space<hbm>>
    %dma_start3A_270 = arith.constant 0 : i32
    %dma_start3A_271 = arith.constant 0 : i32
    %dma_start3A_272 = tpu.memref_slice %arg4[%dma_start3A_264, %dma_start3A_265, %dma_start3A_270, %dma_start3A_271] : memref<3x32x20x128xi32, #tpu.memory_space<hbm>> -> memref<1x1x20x128xi32, #tpu.memory_space<hbm>>
    %dma_start3A_273 = tpu.memref_squeeze %dma_start3A_272 : memref<1x1x20x128xi32, #tpu.memory_space<hbm>> -> memref<20x128xi32, #tpu.memory_space<hbm>>
    tpu.enqueue_dma source(%dma_start3A_273 : memref<20x128xi32, #tpu.memory_space<hbm>>) target(%arg9 : memref<20x128xi32, #tpu.memory_space<vmem>>) target_semaphore(%arg15 : memref<!tpu.dma_semaphore, #tpu.memory_space<semaphore_mem>>)
    %dma_start3A_274 = arith.constant 1 : i32
    %dma_start3A_275 = arith.constant 0 : i32
    %dma_start3A_276 = arith.constant 0 : i32
    %dma_start3A_277 = tpu.memref_slice %arg5[%dma_start3A_274, %dma_start3A_275, %dma_start3A_276] : memref<32x20x128xf32, #tpu.memory_space<hbm>> -> memref<1x20x128xf32, #tpu.memory_space<hbm>>
    %dma_start3A_278 = tpu.memref_squeeze %dma_start3A_277 : memref<1x20x128xf32, #tpu.memory_space<hbm>> -> memref<20x128xf32, #tpu.memory_space<hbm>>
    %dma_start3A_279 = arith.constant 0 : i32
    %dma_start3A_280 = arith.constant 0 : i32
    %dma_start3A_281 = tpu.memref_slice %arg5[%dma_start3A_274, %dma_start3A_279, %dma_start3A_280] : memref<32x20x128xf32, #tpu.memory_space<hbm>> -> memref<1x20x128xf32, #tpu.memory_space<hbm>>
    %dma_start3A_282 = tpu.memref_squeeze %dma_start3A_281 : memref<1x20x128xf32, #tpu.memory_space<hbm>> -> memref<20x128xf32, #tpu.memory_space<hbm>>
    tpu.enqueue_dma source(%dma_start3A_282 : memref<20x128xf32, #tpu.memory_space<hbm>>) target(%arg11 : memref<20x128xf32, #tpu.memory_space<vmem>>) target_semaphore(%arg15 : memref<!tpu.dma_semaphore, #tpu.memory_space<semaphore_mem>>)
    %dma_wait3A_283 = arith.constant 0 : i32
    %dma_wait3A_284 = arith.constant 0 : i32
    %dma_wait3A_285 = tpu.memref_slice %arg3[%dma_wait3A_283, %add3A_237, %dma_wait3A_284] : memref<1x64x100000xf32, #tpu.memory_space<hbm>> -> memref<1x1x100000xf32, #tpu.memory_space<hbm>>
    %dma_wait3A_286 = tpu.memref_squeeze %dma_wait3A_285 : memref<1x1x100000xf32, #tpu.memory_space<hbm>> -> memref<100000xf32, #tpu.memory_space<hbm>>
    %dma_wait3A_287 = arith.constant 0 : i32
    %dma_wait3A_288 = tpu.memref_slice %arg3[%dma_wait3A_283, %add3A_237, %dma_wait3A_287] : memref<1x64x100000xf32, #tpu.memory_space<hbm>> -> memref<1x1x100000xf32, #tpu.memory_space<hbm>>
    %dma_wait3A_289 = tpu.memref_squeeze %dma_wait3A_288 : memref<1x1x100000xf32, #tpu.memory_space<hbm>> -> memref<100000xf32, #tpu.memory_space<hbm>>
    tpu.wait_dma2 semaphore(%arg13 : memref<!tpu.dma_semaphore, #tpu.memory_space<semaphore_mem>>) src(%dma_wait3A_289 : memref<100000xf32, #tpu.memory_space<hbm>>) dst(%arg7 : memref<100000xf32, #tpu.memory_space<vmem>>)
    %scan3A_290 = arith.constant 0 : i32
    %scan3A_291 = arith.constant 0 : i32
    %scan3A_292 = arith.constant 16 : i32
    %scan3A_293 = arith.addi %scan3A_291, %scan3A_292 : i32
    %scan3A_294 = arith.constant 1 : i32
    scf.for %scan3A_298 = %scan3A_291 to %scan3A_293 step %scan3A_294  : i32 {
      %mul3A_299 = arith.constant 2 : i32
      %mul3A_300 = arith.muli %mul3A_299, %scan3A_298 : i32
      %dma_wait3A_301 = arith.constant 2 : i32
      %dma_wait3A_302 = arith.constant 0 : i32
      %dma_wait3A_303 = arith.constant 0 : i32
      %dma_wait3A_304 = tpu.memref_slice %arg4[%dma_wait3A_301, %mul3A_300, %dma_wait3A_302, %dma_wait3A_303] : memref<3x32x20x128xi32, #tpu.memory_space<hbm>> -> memref<1x1x20x128xi32, #tpu.memory_space<hbm>>
      %dma_wait3A_305 = tpu.memref_squeeze %dma_wait3A_304 : memref<1x1x20x128xi32, #tpu.memory_space<hbm>> -> memref<20x128xi32, #tpu.memory_space<hbm>>
      %dma_wait3A_306 = arith.constant 0 : i32
      %dma_wait3A_307 = arith.constant 0 : i32
      %dma_wait3A_308 = tpu.memref_slice %arg4[%dma_wait3A_301, %mul3A_300, %dma_wait3A_306, %dma_wait3A_307] : memref<3x32x20x128xi32, #tpu.memory_space<hbm>> -> memref<1x1x20x128xi32, #tpu.memory_space<hbm>>
      %dma_wait3A_309 = tpu.memref_squeeze %dma_wait3A_308 : memref<1x1x20x128xi32, #tpu.memory_space<hbm>> -> memref<20x128xi32, #tpu.memory_space<hbm>>
      tpu.wait_dma2 semaphore(%arg14 : memref<!tpu.dma_semaphore, #tpu.memory_space<semaphore_mem>>) src(%dma_wait3A_309 : memref<20x128xi32, #tpu.memory_space<hbm>>) dst(%arg8 : memref<20x128xi32, #tpu.memory_space<vmem>>)
      %dma_wait3A_310 = arith.constant 0 : i32
      %dma_wait3A_311 = arith.constant 0 : i32
      %dma_wait3A_312 = tpu.memref_slice %arg5[%mul3A_300, %dma_wait3A_310, %dma_wait3A_311] : memref<32x20x128xf32, #tpu.memory_space<hbm>> -> memref<1x20x128xf32, #tpu.memory_space<hbm>>
      %dma_wait3A_313 = tpu.memref_squeeze %dma_wait3A_312 : memref<1x20x128xf32, #tpu.memory_space<hbm>> -> memref<20x128xf32, #tpu.memory_space<hbm>>
      %dma_wait3A_314 = arith.constant 0 : i32
      %dma_wait3A_315 = arith.constant 0 : i32
      %dma_wait3A_316 = tpu.memref_slice %arg5[%mul3A_300, %dma_wait3A_314, %dma_wait3A_315] : memref<32x20x128xf32, #tpu.memory_space<hbm>> -> memref<1x20x128xf32, #tpu.memory_space<hbm>>
      %dma_wait3A_317 = tpu.memref_squeeze %dma_wait3A_316 : memref<1x20x128xf32, #tpu.memory_space<hbm>> -> memref<20x128xf32, #tpu.memory_space<hbm>>
      tpu.wait_dma2 semaphore(%arg14 : memref<!tpu.dma_semaphore, #tpu.memory_space<semaphore_mem>>) src(%dma_wait3A_317 : memref<20x128xf32, #tpu.memory_space<hbm>>) dst(%arg10 : memref<20x128xf32, #tpu.memory_space<vmem>>)
      %parallel_loop3A = arith.constant 0 : i32
      %parallel_loop3A_318 = arith.constant 8 : i32
      %parallel_loop3A_319 = arith.constant 1 : i32
      scf.for %parallel_loop3A_351 = %parallel_loop3A to %parallel_loop3A_318 step %parallel_loop3A_319  : i32 {
        %parallel_loop3A_352 = arith.constant 16 : i32
        %parallel_loop3A_353 = arith.muli %parallel_loop3A_351, %parallel_loop3A_352 : i32
        %parallel_loop3A_354 = tpu.assume_multiple %parallel_loop3A_353, 16 : i32
        %parallel_loop3A_355 = arith.constant 0 : i32
        %parallel_loop3A_356 = arith.index_cast %parallel_loop3A_355 : i32 to index
        %parallel_loop3A_357 = arith.index_cast %parallel_loop3A_354 : i32 to index
        %parallel_loop3A_358 = tpu.vector_load %arg8[%parallel_loop3A_356, %parallel_loop3A_357] {strides = array<i32>} : memref<20x128xi32, #tpu.memory_space<vmem>>, vector<16xi32>,
        %parallel_loop3A_359 = arith.constant 1 : i32
        %parallel_loop3A_360 = arith.index_cast %parallel_loop3A_359 : i32 to index
        %parallel_loop3A_361 = arith.index_cast %parallel_loop3A_354 : i32 to index
        %parallel_loop3A_362 = tpu.vector_load %arg8[%parallel_loop3A_360, %parallel_loop3A_361] {strides = array<i32>} : memref<20x128xi32, #tpu.memory_space<vmem>>, vector<16xi32>,
        %parallel_loop3A_363 = arith.constant 2 : i32
        %parallel_loop3A_364 = arith.index_cast %parallel_loop3A_363 : i32 to index
        %parallel_loop3A_365 = arith.index_cast %parallel_loop3A_354 : i32 to index
        %parallel_loop3A_366 = tpu.vector_load %arg8[%parallel_loop3A_364, %parallel_loop3A_365] {strides = array<i32>} : memref<20x128xi32, #tpu.memory_space<vmem>>, vector<16xi32>,
        %parallel_loop3A_367 = arith.constant 3 : i32
        %parallel_loop3A_368 = arith.index_cast %parallel_loop3A_367 : i32 to index
        %parallel_loop3A_369 = arith.index_cast %parallel_loop3A_354 : i32 to index
        %parallel_loop3A_370 = tpu.vector_load %arg8[%parallel_loop3A_368, %parallel_loop3A_369] {strides = array<i32>} : memref<20x128xi32, #tpu.memory_space<vmem>>, vector<16xi32>,
        %parallel_loop3A_371 = arith.constant 4 : i32
        %parallel_loop3A_372 = arith.index_cast %parallel_loop3A_371 : i32 to index
        %parallel_loop3A_373 = arith.index_cast %parallel_loop3A_354 : i32 to index
        %parallel_loop3A_374 = tpu.vector_load %arg8[%parallel_loop3A_372, %parallel_loop3A_373] {strides = array<i32>} : memref<20x128xi32, #tpu.memory_space<vmem>>, vector<16xi32>,
        %parallel_loop3A_375 = arith.constant 5 : i32
        %parallel_loop3A_376 = arith.index_cast %parallel_loop3A_375 : i32 to index
        %parallel_loop3A_377 = arith.index_cast %parallel_loop3A_354 : i32 to index
        %parallel_loop3A_378 = tpu.vector_load %arg8[%parallel_loop3A_376, %parallel_loop3A_377] {strides = array<i32>} : memref<20x128xi32, #tpu.memory_space<vmem>>, vector<16xi32>,
        %parallel_loop3A_379 = arith.constant 6 : i32
        %parallel_loop3A_380 = arith.index_cast %parallel_loop3A_379 : i32 to index
        %parallel_loop3A_381 = arith.index_cast %parallel_loop3A_354 : i32 to index
        %parallel_loop3A_382 = tpu.vector_load %arg8[%parallel_loop3A_380, %parallel_loop3A_381] {strides = array<i32>} : memref<20x128xi32, #tpu.memory_space<vmem>>, vector<16xi32>,
        %parallel_loop3A_383 = arith.constant 7 : i32
        %parallel_loop3A_384 = arith.index_cast %parallel_loop3A_383 : i32 to index
        %parallel_loop3A_385 = arith.index_cast %parallel_loop3A_354 : i32 to index
        %parallel_loop3A_386 = tpu.vector_load %arg8[%parallel_loop3A_384, %parallel_loop3A_385] {strides = array<i32>} : memref<20x128xi32, #tpu.memory_space<vmem>>, vector<16xi32>,
        %parallel_loop3A_387 = arith.constant 8 : i32
        %parallel_loop3A_388 = arith.index_cast %parallel_loop3A_387 : i32 to index
        %parallel_loop3A_389 = arith.index_cast %parallel_loop3A_354 : i32 to index
        %parallel_loop3A_390 = tpu.vector_load %arg8[%parallel_loop3A_388, %parallel_loop3A_389] {strides = array<i32>} : memref<20x128xi32, #tpu.memory_space<vmem>>, vector<16xi32>,
        %parallel_loop3A_391 = arith.constant 9 : i32
        %parallel_loop3A_392 = arith.index_cast %parallel_loop3A_391 : i32 to index
        %parallel_loop3A_393 = arith.index_cast %parallel_loop3A_354 : i32 to index
        %parallel_loop3A_394 = tpu.vector_load %arg8[%parallel_loop3A_392, %parallel_loop3A_393] {strides = array<i32>} : memref<20x128xi32, #tpu.memory_space<vmem>>, vector<16xi32>,
        %parallel_loop3A_395 = arith.constant 10 : i32
        %parallel_loop3A_396 = arith.index_cast %parallel_loop3A_395 : i32 to index
        %parallel_loop3A_397 = arith.index_cast %parallel_loop3A_354 : i32 to index
        %parallel_loop3A_398 = tpu.vector_load %arg8[%parallel_loop3A_396, %parallel_loop3A_397] {strides = array<i32>} : memref<20x128xi32, #tpu.memory_space<vmem>>, vector<16xi32>,
        %parallel_loop3A_399 = arith.constant 11 : i32
        %parallel_loop3A_400 = arith.index_cast %parallel_loop3A_399 : i32 to index
        %parallel_loop3A_401 = arith.index_cast %parallel_loop3A_354 : i32 to index
        %parallel_loop3A_402 = tpu.vector_load %arg8[%parallel_loop3A_400, %parallel_loop3A_401] {strides = array<i32>} : memref<20x128xi32, #tpu.memory_space<vmem>>, vector<16xi32>,
        %parallel_loop3A_403 = arith.constant 12 : i32
        %parallel_loop3A_404 = arith.index_cast %parallel_loop3A_403 : i32 to index
        %parallel_loop3A_405 = arith.index_cast %parallel_loop3A_354 : i32 to index
        %parallel_loop3A_406 = tpu.vector_load %arg8[%parallel_loop3A_404, %parallel_loop3A_405] {strides = array<i32>} : memref<20x128xi32, #tpu.memory_space<vmem>>, vector<16xi32>,
        %parallel_loop3A_407 = arith.constant 13 : i32
        %parallel_loop3A_408 = arith.index_cast %parallel_loop3A_407 : i32 to index
        %parallel_loop3A_409 = arith.index_cast %parallel_loop3A_354 : i32 to index
        %parallel_loop3A_410 = tpu.vector_load %arg8[%parallel_loop3A_408, %parallel_loop3A_409] {strides = array<i32>} : memref<20x128xi32, #tpu.memory_space<vmem>>, vector<16xi32>,
        %parallel_loop3A_411 = arith.constant 14 : i32
        %parallel_loop3A_412 = arith.index_cast %parallel_loop3A_411 : i32 to index
        %parallel_loop3A_413 = arith.index_cast %parallel_loop3A_354 : i32 to index
        %parallel_loop3A_414 = tpu.vector_load %arg8[%parallel_loop3A_412, %parallel_loop3A_413] {strides = array<i32>} : memref<20x128xi32, #tpu.memory_space<vmem>>, vector<16xi32>,
        %parallel_loop3A_415 = arith.constant 15 : i32
        %parallel_loop3A_416 = arith.index_cast %parallel_loop3A_415 : i32 to index
        %parallel_loop3A_417 = arith.index_cast %parallel_loop3A_354 : i32 to index
        %parallel_loop3A_418 = tpu.vector_load %arg8[%parallel_loop3A_416, %parallel_loop3A_417] {strides = array<i32>} : memref<20x128xi32, #tpu.memory_space<vmem>>, vector<16xi32>,
        %parallel_loop3A_419 = arith.constant 16 : i32
        %parallel_loop3A_420 = arith.index_cast %parallel_loop3A_419 : i32 to index
        %parallel_loop3A_421 = arith.index_cast %parallel_loop3A_354 : i32 to index
        %parallel_loop3A_422 = tpu.vector_load %arg8[%parallel_loop3A_420, %parallel_loop3A_421] {strides = array<i32>} : memref<20x128xi32, #tpu.memory_space<vmem>>, vector<16xi32>,
        %parallel_loop3A_423 = arith.constant 17 : i32
        %parallel_loop3A_424 = arith.index_cast %parallel_loop3A_423 : i32 to index
        %parallel_loop3A_425 = arith.index_cast %parallel_loop3A_354 : i32 to index
        %parallel_loop3A_426 = tpu.vector_load %arg8[%parallel_loop3A_424, %parallel_loop3A_425] {strides = array<i32>} : memref<20x128xi32, #tpu.memory_space<vmem>>, vector<16xi32>,
        %parallel_loop3A_427 = arith.constant 18 : i32
        %parallel_loop3A_428 = arith.index_cast %parallel_loop3A_427 : i32 to index
        %parallel_loop3A_429 = arith.index_cast %parallel_loop3A_354 : i32 to index
        %parallel_loop3A_430 = tpu.vector_load %arg8[%parallel_loop3A_428, %parallel_loop3A_429] {strides = array<i32>} : memref<20x128xi32, #tpu.memory_space<vmem>>, vector<16xi32>,
        %parallel_loop3A_431 = arith.constant 19 : i32
        %parallel_loop3A_432 = arith.index_cast %parallel_loop3A_431 : i32 to index
        %parallel_loop3A_433 = arith.index_cast %parallel_loop3A_354 : i32 to index
        %parallel_loop3A_434 = tpu.vector_load %arg8[%parallel_loop3A_432, %parallel_loop3A_433] {strides = array<i32>} : memref<20x128xi32, #tpu.memory_space<vmem>>, vector<16xi32>,
        %parallel_loop3A_435 = tpu.vector_load_idx %arg7[%parallel_loop3A_358] : memref<100000xf32, #tpu.memory_space<vmem>>[vector<16xi32>], vector<16xf32>,
        %parallel_loop3A_436 = tpu.vector_load_idx %arg7[%parallel_loop3A_362] : memref<100000xf32, #tpu.memory_space<vmem>>[vector<16xi32>], vector<16xf32>,
        %parallel_loop3A_437 = tpu.vector_load_idx %arg7[%parallel_loop3A_366] : memref<100000xf32, #tpu.memory_space<vmem>>[vector<16xi32>], vector<16xf32>,
        %parallel_loop3A_438 = tpu.vector_load_idx %arg7[%parallel_loop3A_370] : memref<100000xf32, #tpu.memory_space<vmem>>[vector<16xi32>], vector<16xf32>,
        %parallel_loop3A_439 = tpu.vector_load_idx %arg7[%parallel_loop3A_374] : memref<100000xf32, #tpu.memory_space<vmem>>[vector<16xi32>], vector<16xf32>,
        %parallel_loop3A_440 = tpu.vector_load_idx %arg7[%parallel_loop3A_378] : memref<100000xf32, #tpu.memory_space<vmem>>[vector<16xi32>], vector<16xf32>,
        %parallel_loop3A_441 = tpu.vector_load_idx %arg7[%parallel_loop3A_382] : memref<100000xf32, #tpu.memory_space<vmem>>[vector<16xi32>], vector<16xf32>,
        %parallel_loop3A_442 = tpu.vector_load_idx %arg7[%parallel_loop3A_386] : memref<100000xf32, #tpu.memory_space<vmem>>[vector<16xi32>], vector<16xf32>,
        %parallel_loop3A_443 = tpu.vector_load_idx %arg7[%parallel_loop3A_390] : memref<100000xf32, #tpu.memory_space<vmem>>[vector<16xi32>], vector<16xf32>,
        %parallel_loop3A_444 = tpu.vector_load_idx %arg7[%parallel_loop3A_394] : memref<100000xf32, #tpu.memory_space<vmem>>[vector<16xi32>], vector<16xf32>,
        %parallel_loop3A_445 = tpu.vector_load_idx %arg7[%parallel_loop3A_398] : memref<100000xf32, #tpu.memory_space<vmem>>[vector<16xi32>], vector<16xf32>,
        %parallel_loop3A_446 = tpu.vector_load_idx %arg7[%parallel_loop3A_402] : memref<100000xf32, #tpu.memory_space<vmem>>[vector<16xi32>], vector<16xf32>,
        %parallel_loop3A_447 = tpu.vector_load_idx %arg7[%parallel_loop3A_406] : memref<100000xf32, #tpu.memory_space<vmem>>[vector<16xi32>], vector<16xf32>,
        %parallel_loop3A_448 = tpu.vector_load_idx %arg7[%parallel_loop3A_410] : memref<100000xf32, #tpu.memory_space<vmem>>[vector<16xi32>], vector<16xf32>,
        %parallel_loop3A_449 = tpu.vector_load_idx %arg7[%parallel_loop3A_414] : memref<100000xf32, #tpu.memory_space<vmem>>[vector<16xi32>], vector<16xf32>,
        %parallel_loop3A_450 = tpu.vector_load_idx %arg7[%parallel_loop3A_418] : memref<100000xf32, #tpu.memory_space<vmem>>[vector<16xi32>], vector<16xf32>,
        %parallel_loop3A_451 = tpu.vector_load_idx %arg7[%parallel_loop3A_422] : memref<100000xf32, #tpu.memory_space<vmem>>[vector<16xi32>], vector<16xf32>,
        %parallel_loop3A_452 = tpu.vector_load_idx %arg7[%parallel_loop3A_426] : memref<100000xf32, #tpu.memory_space<vmem>>[vector<16xi32>], vector<16xf32>,
        %parallel_loop3A_453 = tpu.vector_load_idx %arg7[%parallel_loop3A_430] : memref<100000xf32, #tpu.memory_space<vmem>>[vector<16xi32>], vector<16xf32>,
        %parallel_loop3A_454 = tpu.vector_load_idx %arg7[%parallel_loop3A_434] : memref<100000xf32, #tpu.memory_space<vmem>>[vector<16xi32>], vector<16xf32>,
        %parallel_loop3A_455 = arith.constant 0 : i32
        %parallel_loop3A_456 = arith.index_cast %parallel_loop3A_455 : i32 to index
        %parallel_loop3A_457 = arith.index_cast %parallel_loop3A_354 : i32 to index
        %parallel_loop3A_458 = tpu.vector_load %arg10[%parallel_loop3A_456, %parallel_loop3A_457] {strides = array<i32>} : memref<20x128xf32, #tpu.memory_space<vmem>>, vector<16xf32>,
        %parallel_loop3A_459 = arith.constant 1 : i32
        %parallel_loop3A_460 = arith.index_cast %parallel_loop3A_459 : i32 to index
        %parallel_loop3A_461 = arith.index_cast %parallel_loop3A_354 : i32 to index
        %parallel_loop3A_462 = tpu.vector_load %arg10[%parallel_loop3A_460, %parallel_loop3A_461] {strides = array<i32>} : memref<20x128xf32, #tpu.memory_space<vmem>>, vector<16xf32>,
        %parallel_loop3A_463 = arith.constant 2 : i32
        %parallel_loop3A_464 = arith.index_cast %parallel_loop3A_463 : i32 to index
        %parallel_loop3A_465 = arith.index_cast %parallel_loop3A_354 : i32 to index
        %parallel_loop3A_466 = tpu.vector_load %arg10[%parallel_loop3A_464, %parallel_loop3A_465] {strides = array<i32>} : memref<20x128xf32, #tpu.memory_space<vmem>>, vector<16xf32>,
        %parallel_loop3A_467 = arith.constant 3 : i32
        %parallel_loop3A_468 = arith.index_cast %parallel_loop3A_467 : i32 to index
        %parallel_loop3A_469 = arith.index_cast %parallel_loop3A_354 : i32 to index
        %parallel_loop3A_470 = tpu.vector_load %arg10[%parallel_loop3A_468, %parallel_loop3A_469] {strides = array<i32>} : memref<20x128xf32, #tpu.memory_space<vmem>>, vector<16xf32>,
        %parallel_loop3A_471 = arith.constant 4 : i32
        %parallel_loop3A_472 = arith.index_cast %parallel_loop3A_471 : i32 to index
        %parallel_loop3A_473 = arith.index_cast %parallel_loop3A_354 : i32 to index
        %parallel_loop3A_474 = tpu.vector_load %arg10[%parallel_loop3A_472, %parallel_loop3A_473] {strides = array<i32>} : memref<20x128xf32, #tpu.memory_space<vmem>>, vector<16xf32>,
        %parallel_loop3A_475 = arith.constant 5 : i32
        %parallel_loop3A_476 = arith.index_cast %parallel_loop3A_475 : i32 to index
        %parallel_loop3A_477 = arith.index_cast %parallel_loop3A_354 : i32 to index
        %parallel_loop3A_478 = tpu.vector_load %arg10[%parallel_loop3A_476, %parallel_loop3A_477] {strides = array<i32>} : memref<20x128xf32, #tpu.memory_space<vmem>>, vector<16xf32>,
        %parallel_loop3A_479 = arith.constant 6 : i32
        %parallel_loop3A_480 = arith.index_cast %parallel_loop3A_479 : i32 to index
        %parallel_loop3A_481 = arith.index_cast %parallel_loop3A_354 : i32 to index
        %parallel_loop3A_482 = tpu.vector_load %arg10[%parallel_loop3A_480, %parallel_loop3A_481] {strides = array<i32>} : memref<20x128xf32, #tpu.memory_space<vmem>>, vector<16xf32>,
        %parallel_loop3A_483 = arith.constant 7 : i32
        %parallel_loop3A_484 = arith.index_cast %parallel_loop3A_483 : i32 to index
        %parallel_loop3A_485 = arith.index_cast %parallel_loop3A_354 : i32 to index
        %parallel_loop3A_486 = tpu.vector_load %arg10[%parallel_loop3A_484, %parallel_loop3A_485] {strides = array<i32>} : memref<20x128xf32, #tpu.memory_space<vmem>>, vector<16xf32>,
        %parallel_loop3A_487 = arith.constant 8 : i32
        %parallel_loop3A_488 = arith.index_cast %parallel_loop3A_487 : i32 to index
        %parallel_loop3A_489 = arith.index_cast %parallel_loop3A_354 : i32 to index
        %parallel_loop3A_490 = tpu.vector_load %arg10[%parallel_loop3A_488, %parallel_loop3A_489] {strides = array<i32>} : memref<20x128xf32, #tpu.memory_space<vmem>>, vector<16xf32>,
        %parallel_loop3A_491 = arith.constant 9 : i32
        %parallel_loop3A_492 = arith.index_cast %parallel_loop3A_491 : i32 to index
        %parallel_loop3A_493 = arith.index_cast %parallel_loop3A_354 : i32 to index
        %parallel_loop3A_494 = tpu.vector_load %arg10[%parallel_loop3A_492, %parallel_loop3A_493] {strides = array<i32>} : memref<20x128xf32, #tpu.memory_space<vmem>>, vector<16xf32>,
        %parallel_loop3A_495 = arith.constant 10 : i32
        %parallel_loop3A_496 = arith.index_cast %parallel_loop3A_495 : i32 to index
        %parallel_loop3A_497 = arith.index_cast %parallel_loop3A_354 : i32 to index
        %parallel_loop3A_498 = tpu.vector_load %arg10[%parallel_loop3A_496, %parallel_loop3A_497] {strides = array<i32>} : memref<20x128xf32, #tpu.memory_space<vmem>>, vector<16xf32>,
        %parallel_loop3A_499 = arith.constant 11 : i32
        %parallel_loop3A_500 = arith.index_cast %parallel_loop3A_499 : i32 to index
        %parallel_loop3A_501 = arith.index_cast %parallel_loop3A_354 : i32 to index
        %parallel_loop3A_502 = tpu.vector_load %arg10[%parallel_loop3A_500, %parallel_loop3A_501] {strides = array<i32>} : memref<20x128xf32, #tpu.memory_space<vmem>>, vector<16xf32>,
        %parallel_loop3A_503 = arith.constant 12 : i32
        %parallel_loop3A_504 = arith.index_cast %parallel_loop3A_503 : i32 to index
        %parallel_loop3A_505 = arith.index_cast %parallel_loop3A_354 : i32 to index
        %parallel_loop3A_506 = tpu.vector_load %arg10[%parallel_loop3A_504, %parallel_loop3A_505] {strides = array<i32>} : memref<20x128xf32, #tpu.memory_space<vmem>>, vector<16xf32>,
        %parallel_loop3A_507 = arith.constant 13 : i32
        %parallel_loop3A_508 = arith.index_cast %parallel_loop3A_507 : i32 to index
        %parallel_loop3A_509 = arith.index_cast %parallel_loop3A_354 : i32 to index
        %parallel_loop3A_510 = tpu.vector_load %arg10[%parallel_loop3A_508, %parallel_loop3A_509] {strides = array<i32>} : memref<20x128xf32, #tpu.memory_space<vmem>>, vector<16xf32>,
        %parallel_loop3A_511 = arith.constant 14 : i32
        %parallel_loop3A_512 = arith.index_cast %parallel_loop3A_511 : i32 to index
        %parallel_loop3A_513 = arith.index_cast %parallel_loop3A_354 : i32 to index
        %parallel_loop3A_514 = tpu.vector_load %arg10[%parallel_loop3A_512, %parallel_loop3A_513] {strides = array<i32>} : memref<20x128xf32, #tpu.memory_space<vmem>>, vector<16xf32>,
        %parallel_loop3A_515 = arith.constant 15 : i32
        %parallel_loop3A_516 = arith.index_cast %parallel_loop3A_515 : i32 to index
        %parallel_loop3A_517 = arith.index_cast %parallel_loop3A_354 : i32 to index
        %parallel_loop3A_518 = tpu.vector_load %arg10[%parallel_loop3A_516, %parallel_loop3A_517] {strides = array<i32>} : memref<20x128xf32, #tpu.memory_space<vmem>>, vector<16xf32>,
        %parallel_loop3A_519 = arith.constant 16 : i32
        %parallel_loop3A_520 = arith.index_cast %parallel_loop3A_519 : i32 to index
        %parallel_loop3A_521 = arith.index_cast %parallel_loop3A_354 : i32 to index
        %parallel_loop3A_522 = tpu.vector_load %arg10[%parallel_loop3A_520, %parallel_loop3A_521] {strides = array<i32>} : memref<20x128xf32, #tpu.memory_space<vmem>>, vector<16xf32>,
        %parallel_loop3A_523 = arith.constant 17 : i32
        %parallel_loop3A_524 = arith.index_cast %parallel_loop3A_523 : i32 to index
        %parallel_loop3A_525 = arith.index_cast %parallel_loop3A_354 : i32 to index
        %parallel_loop3A_526 = tpu.vector_load %arg10[%parallel_loop3A_524, %parallel_loop3A_525] {strides = array<i32>} : memref<20x128xf32, #tpu.memory_space<vmem>>, vector<16xf32>,
        %parallel_loop3A_527 = arith.constant 18 : i32
        %parallel_loop3A_528 = arith.index_cast %parallel_loop3A_527 : i32 to index
        %parallel_loop3A_529 = arith.index_cast %parallel_loop3A_354 : i32 to index
        %parallel_loop3A_530 = tpu.vector_load %arg10[%parallel_loop3A_528, %parallel_loop3A_529] {strides = array<i32>} : memref<20x128xf32, #tpu.memory_space<vmem>>, vector<16xf32>,
        %parallel_loop3A_531 = arith.constant 19 : i32
        %parallel_loop3A_532 = arith.index_cast %parallel_loop3A_531 : i32 to index
        %parallel_loop3A_533 = arith.index_cast %parallel_loop3A_354 : i32 to index
        %parallel_loop3A_534 = tpu.vector_load %arg10[%parallel_loop3A_532, %parallel_loop3A_533] {strides = array<i32>} : memref<20x128xf32, #tpu.memory_space<vmem>>, vector<16xf32>,
        %parallel_loop3A_535 = arith.mulf %parallel_loop3A_435, %parallel_loop3A_458 : vector<16xf32>
        %parallel_loop3A_536 = arith.mulf %parallel_loop3A_436, %parallel_loop3A_462 : vector<16xf32>
        %parallel_loop3A_537 = arith.mulf %parallel_loop3A_437, %parallel_loop3A_466 : vector<16xf32>
        %parallel_loop3A_538 = arith.mulf %parallel_loop3A_438, %parallel_loop3A_470 : vector<16xf32>
        %parallel_loop3A_539 = arith.mulf %parallel_loop3A_439, %parallel_loop3A_474 : vector<16xf32>
        %parallel_loop3A_540 = arith.mulf %parallel_loop3A_440, %parallel_loop3A_478 : vector<16xf32>
        %parallel_loop3A_541 = arith.mulf %parallel_loop3A_441, %parallel_loop3A_482 : vector<16xf32>
        %parallel_loop3A_542 = arith.mulf %parallel_loop3A_442, %parallel_loop3A_486 : vector<16xf32>
        %parallel_loop3A_543 = arith.mulf %parallel_loop3A_443, %parallel_loop3A_490 : vector<16xf32>
        %parallel_loop3A_544 = arith.mulf %parallel_loop3A_444, %parallel_loop3A_494 : vector<16xf32>
        %parallel_loop3A_545 = arith.mulf %parallel_loop3A_445, %parallel_loop3A_498 : vector<16xf32>
        %parallel_loop3A_546 = arith.mulf %parallel_loop3A_446, %parallel_loop3A_502 : vector<16xf32>
        %parallel_loop3A_547 = arith.mulf %parallel_loop3A_447, %parallel_loop3A_506 : vector<16xf32>
        %parallel_loop3A_548 = arith.mulf %parallel_loop3A_448, %parallel_loop3A_510 : vector<16xf32>
        %parallel_loop3A_549 = arith.mulf %parallel_loop3A_449, %parallel_loop3A_514 : vector<16xf32>
        %parallel_loop3A_550 = arith.mulf %parallel_loop3A_450, %parallel_loop3A_518 : vector<16xf32>
        %parallel_loop3A_551 = arith.mulf %parallel_loop3A_451, %parallel_loop3A_522 : vector<16xf32>
        %parallel_loop3A_552 = arith.mulf %parallel_loop3A_452, %parallel_loop3A_526 : vector<16xf32>
        %parallel_loop3A_553 = arith.mulf %parallel_loop3A_453, %parallel_loop3A_530 : vector<16xf32>
        %parallel_loop3A_554 = arith.mulf %parallel_loop3A_454, %parallel_loop3A_534 : vector<16xf32>
        %parallel_loop3A_555 = arith.addf %parallel_loop3A_535, %parallel_loop3A_536 : vector<16xf32>
        %parallel_loop3A_556 = arith.addf %parallel_loop3A_537, %parallel_loop3A_538 : vector<16xf32>
        %parallel_loop3A_557 = arith.addf %parallel_loop3A_539, %parallel_loop3A_540 : vector<16xf32>
        %parallel_loop3A_558 = arith.addf %parallel_loop3A_541, %parallel_loop3A_542 : vector<16xf32>
        %parallel_loop3A_559 = arith.addf %parallel_loop3A_543, %parallel_loop3A_544 : vector<16xf32>
        %parallel_loop3A_560 = arith.addf %parallel_loop3A_545, %parallel_loop3A_546 : vector<16xf32>
        %parallel_loop3A_561 = arith.addf %parallel_loop3A_547, %parallel_loop3A_548 : vector<16xf32>
        %parallel_loop3A_562 = arith.addf %parallel_loop3A_549, %parallel_loop3A_550 : vector<16xf32>
        %parallel_loop3A_563 = arith.addf %parallel_loop3A_551, %parallel_loop3A_552 : vector<16xf32>
        %parallel_loop3A_564 = arith.addf %parallel_loop3A_553, %parallel_loop3A_554 : vector<16xf32>
        %parallel_loop3A_565 = arith.addf %parallel_loop3A_555, %parallel_loop3A_556 : vector<16xf32>
        %parallel_loop3A_566 = arith.addf %parallel_loop3A_557, %parallel_loop3A_558 : vector<16xf32>
        %parallel_loop3A_567 = arith.addf %parallel_loop3A_559, %parallel_loop3A_560 : vector<16xf32>
        %parallel_loop3A_568 = arith.addf %parallel_loop3A_561, %parallel_loop3A_562 : vector<16xf32>
        %parallel_loop3A_569 = arith.addf %parallel_loop3A_563, %parallel_loop3A_564 : vector<16xf32>
        %parallel_loop3A_570 = arith.addf %parallel_loop3A_565, %parallel_loop3A_566 : vector<16xf32>
        %parallel_loop3A_571 = arith.addf %parallel_loop3A_567, %parallel_loop3A_568 : vector<16xf32>
        %parallel_loop3A_572 = arith.addf %parallel_loop3A_570, %parallel_loop3A_571 : vector<16xf32>
        %parallel_loop3A_573 = arith.addf %parallel_loop3A_572, %parallel_loop3A_569 : vector<16xf32>
        %parallel_loop3A_574 = arith.constant 128 : i32
        %parallel_loop3A_575 = arith.muli %mul3A_300, %parallel_loop3A_574 : i32
        %parallel_loop3A_576 = arith.constant 16 : i32
        %parallel_loop3A_577 = arith.muli %parallel_loop3A_351, %parallel_loop3A_576 : i32
        %parallel_loop3A_578 = arith.addi %parallel_loop3A_575, %parallel_loop3A_577 : i32
        %parallel_loop3A_579 = tpu.assume_multiple %parallel_loop3A_578, 16 : i32
        %parallel_loop3A_580 = arith.index_cast %parallel_loop3A_579 : i32 to index
        %parallel_loop3A_581 = tpu.vector_load %arg12[%parallel_loop3A_580] {strides = array<i32>} : memref<4096xf32, #tpu.memory_space<vmem>>, vector<16xf32>,
        tpu.vector_store %arg12[%parallel_loop3A_580], %parallel_loop3A_573 {strides = array<i32>} : memref<4096xf32, #tpu.memory_space<vmem>>, vector<16xf32>,
      } {sc.loop_unroll_factor = 2 : i64, sc.parallel_access}
      %lt3A = arith.constant 15 : i32
      %lt3A_320 = arith.cmpi slt, %scan3A_298, %lt3A : i32
      %convert_element_type3A = arith.extui %lt3A_320 : i1 to i32
      %cond3A = arith.constant 0 : i32
      %cond3A_321 = arith.cmpi ne, %convert_element_type3A, %cond3A : i32
      scf.if %cond3A_321 {
        %add3A_351 = arith.constant 2 : i32
        %add3A_352 = arith.addi %mul3A_300, %add3A_351 : i32
        %dma_start3A_353 = arith.constant 2 : i32
        %dma_start3A_354 = arith.constant 0 : i32
        %dma_start3A_355 = arith.constant 0 : i32
        %dma_start3A_356 = tpu.memref_slice %arg4[%dma_start3A_353, %add3A_352, %dma_start3A_354, %dma_start3A_355] : memref<3x32x20x128xi32, #tpu.memory_space<hbm>> -> memref<1x1x20x128xi32, #tpu.memory_space<hbm>>
        %dma_start3A_357 = tpu.memref_squeeze %dma_start3A_356 : memref<1x1x20x128xi32, #tpu.memory_space<hbm>> -> memref<20x128xi32, #tpu.memory_space<hbm>>
        %dma_start3A_358 = arith.constant 0 : i32
        %dma_start3A_359 = arith.constant 0 : i32
        %dma_start3A_360 = tpu.memref_slice %arg4[%dma_start3A_353, %add3A_352, %dma_start3A_358, %dma_start3A_359] : memref<3x32x20x128xi32, #tpu.memory_space<hbm>> -> memref<1x1x20x128xi32, #tpu.memory_space<hbm>>
        %dma_start3A_361 = tpu.memref_squeeze %dma_start3A_360 : memref<1x1x20x128xi32, #tpu.memory_space<hbm>> -> memref<20x128xi32, #tpu.memory_space<hbm>>
        tpu.enqueue_dma source(%dma_start3A_361 : memref<20x128xi32, #tpu.memory_space<hbm>>) target(%arg8 : memref<20x128xi32, #tpu.memory_space<vmem>>) target_semaphore(%arg14 : memref<!tpu.dma_semaphore, #tpu.memory_space<semaphore_mem>>)
        %dma_start3A_362 = arith.constant 0 : i32
        %dma_start3A_363 = arith.constant 0 : i32
        %dma_start3A_364 = tpu.memref_slice %arg5[%add3A_352, %dma_start3A_362, %dma_start3A_363] : memref<32x20x128xf32, #tpu.memory_space<hbm>> -> memref<1x20x128xf32, #tpu.memory_space<hbm>>
        %dma_start3A_365 = tpu.memref_squeeze %dma_start3A_364 : memref<1x20x128xf32, #tpu.memory_space<hbm>> -> memref<20x128xf32, #tpu.memory_space<hbm>>
        %dma_start3A_366 = arith.constant 0 : i32
        %dma_start3A_367 = arith.constant 0 : i32
        %dma_start3A_368 = tpu.memref_slice %arg5[%add3A_352, %dma_start3A_366, %dma_start3A_367] : memref<32x20x128xf32, #tpu.memory_space<hbm>> -> memref<1x20x128xf32, #tpu.memory_space<hbm>>
        %dma_start3A_369 = tpu.memref_squeeze %dma_start3A_368 : memref<1x20x128xf32, #tpu.memory_space<hbm>> -> memref<20x128xf32, #tpu.memory_space<hbm>>
        tpu.enqueue_dma source(%dma_start3A_369 : memref<20x128xf32, #tpu.memory_space<hbm>>) target(%arg10 : memref<20x128xf32, #tpu.memory_space<vmem>>) target_semaphore(%arg14 : memref<!tpu.dma_semaphore, #tpu.memory_space<semaphore_mem>>)
      } else {
      }
      %add3A_322 = arith.constant 1 : i32
      %add3A_323 = arith.addi %mul3A_300, %add3A_322 : i32
      %dma_wait3A_324 = arith.constant 2 : i32
      %dma_wait3A_325 = arith.constant 0 : i32
      %dma_wait3A_326 = arith.constant 0 : i32
      %dma_wait3A_327 = tpu.memref_slice %arg4[%dma_wait3A_324, %add3A_323, %dma_wait3A_325, %dma_wait3A_326] : memref<3x32x20x128xi32, #tpu.memory_space<hbm>> -> memref<1x1x20x128xi32, #tpu.memory_space<hbm>>
      %dma_wait3A_328 = tpu.memref_squeeze %dma_wait3A_327 : memref<1x1x20x128xi32, #tpu.memory_space<hbm>> -> memref<20x128xi32, #tpu.memory_space<hbm>>
      %dma_wait3A_329 = arith.constant 0 : i32
      %dma_wait3A_330 = arith.constant 0 : i32
      %dma_wait3A_331 = tpu.memref_slice %arg4[%dma_wait3A_324, %add3A_323, %dma_wait3A_329, %dma_wait3A_330] : memref<3x32x20x128xi32, #tpu.memory_space<hbm>> -> memref<1x1x20x128xi32, #tpu.memory_space<hbm>>
      %dma_wait3A_332 = tpu.memref_squeeze %dma_wait3A_331 : memref<1x1x20x128xi32, #tpu.memory_space<hbm>> -> memref<20x128xi32, #tpu.memory_space<hbm>>
      tpu.wait_dma2 semaphore(%arg15 : memref<!tpu.dma_semaphore, #tpu.memory_space<semaphore_mem>>) src(%dma_wait3A_332 : memref<20x128xi32, #tpu.memory_space<hbm>>) dst(%arg9 : memref<20x128xi32, #tpu.memory_space<vmem>>)
      %dma_wait3A_333 = arith.constant 0 : i32
      %dma_wait3A_334 = arith.constant 0 : i32
      %dma_wait3A_335 = tpu.memref_slice %arg5[%add3A_323, %dma_wait3A_333, %dma_wait3A_334] : memref<32x20x128xf32, #tpu.memory_space<hbm>> -> memref<1x20x128xf32, #tpu.memory_space<hbm>>
      %dma_wait3A_336 = tpu.memref_squeeze %dma_wait3A_335 : memref<1x20x128xf32, #tpu.memory_space<hbm>> -> memref<20x128xf32, #tpu.memory_space<hbm>>
      %dma_wait3A_337 = arith.constant 0 : i32
      %dma_wait3A_338 = arith.constant 0 : i32
      %dma_wait3A_339 = tpu.memref_slice %arg5[%add3A_323, %dma_wait3A_337, %dma_wait3A_338] : memref<32x20x128xf32, #tpu.memory_space<hbm>> -> memref<1x20x128xf32, #tpu.memory_space<hbm>>
      %dma_wait3A_340 = tpu.memref_squeeze %dma_wait3A_339 : memref<1x20x128xf32, #tpu.memory_space<hbm>> -> memref<20x128xf32, #tpu.memory_space<hbm>>
      tpu.wait_dma2 semaphore(%arg15 : memref<!tpu.dma_semaphore, #tpu.memory_space<semaphore_mem>>) src(%dma_wait3A_340 : memref<20x128xf32, #tpu.memory_space<hbm>>) dst(%arg11 : memref<20x128xf32, #tpu.memory_space<vmem>>)
      %add3A_341 = arith.constant 1 : i32
      %add3A_342 = arith.addi %mul3A_300, %add3A_341 : i32
      %parallel_loop3A_343 = arith.constant 0 : i32
      %parallel_loop3A_344 = arith.constant 8 : i32
      %parallel_loop3A_345 = arith.constant 1 : i32
      scf.for %parallel_loop3A_351 = %parallel_loop3A_343 to %parallel_loop3A_344 step %parallel_loop3A_345  : i32 {
        %parallel_loop3A_352 = arith.constant 16 : i32
        %parallel_loop3A_353 = arith.muli %parallel_loop3A_351, %parallel_loop3A_352 : i32
        %parallel_loop3A_354 = tpu.assume_multiple %parallel_loop3A_353, 16 : i32
        %parallel_loop3A_355 = arith.constant 0 : i32
        %parallel_loop3A_356 = arith.index_cast %parallel_loop3A_355 : i32 to index
        %parallel_loop3A_357 = arith.index_cast %parallel_loop3A_354 : i32 to index
        %parallel_loop3A_358 = tpu.vector_load %arg9[%parallel_loop3A_356, %parallel_loop3A_357] {strides = array<i32>} : memref<20x128xi32, #tpu.memory_space<vmem>>, vector<16xi32>,
        %parallel_loop3A_359 = arith.constant 1 : i32
        %parallel_loop3A_360 = arith.index_cast %parallel_loop3A_359 : i32 to index
        %parallel_loop3A_361 = arith.index_cast %parallel_loop3A_354 : i32 to index
        %parallel_loop3A_362 = tpu.vector_load %arg9[%parallel_loop3A_360, %parallel_loop3A_361] {strides = array<i32>} : memref<20x128xi32, #tpu.memory_space<vmem>>, vector<16xi32>,
        %parallel_loop3A_363 = arith.constant 2 : i32
        %parallel_loop3A_364 = arith.index_cast %parallel_loop3A_363 : i32 to index
        %parallel_loop3A_365 = arith.index_cast %parallel_loop3A_354 : i32 to index
        %parallel_loop3A_366 = tpu.vector_load %arg9[%parallel_loop3A_364, %parallel_loop3A_365] {strides = array<i32>} : memref<20x128xi32, #tpu.memory_space<vmem>>, vector<16xi32>,
        %parallel_loop3A_367 = arith.constant 3 : i32
        %parallel_loop3A_368 = arith.index_cast %parallel_loop3A_367 : i32 to index
        %parallel_loop3A_369 = arith.index_cast %parallel_loop3A_354 : i32 to index
        %parallel_loop3A_370 = tpu.vector_load %arg9[%parallel_loop3A_368, %parallel_loop3A_369] {strides = array<i32>} : memref<20x128xi32, #tpu.memory_space<vmem>>, vector<16xi32>,
        %parallel_loop3A_371 = arith.constant 4 : i32
        %parallel_loop3A_372 = arith.index_cast %parallel_loop3A_371 : i32 to index
        %parallel_loop3A_373 = arith.index_cast %parallel_loop3A_354 : i32 to index
        %parallel_loop3A_374 = tpu.vector_load %arg9[%parallel_loop3A_372, %parallel_loop3A_373] {strides = array<i32>} : memref<20x128xi32, #tpu.memory_space<vmem>>, vector<16xi32>,
        %parallel_loop3A_375 = arith.constant 5 : i32
        %parallel_loop3A_376 = arith.index_cast %parallel_loop3A_375 : i32 to index
        %parallel_loop3A_377 = arith.index_cast %parallel_loop3A_354 : i32 to index
        %parallel_loop3A_378 = tpu.vector_load %arg9[%parallel_loop3A_376, %parallel_loop3A_377] {strides = array<i32>} : memref<20x128xi32, #tpu.memory_space<vmem>>, vector<16xi32>,
        %parallel_loop3A_379 = arith.constant 6 : i32
        %parallel_loop3A_380 = arith.index_cast %parallel_loop3A_379 : i32 to index
        %parallel_loop3A_381 = arith.index_cast %parallel_loop3A_354 : i32 to index
        %parallel_loop3A_382 = tpu.vector_load %arg9[%parallel_loop3A_380, %parallel_loop3A_381] {strides = array<i32>} : memref<20x128xi32, #tpu.memory_space<vmem>>, vector<16xi32>,
        %parallel_loop3A_383 = arith.constant 7 : i32
        %parallel_loop3A_384 = arith.index_cast %parallel_loop3A_383 : i32 to index
        %parallel_loop3A_385 = arith.index_cast %parallel_loop3A_354 : i32 to index
        %parallel_loop3A_386 = tpu.vector_load %arg9[%parallel_loop3A_384, %parallel_loop3A_385] {strides = array<i32>} : memref<20x128xi32, #tpu.memory_space<vmem>>, vector<16xi32>,
        %parallel_loop3A_387 = arith.constant 8 : i32
        %parallel_loop3A_388 = arith.index_cast %parallel_loop3A_387 : i32 to index
        %parallel_loop3A_389 = arith.index_cast %parallel_loop3A_354 : i32 to index
        %parallel_loop3A_390 = tpu.vector_load %arg9[%parallel_loop3A_388, %parallel_loop3A_389] {strides = array<i32>} : memref<20x128xi32, #tpu.memory_space<vmem>>, vector<16xi32>,
        %parallel_loop3A_391 = arith.constant 9 : i32
        %parallel_loop3A_392 = arith.index_cast %parallel_loop3A_391 : i32 to index
        %parallel_loop3A_393 = arith.index_cast %parallel_loop3A_354 : i32 to index
        %parallel_loop3A_394 = tpu.vector_load %arg9[%parallel_loop3A_392, %parallel_loop3A_393] {strides = array<i32>} : memref<20x128xi32, #tpu.memory_space<vmem>>, vector<16xi32>,
        %parallel_loop3A_395 = arith.constant 10 : i32
        %parallel_loop3A_396 = arith.index_cast %parallel_loop3A_395 : i32 to index
        %parallel_loop3A_397 = arith.index_cast %parallel_loop3A_354 : i32 to index
        %parallel_loop3A_398 = tpu.vector_load %arg9[%parallel_loop3A_396, %parallel_loop3A_397] {strides = array<i32>} : memref<20x128xi32, #tpu.memory_space<vmem>>, vector<16xi32>,
        %parallel_loop3A_399 = arith.constant 11 : i32
        %parallel_loop3A_400 = arith.index_cast %parallel_loop3A_399 : i32 to index
        %parallel_loop3A_401 = arith.index_cast %parallel_loop3A_354 : i32 to index
        %parallel_loop3A_402 = tpu.vector_load %arg9[%parallel_loop3A_400, %parallel_loop3A_401] {strides = array<i32>} : memref<20x128xi32, #tpu.memory_space<vmem>>, vector<16xi32>,
        %parallel_loop3A_403 = arith.constant 12 : i32
        %parallel_loop3A_404 = arith.index_cast %parallel_loop3A_403 : i32 to index
        %parallel_loop3A_405 = arith.index_cast %parallel_loop3A_354 : i32 to index
        %parallel_loop3A_406 = tpu.vector_load %arg9[%parallel_loop3A_404, %parallel_loop3A_405] {strides = array<i32>} : memref<20x128xi32, #tpu.memory_space<vmem>>, vector<16xi32>,
        %parallel_loop3A_407 = arith.constant 13 : i32
        %parallel_loop3A_408 = arith.index_cast %parallel_loop3A_407 : i32 to index
        %parallel_loop3A_409 = arith.index_cast %parallel_loop3A_354 : i32 to index
        %parallel_loop3A_410 = tpu.vector_load %arg9[%parallel_loop3A_408, %parallel_loop3A_409] {strides = array<i32>} : memref<20x128xi32, #tpu.memory_space<vmem>>, vector<16xi32>,
        %parallel_loop3A_411 = arith.constant 14 : i32
        %parallel_loop3A_412 = arith.index_cast %parallel_loop3A_411 : i32 to index
        %parallel_loop3A_413 = arith.index_cast %parallel_loop3A_354 : i32 to index
        %parallel_loop3A_414 = tpu.vector_load %arg9[%parallel_loop3A_412, %parallel_loop3A_413] {strides = array<i32>} : memref<20x128xi32, #tpu.memory_space<vmem>>, vector<16xi32>,
        %parallel_loop3A_415 = arith.constant 15 : i32
        %parallel_loop3A_416 = arith.index_cast %parallel_loop3A_415 : i32 to index
        %parallel_loop3A_417 = arith.index_cast %parallel_loop3A_354 : i32 to index
        %parallel_loop3A_418 = tpu.vector_load %arg9[%parallel_loop3A_416, %parallel_loop3A_417] {strides = array<i32>} : memref<20x128xi32, #tpu.memory_space<vmem>>, vector<16xi32>,
        %parallel_loop3A_419 = arith.constant 16 : i32
        %parallel_loop3A_420 = arith.index_cast %parallel_loop3A_419 : i32 to index
        %parallel_loop3A_421 = arith.index_cast %parallel_loop3A_354 : i32 to index
        %parallel_loop3A_422 = tpu.vector_load %arg9[%parallel_loop3A_420, %parallel_loop3A_421] {strides = array<i32>} : memref<20x128xi32, #tpu.memory_space<vmem>>, vector<16xi32>,
        %parallel_loop3A_423 = arith.constant 17 : i32
        %parallel_loop3A_424 = arith.index_cast %parallel_loop3A_423 : i32 to index
        %parallel_loop3A_425 = arith.index_cast %parallel_loop3A_354 : i32 to index
        %parallel_loop3A_426 = tpu.vector_load %arg9[%parallel_loop3A_424, %parallel_loop3A_425] {strides = array<i32>} : memref<20x128xi32, #tpu.memory_space<vmem>>, vector<16xi32>,
        %parallel_loop3A_427 = arith.constant 18 : i32
        %parallel_loop3A_428 = arith.index_cast %parallel_loop3A_427 : i32 to index
        %parallel_loop3A_429 = arith.index_cast %parallel_loop3A_354 : i32 to index
        %parallel_loop3A_430 = tpu.vector_load %arg9[%parallel_loop3A_428, %parallel_loop3A_429] {strides = array<i32>} : memref<20x128xi32, #tpu.memory_space<vmem>>, vector<16xi32>,
        %parallel_loop3A_431 = arith.constant 19 : i32
        %parallel_loop3A_432 = arith.index_cast %parallel_loop3A_431 : i32 to index
        %parallel_loop3A_433 = arith.index_cast %parallel_loop3A_354 : i32 to index
        %parallel_loop3A_434 = tpu.vector_load %arg9[%parallel_loop3A_432, %parallel_loop3A_433] {strides = array<i32>} : memref<20x128xi32, #tpu.memory_space<vmem>>, vector<16xi32>,
        %parallel_loop3A_435 = tpu.vector_load_idx %arg7[%parallel_loop3A_358] : memref<100000xf32, #tpu.memory_space<vmem>>[vector<16xi32>], vector<16xf32>,
        %parallel_loop3A_436 = tpu.vector_load_idx %arg7[%parallel_loop3A_362] : memref<100000xf32, #tpu.memory_space<vmem>>[vector<16xi32>], vector<16xf32>,
        %parallel_loop3A_437 = tpu.vector_load_idx %arg7[%parallel_loop3A_366] : memref<100000xf32, #tpu.memory_space<vmem>>[vector<16xi32>], vector<16xf32>,
        %parallel_loop3A_438 = tpu.vector_load_idx %arg7[%parallel_loop3A_370] : memref<100000xf32, #tpu.memory_space<vmem>>[vector<16xi32>], vector<16xf32>,
        %parallel_loop3A_439 = tpu.vector_load_idx %arg7[%parallel_loop3A_374] : memref<100000xf32, #tpu.memory_space<vmem>>[vector<16xi32>], vector<16xf32>,
        %parallel_loop3A_440 = tpu.vector_load_idx %arg7[%parallel_loop3A_378] : memref<100000xf32, #tpu.memory_space<vmem>>[vector<16xi32>], vector<16xf32>,
        %parallel_loop3A_441 = tpu.vector_load_idx %arg7[%parallel_loop3A_382] : memref<100000xf32, #tpu.memory_space<vmem>>[vector<16xi32>], vector<16xf32>,
        %parallel_loop3A_442 = tpu.vector_load_idx %arg7[%parallel_loop3A_386] : memref<100000xf32, #tpu.memory_space<vmem>>[vector<16xi32>], vector<16xf32>,
        %parallel_loop3A_443 = tpu.vector_load_idx %arg7[%parallel_loop3A_390] : memref<100000xf32, #tpu.memory_space<vmem>>[vector<16xi32>], vector<16xf32>,
        %parallel_loop3A_444 = tpu.vector_load_idx %arg7[%parallel_loop3A_394] : memref<100000xf32, #tpu.memory_space<vmem>>[vector<16xi32>], vector<16xf32>,
        %parallel_loop3A_445 = tpu.vector_load_idx %arg7[%parallel_loop3A_398] : memref<100000xf32, #tpu.memory_space<vmem>>[vector<16xi32>], vector<16xf32>,
        %parallel_loop3A_446 = tpu.vector_load_idx %arg7[%parallel_loop3A_402] : memref<100000xf32, #tpu.memory_space<vmem>>[vector<16xi32>], vector<16xf32>,
        %parallel_loop3A_447 = tpu.vector_load_idx %arg7[%parallel_loop3A_406] : memref<100000xf32, #tpu.memory_space<vmem>>[vector<16xi32>], vector<16xf32>,
        %parallel_loop3A_448 = tpu.vector_load_idx %arg7[%parallel_loop3A_410] : memref<100000xf32, #tpu.memory_space<vmem>>[vector<16xi32>], vector<16xf32>,
        %parallel_loop3A_449 = tpu.vector_load_idx %arg7[%parallel_loop3A_414] : memref<100000xf32, #tpu.memory_space<vmem>>[vector<16xi32>], vector<16xf32>,
        %parallel_loop3A_450 = tpu.vector_load_idx %arg7[%parallel_loop3A_418] : memref<100000xf32, #tpu.memory_space<vmem>>[vector<16xi32>], vector<16xf32>,
        %parallel_loop3A_451 = tpu.vector_load_idx %arg7[%parallel_loop3A_422] : memref<100000xf32, #tpu.memory_space<vmem>>[vector<16xi32>], vector<16xf32>,
        %parallel_loop3A_452 = tpu.vector_load_idx %arg7[%parallel_loop3A_426] : memref<100000xf32, #tpu.memory_space<vmem>>[vector<16xi32>], vector<16xf32>,
        %parallel_loop3A_453 = tpu.vector_load_idx %arg7[%parallel_loop3A_430] : memref<100000xf32, #tpu.memory_space<vmem>>[vector<16xi32>], vector<16xf32>,
        %parallel_loop3A_454 = tpu.vector_load_idx %arg7[%parallel_loop3A_434] : memref<100000xf32, #tpu.memory_space<vmem>>[vector<16xi32>], vector<16xf32>,
        %parallel_loop3A_455 = arith.constant 0 : i32
        %parallel_loop3A_456 = arith.index_cast %parallel_loop3A_455 : i32 to index
        %parallel_loop3A_457 = arith.index_cast %parallel_loop3A_354 : i32 to index
        %parallel_loop3A_458 = tpu.vector_load %arg11[%parallel_loop3A_456, %parallel_loop3A_457] {strides = array<i32>} : memref<20x128xf32, #tpu.memory_space<vmem>>, vector<16xf32>,
        %parallel_loop3A_459 = arith.constant 1 : i32
        %parallel_loop3A_460 = arith.index_cast %parallel_loop3A_459 : i32 to index
        %parallel_loop3A_461 = arith.index_cast %parallel_loop3A_354 : i32 to index
        %parallel_loop3A_462 = tpu.vector_load %arg11[%parallel_loop3A_460, %parallel_loop3A_461] {strides = array<i32>} : memref<20x128xf32, #tpu.memory_space<vmem>>, vector<16xf32>,
        %parallel_loop3A_463 = arith.constant 2 : i32
        %parallel_loop3A_464 = arith.index_cast %parallel_loop3A_463 : i32 to index
        %parallel_loop3A_465 = arith.index_cast %parallel_loop3A_354 : i32 to index
        %parallel_loop3A_466 = tpu.vector_load %arg11[%parallel_loop3A_464, %parallel_loop3A_465] {strides = array<i32>} : memref<20x128xf32, #tpu.memory_space<vmem>>, vector<16xf32>,
        %parallel_loop3A_467 = arith.constant 3 : i32
        %parallel_loop3A_468 = arith.index_cast %parallel_loop3A_467 : i32 to index
        %parallel_loop3A_469 = arith.index_cast %parallel_loop3A_354 : i32 to index
        %parallel_loop3A_470 = tpu.vector_load %arg11[%parallel_loop3A_468, %parallel_loop3A_469] {strides = array<i32>} : memref<20x128xf32, #tpu.memory_space<vmem>>, vector<16xf32>,
        %parallel_loop3A_471 = arith.constant 4 : i32
        %parallel_loop3A_472 = arith.index_cast %parallel_loop3A_471 : i32 to index
        %parallel_loop3A_473 = arith.index_cast %parallel_loop3A_354 : i32 to index
        %parallel_loop3A_474 = tpu.vector_load %arg11[%parallel_loop3A_472, %parallel_loop3A_473] {strides = array<i32>} : memref<20x128xf32, #tpu.memory_space<vmem>>, vector<16xf32>,
        %parallel_loop3A_475 = arith.constant 5 : i32
        %parallel_loop3A_476 = arith.index_cast %parallel_loop3A_475 : i32 to index
        %parallel_loop3A_477 = arith.index_cast %parallel_loop3A_354 : i32 to index
        %parallel_loop3A_478 = tpu.vector_load %arg11[%parallel_loop3A_476, %parallel_loop3A_477] {strides = array<i32>} : memref<20x128xf32, #tpu.memory_space<vmem>>, vector<16xf32>,
        %parallel_loop3A_479 = arith.constant 6 : i32
        %parallel_loop3A_480 = arith.index_cast %parallel_loop3A_479 : i32 to index
        %parallel_loop3A_481 = arith.index_cast %parallel_loop3A_354 : i32 to index
        %parallel_loop3A_482 = tpu.vector_load %arg11[%parallel_loop3A_480, %parallel_loop3A_481] {strides = array<i32>} : memref<20x128xf32, #tpu.memory_space<vmem>>, vector<16xf32>,
        %parallel_loop3A_483 = arith.constant 7 : i32
        %parallel_loop3A_484 = arith.index_cast %parallel_loop3A_483 : i32 to index
        %parallel_loop3A_485 = arith.index_cast %parallel_loop3A_354 : i32 to index
        %parallel_loop3A_486 = tpu.vector_load %arg11[%parallel_loop3A_484, %parallel_loop3A_485] {strides = array<i32>} : memref<20x128xf32, #tpu.memory_space<vmem>>, vector<16xf32>,
        %parallel_loop3A_487 = arith.constant 8 : i32
        %parallel_loop3A_488 = arith.index_cast %parallel_loop3A_487 : i32 to index
        %parallel_loop3A_489 = arith.index_cast %parallel_loop3A_354 : i32 to index
        %parallel_loop3A_490 = tpu.vector_load %arg11[%parallel_loop3A_488, %parallel_loop3A_489] {strides = array<i32>} : memref<20x128xf32, #tpu.memory_space<vmem>>, vector<16xf32>,
        %parallel_loop3A_491 = arith.constant 9 : i32
        %parallel_loop3A_492 = arith.index_cast %parallel_loop3A_491 : i32 to index
        %parallel_loop3A_493 = arith.index_cast %parallel_loop3A_354 : i32 to index
        %parallel_loop3A_494 = tpu.vector_load %arg11[%parallel_loop3A_492, %parallel_loop3A_493] {strides = array<i32>} : memref<20x128xf32, #tpu.memory_space<vmem>>, vector<16xf32>,
        %parallel_loop3A_495 = arith.constant 10 : i32
        %parallel_loop3A_496 = arith.index_cast %parallel_loop3A_495 : i32 to index
        %parallel_loop3A_497 = arith.index_cast %parallel_loop3A_354 : i32 to index
        %parallel_loop3A_498 = tpu.vector_load %arg11[%parallel_loop3A_496, %parallel_loop3A_497] {strides = array<i32>} : memref<20x128xf32, #tpu.memory_space<vmem>>, vector<16xf32>,
        %parallel_loop3A_499 = arith.constant 11 : i32
        %parallel_loop3A_500 = arith.index_cast %parallel_loop3A_499 : i32 to index
        %parallel_loop3A_501 = arith.index_cast %parallel_loop3A_354 : i32 to index
        %parallel_loop3A_502 = tpu.vector_load %arg11[%parallel_loop3A_500, %parallel_loop3A_501] {strides = array<i32>} : memref<20x128xf32, #tpu.memory_space<vmem>>, vector<16xf32>,
        %parallel_loop3A_503 = arith.constant 12 : i32
        %parallel_loop3A_504 = arith.index_cast %parallel_loop3A_503 : i32 to index
        %parallel_loop3A_505 = arith.index_cast %parallel_loop3A_354 : i32 to index
        %parallel_loop3A_506 = tpu.vector_load %arg11[%parallel_loop3A_504, %parallel_loop3A_505] {strides = array<i32>} : memref<20x128xf32, #tpu.memory_space<vmem>>, vector<16xf32>,
        %parallel_loop3A_507 = arith.constant 13 : i32
        %parallel_loop3A_508 = arith.index_cast %parallel_loop3A_507 : i32 to index
        %parallel_loop3A_509 = arith.index_cast %parallel_loop3A_354 : i32 to index
        %parallel_loop3A_510 = tpu.vector_load %arg11[%parallel_loop3A_508, %parallel_loop3A_509] {strides = array<i32>} : memref<20x128xf32, #tpu.memory_space<vmem>>, vector<16xf32>,
        %parallel_loop3A_511 = arith.constant 14 : i32
        %parallel_loop3A_512 = arith.index_cast %parallel_loop3A_511 : i32 to index
        %parallel_loop3A_513 = arith.index_cast %parallel_loop3A_354 : i32 to index
        %parallel_loop3A_514 = tpu.vector_load %arg11[%parallel_loop3A_512, %parallel_loop3A_513] {strides = array<i32>} : memref<20x128xf32, #tpu.memory_space<vmem>>, vector<16xf32>,
        %parallel_loop3A_515 = arith.constant 15 : i32
        %parallel_loop3A_516 = arith.index_cast %parallel_loop3A_515 : i32 to index
        %parallel_loop3A_517 = arith.index_cast %parallel_loop3A_354 : i32 to index
        %parallel_loop3A_518 = tpu.vector_load %arg11[%parallel_loop3A_516, %parallel_loop3A_517] {strides = array<i32>} : memref<20x128xf32, #tpu.memory_space<vmem>>, vector<16xf32>,
        %parallel_loop3A_519 = arith.constant 16 : i32
        %parallel_loop3A_520 = arith.index_cast %parallel_loop3A_519 : i32 to index
        %parallel_loop3A_521 = arith.index_cast %parallel_loop3A_354 : i32 to index
        %parallel_loop3A_522 = tpu.vector_load %arg11[%parallel_loop3A_520, %parallel_loop3A_521] {strides = array<i32>} : memref<20x128xf32, #tpu.memory_space<vmem>>, vector<16xf32>,
        %parallel_loop3A_523 = arith.constant 17 : i32
        %parallel_loop3A_524 = arith.index_cast %parallel_loop3A_523 : i32 to index
        %parallel_loop3A_525 = arith.index_cast %parallel_loop3A_354 : i32 to index
        %parallel_loop3A_526 = tpu.vector_load %arg11[%parallel_loop3A_524, %parallel_loop3A_525] {strides = array<i32>} : memref<20x128xf32, #tpu.memory_space<vmem>>, vector<16xf32>,
        %parallel_loop3A_527 = arith.constant 18 : i32
        %parallel_loop3A_528 = arith.index_cast %parallel_loop3A_527 : i32 to index
        %parallel_loop3A_529 = arith.index_cast %parallel_loop3A_354 : i32 to index
        %parallel_loop3A_530 = tpu.vector_load %arg11[%parallel_loop3A_528, %parallel_loop3A_529] {strides = array<i32>} : memref<20x128xf32, #tpu.memory_space<vmem>>, vector<16xf32>,
        %parallel_loop3A_531 = arith.constant 19 : i32
        %parallel_loop3A_532 = arith.index_cast %parallel_loop3A_531 : i32 to index
        %parallel_loop3A_533 = arith.index_cast %parallel_loop3A_354 : i32 to index
        %parallel_loop3A_534 = tpu.vector_load %arg11[%parallel_loop3A_532, %parallel_loop3A_533] {strides = array<i32>} : memref<20x128xf32, #tpu.memory_space<vmem>>, vector<16xf32>,
        %parallel_loop3A_535 = arith.mulf %parallel_loop3A_435, %parallel_loop3A_458 : vector<16xf32>
        %parallel_loop3A_536 = arith.mulf %parallel_loop3A_436, %parallel_loop3A_462 : vector<16xf32>
        %parallel_loop3A_537 = arith.mulf %parallel_loop3A_437, %parallel_loop3A_466 : vector<16xf32>
        %parallel_loop3A_538 = arith.mulf %parallel_loop3A_438, %parallel_loop3A_470 : vector<16xf32>
        %parallel_loop3A_539 = arith.mulf %parallel_loop3A_439, %parallel_loop3A_474 : vector<16xf32>
        %parallel_loop3A_540 = arith.mulf %parallel_loop3A_440, %parallel_loop3A_478 : vector<16xf32>
        %parallel_loop3A_541 = arith.mulf %parallel_loop3A_441, %parallel_loop3A_482 : vector<16xf32>
        %parallel_loop3A_542 = arith.mulf %parallel_loop3A_442, %parallel_loop3A_486 : vector<16xf32>
        %parallel_loop3A_543 = arith.mulf %parallel_loop3A_443, %parallel_loop3A_490 : vector<16xf32>
        %parallel_loop3A_544 = arith.mulf %parallel_loop3A_444, %parallel_loop3A_494 : vector<16xf32>
        %parallel_loop3A_545 = arith.mulf %parallel_loop3A_445, %parallel_loop3A_498 : vector<16xf32>
        %parallel_loop3A_546 = arith.mulf %parallel_loop3A_446, %parallel_loop3A_502 : vector<16xf32>
        %parallel_loop3A_547 = arith.mulf %parallel_loop3A_447, %parallel_loop3A_506 : vector<16xf32>
        %parallel_loop3A_548 = arith.mulf %parallel_loop3A_448, %parallel_loop3A_510 : vector<16xf32>
        %parallel_loop3A_549 = arith.mulf %parallel_loop3A_449, %parallel_loop3A_514 : vector<16xf32>
        %parallel_loop3A_550 = arith.mulf %parallel_loop3A_450, %parallel_loop3A_518 : vector<16xf32>
        %parallel_loop3A_551 = arith.mulf %parallel_loop3A_451, %parallel_loop3A_522 : vector<16xf32>
        %parallel_loop3A_552 = arith.mulf %parallel_loop3A_452, %parallel_loop3A_526 : vector<16xf32>
        %parallel_loop3A_553 = arith.mulf %parallel_loop3A_453, %parallel_loop3A_530 : vector<16xf32>
        %parallel_loop3A_554 = arith.mulf %parallel_loop3A_454, %parallel_loop3A_534 : vector<16xf32>
        %parallel_loop3A_555 = arith.addf %parallel_loop3A_535, %parallel_loop3A_536 : vector<16xf32>
        %parallel_loop3A_556 = arith.addf %parallel_loop3A_537, %parallel_loop3A_538 : vector<16xf32>
        %parallel_loop3A_557 = arith.addf %parallel_loop3A_539, %parallel_loop3A_540 : vector<16xf32>
        %parallel_loop3A_558 = arith.addf %parallel_loop3A_541, %parallel_loop3A_542 : vector<16xf32>
        %parallel_loop3A_559 = arith.addf %parallel_loop3A_543, %parallel_loop3A_544 : vector<16xf32>
        %parallel_loop3A_560 = arith.addf %parallel_loop3A_545, %parallel_loop3A_546 : vector<16xf32>
        %parallel_loop3A_561 = arith.addf %parallel_loop3A_547, %parallel_loop3A_548 : vector<16xf32>
        %parallel_loop3A_562 = arith.addf %parallel_loop3A_549, %parallel_loop3A_550 : vector<16xf32>
        %parallel_loop3A_563 = arith.addf %parallel_loop3A_551, %parallel_loop3A_552 : vector<16xf32>
        %parallel_loop3A_564 = arith.addf %parallel_loop3A_553, %parallel_loop3A_554 : vector<16xf32>
        %parallel_loop3A_565 = arith.addf %parallel_loop3A_555, %parallel_loop3A_556 : vector<16xf32>
        %parallel_loop3A_566 = arith.addf %parallel_loop3A_557, %parallel_loop3A_558 : vector<16xf32>
        %parallel_loop3A_567 = arith.addf %parallel_loop3A_559, %parallel_loop3A_560 : vector<16xf32>
        %parallel_loop3A_568 = arith.addf %parallel_loop3A_561, %parallel_loop3A_562 : vector<16xf32>
        %parallel_loop3A_569 = arith.addf %parallel_loop3A_563, %parallel_loop3A_564 : vector<16xf32>
        %parallel_loop3A_570 = arith.addf %parallel_loop3A_565, %parallel_loop3A_566 : vector<16xf32>
        %parallel_loop3A_571 = arith.addf %parallel_loop3A_567, %parallel_loop3A_568 : vector<16xf32>
        %parallel_loop3A_572 = arith.addf %parallel_loop3A_570, %parallel_loop3A_571 : vector<16xf32>
        %parallel_loop3A_573 = arith.addf %parallel_loop3A_572, %parallel_loop3A_569 : vector<16xf32>
        %parallel_loop3A_574 = arith.constant 128 : i32
        %parallel_loop3A_575 = arith.muli %add3A_342, %parallel_loop3A_574 : i32
        %parallel_loop3A_576 = arith.constant 16 : i32
        %parallel_loop3A_577 = arith.muli %parallel_loop3A_351, %parallel_loop3A_576 : i32
        %parallel_loop3A_578 = arith.addi %parallel_loop3A_575, %parallel_loop3A_577 : i32
        %parallel_loop3A_579 = tpu.assume_multiple %parallel_loop3A_578, 16 : i32
        %parallel_loop3A_580 = arith.index_cast %parallel_loop3A_579 : i32 to index
        %parallel_loop3A_581 = tpu.vector_load %arg12[%parallel_loop3A_580] {strides = array<i32>} : memref<4096xf32, #tpu.memory_space<vmem>>, vector<16xf32>,
        tpu.vector_store %arg12[%parallel_loop3A_580], %parallel_loop3A_573 {strides = array<i32>} : memref<4096xf32, #tpu.memory_space<vmem>>, vector<16xf32>,
      } {sc.loop_unroll_factor = 2 : i64, sc.parallel_access}
      %lt3A_346 = arith.constant 15 : i32
      %lt3A_347 = arith.cmpi slt, %scan3A_298, %lt3A_346 : i32
      %convert_element_type3A_348 = arith.extui %lt3A_347 : i1 to i32
      %cond3A_349 = arith.constant 0 : i32
      %cond3A_350 = arith.cmpi ne, %convert_element_type3A_348, %cond3A_349 : i32
      scf.if %cond3A_350 {
        %add3A_351 = arith.constant 3 : i32
        %add3A_352 = arith.addi %mul3A_300, %add3A_351 : i32
        %dma_start3A_353 = arith.constant 2 : i32
        %dma_start3A_354 = arith.constant 0 : i32
        %dma_start3A_355 = arith.constant 0 : i32
        %dma_start3A_356 = tpu.memref_slice %arg4[%dma_start3A_353, %add3A_352, %dma_start3A_354, %dma_start3A_355] : memref<3x32x20x128xi32, #tpu.memory_space<hbm>> -> memref<1x1x20x128xi32, #tpu.memory_space<hbm>>
        %dma_start3A_357 = tpu.memref_squeeze %dma_start3A_356 : memref<1x1x20x128xi32, #tpu.memory_space<hbm>> -> memref<20x128xi32, #tpu.memory_space<hbm>>
        %dma_start3A_358 = arith.constant 0 : i32
        %dma_start3A_359 = arith.constant 0 : i32
        %dma_start3A_360 = tpu.memref_slice %arg4[%dma_start3A_353, %add3A_352, %dma_start3A_358, %dma_start3A_359] : memref<3x32x20x128xi32, #tpu.memory_space<hbm>> -> memref<1x1x20x128xi32, #tpu.memory_space<hbm>>
        %dma_start3A_361 = tpu.memref_squeeze %dma_start3A_360 : memref<1x1x20x128xi32, #tpu.memory_space<hbm>> -> memref<20x128xi32, #tpu.memory_space<hbm>>
        tpu.enqueue_dma source(%dma_start3A_361 : memref<20x128xi32, #tpu.memory_space<hbm>>) target(%arg9 : memref<20x128xi32, #tpu.memory_space<vmem>>) target_semaphore(%arg15 : memref<!tpu.dma_semaphore, #tpu.memory_space<semaphore_mem>>)
        %dma_start3A_362 = arith.constant 0 : i32
        %dma_start3A_363 = arith.constant 0 : i32
        %dma_start3A_364 = tpu.memref_slice %arg5[%add3A_352, %dma_start3A_362, %dma_start3A_363] : memref<32x20x128xf32, #tpu.memory_space<hbm>> -> memref<1x20x128xf32, #tpu.memory_space<hbm>>
        %dma_start3A_365 = tpu.memref_squeeze %dma_start3A_364 : memref<1x20x128xf32, #tpu.memory_space<hbm>> -> memref<20x128xf32, #tpu.memory_space<hbm>>
        %dma_start3A_366 = arith.constant 0 : i32
        %dma_start3A_367 = arith.constant 0 : i32
        %dma_start3A_368 = tpu.memref_slice %arg5[%add3A_352, %dma_start3A_366, %dma_start3A_367] : memref<32x20x128xf32, #tpu.memory_space<hbm>> -> memref<1x20x128xf32, #tpu.memory_space<hbm>>
        %dma_start3A_369 = tpu.memref_squeeze %dma_start3A_368 : memref<1x20x128xf32, #tpu.memory_space<hbm>> -> memref<20x128xf32, #tpu.memory_space<hbm>>
        tpu.enqueue_dma source(%dma_start3A_369 : memref<20x128xf32, #tpu.memory_space<hbm>>) target(%arg11 : memref<20x128xf32, #tpu.memory_space<vmem>>) target_semaphore(%arg15 : memref<!tpu.dma_semaphore, #tpu.memory_space<semaphore_mem>>)
      } else {
      }
    }
    %scan3A_295 = arith.constant 16 : i32
    %add3A_296 = arith.constant 160 : i32
    %add3A_297 = arith.addi %add3A, %add3A_296 : i32
    "tpu.region"() ({
      %run_scoped3A = tpu.sem_alloc : memref<!tpu.dma_semaphore, #tpu.memory_space<semaphore_mem>>
      %dma_start3A_298 = arith.constant 0 : i32
      %dma_start3A_299 = tpu.memref_slice %arg6[%add3A_297, %dma_start3A_298] : memref<192x4096xf32, #tpu.memory_space<hbm>> -> memref<1x4096xf32, #tpu.memory_space<hbm>>
      %dma_start3A_300 = tpu.memref_squeeze %dma_start3A_299 : memref<1x4096xf32, #tpu.memory_space<hbm>> -> memref<4096xf32, #tpu.memory_space<hbm>>
      %dma_start3A_301 = arith.constant 0 : i32
      %dma_start3A_302 = tpu.memref_slice %arg6[%add3A_297, %dma_start3A_301] : memref<192x4096xf32, #tpu.memory_space<hbm>> -> memref<1x4096xf32, #tpu.memory_space<hbm>>
      %dma_start3A_303 = tpu.memref_squeeze %dma_start3A_302 : memref<1x4096xf32, #tpu.memory_space<hbm>> -> memref<4096xf32, #tpu.memory_space<hbm>>
      tpu.enqueue_dma source(%arg12 : memref<4096xf32, #tpu.memory_space<vmem>>) target(%dma_start3A_303 : memref<4096xf32, #tpu.memory_space<hbm>>) target_semaphore(%run_scoped3A : memref<!tpu.dma_semaphore, #tpu.memory_space<semaphore_mem>>)
      %dma_wait3A_304 = arith.constant 0 : i32
      %dma_wait3A_305 = tpu.memref_slice %arg6[%add3A_297, %dma_wait3A_304] : memref<192x4096xf32, #tpu.memory_space<hbm>> -> memref<1x4096xf32, #tpu.memory_space<hbm>>
      %dma_wait3A_306 = tpu.memref_squeeze %dma_wait3A_305 : memref<1x4096xf32, #tpu.memory_space<hbm>> -> memref<4096xf32, #tpu.memory_space<hbm>>
      %dma_wait3A_307 = arith.constant 0 : i32
      %dma_wait3A_308 = tpu.memref_slice %arg6[%add3A_297, %dma_wait3A_307] : memref<192x4096xf32, #tpu.memory_space<hbm>> -> memref<1x4096xf32, #tpu.memory_space<hbm>>
      %dma_wait3A_309 = tpu.memref_squeeze %dma_wait3A_308 : memref<1x4096xf32, #tpu.memory_space<hbm>> -> memref<4096xf32, #tpu.memory_space<hbm>>
      tpu.wait_dma2 semaphore(%run_scoped3A : memref<!tpu.dma_semaphore, #tpu.memory_space<semaphore_mem>>) src(%arg12 : memref<4096xf32, #tpu.memory_space<vmem>>) dst(%dma_wait3A_309 : memref<4096xf32, #tpu.memory_space<hbm>>)
      tpu.yield
    }) : () -> ()
    return
  }
}

</mosaic_0001>

<sc_bundles>
// kernel: _run.3.cloned.1.call-start
scs
__scs_entry_jumppad:
0x0: {  	(pc) =	sbr.rel $0x88, $3  }
0x1: {  	(tag) =	ssettag $0x0;
	lr =	simm.s32 $0x1  }
0x2: {  	[smem:$0x3F9D] =	sst lr;
	_ =	strace $0xD0000000  }
0x3: {  	_ = 	snop  }
0x4: {  	_ = 	snop  }
0x5: {  	_ = 	snop  }
0x6: {  	_ = 	snop  }
0x7: {  	_ = 	snop  }
__scs_overlays_trampoline_lowered:
0x8: {  	[smem:$0x3FAC] =	sst s0  }
0x9: {  	[smem:$0x3FAD] =	sst s1  }
0xa: {  	[smem:$0x3FAE] =	sst s2  }
0xb: {  	[smem:$0x3FAF] =	sst s3  }
0xc: {  	[smem:$0x3FB0] =	sst s4  }
0xd: {  	[smem:$0x3FB1] =	sst s5  }
0xe: {  	[smem:$0x3FB2] =	sst s6  }
0xf: {  	[smem:$0x3FB3] =	sst s7  }
0x10: {  	[smem:$0x3FB4] =	sst s8  }
0x11: {  	[smem:$0x3FB5] =	sst s9;
	s0 =	simm.s32 @!p0 $0x0  }
0x12: {  	s1 =	sld [smem:$0x3F9B];
	s0 =	simm.s32 @p0 $0x1  }
0x13: {  	[smem:$0x3FB6] =	sst s0;
	s0 =	simm.s32 @!p1 $0x0  }
0x14: {  	s2 =	sld [smem:$0x3F9A];
	s0 =	simm.s32 @p1 $0x1  }
0x15: {  	[smem:$0x3FB7] =	sst s0;
	s0 =	simm.s32 @!p2 $0x0  }
0x16: {  	s3 =	sld [smem:$0x3FDB];
	s0 =	simm.s32 @p2 $0x1  }
0x17: {  	s4 =	simm.s32 $0x1BF5;
	[smem:$0x3FB9] =	sst s0  }
0x18: {  	s0 =	sld [smem:$0x3F9C];
	_ =	swait.ge [sflag:s4], $0x0  }
0x19: {  	s7 =	sld [smem:$0x3F9D]  }
0x1a: {  	s8 =	sadd.s32 $0xFFFFE003, lr  }
0x1b: {  	s9 =	sadd.s32 $0xFFFFFEF7, lr;
	s5 =	simm.s32 $0xFFFFFFFF;
	p2 =	slt.u32 s8, $0xFFFFF086  }
0x1c: {  	p1 =	slt.u32 s9, $0xF7A;
	s5 =	simm.s32 @!p2 $0x0  }
0x1d: {  	s5 =	simm.s32 @p1 $0x1;
	p0 =	seq.s32 s7, s2  }
0x1e: {  	s7 =	smul.u32 @!p0 $0xF7A, s2;
	p2 =	seq.s32 @!p0 s5, $0x0  }
0x1f: {  	s9 =	smul.u32 $0xF7A, s1;
	s8 =	simm.s32 @!p0 $0x1BF5;
	p2 =	por !p2, p0  }
0x20: {  	[sflag:s8] =	ssyncset.s32 @!p0 $0xFFFFF086;
	s6 =	sadd.s32 @!p0 s3, s7;
	s7 =	simm.s32 @!p0 $0x108  }
0x21: {  	s3 =	sadd.s32 s3, s9;
	s6 =	sadd.s32 @!p0 $0x88, s6;
	s7 =	simm.s32 @p2 $0x1082  }
0x22: {  	[simem:s7], [sflag:s8] =	dma.local @!p0 [hbm:s6], $0xF7A  }
0x23: {  	s9 =	sor.u32 $0xD0000000, s2;
	s6 =	simm.s32 $0x108;
	_ =	swait.ge @!p0 [sflag:s8], $0x0  }
0x24: {  	s3 =	sadd.s32 $0x88, s3;
	s6 =	simm.s32 @!p1 $0x1082;
	[sflag:s4] =	ssyncset.s32 $0xFFFFF086  }
0x25: {  	[simem:s6], [sflag:s4] =	dma.local [hbm:s3], $0xF7A  }
0x26: {  	[smem:$0x3F9D] =	sst s1;
	(tag) =	ssettag s2;
	_ =	strace s9  }
0x27: {  	s1 =	sld [smem:$0x3FAD]  }
0x28: {  	s2 =	sld [smem:$0x3FAE]  }
0x29: {  	s4 =	sld [smem:$0x3FB0]  }
0x2a: {  	p0 =	seq.s32 s5, $0x0;
	s5 =	sld [smem:$0x3FB1]  }
0x2b: {  	s6 =	sld [smem:$0x3FB2]  }
0x2c: {  	s7 =	sld [smem:$0x3FB3]  }
0x2d: {  	s3 =	simm.s32 $0x108;
	s8 =	sld [smem:$0x3FB4]  }
0x2e: {  	s3 =	simm.s32 @!p0 $0x1082;
	s9 =	sld [smem:$0x3FB5]  }
0x2f: {  	lr =	sadd.s32 s0, s3;
	s0 =	sld [smem:$0x3FAC]  }
0x30: {  	s3 =	sld [smem:$0x3FAF]  }
0x31: {  	[smem:$0x3FB8] =	sst s10  }
0x32: {  	s10 =	sld [smem:$0x3FB6];
	_ =	sdelay $0x3  }
0x33: {  	p0 =	seq.s32 s10, $0x1;
	s10 =	sld [smem:$0x3FB8];
	_ =	sdelay $0x3  }
0x34: {  	[smem:$0x3FB8] =	sst s10  }
0x35: {  	s10 =	sld [smem:$0x3FB7];
	_ =	sdelay $0x3  }
0x36: {  	p1 =	seq.s32 s10, $0x1;
	s10 =	sld [smem:$0x3FB8];
	_ =	sdelay $0x3  }
0x37: {  	[smem:$0x3FB8] =	sst s10  }
0x38: {  	s10 =	sld [smem:$0x3FB9]  }
0x39: {  	_ = 	snop;
	(pc) =	sbr.ind lr, $3  }
0x3a: {  	_ = 	snop  }
0x3b: {  	_ = 	snop  }
0x3c: {  	p2 =	seq.s32 s10, $0x1;
	s10 =	sld [smem:$0x3FB8]  }
0x3d: {  	_ =	shalt  }
0x3e: {  	_ =	shalt  }
0x3f: {  	_ =	shalt  }
0x40: {  	_ =	shalt  }
0x41: {  	_ =	shalt  }
0x42: {  	_ =	shalt  }
0x43: {  	_ =	shalt  }
0x44: {  	_ =	shalt  }
0x45: {  	_ =	shalt  }
0x46: {  	_ =	shalt  }
0x47: {  	_ =	shalt  }
0x48: {  	_ =	shalt  }
0x49: {  	_ =	shalt  }
0x4a: {  	_ =	shalt  }
0x4b: {  	_ =	shalt  }
0x4c: {  	_ =	shalt  }
0x4d: {  	_ =	shalt  }
0x4e: {  	_ =	shalt  }
0x4f: {  	_ =	shalt  }
0x50: {  	_ =	shalt  }
0x51: {  	_ =	shalt  }
0x52: {  	_ =	shalt  }
0x53: {  	_ =	shalt  }
0x54: {  	_ =	shalt  }
0x55: {  	_ =	shalt  }
0x56: {  	_ =	shalt  }
0x57: {  	_ =	shalt  }
0x58: {  	_ =	shalt  }
0x59: {  	_ =	shalt  }
0x5a: {  	_ =	shalt  }
0x5b: {  	_ =	shalt  }
0x5c: {  	_ =	shalt  }
0x5d: {  	_ =	shalt  }
0x5e: {  	_ =	shalt  }
0x5f: {  	_ =	shalt  }
0x60: {  	_ =	shalt  }
0x61: {  	_ =	shalt  }
0x62: {  	_ =	shalt  }
0x63: {  	_ =	shalt  }
0x64: {  	_ =	shalt  }
0x65: {  	_ =	shalt  }
0x66: {  	_ =	shalt  }
0x67: {  	_ =	shalt  }
0x68: {  	_ =	shalt  }
0x69: {  	_ =	shalt  }
0x6a: {  	_ =	shalt  }
0x6b: {  	_ =	shalt  }
0x6c: {  	_ =	shalt  }
0x6d: {  	_ =	shalt  }
0x6e: {  	_ =	shalt  }
0x6f: {  	_ =	shalt  }
0x70: {  	_ =	shalt  }
0x71: {  	_ =	shalt  }
0x72: {  	_ =	shalt  }
0x73: {  	_ =	shalt  }
0x74: {  	_ =	shalt  }
0x75: {  	_ =	shalt  }
0x76: {  	_ =	shalt  }
0x77: {  	_ =	shalt  }
0x78: {  	_ =	shalt  }
0x79: {  	_ =	shalt  }
0x7a: {  	_ =	shalt  }
0x7b: {  	_ =	shalt  }
0x7c: {  	_ =	shalt  }
0x7d: {  	_ =	shalt  }
0x7e: {  	_ =	shalt  }
0x7f: {  	_ =	shalt  }
0x80: {  	_ =	shalt  }
0x81: {  	_ =	shalt  }
0x82: {  	_ =	shalt  }
0x83: {  	_ =	shalt  }
0x84: {  	_ =	shalt  }
0x85: {  	_ =	shalt  }
0x86: {  	_ =	shalt  }
0x87: {  	_ =	shalt  }
.Lfunc_end0:
.L_simem_size_0:
called_computation_lowered:
.L_overlay_start_0:
0x88: {  	s2 =	sld [smem:$0x3FD9]  }
0x89: {  	s3 =	sld [smem:$0x3FFE];
	_ =	sdelay $0x1  }
0x8a: {  	s1 =	srdreg.scid  }
0x8b: {  	s0 =	sand.u32 $0x1, s1  }
0x8c: {  	s17 =	sshll.u32 s0, $0xA;
	s2 =	sadd.s32 s3, s2  }
0x8d: {  	s2 =	sadd.s32 s2, s17  }
0x8e: {  	[smem:$0x3FC4] =	sst s2  }
0x8f: {  	_ = 	snop  }
0x90: {  	s2 =	sld [smem:$0x3FC9]  }
0x91: {  	s18 =	sld [smem:$0x3FC8]  }
0x92: {  	s4 =	sld [smem:$0x3FD0];
	(tm) =	ssettm $0x1  }
0x93: {  	s5 =	sld [smem:$0x3FFB];
	_ =	sdelay $0x3  }
0x94: {  	_ =	strace s5  }
0x95: {  	s5 =	sld [smem:$0x3FFC];
	_ =	sdelay $0x3  }
0x96: {  	_ =	strace s5  }
0x97: {  	s5 =	sld [smem:$0x3FFD];
	_ =	sdelay $0x3  }
0x98: {  	_ =	strace s5  }
0x99: {  	_ =	strace $0x8FFFFFFF  }
0x9a: {  	s19 =	sld [smem:$0x3FDB];
	_ =	sdelay $0x1  }
0x9b: {  	s6 =	simm.s32 $_scs_section_size  }
0x9c: {  	s7 =	simm.s32 $_size__tile_overlayer_lowered;
	s8 =	simm.s32 $_tile_overlayer_lowered  }
0x9d: {  	s22 =	simm.s32 $0x1BFF;
	s21 =	sshll.u32 s8, $0x1;
	s5 =	sadd.s32 s6, s19  }
0x9e: {  	s9 =	simm.s32 $0x0;
	s20 =	sshll.u32 s7, $0x1;
	s7 =	sadd.s32 s21, s5  }
0x9f: {  	[timem:s9], [sflag:s22] =	dma.local [hbm:s7], s20  }
0xa0: {  	_ =	swait.ge [sflag:s22], s20  }
0xa1: {  	s6 =	ssub.s32 $0x0, s20;
	[sflag:s22] =	ssyncset.done $0x0  }
0xa2: {  	[sflag:s22] =	ssyncadd.s32 s6;
	_ =	sdelay $0x1  }
0xa3: {  	s23 =	simm.s32 $0x1B8B  }
0xa4: {  	_ =	swait.ge [sflag:s23], $0x1  }
0xa5: {  	[sflag:s23] =	ssyncset.done $0x0  }
0xa6: {  	s25 =	simm.s32 $0x1B8E;
	s24 =	sld [smem:$0x3FFE];
	[sflag:s23] =	ssyncadd.s32 $0xFFFFFFFF  }
0xa7: {  	s26 =	simm.s32 $execute0_lowered;
	[smem:$0x3FD2] =	sst s25  }
0xa8: {  	s7 =	sshll.u32 s26, $0x1;
	_ =	strace $0x80000046;
	[dreg:$0x1] =	wrdreg $0xFFFFFFFF  }
0xa9: {  	s28 =	simm.s32 $_size_execute0_lowered;
	s5 =	sadd.s32 s5, s7;
	[dreg:$0x0] =	wrdreg $0x0  }
0xaa: {  	s7 =	sshll.u32 s28, $0x1;
	[dreg:$0x2] =	wrdreg s5  }
0xab: {  	[dreg:$0x3] =	wrdreg s7  }
0xac: {  	[dreg:$0x4] =	wrdreg $0xC0  }
0xad: {  	_ =	task [dreg:s9], $0x5FFFF  }
0xae: {  	[dreg:$0x1] =	wrdreg $0xFFFFFFFF  }
0xaf: {  	[dreg:$0x0] =	wrdreg $0x60  }
0xb0: {  	[dreg:$0x2] =	wrdreg s2  }
0xb1: {  	[dreg:$0x3] =	wrdreg s18  }
0xb2: {  	[dreg:$0x4] =	wrdreg s24  }
0xb3: {  	[dreg:$0x5] =	wrdreg s4  }
0xb4: {  	[dreg:$0x6] =	wrdreg $0x9  }
0xb5: {  	_ =	task.clear_ibuf [dreg:s9], $0x7FFFF;
	_ =	strace $0x90000046  }
0xb6: {  	s29 =	simm.s32 $0x9;
	_ =	strace $0x80000048  }
0xb7: {  	_ =	swait.ge [sflag:s29], $0x1  }
0xb8: {  	[sflag:s29] =	ssyncadd.s32 $0xFFFFFFFF  }
0xb9: {  	_ =	strace $0x90000048  }
0xba: {  	_ =	sfence  }
0xbb: {  	s30 =	sld [smem:$0x0];
	_ =	sdelay $0x2  }
0xbc: {  	s31 =	sshll.u32 s1, $0xD;
	s1 =	sshrl.u32 s1, $0x2  }
0xbd: {  	s3 =	sand.u32 $0x4000, s31;
	s1 =	sadd.s32 s1, s30  }
0xbe: {  	s0 =	sor.u32 s3, s0;
	s1 =	sshll.u32 s1, $0x11  }
0xbf: {  	s0 =	sor.u32 s1, s0  }
0xc0: {  	s0 =	sadd.s32 $0x8F2B, s0  }
0xc1: {  	[sflag:s0] =	ssyncadd.remote.s32 $0x1  }
0xc2: {  	_ =	sfence.sel $0xFFFF  }
0xc3: {  	[dreg:$0x0] =	wrdreg $0xFFFFFFFF;
	(pc) =	sbr.abs _section_cstart, $3  }
0xc4: {  	[dreg:$0x1] =	wrdreg $0xFFFFFFFF  }
0xc5: {  	_ =	task.clear_ibuf [dreg:s9], $0x2FFFF;
	_ =	strace $0x9FFFFFFF  }
0xc6: {  	(tm) =	ssettm $0x7FFFFFFF  }
0xc7: {  	_ =	shalt  }
tec
execute0_lowered:
.L_overlay_start_1:
0x0: {  	(tag) =	ssettag $0x1  }
0x1: {  	s0 =	rddreg [dreg:$0x0]  }
0x2: {  	s2 =	rddreg [dreg:$0x1]  }
0x3: {  	s5 =	rddreg [dreg:$0x2]  }
0x4: {  	s7 =	rddreg [dreg:$0x3]  }
0x5: {  	s1 =	simm.s32 $0x0;
	s4 =	srdreg.scid;
	s16 =	stileid.u32  }
0x6: {  	s28 =	simm.s32 $0x19300;
	s29 =	simm.s32 $0x1;
	s30 =	simm.s32 $0x2  }
0x7: {  	s31 =	simm.s32 $0x3;
	[smem:$0x7FF] =	sst s1;
	s3 =	sadd.s32 $0x3400, s5  }
0x8: {  	s6 =	sand.u32 $0x1, s4;
	s8 =	sshrl.u32 s16, $0x2;
	s14 =	sshll.u32 s16, $0x8  }
0x9: {  	s4 =	sadd.s32 $0x400, s5;
	s20 =	sshll.u32 s16, $0xD;
	_ =	strace $0x80000047  }
0xa: {  	s9 =	smul.u32 $0xC3800, s8;
	s10 =	sshll.u32 s6, $0x7;
	s11 =	sand.u32 $0x300, s14  }
0xb: {  	s6 =	ssub.s32 $0x2, s6;
	s12 =	sor.u32 $0x4, s8;
	s8 =	sshll.u32 s8, $0xF  }
0xc: {  	s10 =	sor.u32 s10, s11;
	s15 =	sshrl.u32 s6, $0x1;
	s14 =	smul.u32 $0xC3800, s12  }
0xd: {  	s12 =	sshll.u32 s12, $0xF;
	s11 =	sadd.s32 $0x6400, s5;
	s9 =	sor.u32 s9, s10  }
0xe: {  	s15 =	ssub.s32 s6, s15;
	s8 =	sor.u32 s8, s10;
	s6 =	sadd.s32 $0x3580, s5  }
0xf: {  	s12 =	sor.u32 s12, s10;
	s13 =	sshrl.u32 s9, $0x3;
	s8 =	sshrl.u32 s8, $0x3  }
0x10: {  	s18 =	sor.u32 s14, s10;
	s12 =	sshrl.u32 s12, $0x3;
	s9 =	sadd.s32 $0x61C000, s9  }
0x11: {  	s14 =	sand.u32 $0x18000, s20;
	s17 =	sadd.s32 s0, s13;
	s8 =	sadd.s32 s7, s8  }
0x12: {  	s12 =	sadd.s32 s7, s12;
	s9 =	sshrl.u32 s9, $0x3;
	[dreg:$0x5] =	wrdreg s17  }
0x13: {  	s10 =	sor.u32 s14, s10;
	s22 =	sadd.s32 $0x61C000, s18;
	[dreg:$0x6] =	wrdreg s8  }
0x14: {  	s26 =	sadd.s32 s2, s13;
	s8 =	sshrl.u32 s18, $0x3;
	[dreg:$0x8] =	wrdreg s12  }
0x15: {  	s9 =	sadd.s32 s0, s9;
	s21 =	sshrl.u32 s10, $0x3;
	s23 =	sshrl.u32 s22, $0x3  }
0x16: {  	s12 =	sadd.s32 $0x6580, s5;
	[dreg:$0xd] =	wrdreg s26;
	s17 =	sadd.s32 $0x9400, s5  }
0x17: {  	s18 =	sadd.s32 $0x9580, s5;
	s26 =	simm.s32 $0x18700;
	s19 =	sadd.s32 s0, s8  }
0x18: {  	[dreg:$0x9] =	wrdreg s9;
	s7 =	sadd.s32 s21, s7;
	s0 =	sadd.s32 s0, s23  }
0x19: {  	s21 =	sadd.s32 s2, s8;
	s23 =	smax.u32 s15, $0x1;
	s2 =	simm.s32 $0x4  }
.Ltmp0:
0x1a: {  	[dreg:$0x7] =	wrdreg s19;
	s24 =	sadd.s32 $0x8000, s7;
	(pc) =	sbr.rel .LBB2_1-.Ltmp0, $4  }
0x1b: {  	[dreg:$0xb] =	wrdreg s0;
	s25 =	sadd.s32 $0xC000, s7;
	s19 =	sadd.s32 $0x580, s5  }
0x1c: {  	s20 =	sadd.s32 $0x10000, s7;
	s22 =	sadd.s32 $0x14000, s7;
	s0 =	simm.s32 $0x1B700  }
0x1d: {  	s5 =	simm.s32 $0x1AB00;
	s7 =	simm.s32 $0x0;
	[dreg:$0xa] =	wrdreg s24  }
0x1e: {  	[dreg:$0xc] =	wrdreg s25;
	s24 =	simm.s32 $0x80;
	s25 =	simm.s32 $0x400  }
.LBB2_43:
0x1f: {  	s7 =	sadd.s32 $0x1, s7  }
0x20: {  	p0 =	sne.s32 s7, s23  }
.Ltmp1:
0x21: {  	_ = 	snop;
	(pc) =	sbr.rel @!p0 .LBB2_44-.Ltmp1, $4  }
0x22: {  	[hbm4b:s22+s24] =	stream.strided.scatter [tilespmem:s0], [sflag:$0x4], $0x1000, s25, s24, $0x38;
	[tilespmem:$0x1C700] =	vst v63  }
0x23: {  	_ =	swait.ge [sflag:s2], $0x1000  }
0x24: {  	[sflag:s2] =	ssyncset.done $0x0  }
0x25: {  	[sflag:s2] =	ssyncadd.s32 $0xFFFFF000  }
.LBB2_1:
0x26: {  	s8 =	rddreg [dreg:$0x5]  }
0x27: {  	[tilespmem:s1], [sflag:$0x1] =	stream.strided.gather [hbm4b:s8+s24], $0x18700, s25, s24, $0x38;
	[tilespmem:$0x1C700] =	vst v63  }
0x28: {  	_ = 	snop  }
0x29: {  	[tilespmem:s26], [sflag:$0x2] =	stream.linear.gather [hbm4b:s3+s1], $0xA00, $0x38;
	[tilespmem:$0x1C700] =	vst v63  }
0x2a: {  	_ = 	snop  }
0x2b: {  	[tilespmem:s28], [sflag:$0x3] =	stream.linear.gather [hbm4b:s6+s1], $0xA00, $0x38;
	[tilespmem:$0x1C700] =	vst v63  }
0x2c: {  	_ =	swait.ge [sflag:s29], $0x18700  }
0x2d: {  	s9 =	simm.s32 $0x1B790;
	[sflag:s29] =	ssyncset.done $0x0  }
0x2e: {  	s10 =	simm.s32 $0x0;
	s8 =	simm.s32 $0x1B710;
	[sflag:s29] =	ssyncadd.s32 $0xFFFE7900  }
.LBB2_2:
0x2f: {  	_ =	swait.ge [sflag:s30], $0xA00  }
0x30: {  	[sflag:s30] =	ssyncset.done $0x0  }
0x31: {  	s13 =	simm.s32 $0x18C00;
	[sflag:s30] =	ssyncadd.s32 $0xFFFFF600  }
0x32: {  	v0 =	vld [tilespmem:s13+$0x310]  }
0x33: {  	v1 =	vld [tilespmem:s13+$0x390]  }
0x34: {  	v2 =	vld [tilespmem:s13+$0x410]  }
0x35: {  	v3 =	vld [tilespmem:s13+$0x490]  }
0x36: {  	v4 =	vld [tilespmem:s13+$0xFFFFFB10]  }
0x37: {  	v5 =	vld [tilespmem:s13+$0xFFFFFB90]  }
0x38: {  	v6 =	vld [tilespmem:s13+$0xFFFFFC10]  }
0x39: {  	v7 =	vld [tilespmem:s13+$0xFFFFFC90]  }
0x3a: {  	v8 =	vld [tilespmem:s13+$0xFFFFFD10]  }
0x3b: {  	v9 =	vld [tilespmem:s13+$0xFFFFFD90]  }
0x3c: {  	v10 =	vld [tilespmem:s13+$0xFFFFFE10]  }
0x3d: {  	v11 =	vld [tilespmem:s13+$0xFFFFFE90]  }
0x3e: {  	v12 =	vld [tilespmem:s13+$0xFFFFFF10]  }
0x3f: {  	v13 =	vld [tilespmem:s13+$0xFFFFFF90]  }
0x40: {  	v14 =	vld [tilespmem:s13+$0x10]  }
0x41: {  	v15 =	vld [tilespmem:s13+$0x90]  }
0x42: {  	v16 =	vld [tilespmem:s13+$0x110]  }
0x43: {  	v17 =	vld [tilespmem:s13+$0x190]  }
0x44: {  	v18 =	vld [tilespmem:s13+$0x210]  }
0x45: {  	v19 =	vld [tilespmem:s13+$0x290]  }
0x46: {  	v20 =	vld [tilespmem:s13+$0xFFFFFB80]  }
0x47: {  	v21 =	vld [tilespmem:s13+$0xFFFFFC00]  }
0x48: {  	v22 =	vld [tilespmem:s13+$0xFFFFFC80]  }
0x49: {  	v23 =	vld [tilespmem:s13+$0xFFFFFD00]  }
0x4a: {  	v24 =	vld [tilespmem:s13+$0xFFFFFD80]  }
0x4b: {  	v25 =	vld [tilespmem:s13+$0xFFFFFE00]  }
0x4c: {  	v26 =	vld [tilespmem:s13+$0xFFFFFE80]  }
0x4d: {  	v27 =	vld [tilespmem:s13+$0xFFFFFF00]  }
0x4e: {  	v28 =	vld [tilespmem:s13+$0xFFFFFF80]  }
0x4f: {  	v29 =	vld [tilespmem:s13+$0x0]  }
0x50: {  	v30 =	vld [tilespmem:s13+$0x80]  }
0x51: {  	v31 =	vld [tilespmem:s13+$0x100]  }
0x52: {  	v32 =	vld [tilespmem:s13+$0x180]  }
0x53: {  	v33 =	vld [tilespmem:s13+$0x200]  }
0x54: {  	v34 =	vld [tilespmem:s13+$0x280]  }
0x55: {  	v35 =	vld [tilespmem:s13+$0xFFFFFB00]  }
0x56: {  	v36 =	vld [tilespmem:s13+$0x300]  }
0x57: {  	v37 =	vld [tilespmem:s13+$0x380]  }
0x58: {  	v38 =	vld [tilespmem:s13+$0x400]  }
0x59: {  	v39 =	vld [tilespmem:s13+$0x480]  }
0x5a: {  	v0 =	vld.idx.msk [tilespmem:v0+s1+$0x0], $0xffff  }
0x5b: {  	v4 =	vld.idx.msk [tilespmem:v4+s1+$0x0], $0xffff  }
0x5c: {  	v5 =	vld.idx.msk [tilespmem:v5+s1+$0x0], $0xffff  }
0x5d: {  	v6 =	vld.idx.msk [tilespmem:v6+s1+$0x0], $0xffff  }
0x5e: {  	v7 =	vld.idx.msk [tilespmem:v7+s1+$0x0], $0xffff  }
0x5f: {  	v8 =	vld.idx.msk [tilespmem:v8+s1+$0x0], $0xffff  }
0x60: {  	v9 =	vld.idx.msk [tilespmem:v9+s1+$0x0], $0xffff  }
0x61: {  	v10 =	vld.idx.msk [tilespmem:v10+s1+$0x0], $0xffff  }
0x62: {  	v11 =	vld.idx.msk [tilespmem:v11+s1+$0x0], $0xffff  }
0x63: {  	v12 =	vld.idx.msk [tilespmem:v12+s1+$0x0], $0xffff  }
0x64: {  	v13 =	vld.idx.msk [tilespmem:v13+s1+$0x0], $0xffff  }
0x65: {  	v14 =	vld.idx.msk [tilespmem:v14+s1+$0x0], $0xffff  }
0x66: {  	v15 =	vld.idx.msk [tilespmem:v15+s1+$0x0], $0xffff  }
0x67: {  	v16 =	vld.idx.msk [tilespmem:v16+s1+$0x0], $0xffff  }
0x68: {  	v17 =	vld.idx.msk [tilespmem:v17+s1+$0x0], $0xffff  }
0x69: {  	v18 =	vld.idx.msk [tilespmem:v18+s1+$0x0], $0xffff  }
0x6a: {  	v19 =	vld.idx.msk [tilespmem:v19+s1+$0x0], $0xffff  }
0x6b: {  	v1 =	vld.idx.msk [tilespmem:v1+s1+$0x0], $0xffff  }
0x6c: {  	v2 =	vld.idx.msk [tilespmem:v2+s1+$0x0], $0xffff  }
0x6d: {  	v3 =	vld.idx.msk [tilespmem:v3+s1+$0x0], $0xffff  }
0x6e: {  	v20 =	vld.idx.msk [tilespmem:v20+s1+$0x0], $0xffff  }
0x6f: {  	v21 =	vld.idx.msk [tilespmem:v21+s1+$0x0], $0xffff  }
0x70: {  	v22 =	vld.idx.msk [tilespmem:v22+s1+$0x0], $0xffff  }
0x71: {  	v58 =	vld.idx.msk [tilespmem:v24+s1+$0x0], $0xffff  }
0x72: {  	v61 =	vld.idx.msk [tilespmem:v25+s1+$0x0], $0xffff;
	v4 =	vadd.f32 v5, v4;
	v5 =	vadd.f32 v7, v6  }
0x73: {  	v62 =	vld.idx.msk [tilespmem:v28+s1+$0x0], $0xffff;
	v7 =	vadd.f32 v9, v8;
	v8 =	vadd.f32 v11, v10  }
0x74: {  	v63 =	vld.idx.msk [tilespmem:v32+s1+$0x0], $0xffff;
	v10 =	vadd.f32 v13, v12;
	v11 =	vadd.f32 v15, v14  }
0x75: {  	v6 =	vld.idx.msk [tilespmem:v35+s1+$0x0], $0xffff;
	v59 =	vadd.f32 v17, v16;
	v60 =	vadd.f32 v19, v18  }
0x76: {  	v9 =	vld.idx.msk [tilespmem:v23+s1+$0x0], $0xffff;
	v4 =	vadd.f32 v5, v4;
	v5 =	vadd.f32 v8, v7  }
0x77: {  	v7 =	vld.idx.msk [tilespmem:v26+s1+$0x0], $0xffff;
	v8 =	vadd.f32 v11, v10;
	v10 =	vadd.f32 v60, v59  }
0x78: {  	v0 =	vadd.f32 v1, v0;
	v1 =	vadd.f32 v3, v2;
	v11 =	vld.idx.msk [tilespmem:v27+s1+$0x0], $0xffff  }
0x79: {  	v2 =	vadd.f32 v5, v4;
	v3 =	vadd.f32 v10, v8;
	v5 =	vld.idx.msk [tilespmem:v29+s1+$0x0], $0xffff  }
0x7a: {  	v0 =	vadd.f32 v1, v0;
	v8 =	vld.idx.msk [tilespmem:v30+s1+$0x0], $0xffff;
	v4 =	vadd.f32 v20, v6  }
0x7b: {  	v10 =	vld.idx.msk [tilespmem:v31+s1+$0x0], $0xffff;
	v6 =	vadd.f32 v58, v9;
	v2 =	vadd.f32 v3, v2  }
0x7c: {  	v1 =	vld.idx.msk [tilespmem:v33+s1+$0x0], $0xffff;
	v3 =	vadd.f32 v22, v21;
	v7 =	vadd.f32 v7, v61  }
0x7d: {  	v9 =	vadd.f32 v0, v2;
	v2 =	vld.idx.msk [tilespmem:v34+s1+$0x0], $0xffff  }
0x7e: {  	v0 =	vadd.f32 v3, v4;
	v3 =	vld.idx.msk [tilespmem:v36+s1+$0x0], $0xffff;
	v6 =	vadd.f32 v7, v6  }
0x7f: {  	v4 =	vld.idx.msk [tilespmem:v37+s1+$0x0], $0xffff;
	v7 =	vadd.f32 v62, v11;
	v11 =	vadd.f32 v8, v5  }
0x80: {  	v5 =	vld.idx.msk [tilespmem:v38+s1+$0x0], $0xffff;
	v8 =	vadd.f32 v63, v10  }
0x81: {  	s14 =	simm.s32 $0x0;
	s15 =	simm.s32 $0x18C20;
	s13 =	smov.u32 s8;
	[tilespmem:s8+$0x0] =	vst v9;
	v0 =	vadd.f32 v6, v0;
	v6 =	vld.idx.msk [tilespmem:v39+s1+$0x0], $0xffff;
	v7 =	vadd.f32 v11, v7  }
.LBB2_3:
0x82: {  	v9 =	vld [tilespmem:s15+$0x310]  }
0x83: {  	v1 =	vadd.f32 v2, v1;
	v10 =	vld [tilespmem:s15+$0x390]  }
0x84: {  	v2 =	vld [tilespmem:s15+$0x410]  }
0x85: {  	v3 =	vadd.f32 v4, v3;
	v1 =	vadd.f32 v1, v8;
	v11 =	vld [tilespmem:s15+$0x490]  }
0x86: {  	v4 =	vld [tilespmem:s15+$0xFFFFFB10]  }
0x87: {  	v5 =	vadd.f32 v6, v5;
	v1 =	vadd.f32 v1, v7;
	v8 =	vld [tilespmem:s15+$0xFFFFFB90]  }
0x88: {  	v6 =	vld [tilespmem:s15+$0xFFFFFC10]  }
0x89: {  	v3 =	vadd.f32 v5, v3;
	v0 =	vadd.f32 v1, v0;
	v7 =	vld [tilespmem:s15+$0xFFFFFC90]  }
0x8a: {  	v1 =	vld [tilespmem:s15+$0xFFFFFD10]  }
0x8b: {  	v0 =	vadd.f32 v3, v0;
	v5 =	vld [tilespmem:s15+$0xFFFFFD90]  }
0x8c: {  	v3 =	vld [tilespmem:s15+$0xFFFFFE10]  }
0x8d: {  	v12 =	vld [tilespmem:s15+$0xFFFFFE90];
	[tilespmem:s13+$0xFFFFFFF0] =	vst v0  }
0x8e: {  	v0 =	vld [tilespmem:s15+$0xFFFFFF10]  }
0x8f: {  	v13 =	vld [tilespmem:s15+$0xFFFFFF90]  }
0x90: {  	v14 =	vld [tilespmem:s15+$0x10]  }
0x91: {  	v15 =	vld [tilespmem:s15+$0x90]  }
0x92: {  	v16 =	vld [tilespmem:s15+$0x110]  }
0x93: {  	v17 =	vld [tilespmem:s15+$0x190]  }
0x94: {  	v18 =	vld [tilespmem:s15+$0x210]  }
0x95: {  	v19 =	vld [tilespmem:s15+$0x290]  }
0x96: {  	v9 =	vld.idx.msk [tilespmem:v9+s1+$0x0], $0xffff  }
0x97: {  	v4 =	vld.idx.msk [tilespmem:v4+s1+$0x0], $0xffff  }
0x98: {  	v8 =	vld.idx.msk [tilespmem:v8+s1+$0x0], $0xffff  }
0x99: {  	v6 =	vld.idx.msk [tilespmem:v6+s1+$0x0], $0xffff  }
0x9a: {  	v7 =	vld.idx.msk [tilespmem:v7+s1+$0x0], $0xffff  }
0x9b: {  	v1 =	vld.idx.msk [tilespmem:v1+s1+$0x0], $0xffff  }
0x9c: {  	v5 =	vld.idx.msk [tilespmem:v5+s1+$0x0], $0xffff  }
0x9d: {  	v3 =	vld.idx.msk [tilespmem:v3+s1+$0x0], $0xffff  }
0x9e: {  	s14 =	sadd.s32 $0x2, s14;
	v12 =	vld.idx.msk [tilespmem:v12+s1+$0x0], $0xffff  }
0x9f: {  	p0 =	slt.u32 s14, $0x6;
	v0 =	vld.idx.msk [tilespmem:v0+s1+$0x0], $0xffff  }
0xa0: {  	v13 =	vld.idx.msk [tilespmem:v13+s1+$0x0], $0xffff  }
0xa1: {  	v14 =	vld.idx.msk [tilespmem:v14+s1+$0x0], $0xffff  }
0xa2: {  	v15 =	vld.idx.msk [tilespmem:v15+s1+$0x0], $0xffff  }
0xa3: {  	v16 =	vld.idx.msk [tilespmem:v16+s1+$0x0], $0xffff  }
0xa4: {  	v17 =	vld.idx.msk [tilespmem:v17+s1+$0x0], $0xffff  }
0xa5: {  	v18 =	vld.idx.msk [tilespmem:v18+s1+$0x0], $0xffff  }
0xa6: {  	v19 =	vld.idx.msk [tilespmem:v19+s1+$0x0], $0xffff  }
0xa7: {  	v10 =	vld.idx.msk [tilespmem:v10+s1+$0x0], $0xffff  }
0xa8: {  	v2 =	vld.idx.msk [tilespmem:v2+s1+$0x0], $0xffff  }
0xa9: {  	v4 =	vadd.f32 v8, v4;
	v6 =	vadd.f32 v7, v6;
	v11 =	vld.idx.msk [tilespmem:v11+s1+$0x0], $0xffff  }
0xaa: {  	v1 =	vadd.f32 v5, v1;
	v3 =	vadd.f32 v12, v3;
	v7 =	vld [tilespmem:s15+$0xFFFFFB80]  }
0xab: {  	v0 =	vadd.f32 v13, v0;
	v8 =	vadd.f32 v15, v14;
	v5 =	vld [tilespmem:s15+$0xFFFFFC00]  }
0xac: {  	v13 =	vadd.f32 v17, v16;
	v14 =	vadd.f32 v19, v18;
	v12 =	vld [tilespmem:s15+$0xFFFFFC80]  }
0xad: {  	v4 =	vadd.f32 v6, v4;
	v1 =	vadd.f32 v3, v1;
	v15 =	vld [tilespmem:s15+$0xFFFFFD00]  }
0xae: {  	v0 =	vadd.f32 v8, v0;
	v6 =	vadd.f32 v14, v13;
	v3 =	vld [tilespmem:s15+$0xFFFFFD80]  }
0xaf: {  	v9 =	vadd.f32 v10, v9;
	v2 =	vadd.f32 v11, v2;
	v8 =	vld [tilespmem:s15+$0xFFFFFE00]  }
0xb0: {  	v1 =	vadd.f32 v1, v4;
	v0 =	vadd.f32 v6, v0;
	v10 =	vld [tilespmem:s15+$0xFFFFFE80]  }
0xb1: {  	v4 =	vld [tilespmem:s15+$0xFFFFFF00]  }
0xb2: {  	v2 =	vadd.f32 v2, v9;
	v0 =	vadd.f32 v0, v1;
	v6 =	vld [tilespmem:s15+$0xFFFFFF80]  }
0xb3: {  	v1 =	vld [tilespmem:s15+$0x0]  }
0xb4: {  	v0 =	vadd.f32 v2, v0;
	v9 =	vld [tilespmem:s15+$0x80]  }
0xb5: {  	s13 =	sadd.s32 $0x20, s13;
	v2 =	vld [tilespmem:s15+$0x100]  }
0xb6: {  	v11 =	vld [tilespmem:s15+$0x180];
	[tilespmem:s13+$0x0] =	vst v0  }
0xb7: {  	v0 =	vld [tilespmem:s15+$0x200]  }
0xb8: {  	v13 =	vld [tilespmem:s15+$0x280]  }
0xb9: {  	v14 =	vld [tilespmem:s15+$0xFFFFFB00]  }
0xba: {  	v16 =	vld [tilespmem:s15+$0x300]  }
0xbb: {  	v17 =	vld [tilespmem:s15+$0x380]  }
0xbc: {  	v18 =	vld [tilespmem:s15+$0x400]  }
0xbd: {  	v19 =	vld [tilespmem:s15+$0x480]  }
0xbe: {  	v7 =	vld.idx.msk [tilespmem:v7+s1+$0x0], $0xffff  }
0xbf: {  	v5 =	vld.idx.msk [tilespmem:v5+s1+$0x0], $0xffff  }
0xc0: {  	v12 =	vld.idx.msk [tilespmem:v12+s1+$0x0], $0xffff  }
0xc1: {  	v14 =	vld.idx.msk [tilespmem:v14+s1+$0x0], $0xffff  }
0xc2: {  	v15 =	vld.idx.msk [tilespmem:v15+s1+$0x0], $0xffff  }
0xc3: {  	v3 =	vld.idx.msk [tilespmem:v3+s1+$0x0], $0xffff  }
0xc4: {  	v8 =	vld.idx.msk [tilespmem:v8+s1+$0x0], $0xffff  }
0xc5: {  	v10 =	vld.idx.msk [tilespmem:v10+s1+$0x0], $0xffff  }
0xc6: {  	v5 =	vadd.f32 v12, v5;
	v4 =	vld.idx.msk [tilespmem:v4+s1+$0x0], $0xffff  }
0xc7: {  	v7 =	vadd.f32 v7, v14;
	v6 =	vld.idx.msk [tilespmem:v6+s1+$0x0], $0xffff  }
0xc8: {  	v12 =	vld.idx.msk [tilespmem:v1+s1+$0x0], $0xffff  }
0xc9: {  	v3 =	vadd.f32 v3, v15;
	v5 =	vadd.f32 v5, v7;
	v9 =	vld.idx.msk [tilespmem:v9+s1+$0x0], $0xffff  }
0xca: {  	v7 =	vld.idx.msk [tilespmem:v2+s1+$0x0], $0xffff  }
0xcb: {  	v8 =	vadd.f32 v10, v8;
	v11 =	vld.idx.msk [tilespmem:v11+s1+$0x0], $0xffff  }
0xcc: {  	v1 =	vld.idx.msk [tilespmem:v0+s1+$0x0], $0xffff  }
.Ltmp2:
0xcd: {  	v10 =	vadd.f32 v6, v4;
	v0 =	vadd.f32 v8, v3;
	v2 =	vld.idx.msk [tilespmem:v13+s1+$0x0], $0xffff;
	(pc) =	sbr.rel @p0 .LBB2_3-.Ltmp2, $4  }
0xce: {  	v3 =	vld.idx.msk [tilespmem:v16+s1+$0x0], $0xffff  }
0xcf: {  	v9 =	vadd.f32 v9, v12;
	v0 =	vadd.f32 v0, v5;
	v4 =	vld.idx.msk [tilespmem:v17+s1+$0x0], $0xffff  }
0xd0: {  	v5 =	vld.idx.msk [tilespmem:v18+s1+$0x0], $0xffff  }
0xd1: {  	s15 =	sadd.s32 $0x20, s15;
	v8 =	vadd.f32 v11, v7;
	v7 =	vadd.f32 v9, v10;
	v6 =	vld.idx.msk [tilespmem:v19+s1+$0x0], $0xffff  }
0xd2: {  	v1 =	vadd.f32 v2, v1;
	_ =	sdelay $0x1  }
0xd3: {  	v1 =	vadd.f32 v1, v8  }
0xd4: {  	v2 =	vadd.f32 v4, v3  }
0xd5: {  	v3 =	vadd.f32 v6, v5;
	v1 =	vadd.f32 v1, v7  }
0xd6: {  	p0 =	seq.s32 s10, $0xF  }
0xd7: {  	s14 =	smul.u32 @!p0 $0x1800, s10;
	v2 =	vadd.f32 v3, v2;
	v0 =	vadd.f32 v1, v0;
	_ =	sdelay $0x1  }
0xd8: {  	s14 =	sshrl.u32 @!p0 s14, $0x3;
	v0 =	vadd.f32 v2, v0  }
0xd9: {  	s14 =	sadd.s32 @!p0 s3, s14  }
0xda: {  	s15 =	simm.s32 @!p0 $0x18700;
	[tilespmem:s13+$0xFFFFFFF0] =	vst v0;
	s13 =	sadd.s32 @!p0 $0x300, s14;
	s14 =	simm.s32 @!p0 $0x0  }
0xdb: {  	[tilespmem:s15], [sflag:$0x2] =	stream.linear.gather @!p0 [hbm4b:s13+s14], $0xA00, $0x38;
	[tilespmem:$0x1C700] =	vst v63  }
0xdc: {  	_ =	swait.ge [sflag:s31], $0xA00  }
0xdd: {  	[sflag:s31] =	ssyncset.done $0x0  }
0xde: {  	s16 =	simm.s32 $0x19800;
	[sflag:s31] =	ssyncadd.s32 $0xFFFFF600  }
0xdf: {  	v0 =	vld [tilespmem:s16+$0x310]  }
0xe0: {  	v1 =	vld [tilespmem:s16+$0x390]  }
0xe1: {  	v2 =	vld [tilespmem:s16+$0x410]  }
0xe2: {  	v3 =	vld [tilespmem:s16+$0x490]  }
0xe3: {  	v4 =	vld [tilespmem:s16+$0xFFFFFB10]  }
0xe4: {  	v5 =	vld [tilespmem:s16+$0xFFFFFB90]  }
0xe5: {  	v6 =	vld [tilespmem:s16+$0xFFFFFC10]  }
0xe6: {  	v7 =	vld [tilespmem:s16+$0xFFFFFC90]  }
0xe7: {  	v8 =	vld [tilespmem:s16+$0xFFFFFD10]  }
0xe8: {  	v9 =	vld [tilespmem:s16+$0xFFFFFD90]  }
0xe9: {  	v10 =	vld [tilespmem:s16+$0xFFFFFE10]  }
0xea: {  	v11 =	vld [tilespmem:s16+$0xFFFFFE90]  }
0xeb: {  	v12 =	vld [tilespmem:s16+$0xFFFFFF10]  }
0xec: {  	v13 =	vld [tilespmem:s16+$0xFFFFFF90]  }
0xed: {  	v14 =	vld [tilespmem:s16+$0x10]  }
0xee: {  	v15 =	vld [tilespmem:s16+$0x90]  }
0xef: {  	v16 =	vld [tilespmem:s16+$0x110]  }
0xf0: {  	v17 =	vld [tilespmem:s16+$0x190]  }
0xf1: {  	v18 =	vld [tilespmem:s16+$0x210]  }
0xf2: {  	v19 =	vld [tilespmem:s16+$0x290]  }
0xf3: {  	v20 =	vld [tilespmem:s16+$0xFFFFFB80]  }
0xf4: {  	v21 =	vld [tilespmem:s16+$0xFFFFFC00]  }
0xf5: {  	v22 =	vld [tilespmem:s16+$0xFFFFFC80]  }
0xf6: {  	v23 =	vld [tilespmem:s16+$0xFFFFFD00]  }
0xf7: {  	v24 =	vld [tilespmem:s16+$0xFFFFFD80]  }
0xf8: {  	v25 =	vld [tilespmem:s16+$0xFFFFFE00]  }
0xf9: {  	v26 =	vld [tilespmem:s16+$0xFFFFFE80]  }
0xfa: {  	v27 =	vld [tilespmem:s16+$0xFFFFFF00]  }
0xfb: {  	v28 =	vld [tilespmem:s16+$0xFFFFFF80]  }
0xfc: {  	v29 =	vld [tilespmem:s16+$0x0]  }
0xfd: {  	v30 =	vld [tilespmem:s16+$0x80]  }
0xfe: {  	v31 =	vld [tilespmem:s16+$0x100]  }
0xff: {  	v32 =	vld [tilespmem:s16+$0x180]  }
0x100: {  	v33 =	vld [tilespmem:s16+$0x200]  }
0x101: {  	v34 =	vld [tilespmem:s16+$0x280]  }
0x102: {  	v35 =	vld [tilespmem:s16+$0xFFFFFB00]  }
0x103: {  	v36 =	vld [tilespmem:s16+$0x300]  }
0x104: {  	v37 =	vld [tilespmem:s16+$0x380]  }
0x105: {  	v38 =	vld [tilespmem:s16+$0x400]  }
0x106: {  	v39 =	vld [tilespmem:s16+$0x480]  }
0x107: {  	v0 =	vld.idx.msk [tilespmem:v0+s1+$0x0], $0xffff  }
0x108: {  	v4 =	vld.idx.msk [tilespmem:v4+s1+$0x0], $0xffff  }
0x109: {  	v5 =	vld.idx.msk [tilespmem:v5+s1+$0x0], $0xffff  }
0x10a: {  	v6 =	vld.idx.msk [tilespmem:v6+s1+$0x0], $0xffff  }
0x10b: {  	v7 =	vld.idx.msk [tilespmem:v7+s1+$0x0], $0xffff  }
0x10c: {  	v8 =	vld.idx.msk [tilespmem:v8+s1+$0x0], $0xffff  }
0x10d: {  	v9 =	vld.idx.msk [tilespmem:v9+s1+$0x0], $0xffff  }
0x10e: {  	v10 =	vld.idx.msk [tilespmem:v10+s1+$0x0], $0xffff  }
0x10f: {  	v11 =	vld.idx.msk [tilespmem:v11+s1+$0x0], $0xffff  }
0x110: {  	v12 =	vld.idx.msk [tilespmem:v12+s1+$0x0], $0xffff  }
0x111: {  	v13 =	vld.idx.msk [tilespmem:v13+s1+$0x0], $0xffff  }
0x112: {  	v14 =	vld.idx.msk [tilespmem:v14+s1+$0x0], $0xffff  }
0x113: {  	v15 =	vld.idx.msk [tilespmem:v15+s1+$0x0], $0xffff  }
0x114: {  	v16 =	vld.idx.msk [tilespmem:v16+s1+$0x0], $0xffff  }
0x115: {  	v17 =	vld.idx.msk [tilespmem:v17+s1+$0x0], $0xffff  }
0x116: {  	v18 =	vld.idx.msk [tilespmem:v18+s1+$0x0], $0xffff  }
0x117: {  	v19 =	vld.idx.msk [tilespmem:v19+s1+$0x0], $0xffff  }
0x118: {  	v1 =	vld.idx.msk [tilespmem:v1+s1+$0x0], $0xffff  }
0x119: {  	v2 =	vld.idx.msk [tilespmem:v2+s1+$0x0], $0xffff  }
0x11a: {  	v3 =	vld.idx.msk [tilespmem:v3+s1+$0x0], $0xffff  }
0x11b: {  	v20 =	vld.idx.msk [tilespmem:v20+s1+$0x0], $0xffff  }
0x11c: {  	v21 =	vld.idx.msk [tilespmem:v21+s1+$0x0], $0xffff  }
0x11d: {  	v22 =	vld.idx.msk [tilespmem:v22+s1+$0x0], $0xffff  }
0x11e: {  	v58 =	vld.idx.msk [tilespmem:v24+s1+$0x0], $0xffff  }
0x11f: {  	v61 =	vld.idx.msk [tilespmem:v25+s1+$0x0], $0xffff;
	v4 =	vadd.f32 v5, v4;
	v5 =	vadd.f32 v7, v6  }
0x120: {  	v62 =	vld.idx.msk [tilespmem:v28+s1+$0x0], $0xffff;
	v7 =	vadd.f32 v9, v8;
	v8 =	vadd.f32 v11, v10  }
0x121: {  	v63 =	vld.idx.msk [tilespmem:v32+s1+$0x0], $0xffff;
	v10 =	vadd.f32 v13, v12;
	v11 =	vadd.f32 v15, v14  }
0x122: {  	v6 =	vld.idx.msk [tilespmem:v35+s1+$0x0], $0xffff;
	v59 =	vadd.f32 v17, v16;
	v60 =	vadd.f32 v19, v18  }
0x123: {  	v9 =	vld.idx.msk [tilespmem:v23+s1+$0x0], $0xffff;
	v4 =	vadd.f32 v5, v4;
	v5 =	vadd.f32 v8, v7  }
0x124: {  	v7 =	vld.idx.msk [tilespmem:v26+s1+$0x0], $0xffff;
	v8 =	vadd.f32 v11, v10;
	v10 =	vadd.f32 v60, v59  }
0x125: {  	v0 =	vadd.f32 v1, v0;
	v1 =	vadd.f32 v3, v2;
	v11 =	vld.idx.msk [tilespmem:v27+s1+$0x0], $0xffff  }
0x126: {  	v2 =	vadd.f32 v5, v4;
	v3 =	vadd.f32 v10, v8;
	v5 =	vld.idx.msk [tilespmem:v29+s1+$0x0], $0xffff  }
0x127: {  	v0 =	vadd.f32 v1, v0;
	v8 =	vld.idx.msk [tilespmem:v30+s1+$0x0], $0xffff;
	v4 =	vadd.f32 v20, v6  }
0x128: {  	v10 =	vld.idx.msk [tilespmem:v31+s1+$0x0], $0xffff;
	v6 =	vadd.f32 v58, v9;
	v2 =	vadd.f32 v3, v2  }
0x129: {  	v1 =	vld.idx.msk [tilespmem:v33+s1+$0x0], $0xffff;
	v3 =	vadd.f32 v22, v21;
	v7 =	vadd.f32 v7, v61  }
0x12a: {  	v9 =	vadd.f32 v0, v2;
	v2 =	vld.idx.msk [tilespmem:v34+s1+$0x0], $0xffff  }
0x12b: {  	v0 =	vadd.f32 v3, v4;
	v3 =	vld.idx.msk [tilespmem:v36+s1+$0x0], $0xffff;
	v6 =	vadd.f32 v7, v6  }
0x12c: {  	v4 =	vld.idx.msk [tilespmem:v37+s1+$0x0], $0xffff;
	v7 =	vadd.f32 v62, v11;
	v11 =	vadd.f32 v8, v5  }
0x12d: {  	v5 =	vld.idx.msk [tilespmem:v38+s1+$0x0], $0xffff;
	v8 =	vadd.f32 v63, v10  }
0x12e: {  	s14 =	simm.s32 $0x0;
	s15 =	simm.s32 $0x19820;
	s13 =	smov.u32 s9;
	[tilespmem:s9+$0x0] =	vst v9;
	v0 =	vadd.f32 v6, v0;
	v6 =	vld.idx.msk [tilespmem:v39+s1+$0x0], $0xffff;
	v7 =	vadd.f32 v11, v7  }
.LBB2_5:
0x12f: {  	v9 =	vld [tilespmem:s15+$0x310]  }
0x130: {  	v1 =	vadd.f32 v2, v1;
	v10 =	vld [tilespmem:s15+$0x390]  }
0x131: {  	v2 =	vld [tilespmem:s15+$0x410]  }
0x132: {  	v3 =	vadd.f32 v4, v3;
	v1 =	vadd.f32 v1, v8;
	v11 =	vld [tilespmem:s15+$0x490]  }
0x133: {  	v4 =	vld [tilespmem:s15+$0xFFFFFB10]  }
0x134: {  	v5 =	vadd.f32 v6, v5;
	v1 =	vadd.f32 v1, v7;
	v8 =	vld [tilespmem:s15+$0xFFFFFB90]  }
0x135: {  	v6 =	vld [tilespmem:s15+$0xFFFFFC10]  }
0x136: {  	v3 =	vadd.f32 v5, v3;
	v0 =	vadd.f32 v1, v0;
	v7 =	vld [tilespmem:s15+$0xFFFFFC90]  }
0x137: {  	v1 =	vld [tilespmem:s15+$0xFFFFFD10]  }
0x138: {  	v0 =	vadd.f32 v3, v0;
	v5 =	vld [tilespmem:s15+$0xFFFFFD90]  }
0x139: {  	v3 =	vld [tilespmem:s15+$0xFFFFFE10]  }
0x13a: {  	v12 =	vld [tilespmem:s15+$0xFFFFFE90];
	[tilespmem:s13+$0xFFFFFFF0] =	vst v0  }
0x13b: {  	v0 =	vld [tilespmem:s15+$0xFFFFFF10]  }
0x13c: {  	v13 =	vld [tilespmem:s15+$0xFFFFFF90]  }
0x13d: {  	v14 =	vld [tilespmem:s15+$0x10]  }
0x13e: {  	v15 =	vld [tilespmem:s15+$0x90]  }
0x13f: {  	v16 =	vld [tilespmem:s15+$0x110]  }
0x140: {  	v17 =	vld [tilespmem:s15+$0x190]  }
0x141: {  	v18 =	vld [tilespmem:s15+$0x210]  }
0x142: {  	v19 =	vld [tilespmem:s15+$0x290]  }
0x143: {  	v9 =	vld.idx.msk [tilespmem:v9+s1+$0x0], $0xffff  }
0x144: {  	v4 =	vld.idx.msk [tilespmem:v4+s1+$0x0], $0xffff  }
0x145: {  	v8 =	vld.idx.msk [tilespmem:v8+s1+$0x0], $0xffff  }
0x146: {  	v6 =	vld.idx.msk [tilespmem:v6+s1+$0x0], $0xffff  }
0x147: {  	v7 =	vld.idx.msk [tilespmem:v7+s1+$0x0], $0xffff  }
0x148: {  	v1 =	vld.idx.msk [tilespmem:v1+s1+$0x0], $0xffff  }
0x149: {  	v5 =	vld.idx.msk [tilespmem:v5+s1+$0x0], $0xffff  }
0x14a: {  	v3 =	vld.idx.msk [tilespmem:v3+s1+$0x0], $0xffff  }
0x14b: {  	s14 =	sadd.s32 $0x2, s14;
	v12 =	vld.idx.msk [tilespmem:v12+s1+$0x0], $0xffff  }
0x14c: {  	p1 =	slt.u32 s14, $0x6;
	v0 =	vld.idx.msk [tilespmem:v0+s1+$0x0], $0xffff  }
0x14d: {  	v13 =	vld.idx.msk [tilespmem:v13+s1+$0x0], $0xffff  }
0x14e: {  	v14 =	vld.idx.msk [tilespmem:v14+s1+$0x0], $0xffff  }
0x14f: {  	v15 =	vld.idx.msk [tilespmem:v15+s1+$0x0], $0xffff  }
0x150: {  	v16 =	vld.idx.msk [tilespmem:v16+s1+$0x0], $0xffff  }
0x151: {  	v17 =	vld.idx.msk [tilespmem:v17+s1+$0x0], $0xffff  }
0x152: {  	v18 =	vld.idx.msk [tilespmem:v18+s1+$0x0], $0xffff  }
0x153: {  	v19 =	vld.idx.msk [tilespmem:v19+s1+$0x0], $0xffff  }
0x154: {  	v10 =	vld.idx.msk [tilespmem:v10+s1+$0x0], $0xffff  }
0x155: {  	v2 =	vld.idx.msk [tilespmem:v2+s1+$0x0], $0xffff  }
0x156: {  	v4 =	vadd.f32 v8, v4;
	v6 =	vadd.f32 v7, v6;
	v11 =	vld.idx.msk [tilespmem:v11+s1+$0x0], $0xffff  }
0x157: {  	v1 =	vadd.f32 v5, v1;
	v3 =	vadd.f32 v12, v3;
	v7 =	vld [tilespmem:s15+$0xFFFFFB80]  }
0x158: {  	v0 =	vadd.f32 v13, v0;
	v8 =	vadd.f32 v15, v14;
	v5 =	vld [tilespmem:s15+$0xFFFFFC00]  }
0x159: {  	v13 =	vadd.f32 v17, v16;
	v14 =	vadd.f32 v19, v18;
	v12 =	vld [tilespmem:s15+$0xFFFFFC80]  }
0x15a: {  	v4 =	vadd.f32 v6, v4;
	v1 =	vadd.f32 v3, v1;
	v15 =	vld [tilespmem:s15+$0xFFFFFD00]  }
0x15b: {  	v0 =	vadd.f32 v8, v0;
	v6 =	vadd.f32 v14, v13;
	v3 =	vld [tilespmem:s15+$0xFFFFFD80]  }
0x15c: {  	v9 =	vadd.f32 v10, v9;
	v2 =	vadd.f32 v11, v2;
	v8 =	vld [tilespmem:s15+$0xFFFFFE00]  }
0x15d: {  	v1 =	vadd.f32 v1, v4;
	v0 =	vadd.f32 v6, v0;
	v10 =	vld [tilespmem:s15+$0xFFFFFE80]  }
0x15e: {  	v4 =	vld [tilespmem:s15+$0xFFFFFF00]  }
0x15f: {  	v2 =	vadd.f32 v2, v9;
	v0 =	vadd.f32 v0, v1;
	v6 =	vld [tilespmem:s15+$0xFFFFFF80]  }
0x160: {  	v1 =	vld [tilespmem:s15+$0x0]  }
0x161: {  	v0 =	vadd.f32 v2, v0;
	v9 =	vld [tilespmem:s15+$0x80]  }
0x162: {  	s13 =	sadd.s32 $0x20, s13;
	v2 =	vld [tilespmem:s15+$0x100]  }
0x163: {  	v11 =	vld [tilespmem:s15+$0x180];
	[tilespmem:s13+$0x0] =	vst v0  }
0x164: {  	v0 =	vld [tilespmem:s15+$0x200]  }
0x165: {  	v13 =	vld [tilespmem:s15+$0x280]  }
0x166: {  	v14 =	vld [tilespmem:s15+$0xFFFFFB00]  }
0x167: {  	v16 =	vld [tilespmem:s15+$0x300]  }
0x168: {  	v17 =	vld [tilespmem:s15+$0x380]  }
0x169: {  	v18 =	vld [tilespmem:s15+$0x400]  }
0x16a: {  	v19 =	vld [tilespmem:s15+$0x480]  }
0x16b: {  	v7 =	vld.idx.msk [tilespmem:v7+s1+$0x0], $0xffff  }
0x16c: {  	v5 =	vld.idx.msk [tilespmem:v5+s1+$0x0], $0xffff  }
0x16d: {  	v12 =	vld.idx.msk [tilespmem:v12+s1+$0x0], $0xffff  }
0x16e: {  	v14 =	vld.idx.msk [tilespmem:v14+s1+$0x0], $0xffff  }
0x16f: {  	v15 =	vld.idx.msk [tilespmem:v15+s1+$0x0], $0xffff  }
0x170: {  	v3 =	vld.idx.msk [tilespmem:v3+s1+$0x0], $0xffff  }
0x171: {  	v8 =	vld.idx.msk [tilespmem:v8+s1+$0x0], $0xffff  }
0x172: {  	v10 =	vld.idx.msk [tilespmem:v10+s1+$0x0], $0xffff  }
0x173: {  	v5 =	vadd.f32 v12, v5;
	v4 =	vld.idx.msk [tilespmem:v4+s1+$0x0], $0xffff  }
0x174: {  	v7 =	vadd.f32 v7, v14;
	v6 =	vld.idx.msk [tilespmem:v6+s1+$0x0], $0xffff  }
0x175: {  	v12 =	vld.idx.msk [tilespmem:v1+s1+$0x0], $0xffff  }
0x176: {  	v3 =	vadd.f32 v3, v15;
	v5 =	vadd.f32 v5, v7;
	v9 =	vld.idx.msk [tilespmem:v9+s1+$0x0], $0xffff  }
0x177: {  	v7 =	vld.idx.msk [tilespmem:v2+s1+$0x0], $0xffff  }
0x178: {  	v8 =	vadd.f32 v10, v8;
	v11 =	vld.idx.msk [tilespmem:v11+s1+$0x0], $0xffff  }
0x179: {  	v1 =	vld.idx.msk [tilespmem:v0+s1+$0x0], $0xffff  }
.Ltmp3:
0x17a: {  	v10 =	vadd.f32 v6, v4;
	v0 =	vadd.f32 v8, v3;
	v2 =	vld.idx.msk [tilespmem:v13+s1+$0x0], $0xffff;
	(pc) =	sbr.rel @p1 .LBB2_5-.Ltmp3, $4  }
0x17b: {  	v3 =	vld.idx.msk [tilespmem:v16+s1+$0x0], $0xffff  }
0x17c: {  	v9 =	vadd.f32 v9, v12;
	v0 =	vadd.f32 v0, v5;
	v4 =	vld.idx.msk [tilespmem:v17+s1+$0x0], $0xffff  }
0x17d: {  	v5 =	vld.idx.msk [tilespmem:v18+s1+$0x0], $0xffff  }
0x17e: {  	s15 =	sadd.s32 $0x20, s15;
	v8 =	vadd.f32 v11, v7;
	v7 =	vadd.f32 v9, v10;
	v6 =	vld.idx.msk [tilespmem:v19+s1+$0x0], $0xffff  }
0x17f: {  	v1 =	vadd.f32 v2, v1;
	_ =	sdelay $0x1  }
0x180: {  	v1 =	vadd.f32 v1, v8  }
0x181: {  	v62 =	vadd.f32 v4, v3  }
0x182: {  	v63 =	vadd.f32 v6, v5;
	v1 =	vadd.f32 v1, v7;
	_ =	sdelay $0x1  }
.Ltmp4:
0x183: {  	v2 =	vadd.f32 v63, v62;
	v0 =	vadd.f32 v1, v0;
	(pc) =	sbr.rel @p0 .LBB2_8-.Ltmp4, $3  }
0x184: {  	_ = 	snop  }
0x185: {  	v0 =	vadd.f32 v2, v0;
	_ =	sdelay $0x1  }
0x186: {  	[tilespmem:s13+$0xFFFFFFF0] =	vst v0  }
0x187: {  	s13 =	smul.u32 $0x1800, s10  }
.Ltmp5:
0x188: {  	_ = 	snop;
	(pc) =	sbr.rel .LBB2_2-.Ltmp5, $4  }
0x189: {  	s13 =	sshrl.u32 s13, $0x3  }
0x18a: {  	s10 =	sadd.s32 $0x1, s10;
	s13 =	sadd.s32 s3, s13  }
0x18b: {  	s8 =	sadd.s32 $0x100, s8;
	s9 =	sadd.s32 $0x100, s9;
	s13 =	sadd.s32 $0x480, s13  }
0x18c: {  	[tilespmem:s28], [sflag:$0x3] =	stream.linear.gather [hbm4b:s13+s1], $0xA00, $0x38;
	[tilespmem:$0x1C700] =	vst v63  }
.LBB2_8:
0x18d: {  	s8 =	rddreg [dreg:$0x6]  }
0x18e: {  	[hbm4b:s8+s24] =	stream.strided.scatter [tilespmem:s0], [sflag:$0x4], $0x1000, s25, s24, $0x38;
	[tilespmem:$0x1C700] =	vst v63  }
0x18f: {  	_ =	swait.ge [sflag:s2], $0x1000  }
0x190: {  	[sflag:s2] =	ssyncset.done $0x0  }
0x191: {  	s8 =	simm.s32 $0x0;
	s9 =	rddreg [dreg:$0x7];
	[sflag:s2] =	ssyncadd.s32 $0xFFFFF000  }
0x192: {  	[tilespmem:s8], [sflag:$0x1] =	stream.strided.gather [hbm4b:s9+s24], $0x18700, s25, s24, $0x38;
	[tilespmem:$0x1C700] =	vst v63  }
0x193: {  	_ = 	snop  }
0x194: {  	[tilespmem:s26], [sflag:$0x2] =	stream.linear.gather [hbm4b:s3+s8], $0xA00, $0x38;
	[tilespmem:$0x1C700] =	vst v63  }
0x195: {  	_ = 	snop  }
0x196: {  	[tilespmem:s28], [sflag:$0x3] =	stream.linear.gather [hbm4b:s6+s8], $0xA00, $0x38;
	[tilespmem:$0x1C700] =	vst v63  }
0x197: {  	_ =	swait.ge [sflag:s29], $0x18700  }
0x198: {  	[sflag:s29] =	ssyncset.done $0x0  }
0x199: {  	s10 =	simm.s32 $0x1B790;
	s9 =	simm.s32 $0x1B710;
	[sflag:s29] =	ssyncadd.s32 $0xFFFE7900  }
.LBB2_9:
0x19a: {  	_ =	swait.ge [sflag:s30], $0xA00  }
0x19b: {  	[sflag:s30] =	ssyncset.done $0x0  }
0x19c: {  	s13 =	simm.s32 $0x18C00;
	[sflag:s30] =	ssyncadd.s32 $0xFFFFF600  }
0x19d: {  	v0 =	vld [tilespmem:s13+$0x310]  }
0x19e: {  	v1 =	vld [tilespmem:s13+$0x390]  }
0x19f: {  	v2 =	vld [tilespmem:s13+$0x410]  }
0x1a0: {  	v3 =	vld [tilespmem:s13+$0x490]  }
0x1a1: {  	v4 =	vld [tilespmem:s13+$0xFFFFFB10]  }
0x1a2: {  	v5 =	vld [tilespmem:s13+$0xFFFFFB90]  }
0x1a3: {  	v6 =	vld [tilespmem:s13+$0xFFFFFC10]  }
0x1a4: {  	v7 =	vld [tilespmem:s13+$0xFFFFFC90]  }
0x1a5: {  	v8 =	vld [tilespmem:s13+$0xFFFFFD10]  }
0x1a6: {  	v9 =	vld [tilespmem:s13+$0xFFFFFD90]  }
0x1a7: {  	v10 =	vld [tilespmem:s13+$0xFFFFFE10]  }
0x1a8: {  	v11 =	vld [tilespmem:s13+$0xFFFFFE90]  }
0x1a9: {  	v12 =	vld [tilespmem:s13+$0xFFFFFF10]  }
0x1aa: {  	v13 =	vld [tilespmem:s13+$0xFFFFFF90]  }
0x1ab: {  	v14 =	vld [tilespmem:s13+$0x10]  }
0x1ac: {  	v15 =	vld [tilespmem:s13+$0x90]  }
0x1ad: {  	v16 =	vld [tilespmem:s13+$0x110]  }
0x1ae: {  	v17 =	vld [tilespmem:s13+$0x190]  }
0x1af: {  	v18 =	vld [tilespmem:s13+$0x210]  }
0x1b0: {  	v19 =	vld [tilespmem:s13+$0x290]  }
0x1b1: {  	v20 =	vld [tilespmem:s13+$0xFFFFFB80]  }
0x1b2: {  	v21 =	vld [tilespmem:s13+$0xFFFFFC00]  }
0x1b3: {  	v22 =	vld [tilespmem:s13+$0xFFFFFC80]  }
0x1b4: {  	v23 =	vld [tilespmem:s13+$0xFFFFFD00]  }
0x1b5: {  	v24 =	vld [tilespmem:s13+$0xFFFFFD80]  }
0x1b6: {  	v25 =	vld [tilespmem:s13+$0xFFFFFE00]  }
0x1b7: {  	v26 =	vld [tilespmem:s13+$0xFFFFFE80]  }
0x1b8: {  	v27 =	vld [tilespmem:s13+$0xFFFFFF00]  }
0x1b9: {  	v28 =	vld [tilespmem:s13+$0xFFFFFF80]  }
0x1ba: {  	v29 =	vld [tilespmem:s13+$0x0]  }
0x1bb: {  	v30 =	vld [tilespmem:s13+$0x80]  }
0x1bc: {  	v31 =	vld [tilespmem:s13+$0x100]  }
0x1bd: {  	v32 =	vld [tilespmem:s13+$0x180]  }
0x1be: {  	v33 =	vld [tilespmem:s13+$0x200]  }
0x1bf: {  	v34 =	vld [tilespmem:s13+$0x280]  }
0x1c0: {  	v35 =	vld [tilespmem:s13+$0xFFFFFB00]  }
0x1c1: {  	v36 =	vld [tilespmem:s13+$0x300]  }
0x1c2: {  	v37 =	vld [tilespmem:s13+$0x380]  }
0x1c3: {  	v38 =	vld [tilespmem:s13+$0x400]  }
0x1c4: {  	v39 =	vld [tilespmem:s13+$0x480]  }
0x1c5: {  	v0 =	vld.idx.msk [tilespmem:v0+s1+$0x0], $0xffff  }
0x1c6: {  	v4 =	vld.idx.msk [tilespmem:v4+s1+$0x0], $0xffff  }
0x1c7: {  	v5 =	vld.idx.msk [tilespmem:v5+s1+$0x0], $0xffff  }
0x1c8: {  	v6 =	vld.idx.msk [tilespmem:v6+s1+$0x0], $0xffff  }
0x1c9: {  	v7 =	vld.idx.msk [tilespmem:v7+s1+$0x0], $0xffff  }
0x1ca: {  	v8 =	vld.idx.msk [tilespmem:v8+s1+$0x0], $0xffff  }
0x1cb: {  	v9 =	vld.idx.msk [tilespmem:v9+s1+$0x0], $0xffff  }
0x1cc: {  	v10 =	vld.idx.msk [tilespmem:v10+s1+$0x0], $0xffff  }
0x1cd: {  	v11 =	vld.idx.msk [tilespmem:v11+s1+$0x0], $0xffff  }
0x1ce: {  	v12 =	vld.idx.msk [tilespmem:v12+s1+$0x0], $0xffff  }
0x1cf: {  	v13 =	vld.idx.msk [tilespmem:v13+s1+$0x0], $0xffff  }
0x1d0: {  	v14 =	vld.idx.msk [tilespmem:v14+s1+$0x0], $0xffff  }
0x1d1: {  	v15 =	vld.idx.msk [tilespmem:v15+s1+$0x0], $0xffff  }
0x1d2: {  	v16 =	vld.idx.msk [tilespmem:v16+s1+$0x0], $0xffff  }
0x1d3: {  	v17 =	vld.idx.msk [tilespmem:v17+s1+$0x0], $0xffff  }
0x1d4: {  	v18 =	vld.idx.msk [tilespmem:v18+s1+$0x0], $0xffff  }
0x1d5: {  	v19 =	vld.idx.msk [tilespmem:v19+s1+$0x0], $0xffff  }
0x1d6: {  	v1 =	vld.idx.msk [tilespmem:v1+s1+$0x0], $0xffff  }
0x1d7: {  	v2 =	vld.idx.msk [tilespmem:v2+s1+$0x0], $0xffff  }
0x1d8: {  	v3 =	vld.idx.msk [tilespmem:v3+s1+$0x0], $0xffff  }
0x1d9: {  	v20 =	vld.idx.msk [tilespmem:v20+s1+$0x0], $0xffff  }
0x1da: {  	v21 =	vld.idx.msk [tilespmem:v21+s1+$0x0], $0xffff  }
0x1db: {  	v22 =	vld.idx.msk [tilespmem:v22+s1+$0x0], $0xffff  }
0x1dc: {  	v58 =	vld.idx.msk [tilespmem:v24+s1+$0x0], $0xffff  }
0x1dd: {  	v61 =	vld.idx.msk [tilespmem:v25+s1+$0x0], $0xffff;
	v4 =	vadd.f32 v5, v4;
	v5 =	vadd.f32 v7, v6  }
0x1de: {  	v62 =	vld.idx.msk [tilespmem:v28+s1+$0x0], $0xffff;
	v7 =	vadd.f32 v9, v8;
	v8 =	vadd.f32 v11, v10  }
0x1df: {  	v63 =	vld.idx.msk [tilespmem:v32+s1+$0x0], $0xffff;
	v10 =	vadd.f32 v13, v12;
	v11 =	vadd.f32 v15, v14  }
0x1e0: {  	v6 =	vld.idx.msk [tilespmem:v35+s1+$0x0], $0xffff;
	v59 =	vadd.f32 v17, v16;
	v60 =	vadd.f32 v19, v18  }
0x1e1: {  	v9 =	vld.idx.msk [tilespmem:v23+s1+$0x0], $0xffff;
	v4 =	vadd.f32 v5, v4;
	v5 =	vadd.f32 v8, v7  }
0x1e2: {  	v7 =	vld.idx.msk [tilespmem:v26+s1+$0x0], $0xffff;
	v8 =	vadd.f32 v11, v10;
	v10 =	vadd.f32 v60, v59  }
0x1e3: {  	v0 =	vadd.f32 v1, v0;
	v1 =	vadd.f32 v3, v2;
	v11 =	vld.idx.msk [tilespmem:v27+s1+$0x0], $0xffff  }
0x1e4: {  	v2 =	vadd.f32 v5, v4;
	v3 =	vadd.f32 v10, v8;
	v5 =	vld.idx.msk [tilespmem:v29+s1+$0x0], $0xffff  }
0x1e5: {  	v0 =	vadd.f32 v1, v0;
	v8 =	vld.idx.msk [tilespmem:v30+s1+$0x0], $0xffff;
	v4 =	vadd.f32 v20, v6  }
0x1e6: {  	v10 =	vld.idx.msk [tilespmem:v31+s1+$0x0], $0xffff;
	v6 =	vadd.f32 v58, v9;
	v2 =	vadd.f32 v3, v2  }
0x1e7: {  	v1 =	vld.idx.msk [tilespmem:v33+s1+$0x0], $0xffff;
	v3 =	vadd.f32 v22, v21;
	v7 =	vadd.f32 v7, v61  }
0x1e8: {  	v9 =	vadd.f32 v0, v2;
	v2 =	vld.idx.msk [tilespmem:v34+s1+$0x0], $0xffff  }
0x1e9: {  	v0 =	vadd.f32 v3, v4;
	v3 =	vld.idx.msk [tilespmem:v36+s1+$0x0], $0xffff;
	v6 =	vadd.f32 v7, v6  }
0x1ea: {  	v4 =	vld.idx.msk [tilespmem:v37+s1+$0x0], $0xffff;
	v7 =	vadd.f32 v62, v11;
	v11 =	vadd.f32 v8, v5  }
0x1eb: {  	v5 =	vld.idx.msk [tilespmem:v38+s1+$0x0], $0xffff;
	v8 =	vadd.f32 v63, v10  }
0x1ec: {  	s14 =	simm.s32 $0x0;
	s15 =	simm.s32 $0x18C20;
	s13 =	smov.u32 s9;
	[tilespmem:s9+$0x0] =	vst v9;
	v0 =	vadd.f32 v6, v0;
	v6 =	vld.idx.msk [tilespmem:v39+s1+$0x0], $0xffff;
	v7 =	vadd.f32 v11, v7  }
.LBB2_10:
0x1ed: {  	v9 =	vld [tilespmem:s15+$0x310]  }
0x1ee: {  	v1 =	vadd.f32 v2, v1;
	v10 =	vld [tilespmem:s15+$0x390]  }
0x1ef: {  	v2 =	vld [tilespmem:s15+$0x410]  }
0x1f0: {  	v3 =	vadd.f32 v4, v3;
	v1 =	vadd.f32 v1, v8;
	v11 =	vld [tilespmem:s15+$0x490]  }
0x1f1: {  	v4 =	vld [tilespmem:s15+$0xFFFFFB10]  }
0x1f2: {  	v5 =	vadd.f32 v6, v5;
	v1 =	vadd.f32 v1, v7;
	v8 =	vld [tilespmem:s15+$0xFFFFFB90]  }
0x1f3: {  	v6 =	vld [tilespmem:s15+$0xFFFFFC10]  }
0x1f4: {  	v3 =	vadd.f32 v5, v3;
	v0 =	vadd.f32 v1, v0;
	v7 =	vld [tilespmem:s15+$0xFFFFFC90]  }
0x1f5: {  	v1 =	vld [tilespmem:s15+$0xFFFFFD10]  }
0x1f6: {  	v0 =	vadd.f32 v3, v0;
	v5 =	vld [tilespmem:s15+$0xFFFFFD90]  }
0x1f7: {  	v3 =	vld [tilespmem:s15+$0xFFFFFE10]  }
0x1f8: {  	v12 =	vld [tilespmem:s15+$0xFFFFFE90];
	[tilespmem:s13+$0xFFFFFFF0] =	vst v0  }
0x1f9: {  	v0 =	vld [tilespmem:s15+$0xFFFFFF10]  }
0x1fa: {  	v13 =	vld [tilespmem:s15+$0xFFFFFF90]  }
0x1fb: {  	v14 =	vld [tilespmem:s15+$0x10]  }
0x1fc: {  	v15 =	vld [tilespmem:s15+$0x90]  }
0x1fd: {  	v16 =	vld [tilespmem:s15+$0x110]  }
0x1fe: {  	v17 =	vld [tilespmem:s15+$0x190]  }
0x1ff: {  	v18 =	vld [tilespmem:s15+$0x210]  }
0x200: {  	v19 =	vld [tilespmem:s15+$0x290]  }
0x201: {  	v9 =	vld.idx.msk [tilespmem:v9+s1+$0x0], $0xffff  }
0x202: {  	v4 =	vld.idx.msk [tilespmem:v4+s1+$0x0], $0xffff  }
0x203: {  	v8 =	vld.idx.msk [tilespmem:v8+s1+$0x0], $0xffff  }
0x204: {  	v6 =	vld.idx.msk [tilespmem:v6+s1+$0x0], $0xffff  }
0x205: {  	v7 =	vld.idx.msk [tilespmem:v7+s1+$0x0], $0xffff  }
0x206: {  	v1 =	vld.idx.msk [tilespmem:v1+s1+$0x0], $0xffff  }
0x207: {  	v5 =	vld.idx.msk [tilespmem:v5+s1+$0x0], $0xffff  }
0x208: {  	v3 =	vld.idx.msk [tilespmem:v3+s1+$0x0], $0xffff  }
0x209: {  	s14 =	sadd.s32 $0x2, s14;
	v12 =	vld.idx.msk [tilespmem:v12+s1+$0x0], $0xffff  }
0x20a: {  	p0 =	slt.u32 s14, $0x6;
	v0 =	vld.idx.msk [tilespmem:v0+s1+$0x0], $0xffff  }
0x20b: {  	v13 =	vld.idx.msk [tilespmem:v13+s1+$0x0], $0xffff  }
0x20c: {  	v14 =	vld.idx.msk [tilespmem:v14+s1+$0x0], $0xffff  }
0x20d: {  	v15 =	vld.idx.msk [tilespmem:v15+s1+$0x0], $0xffff  }
0x20e: {  	v16 =	vld.idx.msk [tilespmem:v16+s1+$0x0], $0xffff  }
0x20f: {  	v17 =	vld.idx.msk [tilespmem:v17+s1+$0x0], $0xffff  }
0x210: {  	v18 =	vld.idx.msk [tilespmem:v18+s1+$0x0], $0xffff  }
0x211: {  	v19 =	vld.idx.msk [tilespmem:v19+s1+$0x0], $0xffff  }
0x212: {  	v10 =	vld.idx.msk [tilespmem:v10+s1+$0x0], $0xffff  }
0x213: {  	v2 =	vld.idx.msk [tilespmem:v2+s1+$0x0], $0xffff  }
0x214: {  	v4 =	vadd.f32 v8, v4;
	v6 =	vadd.f32 v7, v6;
	v11 =	vld.idx.msk [tilespmem:v11+s1+$0x0], $0xffff  }
0x215: {  	v1 =	vadd.f32 v5, v1;
	v3 =	vadd.f32 v12, v3;
	v7 =	vld [tilespmem:s15+$0xFFFFFB80]  }
0x216: {  	v0 =	vadd.f32 v13, v0;
	v8 =	vadd.f32 v15, v14;
	v5 =	vld [tilespmem:s15+$0xFFFFFC00]  }
0x217: {  	v13 =	vadd.f32 v17, v16;
	v14 =	vadd.f32 v19, v18;
	v12 =	vld [tilespmem:s15+$0xFFFFFC80]  }
0x218: {  	v4 =	vadd.f32 v6, v4;
	v1 =	vadd.f32 v3, v1;
	v15 =	vld [tilespmem:s15+$0xFFFFFD00]  }
0x219: {  	v0 =	vadd.f32 v8, v0;
	v6 =	vadd.f32 v14, v13;
	v3 =	vld [tilespmem:s15+$0xFFFFFD80]  }
0x21a: {  	v9 =	vadd.f32 v10, v9;
	v2 =	vadd.f32 v11, v2;
	v8 =	vld [tilespmem:s15+$0xFFFFFE00]  }
0x21b: {  	v1 =	vadd.f32 v1, v4;
	v0 =	vadd.f32 v6, v0;
	v10 =	vld [tilespmem:s15+$0xFFFFFE80]  }
0x21c: {  	v4 =	vld [tilespmem:s15+$0xFFFFFF00]  }
0x21d: {  	v2 =	vadd.f32 v2, v9;
	v0 =	vadd.f32 v0, v1;
	v6 =	vld [tilespmem:s15+$0xFFFFFF80]  }
0x21e: {  	v1 =	vld [tilespmem:s15+$0x0]  }
0x21f: {  	v0 =	vadd.f32 v2, v0;
	v9 =	vld [tilespmem:s15+$0x80]  }
0x220: {  	s13 =	sadd.s32 $0x20, s13;
	v2 =	vld [tilespmem:s15+$0x100]  }
0x221: {  	v11 =	vld [tilespmem:s15+$0x180];
	[tilespmem:s13+$0x0] =	vst v0  }
0x222: {  	v0 =	vld [tilespmem:s15+$0x200]  }
0x223: {  	v13 =	vld [tilespmem:s15+$0x280]  }
0x224: {  	v14 =	vld [tilespmem:s15+$0xFFFFFB00]  }
0x225: {  	v16 =	vld [tilespmem:s15+$0x300]  }
0x226: {  	v17 =	vld [tilespmem:s15+$0x380]  }
0x227: {  	v18 =	vld [tilespmem:s15+$0x400]  }
0x228: {  	v19 =	vld [tilespmem:s15+$0x480]  }
0x229: {  	v7 =	vld.idx.msk [tilespmem:v7+s1+$0x0], $0xffff  }
0x22a: {  	v5 =	vld.idx.msk [tilespmem:v5+s1+$0x0], $0xffff  }
0x22b: {  	v12 =	vld.idx.msk [tilespmem:v12+s1+$0x0], $0xffff  }
0x22c: {  	v14 =	vld.idx.msk [tilespmem:v14+s1+$0x0], $0xffff  }
0x22d: {  	v15 =	vld.idx.msk [tilespmem:v15+s1+$0x0], $0xffff  }
0x22e: {  	v3 =	vld.idx.msk [tilespmem:v3+s1+$0x0], $0xffff  }
0x22f: {  	v8 =	vld.idx.msk [tilespmem:v8+s1+$0x0], $0xffff  }
0x230: {  	v10 =	vld.idx.msk [tilespmem:v10+s1+$0x0], $0xffff  }
0x231: {  	v5 =	vadd.f32 v12, v5;
	v4 =	vld.idx.msk [tilespmem:v4+s1+$0x0], $0xffff  }
0x232: {  	v7 =	vadd.f32 v7, v14;
	v6 =	vld.idx.msk [tilespmem:v6+s1+$0x0], $0xffff  }
0x233: {  	v12 =	vld.idx.msk [tilespmem:v1+s1+$0x0], $0xffff  }
0x234: {  	v3 =	vadd.f32 v3, v15;
	v5 =	vadd.f32 v5, v7;
	v9 =	vld.idx.msk [tilespmem:v9+s1+$0x0], $0xffff  }
0x235: {  	v7 =	vld.idx.msk [tilespmem:v2+s1+$0x0], $0xffff  }
0x236: {  	v8 =	vadd.f32 v10, v8;
	v11 =	vld.idx.msk [tilespmem:v11+s1+$0x0], $0xffff  }
0x237: {  	v1 =	vld.idx.msk [tilespmem:v0+s1+$0x0], $0xffff  }
.Ltmp6:
0x238: {  	v10 =	vadd.f32 v6, v4;
	v0 =	vadd.f32 v8, v3;
	v2 =	vld.idx.msk [tilespmem:v13+s1+$0x0], $0xffff;
	(pc) =	sbr.rel @p0 .LBB2_10-.Ltmp6, $4  }
0x239: {  	v3 =	vld.idx.msk [tilespmem:v16+s1+$0x0], $0xffff  }
0x23a: {  	v9 =	vadd.f32 v9, v12;
	v0 =	vadd.f32 v0, v5;
	v4 =	vld.idx.msk [tilespmem:v17+s1+$0x0], $0xffff  }
0x23b: {  	v5 =	vld.idx.msk [tilespmem:v18+s1+$0x0], $0xffff  }
0x23c: {  	s15 =	sadd.s32 $0x20, s15;
	v8 =	vadd.f32 v11, v7;
	v7 =	vadd.f32 v9, v10;
	v6 =	vld.idx.msk [tilespmem:v19+s1+$0x0], $0xffff  }
0x23d: {  	v1 =	vadd.f32 v2, v1;
	_ =	sdelay $0x1  }
0x23e: {  	v1 =	vadd.f32 v1, v8  }
0x23f: {  	v2 =	vadd.f32 v4, v3  }
0x240: {  	v3 =	vadd.f32 v6, v5;
	v1 =	vadd.f32 v1, v7  }
0x241: {  	p0 =	seq.s32 s8, $0xF  }
0x242: {  	s14 =	smul.u32 @!p0 $0x1800, s8;
	v2 =	vadd.f32 v3, v2;
	v0 =	vadd.f32 v1, v0;
	_ =	sdelay $0x1  }
0x243: {  	s14 =	sshrl.u32 @!p0 s14, $0x3;
	v0 =	vadd.f32 v2, v0  }
0x244: {  	s14 =	sadd.s32 @!p0 s3, s14  }
0x245: {  	s15 =	simm.s32 @!p0 $0x18700;
	[tilespmem:s13+$0xFFFFFFF0] =	vst v0;
	s13 =	sadd.s32 @!p0 $0x300, s14;
	s14 =	simm.s32 @!p0 $0x0  }
0x246: {  	[tilespmem:s15], [sflag:$0x2] =	stream.linear.gather @!p0 [hbm4b:s13+s14], $0xA00, $0x38;
	[tilespmem:$0x1C700] =	vst v63  }
0x247: {  	_ =	swait.ge [sflag:s31], $0xA00  }
0x248: {  	[sflag:s31] =	ssyncset.done $0x0  }
0x249: {  	s16 =	simm.s32 $0x19800;
	[sflag:s31] =	ssyncadd.s32 $0xFFFFF600  }
0x24a: {  	v0 =	vld [tilespmem:s16+$0x310]  }
0x24b: {  	v1 =	vld [tilespmem:s16+$0x390]  }
0x24c: {  	v2 =	vld [tilespmem:s16+$0x410]  }
0x24d: {  	v3 =	vld [tilespmem:s16+$0x490]  }
0x24e: {  	v4 =	vld [tilespmem:s16+$0xFFFFFB10]  }
0x24f: {  	v5 =	vld [tilespmem:s16+$0xFFFFFB90]  }
0x250: {  	v6 =	vld [tilespmem:s16+$0xFFFFFC10]  }
0x251: {  	v7 =	vld [tilespmem:s16+$0xFFFFFC90]  }
0x252: {  	v8 =	vld [tilespmem:s16+$0xFFFFFD10]  }
0x253: {  	v9 =	vld [tilespmem:s16+$0xFFFFFD90]  }
0x254: {  	v10 =	vld [tilespmem:s16+$0xFFFFFE10]  }
0x255: {  	v11 =	vld [tilespmem:s16+$0xFFFFFE90]  }
0x256: {  	v12 =	vld [tilespmem:s16+$0xFFFFFF10]  }
0x257: {  	v13 =	vld [tilespmem:s16+$0xFFFFFF90]  }
0x258: {  	v14 =	vld [tilespmem:s16+$0x10]  }
0x259: {  	v15 =	vld [tilespmem:s16+$0x90]  }
0x25a: {  	v16 =	vld [tilespmem:s16+$0x110]  }
0x25b: {  	v17 =	vld [tilespmem:s16+$0x190]  }
0x25c: {  	v18 =	vld [tilespmem:s16+$0x210]  }
0x25d: {  	v19 =	vld [tilespmem:s16+$0x290]  }
0x25e: {  	v20 =	vld [tilespmem:s16+$0xFFFFFB80]  }
0x25f: {  	v21 =	vld [tilespmem:s16+$0xFFFFFC00]  }
0x260: {  	v22 =	vld [tilespmem:s16+$0xFFFFFC80]  }
0x261: {  	v23 =	vld [tilespmem:s16+$0xFFFFFD00]  }
0x262: {  	v24 =	vld [tilespmem:s16+$0xFFFFFD80]  }
0x263: {  	v25 =	vld [tilespmem:s16+$0xFFFFFE00]  }
0x264: {  	v26 =	vld [tilespmem:s16+$0xFFFFFE80]  }
0x265: {  	v27 =	vld [tilespmem:s16+$0xFFFFFF00]  }
0x266: {  	v28 =	vld [tilespmem:s16+$0xFFFFFF80]  }
0x267: {  	v29 =	vld [tilespmem:s16+$0x0]  }
0x268: {  	v30 =	vld [tilespmem:s16+$0x80]  }
0x269: {  	v31 =	vld [tilespmem:s16+$0x100]  }
0x26a: {  	v32 =	vld [tilespmem:s16+$0x180]  }
0x26b: {  	v33 =	vld [tilespmem:s16+$0x200]  }
0x26c: {  	v34 =	vld [tilespmem:s16+$0x280]  }
0x26d: {  	v35 =	vld [tilespmem:s16+$0xFFFFFB00]  }
0x26e: {  	v36 =	vld [tilespmem:s16+$0x300]  }
0x26f: {  	v37 =	vld [tilespmem:s16+$0x380]  }
0x270: {  	v38 =	vld [tilespmem:s16+$0x400]  }
0x271: {  	v39 =	vld [tilespmem:s16+$0x480]  }
0x272: {  	v0 =	vld.idx.msk [tilespmem:v0+s1+$0x0], $0xffff  }
0x273: {  	v4 =	vld.idx.msk [tilespmem:v4+s1+$0x0], $0xffff  }
0x274: {  	v5 =	vld.idx.msk [tilespmem:v5+s1+$0x0], $0xffff  }
0x275: {  	v6 =	vld.idx.msk [tilespmem:v6+s1+$0x0], $0xffff  }
0x276: {  	v7 =	vld.idx.msk [tilespmem:v7+s1+$0x0], $0xffff  }
0x277: {  	v8 =	vld.idx.msk [tilespmem:v8+s1+$0x0], $0xffff  }
0x278: {  	v9 =	vld.idx.msk [tilespmem:v9+s1+$0x0], $0xffff  }
0x279: {  	v10 =	vld.idx.msk [tilespmem:v10+s1+$0x0], $0xffff  }
0x27a: {  	v11 =	vld.idx.msk [tilespmem:v11+s1+$0x0], $0xffff  }
0x27b: {  	v12 =	vld.idx.msk [tilespmem:v12+s1+$0x0], $0xffff  }
0x27c: {  	v13 =	vld.idx.msk [tilespmem:v13+s1+$0x0], $0xffff  }
0x27d: {  	v14 =	vld.idx.msk [tilespmem:v14+s1+$0x0], $0xffff  }
0x27e: {  	v15 =	vld.idx.msk [tilespmem:v15+s1+$0x0], $0xffff  }
0x27f: {  	v16 =	vld.idx.msk [tilespmem:v16+s1+$0x0], $0xffff  }
0x280: {  	v17 =	vld.idx.msk [tilespmem:v17+s1+$0x0], $0xffff  }
0x281: {  	v18 =	vld.idx.msk [tilespmem:v18+s1+$0x0], $0xffff  }
0x282: {  	v19 =	vld.idx.msk [tilespmem:v19+s1+$0x0], $0xffff  }
0x283: {  	v1 =	vld.idx.msk [tilespmem:v1+s1+$0x0], $0xffff  }
0x284: {  	v2 =	vld.idx.msk [tilespmem:v2+s1+$0x0], $0xffff  }
0x285: {  	v3 =	vld.idx.msk [tilespmem:v3+s1+$0x0], $0xffff  }
0x286: {  	v20 =	vld.idx.msk [tilespmem:v20+s1+$0x0], $0xffff  }
0x287: {  	v21 =	vld.idx.msk [tilespmem:v21+s1+$0x0], $0xffff  }
0x288: {  	v22 =	vld.idx.msk [tilespmem:v22+s1+$0x0], $0xffff  }
0x289: {  	v58 =	vld.idx.msk [tilespmem:v24+s1+$0x0], $0xffff  }
0x28a: {  	v61 =	vld.idx.msk [tilespmem:v25+s1+$0x0], $0xffff;
	v4 =	vadd.f32 v5, v4;
	v5 =	vadd.f32 v7, v6  }
0x28b: {  	v62 =	vld.idx.msk [tilespmem:v28+s1+$0x0], $0xffff;
	v7 =	vadd.f32 v9, v8;
	v8 =	vadd.f32 v11, v10  }
0x28c: {  	v63 =	vld.idx.msk [tilespmem:v32+s1+$0x0], $0xffff;
	v10 =	vadd.f32 v13, v12;
	v11 =	vadd.f32 v15, v14  }
0x28d: {  	v6 =	vld.idx.msk [tilespmem:v35+s1+$0x0], $0xffff;
	v59 =	vadd.f32 v17, v16;
	v60 =	vadd.f32 v19, v18  }
0x28e: {  	v9 =	vld.idx.msk [tilespmem:v23+s1+$0x0], $0xffff;
	v4 =	vadd.f32 v5, v4;
	v5 =	vadd.f32 v8, v7  }
0x28f: {  	v7 =	vld.idx.msk [tilespmem:v26+s1+$0x0], $0xffff;
	v8 =	vadd.f32 v11, v10;
	v10 =	vadd.f32 v60, v59  }
0x290: {  	v0 =	vadd.f32 v1, v0;
	v1 =	vadd.f32 v3, v2;
	v11 =	vld.idx.msk [tilespmem:v27+s1+$0x0], $0xffff  }
0x291: {  	v2 =	vadd.f32 v5, v4;
	v3 =	vadd.f32 v10, v8;
	v5 =	vld.idx.msk [tilespmem:v29+s1+$0x0], $0xffff  }
0x292: {  	v0 =	vadd.f32 v1, v0;
	v8 =	vld.idx.msk [tilespmem:v30+s1+$0x0], $0xffff;
	v4 =	vadd.f32 v20, v6  }
0x293: {  	v10 =	vld.idx.msk [tilespmem:v31+s1+$0x0], $0xffff;
	v6 =	vadd.f32 v58, v9;
	v2 =	vadd.f32 v3, v2  }
0x294: {  	v1 =	vld.idx.msk [tilespmem:v33+s1+$0x0], $0xffff;
	v3 =	vadd.f32 v22, v21;
	v7 =	vadd.f32 v7, v61  }
0x295: {  	v9 =	vadd.f32 v0, v2;
	v2 =	vld.idx.msk [tilespmem:v34+s1+$0x0], $0xffff  }
0x296: {  	v0 =	vadd.f32 v3, v4;
	v3 =	vld.idx.msk [tilespmem:v36+s1+$0x0], $0xffff;
	v6 =	vadd.f32 v7, v6  }
0x297: {  	v4 =	vld.idx.msk [tilespmem:v37+s1+$0x0], $0xffff;
	v7 =	vadd.f32 v62, v11;
	v11 =	vadd.f32 v8, v5  }
0x298: {  	v5 =	vld.idx.msk [tilespmem:v38+s1+$0x0], $0xffff;
	v8 =	vadd.f32 v63, v10  }
0x299: {  	s14 =	simm.s32 $0x0;
	s15 =	simm.s32 $0x19820;
	s13 =	smov.u32 s10;
	[tilespmem:s10+$0x0] =	vst v9;
	v0 =	vadd.f32 v6, v0;
	v6 =	vld.idx.msk [tilespmem:v39+s1+$0x0], $0xffff;
	v7 =	vadd.f32 v11, v7  }
.LBB2_12:
0x29a: {  	v9 =	vld [tilespmem:s15+$0x310]  }
0x29b: {  	v1 =	vadd.f32 v2, v1;
	v10 =	vld [tilespmem:s15+$0x390]  }
0x29c: {  	v2 =	vld [tilespmem:s15+$0x410]  }
0x29d: {  	v3 =	vadd.f32 v4, v3;
	v1 =	vadd.f32 v1, v8;
	v11 =	vld [tilespmem:s15+$0x490]  }
0x29e: {  	v4 =	vld [tilespmem:s15+$0xFFFFFB10]  }
0x29f: {  	v5 =	vadd.f32 v6, v5;
	v1 =	vadd.f32 v1, v7;
	v8 =	vld [tilespmem:s15+$0xFFFFFB90]  }
0x2a0: {  	v6 =	vld [tilespmem:s15+$0xFFFFFC10]  }
0x2a1: {  	v3 =	vadd.f32 v5, v3;
	v0 =	vadd.f32 v1, v0;
	v7 =	vld [tilespmem:s15+$0xFFFFFC90]  }
0x2a2: {  	v1 =	vld [tilespmem:s15+$0xFFFFFD10]  }
0x2a3: {  	v0 =	vadd.f32 v3, v0;
	v5 =	vld [tilespmem:s15+$0xFFFFFD90]  }
0x2a4: {  	v3 =	vld [tilespmem:s15+$0xFFFFFE10]  }
0x2a5: {  	v12 =	vld [tilespmem:s15+$0xFFFFFE90];
	[tilespmem:s13+$0xFFFFFFF0] =	vst v0  }
0x2a6: {  	v0 =	vld [tilespmem:s15+$0xFFFFFF10]  }
0x2a7: {  	v13 =	vld [tilespmem:s15+$0xFFFFFF90]  }
0x2a8: {  	v14 =	vld [tilespmem:s15+$0x10]  }
0x2a9: {  	v15 =	vld [tilespmem:s15+$0x90]  }
0x2aa: {  	v16 =	vld [tilespmem:s15+$0x110]  }
0x2ab: {  	v17 =	vld [tilespmem:s15+$0x190]  }
0x2ac: {  	v18 =	vld [tilespmem:s15+$0x210]  }
0x2ad: {  	v19 =	vld [tilespmem:s15+$0x290]  }
0x2ae: {  	v9 =	vld.idx.msk [tilespmem:v9+s1+$0x0], $0xffff  }
0x2af: {  	v4 =	vld.idx.msk [tilespmem:v4+s1+$0x0], $0xffff  }
0x2b0: {  	v8 =	vld.idx.msk [tilespmem:v8+s1+$0x0], $0xffff  }
0x2b1: {  	v6 =	vld.idx.msk [tilespmem:v6+s1+$0x0], $0xffff  }
0x2b2: {  	v7 =	vld.idx.msk [tilespmem:v7+s1+$0x0], $0xffff  }
0x2b3: {  	v1 =	vld.idx.msk [tilespmem:v1+s1+$0x0], $0xffff  }
0x2b4: {  	v5 =	vld.idx.msk [tilespmem:v5+s1+$0x0], $0xffff  }
0x2b5: {  	v3 =	vld.idx.msk [tilespmem:v3+s1+$0x0], $0xffff  }
0x2b6: {  	s14 =	sadd.s32 $0x2, s14;
	v12 =	vld.idx.msk [tilespmem:v12+s1+$0x0], $0xffff  }
0x2b7: {  	p1 =	slt.u32 s14, $0x6;
	v0 =	vld.idx.msk [tilespmem:v0+s1+$0x0], $0xffff  }
0x2b8: {  	v13 =	vld.idx.msk [tilespmem:v13+s1+$0x0], $0xffff  }
0x2b9: {  	v14 =	vld.idx.msk [tilespmem:v14+s1+$0x0], $0xffff  }
0x2ba: {  	v15 =	vld.idx.msk [tilespmem:v15+s1+$0x0], $0xffff  }
0x2bb: {  	v16 =	vld.idx.msk [tilespmem:v16+s1+$0x0], $0xffff  }
0x2bc: {  	v17 =	vld.idx.msk [tilespmem:v17+s1+$0x0], $0xffff  }
0x2bd: {  	v18 =	vld.idx.msk [tilespmem:v18+s1+$0x0], $0xffff  }
0x2be: {  	v19 =	vld.idx.msk [tilespmem:v19+s1+$0x0], $0xffff  }
0x2bf: {  	v10 =	vld.idx.msk [tilespmem:v10+s1+$0x0], $0xffff  }
0x2c0: {  	v2 =	vld.idx.msk [tilespmem:v2+s1+$0x0], $0xffff  }
0x2c1: {  	v4 =	vadd.f32 v8, v4;
	v6 =	vadd.f32 v7, v6;
	v11 =	vld.idx.msk [tilespmem:v11+s1+$0x0], $0xffff  }
0x2c2: {  	v1 =	vadd.f32 v5, v1;
	v3 =	vadd.f32 v12, v3;
	v7 =	vld [tilespmem:s15+$0xFFFFFB80]  }
0x2c3: {  	v0 =	vadd.f32 v13, v0;
	v8 =	vadd.f32 v15, v14;
	v5 =	vld [tilespmem:s15+$0xFFFFFC00]  }
0x2c4: {  	v13 =	vadd.f32 v17, v16;
	v14 =	vadd.f32 v19, v18;
	v12 =	vld [tilespmem:s15+$0xFFFFFC80]  }
0x2c5: {  	v4 =	vadd.f32 v6, v4;
	v1 =	vadd.f32 v3, v1;
	v15 =	vld [tilespmem:s15+$0xFFFFFD00]  }
0x2c6: {  	v0 =	vadd.f32 v8, v0;
	v6 =	vadd.f32 v14, v13;
	v3 =	vld [tilespmem:s15+$0xFFFFFD80]  }
0x2c7: {  	v9 =	vadd.f32 v10, v9;
	v2 =	vadd.f32 v11, v2;
	v8 =	vld [tilespmem:s15+$0xFFFFFE00]  }
0x2c8: {  	v1 =	vadd.f32 v1, v4;
	v0 =	vadd.f32 v6, v0;
	v10 =	vld [tilespmem:s15+$0xFFFFFE80]  }
0x2c9: {  	v4 =	vld [tilespmem:s15+$0xFFFFFF00]  }
0x2ca: {  	v2 =	vadd.f32 v2, v9;
	v0 =	vadd.f32 v0, v1;
	v6 =	vld [tilespmem:s15+$0xFFFFFF80]  }
0x2cb: {  	v1 =	vld [tilespmem:s15+$0x0]  }
0x2cc: {  	v0 =	vadd.f32 v2, v0;
	v9 =	vld [tilespmem:s15+$0x80]  }
0x2cd: {  	s13 =	sadd.s32 $0x20, s13;
	v2 =	vld [tilespmem:s15+$0x100]  }
0x2ce: {  	v11 =	vld [tilespmem:s15+$0x180];
	[tilespmem:s13+$0x0] =	vst v0  }
0x2cf: {  	v0 =	vld [tilespmem:s15+$0x200]  }
0x2d0: {  	v13 =	vld [tilespmem:s15+$0x280]  }
0x2d1: {  	v14 =	vld [tilespmem:s15+$0xFFFFFB00]  }
0x2d2: {  	v16 =	vld [tilespmem:s15+$0x300]  }
0x2d3: {  	v17 =	vld [tilespmem:s15+$0x380]  }
0x2d4: {  	v18 =	vld [tilespmem:s15+$0x400]  }
0x2d5: {  	v19 =	vld [tilespmem:s15+$0x480]  }
0x2d6: {  	v7 =	vld.idx.msk [tilespmem:v7+s1+$0x0], $0xffff  }
0x2d7: {  	v5 =	vld.idx.msk [tilespmem:v5+s1+$0x0], $0xffff  }
0x2d8: {  	v12 =	vld.idx.msk [tilespmem:v12+s1+$0x0], $0xffff  }
0x2d9: {  	v14 =	vld.idx.msk [tilespmem:v14+s1+$0x0], $0xffff  }
0x2da: {  	v15 =	vld.idx.msk [tilespmem:v15+s1+$0x0], $0xffff  }
0x2db: {  	v3 =	vld.idx.msk [tilespmem:v3+s1+$0x0], $0xffff  }
0x2dc: {  	v8 =	vld.idx.msk [tilespmem:v8+s1+$0x0], $0xffff  }
0x2dd: {  	v10 =	vld.idx.msk [tilespmem:v10+s1+$0x0], $0xffff  }
0x2de: {  	v5 =	vadd.f32 v12, v5;
	v4 =	vld.idx.msk [tilespmem:v4+s1+$0x0], $0xffff  }
0x2df: {  	v7 =	vadd.f32 v7, v14;
	v6 =	vld.idx.msk [tilespmem:v6+s1+$0x0], $0xffff  }
0x2e0: {  	v12 =	vld.idx.msk [tilespmem:v1+s1+$0x0], $0xffff  }
0x2e1: {  	v3 =	vadd.f32 v3, v15;
	v5 =	vadd.f32 v5, v7;
	v9 =	vld.idx.msk [tilespmem:v9+s1+$0x0], $0xffff  }
0x2e2: {  	v7 =	vld.idx.msk [tilespmem:v2+s1+$0x0], $0xffff  }
0x2e3: {  	v8 =	vadd.f32 v10, v8;
	v11 =	vld.idx.msk [tilespmem:v11+s1+$0x0], $0xffff  }
0x2e4: {  	v1 =	vld.idx.msk [tilespmem:v0+s1+$0x0], $0xffff  }
.Ltmp7:
0x2e5: {  	v10 =	vadd.f32 v6, v4;
	v0 =	vadd.f32 v8, v3;
	v2 =	vld.idx.msk [tilespmem:v13+s1+$0x0], $0xffff;
	(pc) =	sbr.rel @p1 .LBB2_12-.Ltmp7, $4  }
0x2e6: {  	v3 =	vld.idx.msk [tilespmem:v16+s1+$0x0], $0xffff  }
0x2e7: {  	v9 =	vadd.f32 v9, v12;
	v0 =	vadd.f32 v0, v5;
	v4 =	vld.idx.msk [tilespmem:v17+s1+$0x0], $0xffff  }
0x2e8: {  	v5 =	vld.idx.msk [tilespmem:v18+s1+$0x0], $0xffff  }
0x2e9: {  	s15 =	sadd.s32 $0x20, s15;
	v8 =	vadd.f32 v11, v7;
	v7 =	vadd.f32 v9, v10;
	v6 =	vld.idx.msk [tilespmem:v19+s1+$0x0], $0xffff  }
0x2ea: {  	v1 =	vadd.f32 v2, v1;
	_ =	sdelay $0x1  }
0x2eb: {  	v1 =	vadd.f32 v1, v8  }
0x2ec: {  	v62 =	vadd.f32 v4, v3  }
0x2ed: {  	v63 =	vadd.f32 v6, v5;
	v1 =	vadd.f32 v1, v7;
	_ =	sdelay $0x1  }
.Ltmp8:
0x2ee: {  	v2 =	vadd.f32 v63, v62;
	v0 =	vadd.f32 v1, v0;
	(pc) =	sbr.rel @p0 .LBB2_15-.Ltmp8, $3  }
0x2ef: {  	_ = 	snop  }
0x2f0: {  	v0 =	vadd.f32 v2, v0;
	_ =	sdelay $0x1  }
0x2f1: {  	[tilespmem:s13+$0xFFFFFFF0] =	vst v0  }
0x2f2: {  	s13 =	smul.u32 $0x1800, s8  }
.Ltmp9:
0x2f3: {  	_ = 	snop;
	(pc) =	sbr.rel .LBB2_9-.Ltmp9, $4  }
0x2f4: {  	s13 =	sshrl.u32 s13, $0x3  }
0x2f5: {  	s8 =	sadd.s32 $0x1, s8;
	s13 =	sadd.s32 s3, s13  }
0x2f6: {  	s9 =	sadd.s32 $0x100, s9;
	s10 =	sadd.s32 $0x100, s10;
	s13 =	sadd.s32 $0x480, s13  }
0x2f7: {  	[tilespmem:s28], [sflag:$0x3] =	stream.linear.gather [hbm4b:s13+s1], $0xA00, $0x38;
	[tilespmem:$0x1C700] =	vst v63  }
.LBB2_15:
0x2f8: {  	s8 =	rddreg [dreg:$0x8]  }
0x2f9: {  	[hbm4b:s8+s24] =	stream.strided.scatter [tilespmem:s0], [sflag:$0x4], $0x1000, s25, s24, $0x38;
	[tilespmem:$0x1C700] =	vst v63  }
0x2fa: {  	_ =	swait.ge [sflag:s2], $0x1000  }
0x2fb: {  	[sflag:s2] =	ssyncset.done $0x0  }
0x2fc: {  	s8 =	simm.s32 $0x0;
	s9 =	rddreg [dreg:$0x9];
	[sflag:s2] =	ssyncadd.s32 $0xFFFFF000  }
0x2fd: {  	[tilespmem:s8], [sflag:$0x1] =	stream.strided.gather [hbm4b:s9+s24], $0x18700, s25, s24, $0x38;
	[tilespmem:$0x1C700] =	vst v63  }
0x2fe: {  	_ = 	snop  }
0x2ff: {  	[tilespmem:s26], [sflag:$0x2] =	stream.linear.gather [hbm4b:s11+s8], $0xA00, $0x38;
	[tilespmem:$0x1C700] =	vst v63  }
0x300: {  	_ = 	snop  }
0x301: {  	[tilespmem:s28], [sflag:$0x3] =	stream.linear.gather [hbm4b:s12+s8], $0xA00, $0x38;
	[tilespmem:$0x1C700] =	vst v63  }
0x302: {  	_ =	swait.ge [sflag:s29], $0x18700  }
0x303: {  	[sflag:s29] =	ssyncset.done $0x0  }
0x304: {  	s10 =	simm.s32 $0x1B790;
	s9 =	simm.s32 $0x1B710;
	[sflag:s29] =	ssyncadd.s32 $0xFFFE7900  }
.LBB2_16:
0x305: {  	_ =	swait.ge [sflag:s30], $0xA00  }
0x306: {  	[sflag:s30] =	ssyncset.done $0x0  }
0x307: {  	s13 =	simm.s32 $0x18C00;
	[sflag:s30] =	ssyncadd.s32 $0xFFFFF600  }
0x308: {  	v0 =	vld [tilespmem:s13+$0x310]  }
0x309: {  	v1 =	vld [tilespmem:s13+$0x390]  }
0x30a: {  	v2 =	vld [tilespmem:s13+$0x410]  }
0x30b: {  	v3 =	vld [tilespmem:s13+$0x490]  }
0x30c: {  	v4 =	vld [tilespmem:s13+$0xFFFFFB10]  }
0x30d: {  	v5 =	vld [tilespmem:s13+$0xFFFFFB90]  }
0x30e: {  	v6 =	vld [tilespmem:s13+$0xFFFFFC10]  }
0x30f: {  	v7 =	vld [tilespmem:s13+$0xFFFFFC90]  }
0x310: {  	v8 =	vld [tilespmem:s13+$0xFFFFFD10]  }
0x311: {  	v9 =	vld [tilespmem:s13+$0xFFFFFD90]  }
0x312: {  	v10 =	vld [tilespmem:s13+$0xFFFFFE10]  }
0x313: {  	v11 =	vld [tilespmem:s13+$0xFFFFFE90]  }
0x314: {  	v12 =	vld [tilespmem:s13+$0xFFFFFF10]  }
0x315: {  	v13 =	vld [tilespmem:s13+$0xFFFFFF90]  }
0x316: {  	v14 =	vld [tilespmem:s13+$0x10]  }
0x317: {  	v15 =	vld [tilespmem:s13+$0x90]  }
0x318: {  	v16 =	vld [tilespmem:s13+$0x110]  }
0x319: {  	v17 =	vld [tilespmem:s13+$0x190]  }
0x31a: {  	v18 =	vld [tilespmem:s13+$0x210]  }
0x31b: {  	v19 =	vld [tilespmem:s13+$0x290]  }
0x31c: {  	v20 =	vld [tilespmem:s13+$0xFFFFFB80]  }
0x31d: {  	v21 =	vld [tilespmem:s13+$0xFFFFFC00]  }
0x31e: {  	v22 =	vld [tilespmem:s13+$0xFFFFFC80]  }
0x31f: {  	v23 =	vld [tilespmem:s13+$0xFFFFFD00]  }
0x320: {  	v24 =	vld [tilespmem:s13+$0xFFFFFD80]  }
0x321: {  	v25 =	vld [tilespmem:s13+$0xFFFFFE00]  }
0x322: {  	v26 =	vld [tilespmem:s13+$0xFFFFFE80]  }
0x323: {  	v27 =	vld [tilespmem:s13+$0xFFFFFF00]  }
0x324: {  	v28 =	vld [tilespmem:s13+$0xFFFFFF80]  }
0x325: {  	v29 =	vld [tilespmem:s13+$0x0]  }
0x326: {  	v30 =	vld [tilespmem:s13+$0x80]  }
0x327: {  	v31 =	vld [tilespmem:s13+$0x100]  }
0x328: {  	v32 =	vld [tilespmem:s13+$0x180]  }
0x329: {  	v33 =	vld [tilespmem:s13+$0x200]  }
0x32a: {  	v34 =	vld [tilespmem:s13+$0x280]  }
0x32b: {  	v35 =	vld [tilespmem:s13+$0xFFFFFB00]  }
0x32c: {  	v36 =	vld [tilespmem:s13+$0x300]  }
0x32d: {  	v37 =	vld [tilespmem:s13+$0x380]  }
0x32e: {  	v38 =	vld [tilespmem:s13+$0x400]  }
0x32f: {  	v39 =	vld [tilespmem:s13+$0x480]  }
0x330: {  	v0 =	vld.idx.msk [tilespmem:v0+s1+$0x0], $0xffff  }
0x331: {  	v4 =	vld.idx.msk [tilespmem:v4+s1+$0x0], $0xffff  }
0x332: {  	v5 =	vld.idx.msk [tilespmem:v5+s1+$0x0], $0xffff  }
0x333: {  	v6 =	vld.idx.msk [tilespmem:v6+s1+$0x0], $0xffff  }
0x334: {  	v7 =	vld.idx.msk [tilespmem:v7+s1+$0x0], $0xffff  }
0x335: {  	v8 =	vld.idx.msk [tilespmem:v8+s1+$0x0], $0xffff  }
0x336: {  	v9 =	vld.idx.msk [tilespmem:v9+s1+$0x0], $0xffff  }
0x337: {  	v10 =	vld.idx.msk [tilespmem:v10+s1+$0x0], $0xffff  }
0x338: {  	v11 =	vld.idx.msk [tilespmem:v11+s1+$0x0], $0xffff  }
0x339: {  	v12 =	vld.idx.msk [tilespmem:v12+s1+$0x0], $0xffff  }
0x33a: {  	v13 =	vld.idx.msk [tilespmem:v13+s1+$0x0], $0xffff  }
0x33b: {  	v14 =	vld.idx.msk [tilespmem:v14+s1+$0x0], $0xffff  }
0x33c: {  	v15 =	vld.idx.msk [tilespmem:v15+s1+$0x0], $0xffff  }
0x33d: {  	v16 =	vld.idx.msk [tilespmem:v16+s1+$0x0], $0xffff  }
0x33e: {  	v17 =	vld.idx.msk [tilespmem:v17+s1+$0x0], $0xffff  }
0x33f: {  	v18 =	vld.idx.msk [tilespmem:v18+s1+$0x0], $0xffff  }
0x340: {  	v19 =	vld.idx.msk [tilespmem:v19+s1+$0x0], $0xffff  }
0x341: {  	v1 =	vld.idx.msk [tilespmem:v1+s1+$0x0], $0xffff  }
0x342: {  	v2 =	vld.idx.msk [tilespmem:v2+s1+$0x0], $0xffff  }
0x343: {  	v3 =	vld.idx.msk [tilespmem:v3+s1+$0x0], $0xffff  }
0x344: {  	v20 =	vld.idx.msk [tilespmem:v20+s1+$0x0], $0xffff  }
0x345: {  	v21 =	vld.idx.msk [tilespmem:v21+s1+$0x0], $0xffff  }
0x346: {  	v22 =	vld.idx.msk [tilespmem:v22+s1+$0x0], $0xffff  }
0x347: {  	v58 =	vld.idx.msk [tilespmem:v24+s1+$0x0], $0xffff  }
0x348: {  	v61 =	vld.idx.msk [tilespmem:v25+s1+$0x0], $0xffff;
	v4 =	vadd.f32 v5, v4;
	v5 =	vadd.f32 v7, v6  }
0x349: {  	v62 =	vld.idx.msk [tilespmem:v28+s1+$0x0], $0xffff;
	v7 =	vadd.f32 v9, v8;
	v8 =	vadd.f32 v11, v10  }
0x34a: {  	v63 =	vld.idx.msk [tilespmem:v32+s1+$0x0], $0xffff;
	v10 =	vadd.f32 v13, v12;
	v11 =	vadd.f32 v15, v14  }
0x34b: {  	v6 =	vld.idx.msk [tilespmem:v35+s1+$0x0], $0xffff;
	v59 =	vadd.f32 v17, v16;
	v60 =	vadd.f32 v19, v18  }
0x34c: {  	v9 =	vld.idx.msk [tilespmem:v23+s1+$0x0], $0xffff;
	v4 =	vadd.f32 v5, v4;
	v5 =	vadd.f32 v8, v7  }
0x34d: {  	v7 =	vld.idx.msk [tilespmem:v26+s1+$0x0], $0xffff;
	v8 =	vadd.f32 v11, v10;
	v10 =	vadd.f32 v60, v59  }
0x34e: {  	v0 =	vadd.f32 v1, v0;
	v1 =	vadd.f32 v3, v2;
	v11 =	vld.idx.msk [tilespmem:v27+s1+$0x0], $0xffff  }
0x34f: {  	v2 =	vadd.f32 v5, v4;
	v3 =	vadd.f32 v10, v8;
	v5 =	vld.idx.msk [tilespmem:v29+s1+$0x0], $0xffff  }
0x350: {  	v0 =	vadd.f32 v1, v0;
	v8 =	vld.idx.msk [tilespmem:v30+s1+$0x0], $0xffff;
	v4 =	vadd.f32 v20, v6  }
0x351: {  	v10 =	vld.idx.msk [tilespmem:v31+s1+$0x0], $0xffff;
	v6 =	vadd.f32 v58, v9;
	v2 =	vadd.f32 v3, v2  }
0x352: {  	v1 =	vld.idx.msk [tilespmem:v33+s1+$0x0], $0xffff;
	v3 =	vadd.f32 v22, v21;
	v7 =	vadd.f32 v7, v61  }
0x353: {  	v9 =	vadd.f32 v0, v2;
	v2 =	vld.idx.msk [tilespmem:v34+s1+$0x0], $0xffff  }
0x354: {  	v0 =	vadd.f32 v3, v4;
	v3 =	vld.idx.msk [tilespmem:v36+s1+$0x0], $0xffff;
	v6 =	vadd.f32 v7, v6  }
0x355: {  	v4 =	vld.idx.msk [tilespmem:v37+s1+$0x0], $0xffff;
	v7 =	vadd.f32 v62, v11;
	v11 =	vadd.f32 v8, v5  }
0x356: {  	v5 =	vld.idx.msk [tilespmem:v38+s1+$0x0], $0xffff;
	v8 =	vadd.f32 v63, v10  }
0x357: {  	s14 =	simm.s32 $0x0;
	s15 =	simm.s32 $0x18C20;
	s13 =	smov.u32 s9;
	[tilespmem:s9+$0x0] =	vst v9;
	v0 =	vadd.f32 v6, v0;
	v6 =	vld.idx.msk [tilespmem:v39+s1+$0x0], $0xffff;
	v7 =	vadd.f32 v11, v7  }
.LBB2_17:
0x358: {  	v9 =	vld [tilespmem:s15+$0x310]  }
0x359: {  	v1 =	vadd.f32 v2, v1;
	v10 =	vld [tilespmem:s15+$0x390]  }
0x35a: {  	v2 =	vld [tilespmem:s15+$0x410]  }
0x35b: {  	v3 =	vadd.f32 v4, v3;
	v1 =	vadd.f32 v1, v8;
	v11 =	vld [tilespmem:s15+$0x490]  }
0x35c: {  	v4 =	vld [tilespmem:s15+$0xFFFFFB10]  }
0x35d: {  	v5 =	vadd.f32 v6, v5;
	v1 =	vadd.f32 v1, v7;
	v8 =	vld [tilespmem:s15+$0xFFFFFB90]  }
0x35e: {  	v6 =	vld [tilespmem:s15+$0xFFFFFC10]  }
0x35f: {  	v3 =	vadd.f32 v5, v3;
	v0 =	vadd.f32 v1, v0;
	v7 =	vld [tilespmem:s15+$0xFFFFFC90]  }
0x360: {  	v1 =	vld [tilespmem:s15+$0xFFFFFD10]  }
0x361: {  	v0 =	vadd.f32 v3, v0;
	v5 =	vld [tilespmem:s15+$0xFFFFFD90]  }
0x362: {  	v3 =	vld [tilespmem:s15+$0xFFFFFE10]  }
0x363: {  	v12 =	vld [tilespmem:s15+$0xFFFFFE90];
	[tilespmem:s13+$0xFFFFFFF0] =	vst v0  }
0x364: {  	v0 =	vld [tilespmem:s15+$0xFFFFFF10]  }
0x365: {  	v13 =	vld [tilespmem:s15+$0xFFFFFF90]  }
0x366: {  	v14 =	vld [tilespmem:s15+$0x10]  }
0x367: {  	v15 =	vld [tilespmem:s15+$0x90]  }
0x368: {  	v16 =	vld [tilespmem:s15+$0x110]  }
0x369: {  	v17 =	vld [tilespmem:s15+$0x190]  }
0x36a: {  	v18 =	vld [tilespmem:s15+$0x210]  }
0x36b: {  	v19 =	vld [tilespmem:s15+$0x290]  }
0x36c: {  	v9 =	vld.idx.msk [tilespmem:v9+s1+$0x0], $0xffff  }
0x36d: {  	v4 =	vld.idx.msk [tilespmem:v4+s1+$0x0], $0xffff  }
0x36e: {  	v8 =	vld.idx.msk [tilespmem:v8+s1+$0x0], $0xffff  }
0x36f: {  	v6 =	vld.idx.msk [tilespmem:v6+s1+$0x0], $0xffff  }
0x370: {  	v7 =	vld.idx.msk [tilespmem:v7+s1+$0x0], $0xffff  }
0x371: {  	v1 =	vld.idx.msk [tilespmem:v1+s1+$0x0], $0xffff  }
0x372: {  	v5 =	vld.idx.msk [tilespmem:v5+s1+$0x0], $0xffff  }
0x373: {  	v3 =	vld.idx.msk [tilespmem:v3+s1+$0x0], $0xffff  }
0x374: {  	s14 =	sadd.s32 $0x2, s14;
	v12 =	vld.idx.msk [tilespmem:v12+s1+$0x0], $0xffff  }
0x375: {  	p0 =	slt.u32 s14, $0x6;
	v0 =	vld.idx.msk [tilespmem:v0+s1+$0x0], $0xffff  }
0x376: {  	v13 =	vld.idx.msk [tilespmem:v13+s1+$0x0], $0xffff  }
0x377: {  	v14 =	vld.idx.msk [tilespmem:v14+s1+$0x0], $0xffff  }
0x378: {  	v15 =	vld.idx.msk [tilespmem:v15+s1+$0x0], $0xffff  }
0x379: {  	v16 =	vld.idx.msk [tilespmem:v16+s1+$0x0], $0xffff  }
0x37a: {  	v17 =	vld.idx.msk [tilespmem:v17+s1+$0x0], $0xffff  }
0x37b: {  	v18 =	vld.idx.msk [tilespmem:v18+s1+$0x0], $0xffff  }
0x37c: {  	v19 =	vld.idx.msk [tilespmem:v19+s1+$0x0], $0xffff  }
0x37d: {  	v10 =	vld.idx.msk [tilespmem:v10+s1+$0x0], $0xffff  }
0x37e: {  	v2 =	vld.idx.msk [tilespmem:v2+s1+$0x0], $0xffff  }
0x37f: {  	v4 =	vadd.f32 v8, v4;
	v6 =	vadd.f32 v7, v6;
	v11 =	vld.idx.msk [tilespmem:v11+s1+$0x0], $0xffff  }
0x380: {  	v1 =	vadd.f32 v5, v1;
	v3 =	vadd.f32 v12, v3;
	v7 =	vld [tilespmem:s15+$0xFFFFFB80]  }
0x381: {  	v0 =	vadd.f32 v13, v0;
	v8 =	vadd.f32 v15, v14;
	v5 =	vld [tilespmem:s15+$0xFFFFFC00]  }
0x382: {  	v13 =	vadd.f32 v17, v16;
	v14 =	vadd.f32 v19, v18;
	v12 =	vld [tilespmem:s15+$0xFFFFFC80]  }
0x383: {  	v4 =	vadd.f32 v6, v4;
	v1 =	vadd.f32 v3, v1;
	v15 =	vld [tilespmem:s15+$0xFFFFFD00]  }
0x384: {  	v0 =	vadd.f32 v8, v0;
	v6 =	vadd.f32 v14, v13;
	v3 =	vld [tilespmem:s15+$0xFFFFFD80]  }
0x385: {  	v9 =	vadd.f32 v10, v9;
	v2 =	vadd.f32 v11, v2;
	v8 =	vld [tilespmem:s15+$0xFFFFFE00]  }
0x386: {  	v1 =	vadd.f32 v1, v4;
	v0 =	vadd.f32 v6, v0;
	v10 =	vld [tilespmem:s15+$0xFFFFFE80]  }
0x387: {  	v4 =	vld [tilespmem:s15+$0xFFFFFF00]  }
0x388: {  	v2 =	vadd.f32 v2, v9;
	v0 =	vadd.f32 v0, v1;
	v6 =	vld [tilespmem:s15+$0xFFFFFF80]  }
0x389: {  	v1 =	vld [tilespmem:s15+$0x0]  }
0x38a: {  	v0 =	vadd.f32 v2, v0;
	v9 =	vld [tilespmem:s15+$0x80]  }
0x38b: {  	s13 =	sadd.s32 $0x20, s13;
	v2 =	vld [tilespmem:s15+$0x100]  }
0x38c: {  	v11 =	vld [tilespmem:s15+$0x180];
	[tilespmem:s13+$0x0] =	vst v0  }
0x38d: {  	v0 =	vld [tilespmem:s15+$0x200]  }
0x38e: {  	v13 =	vld [tilespmem:s15+$0x280]  }
0x38f: {  	v14 =	vld [tilespmem:s15+$0xFFFFFB00]  }
0x390: {  	v16 =	vld [tilespmem:s15+$0x300]  }
0x391: {  	v17 =	vld [tilespmem:s15+$0x380]  }
0x392: {  	v18 =	vld [tilespmem:s15+$0x400]  }
0x393: {  	v19 =	vld [tilespmem:s15+$0x480]  }
0x394: {  	v7 =	vld.idx.msk [tilespmem:v7+s1+$0x0], $0xffff  }
0x395: {  	v5 =	vld.idx.msk [tilespmem:v5+s1+$0x0], $0xffff  }
0x396: {  	v12 =	vld.idx.msk [tilespmem:v12+s1+$0x0], $0xffff  }
0x397: {  	v14 =	vld.idx.msk [tilespmem:v14+s1+$0x0], $0xffff  }
0x398: {  	v15 =	vld.idx.msk [tilespmem:v15+s1+$0x0], $0xffff  }
0x399: {  	v3 =	vld.idx.msk [tilespmem:v3+s1+$0x0], $0xffff  }
0x39a: {  	v8 =	vld.idx.msk [tilespmem:v8+s1+$0x0], $0xffff  }
0x39b: {  	v10 =	vld.idx.msk [tilespmem:v10+s1+$0x0], $0xffff  }
0x39c: {  	v5 =	vadd.f32 v12, v5;
	v4 =	vld.idx.msk [tilespmem:v4+s1+$0x0], $0xffff  }
0x39d: {  	v7 =	vadd.f32 v7, v14;
	v6 =	vld.idx.msk [tilespmem:v6+s1+$0x0], $0xffff  }
0x39e: {  	v12 =	vld.idx.msk [tilespmem:v1+s1+$0x0], $0xffff  }
0x39f: {  	v3 =	vadd.f32 v3, v15;
	v5 =	vadd.f32 v5, v7;
	v9 =	vld.idx.msk [tilespmem:v9+s1+$0x0], $0xffff  }
0x3a0: {  	v7 =	vld.idx.msk [tilespmem:v2+s1+$0x0], $0xffff  }
0x3a1: {  	v8 =	vadd.f32 v10, v8;
	v11 =	vld.idx.msk [tilespmem:v11+s1+$0x0], $0xffff  }
0x3a2: {  	v1 =	vld.idx.msk [tilespmem:v0+s1+$0x0], $0xffff  }
.Ltmp10:
0x3a3: {  	v10 =	vadd.f32 v6, v4;
	v0 =	vadd.f32 v8, v3;
	v2 =	vld.idx.msk [tilespmem:v13+s1+$0x0], $0xffff;
	(pc) =	sbr.rel @p0 .LBB2_17-.Ltmp10, $4  }
0x3a4: {  	v3 =	vld.idx.msk [tilespmem:v16+s1+$0x0], $0xffff  }
0x3a5: {  	v9 =	vadd.f32 v9, v12;
	v0 =	vadd.f32 v0, v5;
	v4 =	vld.idx.msk [tilespmem:v17+s1+$0x0], $0xffff  }
0x3a6: {  	v5 =	vld.idx.msk [tilespmem:v18+s1+$0x0], $0xffff  }
0x3a7: {  	s15 =	sadd.s32 $0x20, s15;
	v8 =	vadd.f32 v11, v7;
	v7 =	vadd.f32 v9, v10;
	v6 =	vld.idx.msk [tilespmem:v19+s1+$0x0], $0xffff  }
0x3a8: {  	v1 =	vadd.f32 v2, v1;
	_ =	sdelay $0x1  }
0x3a9: {  	v1 =	vadd.f32 v1, v8  }
0x3aa: {  	v2 =	vadd.f32 v4, v3  }
0x3ab: {  	v3 =	vadd.f32 v6, v5;
	v1 =	vadd.f32 v1, v7  }
0x3ac: {  	p0 =	seq.s32 s8, $0xF  }
0x3ad: {  	s14 =	smul.u32 @!p0 $0x1800, s8;
	v2 =	vadd.f32 v3, v2;
	v0 =	vadd.f32 v1, v0;
	_ =	sdelay $0x1  }
0x3ae: {  	s14 =	sshrl.u32 @!p0 s14, $0x3;
	v0 =	vadd.f32 v2, v0  }
0x3af: {  	s14 =	sadd.s32 @!p0 s3, s14  }
0x3b0: {  	s15 =	simm.s32 @!p0 $0x18700;
	[tilespmem:s13+$0xFFFFFFF0] =	vst v0;
	s13 =	sadd.s32 @!p0 $0x3300, s14;
	s14 =	simm.s32 @!p0 $0x0  }
0x3b1: {  	[tilespmem:s15], [sflag:$0x2] =	stream.linear.gather @!p0 [hbm4b:s13+s14], $0xA00, $0x38;
	[tilespmem:$0x1C700] =	vst v63  }
0x3b2: {  	_ =	swait.ge [sflag:s31], $0xA00  }
0x3b3: {  	[sflag:s31] =	ssyncset.done $0x0  }
0x3b4: {  	s16 =	simm.s32 $0x19800;
	[sflag:s31] =	ssyncadd.s32 $0xFFFFF600  }
0x3b5: {  	v0 =	vld [tilespmem:s16+$0x310]  }
0x3b6: {  	v1 =	vld [tilespmem:s16+$0x390]  }
0x3b7: {  	v2 =	vld [tilespmem:s16+$0x410]  }
0x3b8: {  	v3 =	vld [tilespmem:s16+$0x490]  }
0x3b9: {  	v4 =	vld [tilespmem:s16+$0xFFFFFB10]  }
0x3ba: {  	v5 =	vld [tilespmem:s16+$0xFFFFFB90]  }
0x3bb: {  	v6 =	vld [tilespmem:s16+$0xFFFFFC10]  }
0x3bc: {  	v7 =	vld [tilespmem:s16+$0xFFFFFC90]  }
0x3bd: {  	v8 =	vld [tilespmem:s16+$0xFFFFFD10]  }
0x3be: {  	v9 =	vld [tilespmem:s16+$0xFFFFFD90]  }
0x3bf: {  	v10 =	vld [tilespmem:s16+$0xFFFFFE10]  }
0x3c0: {  	v11 =	vld [tilespmem:s16+$0xFFFFFE90]  }
0x3c1: {  	v12 =	vld [tilespmem:s16+$0xFFFFFF10]  }
0x3c2: {  	v13 =	vld [tilespmem:s16+$0xFFFFFF90]  }
0x3c3: {  	v14 =	vld [tilespmem:s16+$0x10]  }
0x3c4: {  	v15 =	vld [tilespmem:s16+$0x90]  }
0x3c5: {  	v16 =	vld [tilespmem:s16+$0x110]  }
0x3c6: {  	v17 =	vld [tilespmem:s16+$0x190]  }
0x3c7: {  	v18 =	vld [tilespmem:s16+$0x210]  }
0x3c8: {  	v19 =	vld [tilespmem:s16+$0x290]  }
0x3c9: {  	v20 =	vld [tilespmem:s16+$0xFFFFFB80]  }
0x3ca: {  	v21 =	vld [tilespmem:s16+$0xFFFFFC00]  }
0x3cb: {  	v22 =	vld [tilespmem:s16+$0xFFFFFC80]  }
0x3cc: {  	v23 =	vld [tilespmem:s16+$0xFFFFFD00]  }
0x3cd: {  	v24 =	vld [tilespmem:s16+$0xFFFFFD80]  }
0x3ce: {  	v25 =	vld [tilespmem:s16+$0xFFFFFE00]  }
0x3cf: {  	v26 =	vld [tilespmem:s16+$0xFFFFFE80]  }
0x3d0: {  	v27 =	vld [tilespmem:s16+$0xFFFFFF00]  }
0x3d1: {  	v28 =	vld [tilespmem:s16+$0xFFFFFF80]  }
0x3d2: {  	v29 =	vld [tilespmem:s16+$0x0]  }
0x3d3: {  	v30 =	vld [tilespmem:s16+$0x80]  }
0x3d4: {  	v31 =	vld [tilespmem:s16+$0x100]  }
0x3d5: {  	v32 =	vld [tilespmem:s16+$0x180]  }
0x3d6: {  	v33 =	vld [tilespmem:s16+$0x200]  }
0x3d7: {  	v34 =	vld [tilespmem:s16+$0x280]  }
0x3d8: {  	v35 =	vld [tilespmem:s16+$0xFFFFFB00]  }
0x3d9: {  	v36 =	vld [tilespmem:s16+$0x300]  }
0x3da: {  	v37 =	vld [tilespmem:s16+$0x380]  }
0x3db: {  	v38 =	vld [tilespmem:s16+$0x400]  }
0x3dc: {  	v39 =	vld [tilespmem:s16+$0x480]  }
0x3dd: {  	v0 =	vld.idx.msk [tilespmem:v0+s1+$0x0], $0xffff  }
0x3de: {  	v4 =	vld.idx.msk [tilespmem:v4+s1+$0x0], $0xffff  }
0x3df: {  	v5 =	vld.idx.msk [tilespmem:v5+s1+$0x0], $0xffff  }
0x3e0: {  	v6 =	vld.idx.msk [tilespmem:v6+s1+$0x0], $0xffff  }
0x3e1: {  	v7 =	vld.idx.msk [tilespmem:v7+s1+$0x0], $0xffff  }
0x3e2: {  	v8 =	vld.idx.msk [tilespmem:v8+s1+$0x0], $0xffff  }
0x3e3: {  	v9 =	vld.idx.msk [tilespmem:v9+s1+$0x0], $0xffff  }
0x3e4: {  	v10 =	vld.idx.msk [tilespmem:v10+s1+$0x0], $0xffff  }
0x3e5: {  	v11 =	vld.idx.msk [tilespmem:v11+s1+$0x0], $0xffff  }
0x3e6: {  	v12 =	vld.idx.msk [tilespmem:v12+s1+$0x0], $0xffff  }
0x3e7: {  	v13 =	vld.idx.msk [tilespmem:v13+s1+$0x0], $0xffff  }
0x3e8: {  	v14 =	vld.idx.msk [tilespmem:v14+s1+$0x0], $0xffff  }
0x3e9: {  	v15 =	vld.idx.msk [tilespmem:v15+s1+$0x0], $0xffff  }
0x3ea: {  	v16 =	vld.idx.msk [tilespmem:v16+s1+$0x0], $0xffff  }
0x3eb: {  	v17 =	vld.idx.msk [tilespmem:v17+s1+$0x0], $0xffff  }
0x3ec: {  	v18 =	vld.idx.msk [tilespmem:v18+s1+$0x0], $0xffff  }
0x3ed: {  	v19 =	vld.idx.msk [tilespmem:v19+s1+$0x0], $0xffff  }
0x3ee: {  	v1 =	vld.idx.msk [tilespmem:v1+s1+$0x0], $0xffff  }
0x3ef: {  	v2 =	vld.idx.msk [tilespmem:v2+s1+$0x0], $0xffff  }
0x3f0: {  	v3 =	vld.idx.msk [tilespmem:v3+s1+$0x0], $0xffff  }
0x3f1: {  	v20 =	vld.idx.msk [tilespmem:v20+s1+$0x0], $0xffff  }
0x3f2: {  	v21 =	vld.idx.msk [tilespmem:v21+s1+$0x0], $0xffff  }
0x3f3: {  	v22 =	vld.idx.msk [tilespmem:v22+s1+$0x0], $0xffff  }
0x3f4: {  	v58 =	vld.idx.msk [tilespmem:v24+s1+$0x0], $0xffff  }
0x3f5: {  	v61 =	vld.idx.msk [tilespmem:v25+s1+$0x0], $0xffff;
	v4 =	vadd.f32 v5, v4;
	v5 =	vadd.f32 v7, v6  }
0x3f6: {  	v62 =	vld.idx.msk [tilespmem:v28+s1+$0x0], $0xffff;
	v7 =	vadd.f32 v9, v8;
	v8 =	vadd.f32 v11, v10  }
0x3f7: {  	v63 =	vld.idx.msk [tilespmem:v32+s1+$0x0], $0xffff;
	v10 =	vadd.f32 v13, v12;
	v11 =	vadd.f32 v15, v14  }
0x3f8: {  	v6 =	vld.idx.msk [tilespmem:v35+s1+$0x0], $0xffff;
	v59 =	vadd.f32 v17, v16;
	v60 =	vadd.f32 v19, v18  }
0x3f9: {  	v9 =	vld.idx.msk [tilespmem:v23+s1+$0x0], $0xffff;
	v4 =	vadd.f32 v5, v4;
	v5 =	vadd.f32 v8, v7  }
0x3fa: {  	v7 =	vld.idx.msk [tilespmem:v26+s1+$0x0], $0xffff;
	v8 =	vadd.f32 v11, v10;
	v10 =	vadd.f32 v60, v59  }
0x3fb: {  	v0 =	vadd.f32 v1, v0;
	v1 =	vadd.f32 v3, v2;
	v11 =	vld.idx.msk [tilespmem:v27+s1+$0x0], $0xffff  }
0x3fc: {  	v2 =	vadd.f32 v5, v4;
	v3 =	vadd.f32 v10, v8;
	v5 =	vld.idx.msk [tilespmem:v29+s1+$0x0], $0xffff  }
0x3fd: {  	v0 =	vadd.f32 v1, v0;
	v8 =	vld.idx.msk [tilespmem:v30+s1+$0x0], $0xffff;
	v4 =	vadd.f32 v20, v6  }
0x3fe: {  	v10 =	vld.idx.msk [tilespmem:v31+s1+$0x0], $0xffff;
	v6 =	vadd.f32 v58, v9;
	v2 =	vadd.f32 v3, v2  }
0x3ff: {  	v1 =	vld.idx.msk [tilespmem:v33+s1+$0x0], $0xffff;
	v3 =	vadd.f32 v22, v21;
	v7 =	vadd.f32 v7, v61  }
0x400: {  	v9 =	vadd.f32 v0, v2;
	v2 =	vld.idx.msk [tilespmem:v34+s1+$0x0], $0xffff  }
0x401: {  	v0 =	vadd.f32 v3, v4;
	v3 =	vld.idx.msk [tilespmem:v36+s1+$0x0], $0xffff;
	v6 =	vadd.f32 v7, v6  }
0x402: {  	v4 =	vld.idx.msk [tilespmem:v37+s1+$0x0], $0xffff;
	v7 =	vadd.f32 v62, v11;
	v11 =	vadd.f32 v8, v5  }
0x403: {  	v5 =	vld.idx.msk [tilespmem:v38+s1+$0x0], $0xffff;
	v8 =	vadd.f32 v63, v10  }
0x404: {  	s14 =	simm.s32 $0x0;
	s15 =	simm.s32 $0x19820;
	s13 =	smov.u32 s10;
	[tilespmem:s10+$0x0] =	vst v9;
	v0 =	vadd.f32 v6, v0;
	v6 =	vld.idx.msk [tilespmem:v39+s1+$0x0], $0xffff;
	v7 =	vadd.f32 v11, v7  }
.LBB2_19:
0x405: {  	v9 =	vld [tilespmem:s15+$0x310]  }
0x406: {  	v1 =	vadd.f32 v2, v1;
	v10 =	vld [tilespmem:s15+$0x390]  }
0x407: {  	v2 =	vld [tilespmem:s15+$0x410]  }
0x408: {  	v3 =	vadd.f32 v4, v3;
	v1 =	vadd.f32 v1, v8;
	v11 =	vld [tilespmem:s15+$0x490]  }
0x409: {  	v4 =	vld [tilespmem:s15+$0xFFFFFB10]  }
0x40a: {  	v5 =	vadd.f32 v6, v5;
	v1 =	vadd.f32 v1, v7;
	v8 =	vld [tilespmem:s15+$0xFFFFFB90]  }
0x40b: {  	v6 =	vld [tilespmem:s15+$0xFFFFFC10]  }
0x40c: {  	v3 =	vadd.f32 v5, v3;
	v0 =	vadd.f32 v1, v0;
	v7 =	vld [tilespmem:s15+$0xFFFFFC90]  }
0x40d: {  	v1 =	vld [tilespmem:s15+$0xFFFFFD10]  }
0x40e: {  	v0 =	vadd.f32 v3, v0;
	v5 =	vld [tilespmem:s15+$0xFFFFFD90]  }
0x40f: {  	v3 =	vld [tilespmem:s15+$0xFFFFFE10]  }
0x410: {  	v12 =	vld [tilespmem:s15+$0xFFFFFE90];
	[tilespmem:s13+$0xFFFFFFF0] =	vst v0  }
0x411: {  	v0 =	vld [tilespmem:s15+$0xFFFFFF10]  }
0x412: {  	v13 =	vld [tilespmem:s15+$0xFFFFFF90]  }
0x413: {  	v14 =	vld [tilespmem:s15+$0x10]  }
0x414: {  	v15 =	vld [tilespmem:s15+$0x90]  }
0x415: {  	v16 =	vld [tilespmem:s15+$0x110]  }
0x416: {  	v17 =	vld [tilespmem:s15+$0x190]  }
0x417: {  	v18 =	vld [tilespmem:s15+$0x210]  }
0x418: {  	v19 =	vld [tilespmem:s15+$0x290]  }
0x419: {  	v9 =	vld.idx.msk [tilespmem:v9+s1+$0x0], $0xffff  }
0x41a: {  	v4 =	vld.idx.msk [tilespmem:v4+s1+$0x0], $0xffff  }
0x41b: {  	v8 =	vld.idx.msk [tilespmem:v8+s1+$0x0], $0xffff  }
0x41c: {  	v6 =	vld.idx.msk [tilespmem:v6+s1+$0x0], $0xffff  }
0x41d: {  	v7 =	vld.idx.msk [tilespmem:v7+s1+$0x0], $0xffff  }
0x41e: {  	v1 =	vld.idx.msk [tilespmem:v1+s1+$0x0], $0xffff  }
0x41f: {  	v5 =	vld.idx.msk [tilespmem:v5+s1+$0x0], $0xffff  }
0x420: {  	v3 =	vld.idx.msk [tilespmem:v3+s1+$0x0], $0xffff  }
0x421: {  	s14 =	sadd.s32 $0x2, s14;
	v12 =	vld.idx.msk [tilespmem:v12+s1+$0x0], $0xffff  }
0x422: {  	p1 =	slt.u32 s14, $0x6;
	v0 =	vld.idx.msk [tilespmem:v0+s1+$0x0], $0xffff  }
0x423: {  	v13 =	vld.idx.msk [tilespmem:v13+s1+$0x0], $0xffff  }
0x424: {  	v14 =	vld.idx.msk [tilespmem:v14+s1+$0x0], $0xffff  }
0x425: {  	v15 =	vld.idx.msk [tilespmem:v15+s1+$0x0], $0xffff  }
0x426: {  	v16 =	vld.idx.msk [tilespmem:v16+s1+$0x0], $0xffff  }
0x427: {  	v17 =	vld.idx.msk [tilespmem:v17+s1+$0x0], $0xffff  }
0x428: {  	v18 =	vld.idx.msk [tilespmem:v18+s1+$0x0], $0xffff  }
0x429: {  	v19 =	vld.idx.msk [tilespmem:v19+s1+$0x0], $0xffff  }
0x42a: {  	v10 =	vld.idx.msk [tilespmem:v10+s1+$0x0], $0xffff  }
0x42b: {  	v2 =	vld.idx.msk [tilespmem:v2+s1+$0x0], $0xffff  }
0x42c: {  	v4 =	vadd.f32 v8, v4;
	v6 =	vadd.f32 v7, v6;
	v11 =	vld.idx.msk [tilespmem:v11+s1+$0x0], $0xffff  }
0x42d: {  	v1 =	vadd.f32 v5, v1;
	v3 =	vadd.f32 v12, v3;
	v7 =	vld [tilespmem:s15+$0xFFFFFB80]  }
0x42e: {  	v0 =	vadd.f32 v13, v0;
	v8 =	vadd.f32 v15, v14;
	v5 =	vld [tilespmem:s15+$0xFFFFFC00]  }
0x42f: {  	v13 =	vadd.f32 v17, v16;
	v14 =	vadd.f32 v19, v18;
	v12 =	vld [tilespmem:s15+$0xFFFFFC80]  }
0x430: {  	v4 =	vadd.f32 v6, v4;
	v1 =	vadd.f32 v3, v1;
	v15 =	vld [tilespmem:s15+$0xFFFFFD00]  }
0x431: {  	v0 =	vadd.f32 v8, v0;
	v6 =	vadd.f32 v14, v13;
	v3 =	vld [tilespmem:s15+$0xFFFFFD80]  }
0x432: {  	v9 =	vadd.f32 v10, v9;
	v2 =	vadd.f32 v11, v2;
	v8 =	vld [tilespmem:s15+$0xFFFFFE00]  }
0x433: {  	v1 =	vadd.f32 v1, v4;
	v0 =	vadd.f32 v6, v0;
	v10 =	vld [tilespmem:s15+$0xFFFFFE80]  }
0x434: {  	v4 =	vld [tilespmem:s15+$0xFFFFFF00]  }
0x435: {  	v2 =	vadd.f32 v2, v9;
	v0 =	vadd.f32 v0, v1;
	v6 =	vld [tilespmem:s15+$0xFFFFFF80]  }
0x436: {  	v1 =	vld [tilespmem:s15+$0x0]  }
0x437: {  	v0 =	vadd.f32 v2, v0;
	v9 =	vld [tilespmem:s15+$0x80]  }
0x438: {  	s13 =	sadd.s32 $0x20, s13;
	v2 =	vld [tilespmem:s15+$0x100]  }
0x439: {  	v11 =	vld [tilespmem:s15+$0x180];
	[tilespmem:s13+$0x0] =	vst v0  }
0x43a: {  	v0 =	vld [tilespmem:s15+$0x200]  }
0x43b: {  	v13 =	vld [tilespmem:s15+$0x280]  }
0x43c: {  	v14 =	vld [tilespmem:s15+$0xFFFFFB00]  }
0x43d: {  	v16 =	vld [tilespmem:s15+$0x300]  }
0x43e: {  	v17 =	vld [tilespmem:s15+$0x380]  }
0x43f: {  	v18 =	vld [tilespmem:s15+$0x400]  }
0x440: {  	v19 =	vld [tilespmem:s15+$0x480]  }
0x441: {  	v7 =	vld.idx.msk [tilespmem:v7+s1+$0x0], $0xffff  }
0x442: {  	v5 =	vld.idx.msk [tilespmem:v5+s1+$0x0], $0xffff  }
0x443: {  	v12 =	vld.idx.msk [tilespmem:v12+s1+$0x0], $0xffff  }
0x444: {  	v14 =	vld.idx.msk [tilespmem:v14+s1+$0x0], $0xffff  }
0x445: {  	v15 =	vld.idx.msk [tilespmem:v15+s1+$0x0], $0xffff  }
0x446: {  	v3 =	vld.idx.msk [tilespmem:v3+s1+$0x0], $0xffff  }
0x447: {  	v8 =	vld.idx.msk [tilespmem:v8+s1+$0x0], $0xffff  }
0x448: {  	v10 =	vld.idx.msk [tilespmem:v10+s1+$0x0], $0xffff  }
0x449: {  	v5 =	vadd.f32 v12, v5;
	v4 =	vld.idx.msk [tilespmem:v4+s1+$0x0], $0xffff  }
0x44a: {  	v7 =	vadd.f32 v7, v14;
	v6 =	vld.idx.msk [tilespmem:v6+s1+$0x0], $0xffff  }
0x44b: {  	v12 =	vld.idx.msk [tilespmem:v1+s1+$0x0], $0xffff  }
0x44c: {  	v3 =	vadd.f32 v3, v15;
	v5 =	vadd.f32 v5, v7;
	v9 =	vld.idx.msk [tilespmem:v9+s1+$0x0], $0xffff  }
0x44d: {  	v7 =	vld.idx.msk [tilespmem:v2+s1+$0x0], $0xffff  }
0x44e: {  	v8 =	vadd.f32 v10, v8;
	v11 =	vld.idx.msk [tilespmem:v11+s1+$0x0], $0xffff  }
0x44f: {  	v1 =	vld.idx.msk [tilespmem:v0+s1+$0x0], $0xffff  }
.Ltmp11:
0x450: {  	v10 =	vadd.f32 v6, v4;
	v0 =	vadd.f32 v8, v3;
	v2 =	vld.idx.msk [tilespmem:v13+s1+$0x0], $0xffff;
	(pc) =	sbr.rel @p1 .LBB2_19-.Ltmp11, $4  }
0x451: {  	v3 =	vld.idx.msk [tilespmem:v16+s1+$0x0], $0xffff  }
0x452: {  	v9 =	vadd.f32 v9, v12;
	v0 =	vadd.f32 v0, v5;
	v4 =	vld.idx.msk [tilespmem:v17+s1+$0x0], $0xffff  }
0x453: {  	v5 =	vld.idx.msk [tilespmem:v18+s1+$0x0], $0xffff  }
0x454: {  	s15 =	sadd.s32 $0x20, s15;
	v8 =	vadd.f32 v11, v7;
	v7 =	vadd.f32 v9, v10;
	v6 =	vld.idx.msk [tilespmem:v19+s1+$0x0], $0xffff  }
0x455: {  	v1 =	vadd.f32 v2, v1;
	_ =	sdelay $0x1  }
0x456: {  	v1 =	vadd.f32 v1, v8  }
0x457: {  	v62 =	vadd.f32 v4, v3  }
0x458: {  	v63 =	vadd.f32 v6, v5;
	v1 =	vadd.f32 v1, v7;
	_ =	sdelay $0x1  }
.Ltmp12:
0x459: {  	v2 =	vadd.f32 v63, v62;
	v0 =	vadd.f32 v1, v0;
	(pc) =	sbr.rel @p0 .LBB2_22-.Ltmp12, $3  }
0x45a: {  	_ = 	snop  }
0x45b: {  	v0 =	vadd.f32 v2, v0;
	_ =	sdelay $0x1  }
0x45c: {  	[tilespmem:s13+$0xFFFFFFF0] =	vst v0  }
0x45d: {  	s13 =	smul.u32 $0x1800, s8  }
.Ltmp13:
0x45e: {  	_ = 	snop;
	(pc) =	sbr.rel .LBB2_16-.Ltmp13, $4  }
0x45f: {  	s13 =	sshrl.u32 s13, $0x3  }
0x460: {  	s8 =	sadd.s32 $0x1, s8;
	s13 =	sadd.s32 s3, s13  }
0x461: {  	s9 =	sadd.s32 $0x100, s9;
	s10 =	sadd.s32 $0x100, s10;
	s13 =	sadd.s32 $0x3480, s13  }
0x462: {  	[tilespmem:s28], [sflag:$0x3] =	stream.linear.gather [hbm4b:s13+s1], $0xA00, $0x38;
	[tilespmem:$0x1C700] =	vst v63  }
.LBB2_22:
0x463: {  	s8 =	rddreg [dreg:$0xa]  }
0x464: {  	[hbm4b:s8+s24] =	stream.strided.scatter [tilespmem:s0], [sflag:$0x4], $0x1000, s25, s24, $0x38;
	[tilespmem:$0x1C700] =	vst v63  }
0x465: {  	_ =	swait.ge [sflag:s2], $0x1000  }
0x466: {  	[sflag:s2] =	ssyncset.done $0x0  }
0x467: {  	s8 =	simm.s32 $0x0;
	s9 =	rddreg [dreg:$0xb];
	[sflag:s2] =	ssyncadd.s32 $0xFFFFF000  }
0x468: {  	[tilespmem:s8], [sflag:$0x1] =	stream.strided.gather [hbm4b:s9+s24], $0x18700, s25, s24, $0x38;
	[tilespmem:$0x1C700] =	vst v63  }
0x469: {  	_ = 	snop  }
0x46a: {  	[tilespmem:s26], [sflag:$0x2] =	stream.linear.gather [hbm4b:s11+s8], $0xA00, $0x38;
	[tilespmem:$0x1C700] =	vst v63  }
0x46b: {  	_ = 	snop  }
0x46c: {  	[tilespmem:s28], [sflag:$0x3] =	stream.linear.gather [hbm4b:s12+s8], $0xA00, $0x38;
	[tilespmem:$0x1C700] =	vst v63  }
0x46d: {  	_ =	swait.ge [sflag:s29], $0x18700  }
0x46e: {  	[sflag:s29] =	ssyncset.done $0x0  }
0x46f: {  	s10 =	simm.s32 $0x1B790;
	s9 =	simm.s32 $0x1B710;
	[sflag:s29] =	ssyncadd.s32 $0xFFFE7900  }
.LBB2_23:
0x470: {  	_ =	swait.ge [sflag:s30], $0xA00  }
0x471: {  	[sflag:s30] =	ssyncset.done $0x0  }
0x472: {  	s13 =	simm.s32 $0x18C00;
	[sflag:s30] =	ssyncadd.s32 $0xFFFFF600  }
0x473: {  	v0 =	vld [tilespmem:s13+$0x310]  }
0x474: {  	v1 =	vld [tilespmem:s13+$0x390]  }
0x475: {  	v2 =	vld [tilespmem:s13+$0x410]  }
0x476: {  	v3 =	vld [tilespmem:s13+$0x490]  }
0x477: {  	v4 =	vld [tilespmem:s13+$0xFFFFFB10]  }
0x478: {  	v5 =	vld [tilespmem:s13+$0xFFFFFB90]  }
0x479: {  	v6 =	vld [tilespmem:s13+$0xFFFFFC10]  }
0x47a: {  	v7 =	vld [tilespmem:s13+$0xFFFFFC90]  }
0x47b: {  	v8 =	vld [tilespmem:s13+$0xFFFFFD10]  }
0x47c: {  	v9 =	vld [tilespmem:s13+$0xFFFFFD90]  }
0x47d: {  	v10 =	vld [tilespmem:s13+$0xFFFFFE10]  }
0x47e: {  	v11 =	vld [tilespmem:s13+$0xFFFFFE90]  }
0x47f: {  	v12 =	vld [tilespmem:s13+$0xFFFFFF10]  }
0x480: {  	v13 =	vld [tilespmem:s13+$0xFFFFFF90]  }
0x481: {  	v14 =	vld [tilespmem:s13+$0x10]  }
0x482: {  	v15 =	vld [tilespmem:s13+$0x90]  }
0x483: {  	v16 =	vld [tilespmem:s13+$0x110]  }
0x484: {  	v17 =	vld [tilespmem:s13+$0x190]  }
0x485: {  	v18 =	vld [tilespmem:s13+$0x210]  }
0x486: {  	v19 =	vld [tilespmem:s13+$0x290]  }
0x487: {  	v20 =	vld [tilespmem:s13+$0xFFFFFB80]  }
0x488: {  	v21 =	vld [tilespmem:s13+$0xFFFFFC00]  }
0x489: {  	v22 =	vld [tilespmem:s13+$0xFFFFFC80]  }
0x48a: {  	v23 =	vld [tilespmem:s13+$0xFFFFFD00]  }
0x48b: {  	v24 =	vld [tilespmem:s13+$0xFFFFFD80]  }
0x48c: {  	v25 =	vld [tilespmem:s13+$0xFFFFFE00]  }
0x48d: {  	v26 =	vld [tilespmem:s13+$0xFFFFFE80]  }
0x48e: {  	v27 =	vld [tilespmem:s13+$0xFFFFFF00]  }
0x48f: {  	v28 =	vld [tilespmem:s13+$0xFFFFFF80]  }
0x490: {  	v29 =	vld [tilespmem:s13+$0x0]  }
0x491: {  	v30 =	vld [tilespmem:s13+$0x80]  }
0x492: {  	v31 =	vld [tilespmem:s13+$0x100]  }
0x493: {  	v32 =	vld [tilespmem:s13+$0x180]  }
0x494: {  	v33 =	vld [tilespmem:s13+$0x200]  }
0x495: {  	v34 =	vld [tilespmem:s13+$0x280]  }
0x496: {  	v35 =	vld [tilespmem:s13+$0xFFFFFB00]  }
0x497: {  	v36 =	vld [tilespmem:s13+$0x300]  }
0x498: {  	v37 =	vld [tilespmem:s13+$0x380]  }
0x499: {  	v38 =	vld [tilespmem:s13+$0x400]  }
0x49a: {  	v39 =	vld [tilespmem:s13+$0x480]  }
0x49b: {  	v0 =	vld.idx.msk [tilespmem:v0+s1+$0x0], $0xffff  }
0x49c: {  	v4 =	vld.idx.msk [tilespmem:v4+s1+$0x0], $0xffff  }
0x49d: {  	v5 =	vld.idx.msk [tilespmem:v5+s1+$0x0], $0xffff  }
0x49e: {  	v6 =	vld.idx.msk [tilespmem:v6+s1+$0x0], $0xffff  }
0x49f: {  	v7 =	vld.idx.msk [tilespmem:v7+s1+$0x0], $0xffff  }
0x4a0: {  	v8 =	vld.idx.msk [tilespmem:v8+s1+$0x0], $0xffff  }
0x4a1: {  	v9 =	vld.idx.msk [tilespmem:v9+s1+$0x0], $0xffff  }
0x4a2: {  	v10 =	vld.idx.msk [tilespmem:v10+s1+$0x0], $0xffff  }
0x4a3: {  	v11 =	vld.idx.msk [tilespmem:v11+s1+$0x0], $0xffff  }
0x4a4: {  	v12 =	vld.idx.msk [tilespmem:v12+s1+$0x0], $0xffff  }
0x4a5: {  	v13 =	vld.idx.msk [tilespmem:v13+s1+$0x0], $0xffff  }
0x4a6: {  	v14 =	vld.idx.msk [tilespmem:v14+s1+$0x0], $0xffff  }
0x4a7: {  	v15 =	vld.idx.msk [tilespmem:v15+s1+$0x0], $0xffff  }
0x4a8: {  	v16 =	vld.idx.msk [tilespmem:v16+s1+$0x0], $0xffff  }
0x4a9: {  	v17 =	vld.idx.msk [tilespmem:v17+s1+$0x0], $0xffff  }
0x4aa: {  	v18 =	vld.idx.msk [tilespmem:v18+s1+$0x0], $0xffff  }
0x4ab: {  	v19 =	vld.idx.msk [tilespmem:v19+s1+$0x0], $0xffff  }
0x4ac: {  	v1 =	vld.idx.msk [tilespmem:v1+s1+$0x0], $0xffff  }
0x4ad: {  	v2 =	vld.idx.msk [tilespmem:v2+s1+$0x0], $0xffff  }
0x4ae: {  	v3 =	vld.idx.msk [tilespmem:v3+s1+$0x0], $0xffff  }
0x4af: {  	v20 =	vld.idx.msk [tilespmem:v20+s1+$0x0], $0xffff  }
0x4b0: {  	v21 =	vld.idx.msk [tilespmem:v21+s1+$0x0], $0xffff  }
0x4b1: {  	v22 =	vld.idx.msk [tilespmem:v22+s1+$0x0], $0xffff  }
0x4b2: {  	v58 =	vld.idx.msk [tilespmem:v24+s1+$0x0], $0xffff  }
0x4b3: {  	v61 =	vld.idx.msk [tilespmem:v25+s1+$0x0], $0xffff;
	v4 =	vadd.f32 v5, v4;
	v5 =	vadd.f32 v7, v6  }
0x4b4: {  	v62 =	vld.idx.msk [tilespmem:v28+s1+$0x0], $0xffff;
	v7 =	vadd.f32 v9, v8;
	v8 =	vadd.f32 v11, v10  }
0x4b5: {  	v63 =	vld.idx.msk [tilespmem:v32+s1+$0x0], $0xffff;
	v10 =	vadd.f32 v13, v12;
	v11 =	vadd.f32 v15, v14  }
0x4b6: {  	v6 =	vld.idx.msk [tilespmem:v35+s1+$0x0], $0xffff;
	v59 =	vadd.f32 v17, v16;
	v60 =	vadd.f32 v19, v18  }
0x4b7: {  	v9 =	vld.idx.msk [tilespmem:v23+s1+$0x0], $0xffff;
	v4 =	vadd.f32 v5, v4;
	v5 =	vadd.f32 v8, v7  }
0x4b8: {  	v7 =	vld.idx.msk [tilespmem:v26+s1+$0x0], $0xffff;
	v8 =	vadd.f32 v11, v10;
	v10 =	vadd.f32 v60, v59  }
0x4b9: {  	v0 =	vadd.f32 v1, v0;
	v1 =	vadd.f32 v3, v2;
	v11 =	vld.idx.msk [tilespmem:v27+s1+$0x0], $0xffff  }
0x4ba: {  	v2 =	vadd.f32 v5, v4;
	v3 =	vadd.f32 v10, v8;
	v5 =	vld.idx.msk [tilespmem:v29+s1+$0x0], $0xffff  }
0x4bb: {  	v0 =	vadd.f32 v1, v0;
	v8 =	vld.idx.msk [tilespmem:v30+s1+$0x0], $0xffff;
	v4 =	vadd.f32 v20, v6  }
0x4bc: {  	v10 =	vld.idx.msk [tilespmem:v31+s1+$0x0], $0xffff;
	v6 =	vadd.f32 v58, v9;
	v2 =	vadd.f32 v3, v2  }
0x4bd: {  	v1 =	vld.idx.msk [tilespmem:v33+s1+$0x0], $0xffff;
	v3 =	vadd.f32 v22, v21;
	v7 =	vadd.f32 v7, v61  }
0x4be: {  	v9 =	vadd.f32 v0, v2;
	v2 =	vld.idx.msk [tilespmem:v34+s1+$0x0], $0xffff  }
0x4bf: {  	v0 =	vadd.f32 v3, v4;
	v3 =	vld.idx.msk [tilespmem:v36+s1+$0x0], $0xffff;
	v6 =	vadd.f32 v7, v6  }
0x4c0: {  	v4 =	vld.idx.msk [tilespmem:v37+s1+$0x0], $0xffff;
	v7 =	vadd.f32 v62, v11;
	v11 =	vadd.f32 v8, v5  }
0x4c1: {  	v5 =	vld.idx.msk [tilespmem:v38+s1+$0x0], $0xffff;
	v8 =	vadd.f32 v63, v10  }
0x4c2: {  	s14 =	simm.s32 $0x0;
	s15 =	simm.s32 $0x18C20;
	s13 =	smov.u32 s9;
	[tilespmem:s9+$0x0] =	vst v9;
	v0 =	vadd.f32 v6, v0;
	v6 =	vld.idx.msk [tilespmem:v39+s1+$0x0], $0xffff;
	v7 =	vadd.f32 v11, v7  }
.LBB2_24:
0x4c3: {  	v9 =	vld [tilespmem:s15+$0x310]  }
0x4c4: {  	v1 =	vadd.f32 v2, v1;
	v10 =	vld [tilespmem:s15+$0x390]  }
0x4c5: {  	v2 =	vld [tilespmem:s15+$0x410]  }
0x4c6: {  	v3 =	vadd.f32 v4, v3;
	v1 =	vadd.f32 v1, v8;
	v11 =	vld [tilespmem:s15+$0x490]  }
0x4c7: {  	v4 =	vld [tilespmem:s15+$0xFFFFFB10]  }
0x4c8: {  	v5 =	vadd.f32 v6, v5;
	v1 =	vadd.f32 v1, v7;
	v8 =	vld [tilespmem:s15+$0xFFFFFB90]  }
0x4c9: {  	v6 =	vld [tilespmem:s15+$0xFFFFFC10]  }
0x4ca: {  	v3 =	vadd.f32 v5, v3;
	v0 =	vadd.f32 v1, v0;
	v7 =	vld [tilespmem:s15+$0xFFFFFC90]  }
0x4cb: {  	v1 =	vld [tilespmem:s15+$0xFFFFFD10]  }
0x4cc: {  	v0 =	vadd.f32 v3, v0;
	v5 =	vld [tilespmem:s15+$0xFFFFFD90]  }
0x4cd: {  	v3 =	vld [tilespmem:s15+$0xFFFFFE10]  }
0x4ce: {  	v12 =	vld [tilespmem:s15+$0xFFFFFE90];
	[tilespmem:s13+$0xFFFFFFF0] =	vst v0  }
0x4cf: {  	v0 =	vld [tilespmem:s15+$0xFFFFFF10]  }
0x4d0: {  	v13 =	vld [tilespmem:s15+$0xFFFFFF90]  }
0x4d1: {  	v14 =	vld [tilespmem:s15+$0x10]  }
0x4d2: {  	v15 =	vld [tilespmem:s15+$0x90]  }
0x4d3: {  	v16 =	vld [tilespmem:s15+$0x110]  }
0x4d4: {  	v17 =	vld [tilespmem:s15+$0x190]  }
0x4d5: {  	v18 =	vld [tilespmem:s15+$0x210]  }
0x4d6: {  	v19 =	vld [tilespmem:s15+$0x290]  }
0x4d7: {  	v9 =	vld.idx.msk [tilespmem:v9+s1+$0x0], $0xffff  }
0x4d8: {  	v4 =	vld.idx.msk [tilespmem:v4+s1+$0x0], $0xffff  }
0x4d9: {  	v8 =	vld.idx.msk [tilespmem:v8+s1+$0x0], $0xffff  }
0x4da: {  	v6 =	vld.idx.msk [tilespmem:v6+s1+$0x0], $0xffff  }
0x4db: {  	v7 =	vld.idx.msk [tilespmem:v7+s1+$0x0], $0xffff  }
0x4dc: {  	v1 =	vld.idx.msk [tilespmem:v1+s1+$0x0], $0xffff  }
0x4dd: {  	v5 =	vld.idx.msk [tilespmem:v5+s1+$0x0], $0xffff  }
0x4de: {  	v3 =	vld.idx.msk [tilespmem:v3+s1+$0x0], $0xffff  }
0x4df: {  	s14 =	sadd.s32 $0x2, s14;
	v12 =	vld.idx.msk [tilespmem:v12+s1+$0x0], $0xffff  }
0x4e0: {  	p0 =	slt.u32 s14, $0x6;
	v0 =	vld.idx.msk [tilespmem:v0+s1+$0x0], $0xffff  }
0x4e1: {  	v13 =	vld.idx.msk [tilespmem:v13+s1+$0x0], $0xffff  }
0x4e2: {  	v14 =	vld.idx.msk [tilespmem:v14+s1+$0x0], $0xffff  }
0x4e3: {  	v15 =	vld.idx.msk [tilespmem:v15+s1+$0x0], $0xffff  }
0x4e4: {  	v16 =	vld.idx.msk [tilespmem:v16+s1+$0x0], $0xffff  }
0x4e5: {  	v17 =	vld.idx.msk [tilespmem:v17+s1+$0x0], $0xffff  }
0x4e6: {  	v18 =	vld.idx.msk [tilespmem:v18+s1+$0x0], $0xffff  }
0x4e7: {  	v19 =	vld.idx.msk [tilespmem:v19+s1+$0x0], $0xffff  }
0x4e8: {  	v10 =	vld.idx.msk [tilespmem:v10+s1+$0x0], $0xffff  }
0x4e9: {  	v2 =	vld.idx.msk [tilespmem:v2+s1+$0x0], $0xffff  }
0x4ea: {  	v4 =	vadd.f32 v8, v4;
	v6 =	vadd.f32 v7, v6;
	v11 =	vld.idx.msk [tilespmem:v11+s1+$0x0], $0xffff  }
0x4eb: {  	v1 =	vadd.f32 v5, v1;
	v3 =	vadd.f32 v12, v3;
	v7 =	vld [tilespmem:s15+$0xFFFFFB80]  }
0x4ec: {  	v0 =	vadd.f32 v13, v0;
	v8 =	vadd.f32 v15, v14;
	v5 =	vld [tilespmem:s15+$0xFFFFFC00]  }
0x4ed: {  	v13 =	vadd.f32 v17, v16;
	v14 =	vadd.f32 v19, v18;
	v12 =	vld [tilespmem:s15+$0xFFFFFC80]  }
0x4ee: {  	v4 =	vadd.f32 v6, v4;
	v1 =	vadd.f32 v3, v1;
	v15 =	vld [tilespmem:s15+$0xFFFFFD00]  }
0x4ef: {  	v0 =	vadd.f32 v8, v0;
	v6 =	vadd.f32 v14, v13;
	v3 =	vld [tilespmem:s15+$0xFFFFFD80]  }
0x4f0: {  	v9 =	vadd.f32 v10, v9;
	v2 =	vadd.f32 v11, v2;
	v8 =	vld [tilespmem:s15+$0xFFFFFE00]  }
0x4f1: {  	v1 =	vadd.f32 v1, v4;
	v0 =	vadd.f32 v6, v0;
	v10 =	vld [tilespmem:s15+$0xFFFFFE80]  }
0x4f2: {  	v4 =	vld [tilespmem:s15+$0xFFFFFF00]  }
0x4f3: {  	v2 =	vadd.f32 v2, v9;
	v0 =	vadd.f32 v0, v1;
	v6 =	vld [tilespmem:s15+$0xFFFFFF80]  }
0x4f4: {  	v1 =	vld [tilespmem:s15+$0x0]  }
0x4f5: {  	v0 =	vadd.f32 v2, v0;
	v9 =	vld [tilespmem:s15+$0x80]  }
0x4f6: {  	s13 =	sadd.s32 $0x20, s13;
	v2 =	vld [tilespmem:s15+$0x100]  }
0x4f7: {  	v11 =	vld [tilespmem:s15+$0x180];
	[tilespmem:s13+$0x0] =	vst v0  }
0x4f8: {  	v0 =	vld [tilespmem:s15+$0x200]  }
0x4f9: {  	v13 =	vld [tilespmem:s15+$0x280]  }
0x4fa: {  	v14 =	vld [tilespmem:s15+$0xFFFFFB00]  }
0x4fb: {  	v16 =	vld [tilespmem:s15+$0x300]  }
0x4fc: {  	v17 =	vld [tilespmem:s15+$0x380]  }
0x4fd: {  	v18 =	vld [tilespmem:s15+$0x400]  }
0x4fe: {  	v19 =	vld [tilespmem:s15+$0x480]  }
0x4ff: {  	v7 =	vld.idx.msk [tilespmem:v7+s1+$0x0], $0xffff  }
0x500: {  	v5 =	vld.idx.msk [tilespmem:v5+s1+$0x0], $0xffff  }
0x501: {  	v12 =	vld.idx.msk [tilespmem:v12+s1+$0x0], $0xffff  }
0x502: {  	v14 =	vld.idx.msk [tilespmem:v14+s1+$0x0], $0xffff  }
0x503: {  	v15 =	vld.idx.msk [tilespmem:v15+s1+$0x0], $0xffff  }
0x504: {  	v3 =	vld.idx.msk [tilespmem:v3+s1+$0x0], $0xffff  }
0x505: {  	v8 =	vld.idx.msk [tilespmem:v8+s1+$0x0], $0xffff  }
0x506: {  	v10 =	vld.idx.msk [tilespmem:v10+s1+$0x0], $0xffff  }
0x507: {  	v5 =	vadd.f32 v12, v5;
	v4 =	vld.idx.msk [tilespmem:v4+s1+$0x0], $0xffff  }
0x508: {  	v7 =	vadd.f32 v7, v14;
	v6 =	vld.idx.msk [tilespmem:v6+s1+$0x0], $0xffff  }
0x509: {  	v12 =	vld.idx.msk [tilespmem:v1+s1+$0x0], $0xffff  }
0x50a: {  	v3 =	vadd.f32 v3, v15;
	v5 =	vadd.f32 v5, v7;
	v9 =	vld.idx.msk [tilespmem:v9+s1+$0x0], $0xffff  }
0x50b: {  	v7 =	vld.idx.msk [tilespmem:v2+s1+$0x0], $0xffff  }
0x50c: {  	v8 =	vadd.f32 v10, v8;
	v11 =	vld.idx.msk [tilespmem:v11+s1+$0x0], $0xffff  }
0x50d: {  	v1 =	vld.idx.msk [tilespmem:v0+s1+$0x0], $0xffff  }
.Ltmp14:
0x50e: {  	v10 =	vadd.f32 v6, v4;
	v0 =	vadd.f32 v8, v3;
	v2 =	vld.idx.msk [tilespmem:v13+s1+$0x0], $0xffff;
	(pc) =	sbr.rel @p0 .LBB2_24-.Ltmp14, $4  }
0x50f: {  	v3 =	vld.idx.msk [tilespmem:v16+s1+$0x0], $0xffff  }
0x510: {  	v9 =	vadd.f32 v9, v12;
	v0 =	vadd.f32 v0, v5;
	v4 =	vld.idx.msk [tilespmem:v17+s1+$0x0], $0xffff  }
0x511: {  	v5 =	vld.idx.msk [tilespmem:v18+s1+$0x0], $0xffff  }
0x512: {  	s15 =	sadd.s32 $0x20, s15;
	v8 =	vadd.f32 v11, v7;
	v7 =	vadd.f32 v9, v10;
	v6 =	vld.idx.msk [tilespmem:v19+s1+$0x0], $0xffff  }
0x513: {  	v1 =	vadd.f32 v2, v1;
	_ =	sdelay $0x1  }
0x514: {  	v1 =	vadd.f32 v1, v8  }
0x515: {  	v2 =	vadd.f32 v4, v3  }
0x516: {  	v3 =	vadd.f32 v6, v5;
	v1 =	vadd.f32 v1, v7  }
0x517: {  	p0 =	seq.s32 s8, $0xF  }
0x518: {  	s14 =	smul.u32 @!p0 $0x1800, s8;
	v2 =	vadd.f32 v3, v2;
	v0 =	vadd.f32 v1, v0;
	_ =	sdelay $0x1  }
0x519: {  	s14 =	sshrl.u32 @!p0 s14, $0x3;
	v0 =	vadd.f32 v2, v0  }
0x51a: {  	s14 =	sadd.s32 @!p0 s3, s14  }
0x51b: {  	s15 =	simm.s32 @!p0 $0x18700;
	[tilespmem:s13+$0xFFFFFFF0] =	vst v0;
	s13 =	sadd.s32 @!p0 $0x3300, s14;
	s14 =	simm.s32 @!p0 $0x0  }
0x51c: {  	[tilespmem:s15], [sflag:$0x2] =	stream.linear.gather @!p0 [hbm4b:s13+s14], $0xA00, $0x38;
	[tilespmem:$0x1C700] =	vst v63  }
0x51d: {  	_ =	swait.ge [sflag:s31], $0xA00  }
0x51e: {  	[sflag:s31] =	ssyncset.done $0x0  }
0x51f: {  	s16 =	simm.s32 $0x19800;
	[sflag:s31] =	ssyncadd.s32 $0xFFFFF600  }
0x520: {  	v0 =	vld [tilespmem:s16+$0x310]  }
0x521: {  	v1 =	vld [tilespmem:s16+$0x390]  }
0x522: {  	v2 =	vld [tilespmem:s16+$0x410]  }
0x523: {  	v3 =	vld [tilespmem:s16+$0x490]  }
0x524: {  	v4 =	vld [tilespmem:s16+$0xFFFFFB10]  }
0x525: {  	v5 =	vld [tilespmem:s16+$0xFFFFFB90]  }
0x526: {  	v6 =	vld [tilespmem:s16+$0xFFFFFC10]  }
0x527: {  	v7 =	vld [tilespmem:s16+$0xFFFFFC90]  }
0x528: {  	v8 =	vld [tilespmem:s16+$0xFFFFFD10]  }
0x529: {  	v9 =	vld [tilespmem:s16+$0xFFFFFD90]  }
0x52a: {  	v10 =	vld [tilespmem:s16+$0xFFFFFE10]  }
0x52b: {  	v11 =	vld [tilespmem:s16+$0xFFFFFE90]  }
0x52c: {  	v12 =	vld [tilespmem:s16+$0xFFFFFF10]  }
0x52d: {  	v13 =	vld [tilespmem:s16+$0xFFFFFF90]  }
0x52e: {  	v14 =	vld [tilespmem:s16+$0x10]  }
0x52f: {  	v15 =	vld [tilespmem:s16+$0x90]  }
0x530: {  	v16 =	vld [tilespmem:s16+$0x110]  }
0x531: {  	v17 =	vld [tilespmem:s16+$0x190]  }
0x532: {  	v18 =	vld [tilespmem:s16+$0x210]  }
0x533: {  	v19 =	vld [tilespmem:s16+$0x290]  }
0x534: {  	v20 =	vld [tilespmem:s16+$0xFFFFFB80]  }
0x535: {  	v21 =	vld [tilespmem:s16+$0xFFFFFC00]  }
0x536: {  	v22 =	vld [tilespmem:s16+$0xFFFFFC80]  }
0x537: {  	v23 =	vld [tilespmem:s16+$0xFFFFFD00]  }
0x538: {  	v24 =	vld [tilespmem:s16+$0xFFFFFD80]  }
0x539: {  	v25 =	vld [tilespmem:s16+$0xFFFFFE00]  }
0x53a: {  	v26 =	vld [tilespmem:s16+$0xFFFFFE80]  }
0x53b: {  	v27 =	vld [tilespmem:s16+$0xFFFFFF00]  }
0x53c: {  	v28 =	vld [tilespmem:s16+$0xFFFFFF80]  }
0x53d: {  	v29 =	vld [tilespmem:s16+$0x0]  }
0x53e: {  	v30 =	vld [tilespmem:s16+$0x80]  }
0x53f: {  	v31 =	vld [tilespmem:s16+$0x100]  }
0x540: {  	v32 =	vld [tilespmem:s16+$0x180]  }
0x541: {  	v33 =	vld [tilespmem:s16+$0x200]  }
0x542: {  	v34 =	vld [tilespmem:s16+$0x280]  }
0x543: {  	v35 =	vld [tilespmem:s16+$0xFFFFFB00]  }
0x544: {  	v36 =	vld [tilespmem:s16+$0x300]  }
0x545: {  	v37 =	vld [tilespmem:s16+$0x380]  }
0x546: {  	v38 =	vld [tilespmem:s16+$0x400]  }
0x547: {  	v39 =	vld [tilespmem:s16+$0x480]  }
0x548: {  	v0 =	vld.idx.msk [tilespmem:v0+s1+$0x0], $0xffff  }
0x549: {  	v4 =	vld.idx.msk [tilespmem:v4+s1+$0x0], $0xffff  }
0x54a: {  	v5 =	vld.idx.msk [tilespmem:v5+s1+$0x0], $0xffff  }
0x54b: {  	v6 =	vld.idx.msk [tilespmem:v6+s1+$0x0], $0xffff  }
0x54c: {  	v7 =	vld.idx.msk [tilespmem:v7+s1+$0x0], $0xffff  }
0x54d: {  	v8 =	vld.idx.msk [tilespmem:v8+s1+$0x0], $0xffff  }
0x54e: {  	v9 =	vld.idx.msk [tilespmem:v9+s1+$0x0], $0xffff  }
0x54f: {  	v10 =	vld.idx.msk [tilespmem:v10+s1+$0x0], $0xffff  }
0x550: {  	v11 =	vld.idx.msk [tilespmem:v11+s1+$0x0], $0xffff  }
0x551: {  	v12 =	vld.idx.msk [tilespmem:v12+s1+$0x0], $0xffff  }
0x552: {  	v13 =	vld.idx.msk [tilespmem:v13+s1+$0x0], $0xffff  }
0x553: {  	v14 =	vld.idx.msk [tilespmem:v14+s1+$0x0], $0xffff  }
0x554: {  	v15 =	vld.idx.msk [tilespmem:v15+s1+$0x0], $0xffff  }
0x555: {  	v16 =	vld.idx.msk [tilespmem:v16+s1+$0x0], $0xffff  }
0x556: {  	v17 =	vld.idx.msk [tilespmem:v17+s1+$0x0], $0xffff  }
0x557: {  	v18 =	vld.idx.msk [tilespmem:v18+s1+$0x0], $0xffff  }
0x558: {  	v19 =	vld.idx.msk [tilespmem:v19+s1+$0x0], $0xffff  }
0x559: {  	v1 =	vld.idx.msk [tilespmem:v1+s1+$0x0], $0xffff  }
0x55a: {  	v2 =	vld.idx.msk [tilespmem:v2+s1+$0x0], $0xffff  }
0x55b: {  	v3 =	vld.idx.msk [tilespmem:v3+s1+$0x0], $0xffff  }
0x55c: {  	v20 =	vld.idx.msk [tilespmem:v20+s1+$0x0], $0xffff  }
0x55d: {  	v21 =	vld.idx.msk [tilespmem:v21+s1+$0x0], $0xffff  }
0x55e: {  	v22 =	vld.idx.msk [tilespmem:v22+s1+$0x0], $0xffff  }
0x55f: {  	v58 =	vld.idx.msk [tilespmem:v24+s1+$0x0], $0xffff  }
0x560: {  	v61 =	vld.idx.msk [tilespmem:v25+s1+$0x0], $0xffff;
	v4 =	vadd.f32 v5, v4;
	v5 =	vadd.f32 v7, v6  }
0x561: {  	v62 =	vld.idx.msk [tilespmem:v28+s1+$0x0], $0xffff;
	v7 =	vadd.f32 v9, v8;
	v8 =	vadd.f32 v11, v10  }
0x562: {  	v63 =	vld.idx.msk [tilespmem:v32+s1+$0x0], $0xffff;
	v10 =	vadd.f32 v13, v12;
	v11 =	vadd.f32 v15, v14  }
0x563: {  	v6 =	vld.idx.msk [tilespmem:v35+s1+$0x0], $0xffff;
	v59 =	vadd.f32 v17, v16;
	v60 =	vadd.f32 v19, v18  }
0x564: {  	v9 =	vld.idx.msk [tilespmem:v23+s1+$0x0], $0xffff;
	v4 =	vadd.f32 v5, v4;
	v5 =	vadd.f32 v8, v7  }
0x565: {  	v7 =	vld.idx.msk [tilespmem:v26+s1+$0x0], $0xffff;
	v8 =	vadd.f32 v11, v10;
	v10 =	vadd.f32 v60, v59  }
0x566: {  	v0 =	vadd.f32 v1, v0;
	v1 =	vadd.f32 v3, v2;
	v11 =	vld.idx.msk [tilespmem:v27+s1+$0x0], $0xffff  }
0x567: {  	v2 =	vadd.f32 v5, v4;
	v3 =	vadd.f32 v10, v8;
	v5 =	vld.idx.msk [tilespmem:v29+s1+$0x0], $0xffff  }
0x568: {  	v0 =	vadd.f32 v1, v0;
	v8 =	vld.idx.msk [tilespmem:v30+s1+$0x0], $0xffff;
	v4 =	vadd.f32 v20, v6  }
0x569: {  	v10 =	vld.idx.msk [tilespmem:v31+s1+$0x0], $0xffff;
	v6 =	vadd.f32 v58, v9;
	v2 =	vadd.f32 v3, v2  }
0x56a: {  	v1 =	vld.idx.msk [tilespmem:v33+s1+$0x0], $0xffff;
	v3 =	vadd.f32 v22, v21;
	v7 =	vadd.f32 v7, v61  }
0x56b: {  	v9 =	vadd.f32 v0, v2;
	v2 =	vld.idx.msk [tilespmem:v34+s1+$0x0], $0xffff  }
0x56c: {  	v0 =	vadd.f32 v3, v4;
	v3 =	vld.idx.msk [tilespmem:v36+s1+$0x0], $0xffff;
	v6 =	vadd.f32 v7, v6  }
0x56d: {  	v4 =	vld.idx.msk [tilespmem:v37+s1+$0x0], $0xffff;
	v7 =	vadd.f32 v62, v11;
	v11 =	vadd.f32 v8, v5  }
0x56e: {  	v5 =	vld.idx.msk [tilespmem:v38+s1+$0x0], $0xffff;
	v8 =	vadd.f32 v63, v10  }
0x56f: {  	s14 =	simm.s32 $0x0;
	s15 =	simm.s32 $0x19820;
	s13 =	smov.u32 s10;
	[tilespmem:s10+$0x0] =	vst v9;
	v0 =	vadd.f32 v6, v0;
	v6 =	vld.idx.msk [tilespmem:v39+s1+$0x0], $0xffff;
	v7 =	vadd.f32 v11, v7  }
.LBB2_26:
0x570: {  	v9 =	vld [tilespmem:s15+$0x310]  }
0x571: {  	v1 =	vadd.f32 v2, v1;
	v10 =	vld [tilespmem:s15+$0x390]  }
0x572: {  	v2 =	vld [tilespmem:s15+$0x410]  }
0x573: {  	v3 =	vadd.f32 v4, v3;
	v1 =	vadd.f32 v1, v8;
	v11 =	vld [tilespmem:s15+$0x490]  }
0x574: {  	v4 =	vld [tilespmem:s15+$0xFFFFFB10]  }
0x575: {  	v5 =	vadd.f32 v6, v5;
	v1 =	vadd.f32 v1, v7;
	v8 =	vld [tilespmem:s15+$0xFFFFFB90]  }
0x576: {  	v6 =	vld [tilespmem:s15+$0xFFFFFC10]  }
0x577: {  	v3 =	vadd.f32 v5, v3;
	v0 =	vadd.f32 v1, v0;
	v7 =	vld [tilespmem:s15+$0xFFFFFC90]  }
0x578: {  	v1 =	vld [tilespmem:s15+$0xFFFFFD10]  }
0x579: {  	v0 =	vadd.f32 v3, v0;
	v5 =	vld [tilespmem:s15+$0xFFFFFD90]  }
0x57a: {  	v3 =	vld [tilespmem:s15+$0xFFFFFE10]  }
0x57b: {  	v12 =	vld [tilespmem:s15+$0xFFFFFE90];
	[tilespmem:s13+$0xFFFFFFF0] =	vst v0  }
0x57c: {  	v0 =	vld [tilespmem:s15+$0xFFFFFF10]  }
0x57d: {  	v13 =	vld [tilespmem:s15+$0xFFFFFF90]  }
0x57e: {  	v14 =	vld [tilespmem:s15+$0x10]  }
0x57f: {  	v15 =	vld [tilespmem:s15+$0x90]  }
0x580: {  	v16 =	vld [tilespmem:s15+$0x110]  }
0x581: {  	v17 =	vld [tilespmem:s15+$0x190]  }
0x582: {  	v18 =	vld [tilespmem:s15+$0x210]  }
0x583: {  	v19 =	vld [tilespmem:s15+$0x290]  }
0x584: {  	v9 =	vld.idx.msk [tilespmem:v9+s1+$0x0], $0xffff  }
0x585: {  	v4 =	vld.idx.msk [tilespmem:v4+s1+$0x0], $0xffff  }
0x586: {  	v8 =	vld.idx.msk [tilespmem:v8+s1+$0x0], $0xffff  }
0x587: {  	v6 =	vld.idx.msk [tilespmem:v6+s1+$0x0], $0xffff  }
0x588: {  	v7 =	vld.idx.msk [tilespmem:v7+s1+$0x0], $0xffff  }
0x589: {  	v1 =	vld.idx.msk [tilespmem:v1+s1+$0x0], $0xffff  }
0x58a: {  	v5 =	vld.idx.msk [tilespmem:v5+s1+$0x0], $0xffff  }
0x58b: {  	v3 =	vld.idx.msk [tilespmem:v3+s1+$0x0], $0xffff  }
0x58c: {  	s14 =	sadd.s32 $0x2, s14;
	v12 =	vld.idx.msk [tilespmem:v12+s1+$0x0], $0xffff  }
0x58d: {  	p1 =	slt.u32 s14, $0x6;
	v0 =	vld.idx.msk [tilespmem:v0+s1+$0x0], $0xffff  }
0x58e: {  	v13 =	vld.idx.msk [tilespmem:v13+s1+$0x0], $0xffff  }
0x58f: {  	v14 =	vld.idx.msk [tilespmem:v14+s1+$0x0], $0xffff  }
0x590: {  	v15 =	vld.idx.msk [tilespmem:v15+s1+$0x0], $0xffff  }
0x591: {  	v16 =	vld.idx.msk [tilespmem:v16+s1+$0x0], $0xffff  }
0x592: {  	v17 =	vld.idx.msk [tilespmem:v17+s1+$0x0], $0xffff  }
0x593: {  	v18 =	vld.idx.msk [tilespmem:v18+s1+$0x0], $0xffff  }
0x594: {  	v19 =	vld.idx.msk [tilespmem:v19+s1+$0x0], $0xffff  }
0x595: {  	v10 =	vld.idx.msk [tilespmem:v10+s1+$0x0], $0xffff  }
0x596: {  	v2 =	vld.idx.msk [tilespmem:v2+s1+$0x0], $0xffff  }
0x597: {  	v4 =	vadd.f32 v8, v4;
	v6 =	vadd.f32 v7, v6;
	v11 =	vld.idx.msk [tilespmem:v11+s1+$0x0], $0xffff  }
0x598: {  	v1 =	vadd.f32 v5, v1;
	v3 =	vadd.f32 v12, v3;
	v7 =	vld [tilespmem:s15+$0xFFFFFB80]  }
0x599: {  	v0 =	vadd.f32 v13, v0;
	v8 =	vadd.f32 v15, v14;
	v5 =	vld [tilespmem:s15+$0xFFFFFC00]  }
0x59a: {  	v13 =	vadd.f32 v17, v16;
	v14 =	vadd.f32 v19, v18;
	v12 =	vld [tilespmem:s15+$0xFFFFFC80]  }
0x59b: {  	v4 =	vadd.f32 v6, v4;
	v1 =	vadd.f32 v3, v1;
	v15 =	vld [tilespmem:s15+$0xFFFFFD00]  }
0x59c: {  	v0 =	vadd.f32 v8, v0;
	v6 =	vadd.f32 v14, v13;
	v3 =	vld [tilespmem:s15+$0xFFFFFD80]  }
0x59d: {  	v9 =	vadd.f32 v10, v9;
	v2 =	vadd.f32 v11, v2;
	v8 =	vld [tilespmem:s15+$0xFFFFFE00]  }
0x59e: {  	v1 =	vadd.f32 v1, v4;
	v0 =	vadd.f32 v6, v0;
	v10 =	vld [tilespmem:s15+$0xFFFFFE80]  }
0x59f: {  	v4 =	vld [tilespmem:s15+$0xFFFFFF00]  }
0x5a0: {  	v2 =	vadd.f32 v2, v9;
	v0 =	vadd.f32 v0, v1;
	v6 =	vld [tilespmem:s15+$0xFFFFFF80]  }
0x5a1: {  	v1 =	vld [tilespmem:s15+$0x0]  }
0x5a2: {  	v0 =	vadd.f32 v2, v0;
	v9 =	vld [tilespmem:s15+$0x80]  }
0x5a3: {  	s13 =	sadd.s32 $0x20, s13;
	v2 =	vld [tilespmem:s15+$0x100]  }
0x5a4: {  	v11 =	vld [tilespmem:s15+$0x180];
	[tilespmem:s13+$0x0] =	vst v0  }
0x5a5: {  	v0 =	vld [tilespmem:s15+$0x200]  }
0x5a6: {  	v13 =	vld [tilespmem:s15+$0x280]  }
0x5a7: {  	v14 =	vld [tilespmem:s15+$0xFFFFFB00]  }
0x5a8: {  	v16 =	vld [tilespmem:s15+$0x300]  }
0x5a9: {  	v17 =	vld [tilespmem:s15+$0x380]  }
0x5aa: {  	v18 =	vld [tilespmem:s15+$0x400]  }
0x5ab: {  	v19 =	vld [tilespmem:s15+$0x480]  }
0x5ac: {  	v7 =	vld.idx.msk [tilespmem:v7+s1+$0x0], $0xffff  }
0x5ad: {  	v5 =	vld.idx.msk [tilespmem:v5+s1+$0x0], $0xffff  }
0x5ae: {  	v12 =	vld.idx.msk [tilespmem:v12+s1+$0x0], $0xffff  }
0x5af: {  	v14 =	vld.idx.msk [tilespmem:v14+s1+$0x0], $0xffff  }
0x5b0: {  	v15 =	vld.idx.msk [tilespmem:v15+s1+$0x0], $0xffff  }
0x5b1: {  	v3 =	vld.idx.msk [tilespmem:v3+s1+$0x0], $0xffff  }
0x5b2: {  	v8 =	vld.idx.msk [tilespmem:v8+s1+$0x0], $0xffff  }
0x5b3: {  	v10 =	vld.idx.msk [tilespmem:v10+s1+$0x0], $0xffff  }
0x5b4: {  	v5 =	vadd.f32 v12, v5;
	v4 =	vld.idx.msk [tilespmem:v4+s1+$0x0], $0xffff  }
0x5b5: {  	v7 =	vadd.f32 v7, v14;
	v6 =	vld.idx.msk [tilespmem:v6+s1+$0x0], $0xffff  }
0x5b6: {  	v12 =	vld.idx.msk [tilespmem:v1+s1+$0x0], $0xffff  }
0x5b7: {  	v3 =	vadd.f32 v3, v15;
	v5 =	vadd.f32 v5, v7;
	v9 =	vld.idx.msk [tilespmem:v9+s1+$0x0], $0xffff  }
0x5b8: {  	v7 =	vld.idx.msk [tilespmem:v2+s1+$0x0], $0xffff  }
0x5b9: {  	v8 =	vadd.f32 v10, v8;
	v11 =	vld.idx.msk [tilespmem:v11+s1+$0x0], $0xffff  }
0x5ba: {  	v1 =	vld.idx.msk [tilespmem:v0+s1+$0x0], $0xffff  }
.Ltmp15:
0x5bb: {  	v10 =	vadd.f32 v6, v4;
	v0 =	vadd.f32 v8, v3;
	v2 =	vld.idx.msk [tilespmem:v13+s1+$0x0], $0xffff;
	(pc) =	sbr.rel @p1 .LBB2_26-.Ltmp15, $4  }
0x5bc: {  	v3 =	vld.idx.msk [tilespmem:v16+s1+$0x0], $0xffff  }
0x5bd: {  	v9 =	vadd.f32 v9, v12;
	v0 =	vadd.f32 v0, v5;
	v4 =	vld.idx.msk [tilespmem:v17+s1+$0x0], $0xffff  }
0x5be: {  	v5 =	vld.idx.msk [tilespmem:v18+s1+$0x0], $0xffff  }
0x5bf: {  	s15 =	sadd.s32 $0x20, s15;
	v8 =	vadd.f32 v11, v7;
	v7 =	vadd.f32 v9, v10;
	v6 =	vld.idx.msk [tilespmem:v19+s1+$0x0], $0xffff  }
0x5c0: {  	v1 =	vadd.f32 v2, v1;
	_ =	sdelay $0x1  }
0x5c1: {  	v1 =	vadd.f32 v1, v8  }
0x5c2: {  	v62 =	vadd.f32 v4, v3  }
0x5c3: {  	v63 =	vadd.f32 v6, v5;
	v1 =	vadd.f32 v1, v7;
	_ =	sdelay $0x1  }
.Ltmp16:
0x5c4: {  	v2 =	vadd.f32 v63, v62;
	v0 =	vadd.f32 v1, v0;
	(pc) =	sbr.rel @p0 .LBB2_29-.Ltmp16, $3  }
0x5c5: {  	_ = 	snop  }
0x5c6: {  	v0 =	vadd.f32 v2, v0;
	_ =	sdelay $0x1  }
0x5c7: {  	[tilespmem:s13+$0xFFFFFFF0] =	vst v0  }
0x5c8: {  	s13 =	smul.u32 $0x1800, s8  }
.Ltmp17:
0x5c9: {  	_ = 	snop;
	(pc) =	sbr.rel .LBB2_23-.Ltmp17, $4  }
0x5ca: {  	s13 =	sshrl.u32 s13, $0x3  }
0x5cb: {  	s8 =	sadd.s32 $0x1, s8;
	s13 =	sadd.s32 s3, s13  }
0x5cc: {  	s9 =	sadd.s32 $0x100, s9;
	s10 =	sadd.s32 $0x100, s10;
	s13 =	sadd.s32 $0x3480, s13  }
0x5cd: {  	[tilespmem:s28], [sflag:$0x3] =	stream.linear.gather [hbm4b:s13+s1], $0xA00, $0x38;
	[tilespmem:$0x1C700] =	vst v63  }
.LBB2_29:
0x5ce: {  	s8 =	rddreg [dreg:$0xc]  }
0x5cf: {  	[hbm4b:s8+s24] =	stream.strided.scatter [tilespmem:s0], [sflag:$0x4], $0x1000, s25, s24, $0x38;
	[tilespmem:$0x1C700] =	vst v63  }
0x5d0: {  	_ =	swait.ge [sflag:s2], $0x1000  }
0x5d1: {  	[sflag:s2] =	ssyncset.done $0x0  }
0x5d2: {  	s8 =	simm.s32 $0x0;
	s9 =	rddreg [dreg:$0xd];
	[sflag:s2] =	ssyncadd.s32 $0xFFFFF000  }
0x5d3: {  	[tilespmem:s8], [sflag:$0x1] =	stream.strided.gather [hbm4b:s9+s24], $0x18700, s25, s24, $0x38;
	[tilespmem:$0x1C700] =	vst v63  }
0x5d4: {  	_ = 	snop  }
0x5d5: {  	[tilespmem:s26], [sflag:$0x2] =	stream.linear.gather [hbm4b:s17+s8], $0xA00, $0x38;
	[tilespmem:$0x1C700] =	vst v63  }
0x5d6: {  	s16 =	simm.s32 $0x19F00  }
0x5d7: {  	[tilespmem:s16], [sflag:$0x2] =	stream.linear.gather [hbm4b:s4+s8], $0xA00, $0x38;
	[tilespmem:$0x1C700] =	vst v63  }
0x5d8: {  	_ = 	snop  }
0x5d9: {  	[tilespmem:s28], [sflag:$0x3] =	stream.linear.gather [hbm4b:s18+s8], $0xA00, $0x38;
	[tilespmem:$0x1C700] =	vst v63  }
0x5da: {  	_ = 	snop  }
0x5db: {  	[tilespmem:s5], [sflag:$0x3] =	stream.linear.gather [hbm4b:s19+s8], $0xA00, $0x38;
	[tilespmem:$0x1C700] =	vst v63  }
0x5dc: {  	_ =	swait.ge [sflag:s29], $0x18700  }
0x5dd: {  	[sflag:s29] =	ssyncset.done $0x0  }
0x5de: {  	s14 =	simm.s32 $0x1B710;
	s10 =	simm.s32 $0x1B790;
	[sflag:s29] =	ssyncadd.s32 $0xFFFE7900  }
.LBB2_30:
0x5df: {  	_ =	swait.ge [sflag:s30], $0xA00  }
0x5e0: {  	[sflag:s30] =	ssyncset.done $0x0  }
0x5e1: {  	[sflag:s30] =	ssyncadd.s32 $0xFFFFF600  }
0x5e2: {  	_ =	swait.ge [sflag:s30], $0xA00  }
0x5e3: {  	[sflag:s30] =	ssyncset.done $0x0  }
0x5e4: {  	s9 =	simm.s32 $0x1A400;
	[sflag:s30] =	ssyncadd.s32 $0xFFFFF600  }
0x5e5: {  	v0 =	vld [tilespmem:s9+$0x310]  }
0x5e6: {  	v1 =	vld [tilespmem:s9+$0x390]  }
0x5e7: {  	v2 =	vld [tilespmem:s9+$0x410]  }
0x5e8: {  	v3 =	vld [tilespmem:s9+$0xFFFFFB10]  }
0x5e9: {  	v4 =	vld [tilespmem:s9+$0xFFFFFB90]  }
0x5ea: {  	v5 =	vld [tilespmem:s9+$0xFFFFFC10]  }
0x5eb: {  	v6 =	vld [tilespmem:s9+$0xFFFFFC90]  }
0x5ec: {  	v7 =	vld [tilespmem:s9+$0xFFFFFD10]  }
0x5ed: {  	v8 =	vld [tilespmem:s9+$0xFFFFFD90]  }
0x5ee: {  	v9 =	vld [tilespmem:s9+$0xFFFFFE10]  }
0x5ef: {  	v10 =	vld [tilespmem:s9+$0xFFFFFE90]  }
0x5f0: {  	v11 =	vld [tilespmem:s9+$0xFFFFFF10]  }
0x5f1: {  	v12 =	vld [tilespmem:s9+$0xFFFFFF90]  }
0x5f2: {  	v13 =	vld [tilespmem:s9+$0x10]  }
0x5f3: {  	v14 =	vld [tilespmem:s9+$0x90]  }
0x5f4: {  	v15 =	vld [tilespmem:s9+$0x110]  }
0x5f5: {  	v16 =	vld [tilespmem:s9+$0x190]  }
0x5f6: {  	v17 =	vld [tilespmem:s9+$0x210]  }
0x5f7: {  	s13 =	simm.s32 $0x18C00;
	v18 =	vld [tilespmem:s9+$0x290]  }
0x5f8: {  	v19 =	vld [tilespmem:s13+$0x310]  }
0x5f9: {  	v20 =	vld [tilespmem:s13+$0x390]  }
0x5fa: {  	v21 =	vld [tilespmem:s13+$0x410]  }
0x5fb: {  	v22 =	vld [tilespmem:s13+$0x490]  }
0x5fc: {  	v23 =	vld [tilespmem:s13+$0xFFFFFB10]  }
0x5fd: {  	v24 =	vld [tilespmem:s13+$0xFFFFFB90]  }
0x5fe: {  	v25 =	vld [tilespmem:s13+$0xFFFFFC10]  }
0x5ff: {  	v26 =	vld [tilespmem:s13+$0xFFFFFC90]  }
0x600: {  	v27 =	vld [tilespmem:s13+$0xFFFFFD10]  }
0x601: {  	v28 =	vld [tilespmem:s13+$0xFFFFFD90]  }
0x602: {  	v29 =	vld [tilespmem:s13+$0xFFFFFE10]  }
0x603: {  	v30 =	vld [tilespmem:s13+$0xFFFFFE90]  }
0x604: {  	v31 =	vld [tilespmem:s13+$0xFFFFFF10]  }
0x605: {  	v32 =	vld [tilespmem:s13+$0xFFFFFF90]  }
0x606: {  	v33 =	vld [tilespmem:s13+$0x10]  }
0x607: {  	v34 =	vld [tilespmem:s13+$0x90]  }
0x608: {  	v35 =	vld [tilespmem:s13+$0x110]  }
0x609: {  	v36 =	vld [tilespmem:s13+$0x190]  }
0x60a: {  	v37 =	vld [tilespmem:s13+$0x210]  }
0x60b: {  	v38 =	vld [tilespmem:s13+$0x290]  }
0x60c: {  	v39 =	vld [tilespmem:s9+$0x490]  }
0x60d: {  	v40 =	vld [tilespmem:s13+$0xFFFFFB80]  }
0x60e: {  	v41 =	vld [tilespmem:s13+$0xFFFFFC00]  }
0x60f: {  	v42 =	vld [tilespmem:s13+$0xFFFFFC80]  }
0x610: {  	v43 =	vld [tilespmem:s13+$0xFFFFFD00]  }
0x611: {  	v44 =	vld [tilespmem:s13+$0xFFFFFD80]  }
0x612: {  	v45 =	vld [tilespmem:s13+$0xFFFFFE00]  }
0x613: {  	v46 =	vld [tilespmem:s13+$0xFFFFFE80]  }
0x614: {  	v47 =	vld [tilespmem:s13+$0xFFFFFF00]  }
0x615: {  	v48 =	vld [tilespmem:s13+$0xFFFFFF80]  }
0x616: {  	v49 =	vld [tilespmem:s13+$0x0]  }
0x617: {  	v50 =	vld [tilespmem:s13+$0x80]  }
0x618: {  	v51 =	vld [tilespmem:s13+$0x100]  }
0x619: {  	v52 =	vld [tilespmem:s13+$0x180]  }
0x61a: {  	v53 =	vld [tilespmem:s13+$0x200]  }
0x61b: {  	v54 =	vld [tilespmem:s13+$0x280]  }
0x61c: {  	v55 =	vld [tilespmem:s13+$0xFFFFFB00]  }
0x61d: {  	v56 =	vld [tilespmem:s13+$0x300]  }
0x61e: {  	v57 =	vld [tilespmem:s13+$0x380]  }
0x61f: {  	v58 =	vld [tilespmem:s13+$0x400]  }
0x620: {  	v59 =	vld [tilespmem:s13+$0x480]  }
0x621: {  	v61 =	vld [tilespmem:s9+$0x280]  }
0x622: {  	v19 =	vld.idx.msk [tilespmem:v19+s1+$0x0], $0xffff  }
0x623: {  	v23 =	vld.idx.msk [tilespmem:v23+s1+$0x0], $0xffff  }
0x624: {  	v24 =	vld.idx.msk [tilespmem:v24+s1+$0x0], $0xffff  }
0x625: {  	v25 =	vld.idx.msk [tilespmem:v25+s1+$0x0], $0xffff  }
0x626: {  	v26 =	vld.idx.msk [tilespmem:v26+s1+$0x0], $0xffff  }
0x627: {  	v27 =	vld.idx.msk [tilespmem:v27+s1+$0x0], $0xffff  }
0x628: {  	v28 =	vld.idx.msk [tilespmem:v28+s1+$0x0], $0xffff  }
0x629: {  	v29 =	vld.idx.msk [tilespmem:v29+s1+$0x0], $0xffff  }
0x62a: {  	v30 =	vld.idx.msk [tilespmem:v30+s1+$0x0], $0xffff  }
0x62b: {  	v31 =	vld.idx.msk [tilespmem:v31+s1+$0x0], $0xffff  }
0x62c: {  	v32 =	vld.idx.msk [tilespmem:v32+s1+$0x0], $0xffff  }
0x62d: {  	v33 =	vld.idx.msk [tilespmem:v33+s1+$0x0], $0xffff  }
0x62e: {  	v34 =	vld.idx.msk [tilespmem:v34+s1+$0x0], $0xffff  }
0x62f: {  	v35 =	vld.idx.msk [tilespmem:v35+s1+$0x0], $0xffff  }
0x630: {  	v36 =	vld.idx.msk [tilespmem:v36+s1+$0x0], $0xffff  }
0x631: {  	v37 =	vld.idx.msk [tilespmem:v37+s1+$0x0], $0xffff  }
0x632: {  	v38 =	vld.idx.msk [tilespmem:v38+s1+$0x0], $0xffff  }
0x633: {  	v20 =	vld.idx.msk [tilespmem:v20+s1+$0x0], $0xffff  }
0x634: {  	v21 =	vld.idx.msk [tilespmem:v21+s1+$0x0], $0xffff  }
0x635: {  	v22 =	vld.idx.msk [tilespmem:v22+s1+$0x0], $0xffff  }
0x636: {  	v40 =	vld.idx.msk [tilespmem:v40+s1+$0x0], $0xffff  }
0x637: {  	v41 =	vld.idx.msk [tilespmem:v41+s1+$0x0], $0xffff  }
0x638: {  	v42 =	vld.idx.msk [tilespmem:v42+s1+$0x0], $0xffff  }
0x639: {  	v55 =	vld.idx.msk [tilespmem:v55+s1+$0x0], $0xffff  }
0x63a: {  	v43 =	vld.idx.msk [tilespmem:v43+s1+$0x0], $0xffff  }
0x63b: {  	v44 =	vld.idx.msk [tilespmem:v44+s1+$0x0], $0xffff  }
0x63c: {  	v45 =	vld.idx.msk [tilespmem:v45+s1+$0x0], $0xffff  }
0x63d: {  	v46 =	vld.idx.msk [tilespmem:v46+s1+$0x0], $0xffff  }
0x63e: {  	v47 =	vld.idx.msk [tilespmem:v47+s1+$0x0], $0xffff  }
0x63f: {  	v48 =	vld.idx.msk [tilespmem:v48+s1+$0x0], $0xffff  }
0x640: {  	v49 =	vld.idx.msk [tilespmem:v49+s1+$0x0], $0xffff;
	v0 =	vmul.f32 v0, v19  }
0x641: {  	v63 =	vld.idx.msk [tilespmem:v53+s1+$0x0], $0xffff;
	v3 =	vmul.f32 v3, v23;
	v4 =	vmul.f32 v4, v24  }
0x642: {  	v53 =	vld [tilespmem:s9+$0xFFFFFE00];
	v5 =	vmul.f32 v5, v25;
	v6 =	vmul.f32 v6, v26  }
0x643: {  	v19 =	vld.idx.msk [tilespmem:v50+s1+$0x0], $0xffff;
	v7 =	vmul.f32 v7, v27;
	v8 =	vmul.f32 v8, v28  }
0x644: {  	v23 =	vld.idx.msk [tilespmem:v51+s1+$0x0], $0xffff;
	v9 =	vmul.f32 v9, v29;
	v10 =	vmul.f32 v10, v30  }
0x645: {  	v24 =	vld.idx.msk [tilespmem:v52+s1+$0x0], $0xffff;
	v11 =	vmul.f32 v11, v31;
	v12 =	vmul.f32 v12, v32  }
0x646: {  	v26 =	vld.idx.msk [tilespmem:v54+s1+$0x0], $0xffff;
	v13 =	vmul.f32 v13, v33;
	v14 =	vmul.f32 v14, v34  }
0x647: {  	v32 =	vld [tilespmem:s9+$0xFFFFFB00];
	v15 =	vmul.f32 v15, v35;
	v16 =	vmul.f32 v16, v36  }
0x648: {  	v34 =	vld [tilespmem:s9+$0xFFFFFB80];
	v17 =	vmul.f32 v17, v37;
	v3 =	vadd.f32 v4, v3;
	v4 =	vadd.f32 v6, v5  }
0x649: {  	v50 =	vld [tilespmem:s9+$0xFFFFFC00];
	v6 =	vmul.f32 v18, v38;
	v7 =	vadd.f32 v8, v7;
	v8 =	vadd.f32 v10, v9  }
0x64a: {  	v1 =	vmul.f32 v1, v20;
	v51 =	vld [tilespmem:s9+$0xFFFFFD80];
	v10 =	vadd.f32 v12, v11;
	v11 =	vadd.f32 v14, v13  }
0x64b: {  	v2 =	vmul.f32 v2, v21;
	v5 =	vld [tilespmem:s9+$0xFFFFFC80];
	v52 =	vadd.f32 v16, v15;
	v6 =	vadd.f32 v6, v17  }
0x64c: {  	v54 =	vmul.f32 v39, v22;
	v3 =	vadd.f32 v4, v3;
	v4 =	vadd.f32 v8, v7;
	v7 =	vld [tilespmem:s9+$0xFFFFFE80]  }
0x64d: {  	v9 =	vld [tilespmem:s9+$0xFFFFFD00];
	v8 =	vadd.f32 v11, v10;
	v6 =	vadd.f32 v6, v52  }
0x64e: {  	v0 =	vadd.f32 v1, v0;
	v1 =	vadd.f32 v54, v2;
	v2 =	vld [tilespmem:s9+$0xFFFFFF80]  }
0x64f: {  	v10 =	vld [tilespmem:s9+$0xFFFFFF00];
	v3 =	vadd.f32 v4, v3;
	v4 =	vadd.f32 v6, v8  }
0x650: {  	v14 =	vmul.f32 v53, v45;
	v6 =	vld [tilespmem:s9+$0x0]  }
0x651: {  	v0 =	vadd.f32 v1, v0;
	v11 =	vld [tilespmem:s9+$0x100];
	v7 =	vmul.f32 v7, v46;
	v1 =	vadd.f32 v4, v3  }
0x652: {  	v8 =	vld [tilespmem:s9+$0x80];
	v3 =	vmul.f32 v32, v55;
	v4 =	vmul.f32 v34, v40  }
0x653: {  	v55 =	vld [tilespmem:s9+$0x180];
	v60 =	vadd.f32 v0, v1;
	v0 =	vmul.f32 v50, v41;
	v1 =	vmul.f32 v5, v42  }
0x654: {  	v5 =	vld [tilespmem:s9+$0x200];
	v3 =	vadd.f32 v4, v3;
	v4 =	vmul.f32 v9, v43;
	v9 =	vmul.f32 v51, v44  }
0x655: {  	v12 =	vmul.f32 v61, v26;
	v7 =	vadd.f32 v7, v14;
	v62 =	vmul.f32 v6, v49;
	v6 =	vld [tilespmem:s9+$0x300]  }
0x656: {  	v11 =	vmul.f32 v11, v23;
	v1 =	vadd.f32 v1, v0;
	v0 =	vld.idx.msk [tilespmem:v56+s1+$0x0], $0xffff;
	v9 =	vadd.f32 v9, v4  }
0x657: {  	v4 =	vmul.f32 v10, v47;
	v10 =	vmul.f32 v2, v48;
	v2 =	vld.idx.msk [tilespmem:v57+s1+$0x0], $0xffff  }
0x658: {  	v8 =	vmul.f32 v8, v19;
	v1 =	vadd.f32 v1, v3;
	v3 =	vld.idx.msk [tilespmem:v58+s1+$0x0], $0xffff;
	v9 =	vadd.f32 v7, v9  }
0x659: {  	v13 =	vmul.f32 v55, v24;
	v10 =	vadd.f32 v10, v4;
	v4 =	vld.idx.msk [tilespmem:v59+s1+$0x0], $0xffff;
	v63 =	vmul.f32 v5, v63  }
0x65a: {  	v8 =	vadd.f32 v8, v62;
	v7 =	vld [tilespmem:s9+$0x380];
	v5 =	vadd.f32 v9, v1  }
0x65b: {  	v1 =	vadd.f32 v13, v11;
	v9 =	vld [tilespmem:s9+$0x400];
	v11 =	vadd.f32 v12, v63  }
0x65c: {  	s15 =	simm.s32 $0x0;
	s16 =	simm.s32 $0x1A420;
	[tilespmem:s14+$0x0] =	vst v60;
	v8 =	vadd.f32 v8, v10;
	v10 =	vld [tilespmem:s9+$0x480];
	s9 =	smov.u32 s14  }
.LBB2_31:
0x65d: {  	v12 =	vld [tilespmem:s16+$0x310];
	v11 =	vadd.f32 v11, v1  }
0x65e: {  	v1 =	vld [tilespmem:s16+$0x390];
	v6 =	vmul.f32 v6, v0  }
0x65f: {  	v0 =	vld [tilespmem:s16+$0x410];
	v2 =	vmul.f32 v7, v2;
	v7 =	vadd.f32 v11, v8  }
0x660: {  	v8 =	vld [tilespmem:s16+$0xFFFFFB10];
	v3 =	vmul.f32 v9, v3  }
0x661: {  	v9 =	vld [tilespmem:s16+$0xFFFFFB90];
	v4 =	vmul.f32 v10, v4;
	v2 =	vadd.f32 v2, v6;
	v5 =	vadd.f32 v7, v5  }
0x662: {  	v6 =	vld [tilespmem:s16+$0xFFFFFC10]  }
0x663: {  	v7 =	vld [tilespmem:s16+$0xFFFFFC90];
	v3 =	vadd.f32 v4, v3  }
0x664: {  	v4 =	vld [tilespmem:s16+$0xFFFFFD10]  }
0x665: {  	v10 =	vld [tilespmem:s16+$0xFFFFFD90];
	v2 =	vadd.f32 v3, v2  }
0x666: {  	v3 =	vld [tilespmem:s16+$0xFFFFFE10]  }
0x667: {  	v11 =	vld [tilespmem:s16+$0xFFFFFE90];
	v2 =	vadd.f32 v2, v5  }
0x668: {  	v5 =	vld [tilespmem:s16+$0xFFFFFF10]  }
0x669: {  	v13 =	vld [tilespmem:s16+$0xFFFFFF90];
	[tilespmem:s9+$0xFFFFFFF0] =	vst v2  }
0x66a: {  	v2 =	vld [tilespmem:s16+$0x10]  }
0x66b: {  	v14 =	vld [tilespmem:s16+$0x90]  }
0x66c: {  	v15 =	vld [tilespmem:s16+$0x110]  }
0x66d: {  	v16 =	vld [tilespmem:s16+$0x190]  }
0x66e: {  	v17 =	vld [tilespmem:s16+$0x210]  }
0x66f: {  	s13 =	sadd.s32 $0x20, s13;
	v18 =	vld [tilespmem:s16+$0x290]  }
0x670: {  	v19 =	vld [tilespmem:s13+$0x310]  }
0x671: {  	v20 =	vld [tilespmem:s13+$0x390]  }
0x672: {  	v21 =	vld [tilespmem:s13+$0x410]  }
0x673: {  	v22 =	vld [tilespmem:s13+$0x490]  }
0x674: {  	v23 =	vld [tilespmem:s13+$0xFFFFFB10]  }
0x675: {  	v24 =	vld [tilespmem:s13+$0xFFFFFB90]  }
0x676: {  	v25 =	vld [tilespmem:s13+$0xFFFFFC10]  }
0x677: {  	v26 =	vld [tilespmem:s13+$0xFFFFFC90]  }
0x678: {  	v27 =	vld [tilespmem:s13+$0xFFFFFD10]  }
0x679: {  	v28 =	vld [tilespmem:s13+$0xFFFFFD90]  }
0x67a: {  	v29 =	vld [tilespmem:s13+$0xFFFFFE10]  }
0x67b: {  	v30 =	vld [tilespmem:s13+$0xFFFFFE90]  }
0x67c: {  	v31 =	vld [tilespmem:s13+$0xFFFFFF10]  }
0x67d: {  	v32 =	vld [tilespmem:s13+$0xFFFFFF90]  }
0x67e: {  	v33 =	vld [tilespmem:s13+$0x10]  }
0x67f: {  	v34 =	vld [tilespmem:s13+$0x90]  }
0x680: {  	v35 =	vld [tilespmem:s13+$0x110]  }
0x681: {  	v36 =	vld [tilespmem:s13+$0x190]  }
0x682: {  	v37 =	vld [tilespmem:s13+$0x210]  }
0x683: {  	v38 =	vld [tilespmem:s13+$0x290]  }
0x684: {  	v19 =	vld.idx.msk [tilespmem:v19+s1+$0x0], $0xffff  }
0x685: {  	v23 =	vld.idx.msk [tilespmem:v23+s1+$0x0], $0xffff  }
0x686: {  	v24 =	vld.idx.msk [tilespmem:v24+s1+$0x0], $0xffff  }
0x687: {  	v25 =	vld.idx.msk [tilespmem:v25+s1+$0x0], $0xffff  }
0x688: {  	v26 =	vld.idx.msk [tilespmem:v26+s1+$0x0], $0xffff  }
0x689: {  	v27 =	vld.idx.msk [tilespmem:v27+s1+$0x0], $0xffff  }
0x68a: {  	v28 =	vld.idx.msk [tilespmem:v28+s1+$0x0], $0xffff  }
0x68b: {  	v29 =	vld.idx.msk [tilespmem:v29+s1+$0x0], $0xffff  }
0x68c: {  	s15 =	sadd.s32 $0x2, s15;
	v30 =	vld.idx.msk [tilespmem:v30+s1+$0x0], $0xffff  }
0x68d: {  	p0 =	slt.u32 s15, $0x6;
	v31 =	vld.idx.msk [tilespmem:v31+s1+$0x0], $0xffff  }
0x68e: {  	v32 =	vld.idx.msk [tilespmem:v32+s1+$0x0], $0xffff  }
0x68f: {  	v33 =	vld.idx.msk [tilespmem:v33+s1+$0x0], $0xffff  }
0x690: {  	v34 =	vld.idx.msk [tilespmem:v34+s1+$0x0], $0xffff  }
0x691: {  	v12 =	vmul.f32 v12, v19;
	v35 =	vld.idx.msk [tilespmem:v35+s1+$0x0], $0xffff  }
0x692: {  	v8 =	vmul.f32 v8, v23;
	v9 =	vmul.f32 v9, v24;
	v19 =	vld.idx.msk [tilespmem:v36+s1+$0x0], $0xffff  }
0x693: {  	v6 =	vmul.f32 v6, v25;
	v7 =	vmul.f32 v7, v26;
	v23 =	vld.idx.msk [tilespmem:v37+s1+$0x0], $0xffff  }
0x694: {  	v4 =	vmul.f32 v4, v27;
	v10 =	vmul.f32 v10, v28;
	v24 =	vld.idx.msk [tilespmem:v38+s1+$0x0], $0xffff  }
0x695: {  	v3 =	vmul.f32 v3, v29;
	v11 =	vmul.f32 v11, v30;
	v20 =	vld.idx.msk [tilespmem:v20+s1+$0x0], $0xffff  }
0x696: {  	v5 =	vmul.f32 v5, v31;
	v13 =	vmul.f32 v13, v32;
	v21 =	vld.idx.msk [tilespmem:v21+s1+$0x0], $0xffff  }
0x697: {  	v2 =	vmul.f32 v2, v33;
	v14 =	vmul.f32 v14, v34;
	v22 =	vld.idx.msk [tilespmem:v22+s1+$0x0], $0xffff  }
0x698: {  	v15 =	vmul.f32 v15, v35;
	v16 =	vmul.f32 v16, v19;
	v25 =	vld [tilespmem:s16+$0x490]  }
0x699: {  	v8 =	vadd.f32 v9, v8;
	v6 =	vadd.f32 v7, v6;
	v17 =	vmul.f32 v17, v23;
	v19 =	vld [tilespmem:s13+$0xFFFFFB80]  }
0x69a: {  	v4 =	vadd.f32 v10, v4;
	v3 =	vadd.f32 v11, v3;
	v9 =	vmul.f32 v18, v24;
	v7 =	vld [tilespmem:s13+$0xFFFFFC00]  }
0x69b: {  	v5 =	vadd.f32 v13, v5;
	v2 =	vadd.f32 v14, v2;
	v1 =	vmul.f32 v1, v20;
	v10 =	vld [tilespmem:s13+$0xFFFFFC80]  }
0x69c: {  	v13 =	vadd.f32 v16, v15;
	v0 =	vmul.f32 v0, v21;
	v9 =	vadd.f32 v9, v17;
	v11 =	vld [tilespmem:s13+$0xFFFFFD00]  }
0x69d: {  	v6 =	vadd.f32 v6, v8;
	v3 =	vadd.f32 v3, v4;
	v14 =	vld [tilespmem:s13+$0xFFFFFD80];
	v15 =	vmul.f32 v25, v22  }
0x69e: {  	v2 =	vadd.f32 v2, v5;
	v5 =	vadd.f32 v9, v13;
	v4 =	vld [tilespmem:s13+$0xFFFFFE00]  }
0x69f: {  	v1 =	vadd.f32 v1, v12;
	v8 =	vld [tilespmem:s13+$0xFFFFFE80];
	v0 =	vadd.f32 v15, v0  }
0x6a0: {  	v3 =	vadd.f32 v3, v6;
	v2 =	vadd.f32 v5, v2;
	v9 =	vld [tilespmem:s13+$0xFFFFFF00]  }
0x6a1: {  	v5 =	vld [tilespmem:s13+$0xFFFFFF80]  }
0x6a2: {  	v0 =	vadd.f32 v0, v1;
	v1 =	vadd.f32 v2, v3;
	v6 =	vld [tilespmem:s13+$0x0]  }
0x6a3: {  	v2 =	vld [tilespmem:s13+$0x80]  }
0x6a4: {  	v0 =	vadd.f32 v0, v1;
	v3 =	vld [tilespmem:s13+$0x100]  }
0x6a5: {  	s9 =	sadd.s32 $0x20, s9;
	v1 =	vld [tilespmem:s13+$0x180]  }
0x6a6: {  	v12 =	vld [tilespmem:s13+$0x200];
	[tilespmem:s9+$0x0] =	vst v0  }
0x6a7: {  	v0 =	vld [tilespmem:s13+$0x280]  }
0x6a8: {  	v13 =	vld [tilespmem:s13+$0xFFFFFB00]  }
0x6a9: {  	v15 =	vld [tilespmem:s13+$0x300]  }
0x6aa: {  	v16 =	vld [tilespmem:s13+$0x380]  }
0x6ab: {  	v17 =	vld [tilespmem:s13+$0x400]  }
0x6ac: {  	v18 =	vld [tilespmem:s13+$0x480]  }
0x6ad: {  	v19 =	vld.idx.msk [tilespmem:v19+s1+$0x0], $0xffff  }
0x6ae: {  	v7 =	vld.idx.msk [tilespmem:v7+s1+$0x0], $0xffff  }
0x6af: {  	v10 =	vld.idx.msk [tilespmem:v10+s1+$0x0], $0xffff  }
0x6b0: {  	v13 =	vld.idx.msk [tilespmem:v13+s1+$0x0], $0xffff  }
0x6b1: {  	v11 =	vld.idx.msk [tilespmem:v11+s1+$0x0], $0xffff  }
0x6b2: {  	v14 =	vld.idx.msk [tilespmem:v14+s1+$0x0], $0xffff  }
0x6b3: {  	v4 =	vld.idx.msk [tilespmem:v4+s1+$0x0], $0xffff  }
0x6b4: {  	v8 =	vld.idx.msk [tilespmem:v8+s1+$0x0], $0xffff  }
0x6b5: {  	v9 =	vld.idx.msk [tilespmem:v9+s1+$0x0], $0xffff  }
0x6b6: {  	v5 =	vld.idx.msk [tilespmem:v5+s1+$0x0], $0xffff  }
0x6b7: {  	v6 =	vld.idx.msk [tilespmem:v6+s1+$0x0], $0xffff  }
0x6b8: {  	v2 =	vld.idx.msk [tilespmem:v2+s1+$0x0], $0xffff  }
0x6b9: {  	v3 =	vld.idx.msk [tilespmem:v3+s1+$0x0], $0xffff  }
0x6ba: {  	v1 =	vld.idx.msk [tilespmem:v1+s1+$0x0], $0xffff  }
0x6bb: {  	v12 =	vld.idx.msk [tilespmem:v12+s1+$0x0], $0xffff  }
0x6bc: {  	v20 =	vld.idx.msk [tilespmem:v0+s1+$0x0], $0xffff  }
0x6bd: {  	v0 =	vld [tilespmem:s16+$0xFFFFFB00]  }
0x6be: {  	v21 =	vld [tilespmem:s16+$0xFFFFFB80]  }
0x6bf: {  	v22 =	vld [tilespmem:s16+$0xFFFFFC00]  }
0x6c0: {  	v23 =	vld [tilespmem:s16+$0xFFFFFC80]  }
0x6c1: {  	v24 =	vld [tilespmem:s16+$0xFFFFFD00]  }
0x6c2: {  	v25 =	vld [tilespmem:s16+$0xFFFFFD80];
	v0 =	vmul.f32 v0, v13  }
0x6c3: {  	v13 =	vld [tilespmem:s16+$0xFFFFFE00];
	v19 =	vmul.f32 v21, v19  }
0x6c4: {  	v21 =	vld [tilespmem:s16+$0xFFFFFE80];
	v7 =	vmul.f32 v22, v7  }
0x6c5: {  	v22 =	vld [tilespmem:s16+$0xFFFFFF00];
	v10 =	vmul.f32 v23, v10;
	v0 =	vadd.f32 v19, v0  }
0x6c6: {  	v19 =	vld [tilespmem:s16+$0xFFFFFF80];
	v11 =	vmul.f32 v24, v11  }
0x6c7: {  	v23 =	vld [tilespmem:s16+$0x0];
	v14 =	vmul.f32 v25, v14;
	v7 =	vadd.f32 v10, v7  }
0x6c8: {  	v10 =	vld [tilespmem:s16+$0x80];
	v4 =	vmul.f32 v13, v4  }
0x6c9: {  	v13 =	vld [tilespmem:s16+$0x100];
	v8 =	vmul.f32 v21, v8;
	v11 =	vadd.f32 v14, v11;
	v7 =	vadd.f32 v7, v0  }
0x6ca: {  	v14 =	vld [tilespmem:s16+$0x180];
	v9 =	vmul.f32 v22, v9  }
0x6cb: {  	v21 =	vld [tilespmem:s16+$0x200];
	v5 =	vmul.f32 v19, v5;
	v4 =	vadd.f32 v8, v4  }
0x6cc: {  	v8 =	vld [tilespmem:s16+$0x280];
	v6 =	vmul.f32 v23, v6  }
0x6cd: {  	v0 =	vld.idx.msk [tilespmem:v15+s1+$0x0], $0xffff;
	v10 =	vmul.f32 v10, v2;
	v9 =	vadd.f32 v5, v9;
	v4 =	vadd.f32 v4, v11  }
0x6ce: {  	v2 =	vld.idx.msk [tilespmem:v16+s1+$0x0], $0xffff;
	v11 =	vmul.f32 v13, v3  }
0x6cf: {  	v3 =	vld.idx.msk [tilespmem:v17+s1+$0x0], $0xffff;
	v1 =	vmul.f32 v14, v1;
	v10 =	vadd.f32 v10, v6;
	v5 =	vadd.f32 v4, v7  }
.Ltmp18:
0x6d0: {  	v4 =	vld.idx.msk [tilespmem:v18+s1+$0x0], $0xffff;
	v12 =	vmul.f32 v21, v12;
	(pc) =	sbr.rel @p0 .LBB2_31-.Ltmp18, $4  }
0x6d1: {  	v6 =	vld [tilespmem:s16+$0x300];
	v13 =	vmul.f32 v8, v20;
	v1 =	vadd.f32 v1, v11;
	v8 =	vadd.f32 v10, v9  }
0x6d2: {  	v7 =	vld [tilespmem:s16+$0x380]  }
0x6d3: {  	v9 =	vld [tilespmem:s16+$0x400];
	v11 =	vadd.f32 v13, v12  }
0x6d4: {  	v10 =	vld [tilespmem:s16+$0x480];
	s16 =	sadd.s32 $0x20, s16  }
0x6d5: {  	_ =	sdelay $0x2  }
0x6d6: {  	v1 =	vadd.f32 v11, v1;
	v0 =	vmul.f32 v6, v0;
	v2 =	vmul.f32 v7, v2  }
0x6d7: {  	v3 =	vmul.f32 v9, v3;
	v4 =	vmul.f32 v10, v4  }
0x6d8: {  	v1 =	vadd.f32 v1, v8  }
0x6d9: {  	v0 =	vadd.f32 v2, v0;
	v2 =	vadd.f32 v4, v3  }
0x6da: {  	p0 =	seq.s32 s8, $0xF  }
0x6db: {  	s13 =	smul.u32 @!p0 $0x1800, s8;
	v1 =	vadd.f32 v1, v5;
	v0 =	vadd.f32 v2, v0;
	_ =	sdelay $0x1  }
0x6dc: {  	s13 =	sshrl.u32 @!p0 s13, $0x3;
	v0 =	vadd.f32 v0, v1  }
0x6dd: {  	s15 =	sadd.s32 @!p0 s3, s13  }
0x6de: {  	s16 =	simm.s32 @!p0 $0x18700;
	[tilespmem:s9+$0xFFFFFFF0] =	vst v0;
	s9 =	sadd.s32 @!p0 $0x6300, s15;
	s15 =	simm.s32 @!p0 $0x0  }
0x6df: {  	[tilespmem:s16], [sflag:$0x2] =	stream.linear.gather @!p0 [hbm4b:s9+s15], $0xA00, $0x38;
	[tilespmem:$0x1C700] =	vst v63  }
0x6e0: {  	s9 =	sadd.s32 @!p0 s4, s13  }
0x6e1: {  	s13 =	simm.s32 @!p0 $0x19F00;
	s9 =	sadd.s32 @!p0 $0x300, s9  }
0x6e2: {  	[tilespmem:s13], [sflag:$0x2] =	stream.linear.gather @!p0 [hbm4b:s9+s15], $0xA00, $0x38;
	[tilespmem:$0x1C700] =	vst v63  }
0x6e3: {  	_ =	swait.ge [sflag:s31], $0xA00  }
0x6e4: {  	[sflag:s31] =	ssyncset.done $0x0  }
0x6e5: {  	[sflag:s31] =	ssyncadd.s32 $0xFFFFF600  }
0x6e6: {  	_ =	swait.ge [sflag:s31], $0xA00  }
0x6e7: {  	[sflag:s31] =	ssyncset.done $0x0  }
0x6e8: {  	s16 =	simm.s32 $0x1B000;
	[sflag:s31] =	ssyncadd.s32 $0xFFFFF600  }
0x6e9: {  	v0 =	vld [tilespmem:s16+$0x310]  }
0x6ea: {  	v1 =	vld [tilespmem:s16+$0x390]  }
0x6eb: {  	v2 =	vld [tilespmem:s16+$0x410]  }
0x6ec: {  	v3 =	vld [tilespmem:s16+$0xFFFFFB10]  }
0x6ed: {  	v4 =	vld [tilespmem:s16+$0xFFFFFB90]  }
0x6ee: {  	v5 =	vld [tilespmem:s16+$0xFFFFFC10]  }
0x6ef: {  	v6 =	vld [tilespmem:s16+$0xFFFFFC90]  }
0x6f0: {  	v7 =	vld [tilespmem:s16+$0xFFFFFD10]  }
0x6f1: {  	v8 =	vld [tilespmem:s16+$0xFFFFFD90]  }
0x6f2: {  	v9 =	vld [tilespmem:s16+$0xFFFFFE10]  }
0x6f3: {  	v10 =	vld [tilespmem:s16+$0xFFFFFE90]  }
0x6f4: {  	v11 =	vld [tilespmem:s16+$0xFFFFFF10]  }
0x6f5: {  	v12 =	vld [tilespmem:s16+$0xFFFFFF90]  }
0x6f6: {  	v13 =	vld [tilespmem:s16+$0x10]  }
0x6f7: {  	v14 =	vld [tilespmem:s16+$0x90]  }
0x6f8: {  	v15 =	vld [tilespmem:s16+$0x110]  }
0x6f9: {  	v16 =	vld [tilespmem:s16+$0x190]  }
0x6fa: {  	v17 =	vld [tilespmem:s16+$0x210]  }
0x6fb: {  	s13 =	simm.s32 $0x19800;
	v18 =	vld [tilespmem:s16+$0x290]  }
0x6fc: {  	v19 =	vld [tilespmem:s13+$0x310]  }
0x6fd: {  	v20 =	vld [tilespmem:s13+$0x390]  }
0x6fe: {  	v21 =	vld [tilespmem:s13+$0x410]  }
0x6ff: {  	v22 =	vld [tilespmem:s13+$0x490]  }
0x700: {  	v23 =	vld [tilespmem:s13+$0xFFFFFB10]  }
0x701: {  	v24 =	vld [tilespmem:s13+$0xFFFFFB90]  }
0x702: {  	v25 =	vld [tilespmem:s13+$0xFFFFFC10]  }
0x703: {  	v26 =	vld [tilespmem:s13+$0xFFFFFC90]  }
0x704: {  	v27 =	vld [tilespmem:s13+$0xFFFFFD10]  }
0x705: {  	v28 =	vld [tilespmem:s13+$0xFFFFFD90]  }
0x706: {  	v29 =	vld [tilespmem:s13+$0xFFFFFE10]  }
0x707: {  	v30 =	vld [tilespmem:s13+$0xFFFFFE90]  }
0x708: {  	v31 =	vld [tilespmem:s13+$0xFFFFFF10]  }
0x709: {  	v32 =	vld [tilespmem:s13+$0xFFFFFF90]  }
0x70a: {  	v33 =	vld [tilespmem:s13+$0x10]  }
0x70b: {  	v34 =	vld [tilespmem:s13+$0x90]  }
0x70c: {  	v35 =	vld [tilespmem:s13+$0x110]  }
0x70d: {  	v36 =	vld [tilespmem:s13+$0x190]  }
0x70e: {  	v37 =	vld [tilespmem:s13+$0x210]  }
0x70f: {  	v38 =	vld [tilespmem:s13+$0x290]  }
0x710: {  	v39 =	vld [tilespmem:s16+$0x490]  }
0x711: {  	v40 =	vld [tilespmem:s13+$0xFFFFFB80]  }
0x712: {  	v41 =	vld [tilespmem:s13+$0xFFFFFC00]  }
0x713: {  	v42 =	vld [tilespmem:s13+$0xFFFFFC80]  }
0x714: {  	v43 =	vld [tilespmem:s13+$0xFFFFFD00]  }
0x715: {  	v44 =	vld [tilespmem:s13+$0xFFFFFD80]  }
0x716: {  	v45 =	vld [tilespmem:s13+$0xFFFFFE00]  }
0x717: {  	v46 =	vld [tilespmem:s13+$0xFFFFFE80]  }
0x718: {  	v47 =	vld [tilespmem:s13+$0xFFFFFF00]  }
0x719: {  	v48 =	vld [tilespmem:s13+$0xFFFFFF80]  }
0x71a: {  	v49 =	vld [tilespmem:s13+$0x0]  }
0x71b: {  	v50 =	vld [tilespmem:s13+$0x80]  }
0x71c: {  	v51 =	vld [tilespmem:s13+$0x100]  }
0x71d: {  	v52 =	vld [tilespmem:s13+$0x180]  }
0x71e: {  	v53 =	vld [tilespmem:s13+$0x200]  }
0x71f: {  	v54 =	vld [tilespmem:s13+$0x280]  }
0x720: {  	v55 =	vld [tilespmem:s13+$0xFFFFFB00]  }
0x721: {  	v56 =	vld [tilespmem:s13+$0x300]  }
0x722: {  	v57 =	vld [tilespmem:s13+$0x380]  }
0x723: {  	v58 =	vld [tilespmem:s13+$0x400]  }
0x724: {  	v59 =	vld [tilespmem:s13+$0x480]  }
0x725: {  	v61 =	vld [tilespmem:s16+$0x280]  }
0x726: {  	v19 =	vld.idx.msk [tilespmem:v19+s1+$0x0], $0xffff  }
0x727: {  	v23 =	vld.idx.msk [tilespmem:v23+s1+$0x0], $0xffff  }
0x728: {  	v24 =	vld.idx.msk [tilespmem:v24+s1+$0x0], $0xffff  }
0x729: {  	v25 =	vld.idx.msk [tilespmem:v25+s1+$0x0], $0xffff  }
0x72a: {  	v26 =	vld.idx.msk [tilespmem:v26+s1+$0x0], $0xffff  }
0x72b: {  	v27 =	vld.idx.msk [tilespmem:v27+s1+$0x0], $0xffff  }
0x72c: {  	v28 =	vld.idx.msk [tilespmem:v28+s1+$0x0], $0xffff  }
0x72d: {  	v29 =	vld.idx.msk [tilespmem:v29+s1+$0x0], $0xffff  }
0x72e: {  	v30 =	vld.idx.msk [tilespmem:v30+s1+$0x0], $0xffff  }
0x72f: {  	v31 =	vld.idx.msk [tilespmem:v31+s1+$0x0], $0xffff  }
0x730: {  	v32 =	vld.idx.msk [tilespmem:v32+s1+$0x0], $0xffff  }
0x731: {  	v33 =	vld.idx.msk [tilespmem:v33+s1+$0x0], $0xffff  }
0x732: {  	v34 =	vld.idx.msk [tilespmem:v34+s1+$0x0], $0xffff  }
0x733: {  	v35 =	vld.idx.msk [tilespmem:v35+s1+$0x0], $0xffff  }
0x734: {  	v36 =	vld.idx.msk [tilespmem:v36+s1+$0x0], $0xffff  }
0x735: {  	v37 =	vld.idx.msk [tilespmem:v37+s1+$0x0], $0xffff  }
0x736: {  	v38 =	vld.idx.msk [tilespmem:v38+s1+$0x0], $0xffff  }
0x737: {  	v20 =	vld.idx.msk [tilespmem:v20+s1+$0x0], $0xffff  }
0x738: {  	v21 =	vld.idx.msk [tilespmem:v21+s1+$0x0], $0xffff  }
0x739: {  	v22 =	vld.idx.msk [tilespmem:v22+s1+$0x0], $0xffff  }
0x73a: {  	v40 =	vld.idx.msk [tilespmem:v40+s1+$0x0], $0xffff  }
0x73b: {  	v41 =	vld.idx.msk [tilespmem:v41+s1+$0x0], $0xffff  }
0x73c: {  	v42 =	vld.idx.msk [tilespmem:v42+s1+$0x0], $0xffff  }
0x73d: {  	v55 =	vld.idx.msk [tilespmem:v55+s1+$0x0], $0xffff  }
0x73e: {  	v43 =	vld.idx.msk [tilespmem:v43+s1+$0x0], $0xffff  }
0x73f: {  	v44 =	vld.idx.msk [tilespmem:v44+s1+$0x0], $0xffff  }
0x740: {  	v45 =	vld.idx.msk [tilespmem:v45+s1+$0x0], $0xffff  }
0x741: {  	v46 =	vld.idx.msk [tilespmem:v46+s1+$0x0], $0xffff  }
0x742: {  	v47 =	vld.idx.msk [tilespmem:v47+s1+$0x0], $0xffff  }
0x743: {  	v48 =	vld.idx.msk [tilespmem:v48+s1+$0x0], $0xffff  }
0x744: {  	v49 =	vld.idx.msk [tilespmem:v49+s1+$0x0], $0xffff;
	v0 =	vmul.f32 v0, v19  }
0x745: {  	v63 =	vld.idx.msk [tilespmem:v53+s1+$0x0], $0xffff;
	v3 =	vmul.f32 v3, v23;
	v4 =	vmul.f32 v4, v24  }
0x746: {  	v53 =	vld [tilespmem:s16+$0xFFFFFE00];
	v5 =	vmul.f32 v5, v25;
	v6 =	vmul.f32 v6, v26  }
0x747: {  	v19 =	vld.idx.msk [tilespmem:v50+s1+$0x0], $0xffff;
	v7 =	vmul.f32 v7, v27;
	v8 =	vmul.f32 v8, v28  }
0x748: {  	v23 =	vld.idx.msk [tilespmem:v51+s1+$0x0], $0xffff;
	v9 =	vmul.f32 v9, v29;
	v10 =	vmul.f32 v10, v30  }
0x749: {  	v24 =	vld.idx.msk [tilespmem:v52+s1+$0x0], $0xffff;
	v11 =	vmul.f32 v11, v31;
	v12 =	vmul.f32 v12, v32  }
0x74a: {  	v26 =	vld.idx.msk [tilespmem:v54+s1+$0x0], $0xffff;
	v13 =	vmul.f32 v13, v33;
	v14 =	vmul.f32 v14, v34  }
0x74b: {  	v32 =	vld [tilespmem:s16+$0xFFFFFB00];
	v15 =	vmul.f32 v15, v35;
	v16 =	vmul.f32 v16, v36  }
0x74c: {  	v34 =	vld [tilespmem:s16+$0xFFFFFB80];
	v17 =	vmul.f32 v17, v37;
	v3 =	vadd.f32 v4, v3;
	v4 =	vadd.f32 v6, v5  }
0x74d: {  	v50 =	vld [tilespmem:s16+$0xFFFFFC00];
	v6 =	vmul.f32 v18, v38;
	v7 =	vadd.f32 v8, v7;
	v8 =	vadd.f32 v10, v9  }
0x74e: {  	v1 =	vmul.f32 v1, v20;
	v51 =	vld [tilespmem:s16+$0xFFFFFD80];
	v10 =	vadd.f32 v12, v11;
	v11 =	vadd.f32 v14, v13  }
0x74f: {  	v2 =	vmul.f32 v2, v21;
	v5 =	vld [tilespmem:s16+$0xFFFFFC80];
	v52 =	vadd.f32 v16, v15;
	v6 =	vadd.f32 v6, v17  }
0x750: {  	v54 =	vmul.f32 v39, v22;
	v3 =	vadd.f32 v4, v3;
	v4 =	vadd.f32 v8, v7;
	v7 =	vld [tilespmem:s16+$0xFFFFFE80]  }
0x751: {  	v9 =	vld [tilespmem:s16+$0xFFFFFD00];
	v8 =	vadd.f32 v11, v10;
	v6 =	vadd.f32 v6, v52  }
0x752: {  	v0 =	vadd.f32 v1, v0;
	v1 =	vadd.f32 v54, v2;
	v2 =	vld [tilespmem:s16+$0xFFFFFF80]  }
0x753: {  	v10 =	vld [tilespmem:s16+$0xFFFFFF00];
	v3 =	vadd.f32 v4, v3;
	v4 =	vadd.f32 v6, v8  }
0x754: {  	v14 =	vmul.f32 v53, v45;
	v6 =	vld [tilespmem:s16+$0x0]  }
0x755: {  	v0 =	vadd.f32 v1, v0;
	v11 =	vld [tilespmem:s16+$0x100];
	v7 =	vmul.f32 v7, v46;
	v1 =	vadd.f32 v4, v3  }
0x756: {  	v8 =	vld [tilespmem:s16+$0x80];
	v3 =	vmul.f32 v32, v55;
	v4 =	vmul.f32 v34, v40  }
0x757: {  	v55 =	vld [tilespmem:s16+$0x180];
	v60 =	vadd.f32 v0, v1;
	v0 =	vmul.f32 v50, v41;
	v1 =	vmul.f32 v5, v42  }
0x758: {  	v5 =	vld [tilespmem:s16+$0x200];
	v3 =	vadd.f32 v4, v3;
	v4 =	vmul.f32 v9, v43;
	v9 =	vmul.f32 v51, v44  }
0x759: {  	v12 =	vmul.f32 v61, v26;
	v7 =	vadd.f32 v7, v14;
	v62 =	vmul.f32 v6, v49;
	v6 =	vld [tilespmem:s16+$0x300]  }
0x75a: {  	v11 =	vmul.f32 v11, v23;
	v1 =	vadd.f32 v1, v0;
	v0 =	vld.idx.msk [tilespmem:v56+s1+$0x0], $0xffff;
	v9 =	vadd.f32 v9, v4  }
0x75b: {  	v4 =	vmul.f32 v10, v47;
	v10 =	vmul.f32 v2, v48;
	v2 =	vld.idx.msk [tilespmem:v57+s1+$0x0], $0xffff  }
0x75c: {  	v8 =	vmul.f32 v8, v19;
	v1 =	vadd.f32 v1, v3;
	v3 =	vld.idx.msk [tilespmem:v58+s1+$0x0], $0xffff;
	v9 =	vadd.f32 v7, v9  }
0x75d: {  	v13 =	vmul.f32 v55, v24;
	v10 =	vadd.f32 v10, v4;
	v4 =	vld.idx.msk [tilespmem:v59+s1+$0x0], $0xffff;
	v63 =	vmul.f32 v5, v63  }
0x75e: {  	v8 =	vadd.f32 v8, v62;
	v7 =	vld [tilespmem:s16+$0x380];
	v5 =	vadd.f32 v9, v1  }
0x75f: {  	v1 =	vadd.f32 v13, v11;
	v9 =	vld [tilespmem:s16+$0x400];
	v11 =	vadd.f32 v12, v63  }
0x760: {  	s15 =	simm.s32 $0x0;
	s9 =	smov.u32 s10;
	[tilespmem:s10+$0x0] =	vst v60;
	v8 =	vadd.f32 v8, v10;
	v10 =	vld [tilespmem:s16+$0x480];
	s16 =	simm.s32 $0x1B020  }
.LBB2_33:
0x761: {  	v12 =	vld [tilespmem:s16+$0x310];
	v11 =	vadd.f32 v11, v1  }
0x762: {  	v1 =	vld [tilespmem:s16+$0x390];
	v6 =	vmul.f32 v6, v0  }
0x763: {  	v0 =	vld [tilespmem:s16+$0x410];
	v2 =	vmul.f32 v7, v2;
	v7 =	vadd.f32 v11, v8  }
0x764: {  	v8 =	vld [tilespmem:s16+$0xFFFFFB10];
	v3 =	vmul.f32 v9, v3  }
0x765: {  	v9 =	vld [tilespmem:s16+$0xFFFFFB90];
	v4 =	vmul.f32 v10, v4;
	v2 =	vadd.f32 v2, v6;
	v5 =	vadd.f32 v7, v5  }
0x766: {  	v6 =	vld [tilespmem:s16+$0xFFFFFC10]  }
0x767: {  	v7 =	vld [tilespmem:s16+$0xFFFFFC90];
	v3 =	vadd.f32 v4, v3  }
0x768: {  	v4 =	vld [tilespmem:s16+$0xFFFFFD10]  }
0x769: {  	v10 =	vld [tilespmem:s16+$0xFFFFFD90];
	v2 =	vadd.f32 v3, v2  }
0x76a: {  	v3 =	vld [tilespmem:s16+$0xFFFFFE10]  }
0x76b: {  	v11 =	vld [tilespmem:s16+$0xFFFFFE90];
	v2 =	vadd.f32 v2, v5  }
0x76c: {  	v5 =	vld [tilespmem:s16+$0xFFFFFF10]  }
0x76d: {  	v13 =	vld [tilespmem:s16+$0xFFFFFF90];
	[tilespmem:s9+$0xFFFFFFF0] =	vst v2  }
0x76e: {  	v2 =	vld [tilespmem:s16+$0x10]  }
0x76f: {  	v14 =	vld [tilespmem:s16+$0x90]  }
0x770: {  	v15 =	vld [tilespmem:s16+$0x110]  }
0x771: {  	v16 =	vld [tilespmem:s16+$0x190]  }
0x772: {  	v17 =	vld [tilespmem:s16+$0x210]  }
0x773: {  	s13 =	sadd.s32 $0x20, s13;
	v18 =	vld [tilespmem:s16+$0x290]  }
0x774: {  	v19 =	vld [tilespmem:s13+$0x310]  }
0x775: {  	v20 =	vld [tilespmem:s13+$0x390]  }
0x776: {  	v21 =	vld [tilespmem:s13+$0x410]  }
0x777: {  	v22 =	vld [tilespmem:s13+$0x490]  }
0x778: {  	v23 =	vld [tilespmem:s13+$0xFFFFFB10]  }
0x779: {  	v24 =	vld [tilespmem:s13+$0xFFFFFB90]  }
0x77a: {  	v25 =	vld [tilespmem:s13+$0xFFFFFC10]  }
0x77b: {  	v26 =	vld [tilespmem:s13+$0xFFFFFC90]  }
0x77c: {  	v27 =	vld [tilespmem:s13+$0xFFFFFD10]  }
0x77d: {  	v28 =	vld [tilespmem:s13+$0xFFFFFD90]  }
0x77e: {  	v29 =	vld [tilespmem:s13+$0xFFFFFE10]  }
0x77f: {  	v30 =	vld [tilespmem:s13+$0xFFFFFE90]  }
0x780: {  	v31 =	vld [tilespmem:s13+$0xFFFFFF10]  }
0x781: {  	v32 =	vld [tilespmem:s13+$0xFFFFFF90]  }
0x782: {  	v33 =	vld [tilespmem:s13+$0x10]  }
0x783: {  	v34 =	vld [tilespmem:s13+$0x90]  }
0x784: {  	v35 =	vld [tilespmem:s13+$0x110]  }
0x785: {  	v36 =	vld [tilespmem:s13+$0x190]  }
0x786: {  	v37 =	vld [tilespmem:s13+$0x210]  }
0x787: {  	v38 =	vld [tilespmem:s13+$0x290]  }
0x788: {  	v19 =	vld.idx.msk [tilespmem:v19+s1+$0x0], $0xffff  }
0x789: {  	v23 =	vld.idx.msk [tilespmem:v23+s1+$0x0], $0xffff  }
0x78a: {  	v24 =	vld.idx.msk [tilespmem:v24+s1+$0x0], $0xffff  }
0x78b: {  	v25 =	vld.idx.msk [tilespmem:v25+s1+$0x0], $0xffff  }
0x78c: {  	v26 =	vld.idx.msk [tilespmem:v26+s1+$0x0], $0xffff  }
0x78d: {  	v27 =	vld.idx.msk [tilespmem:v27+s1+$0x0], $0xffff  }
0x78e: {  	v28 =	vld.idx.msk [tilespmem:v28+s1+$0x0], $0xffff  }
0x78f: {  	v29 =	vld.idx.msk [tilespmem:v29+s1+$0x0], $0xffff  }
0x790: {  	s15 =	sadd.s32 $0x2, s15;
	v30 =	vld.idx.msk [tilespmem:v30+s1+$0x0], $0xffff  }
0x791: {  	p1 =	slt.u32 s15, $0x6;
	v31 =	vld.idx.msk [tilespmem:v31+s1+$0x0], $0xffff  }
0x792: {  	v32 =	vld.idx.msk [tilespmem:v32+s1+$0x0], $0xffff  }
0x793: {  	v33 =	vld.idx.msk [tilespmem:v33+s1+$0x0], $0xffff  }
0x794: {  	v34 =	vld.idx.msk [tilespmem:v34+s1+$0x0], $0xffff  }
0x795: {  	v12 =	vmul.f32 v12, v19;
	v35 =	vld.idx.msk [tilespmem:v35+s1+$0x0], $0xffff  }
0x796: {  	v8 =	vmul.f32 v8, v23;
	v9 =	vmul.f32 v9, v24;
	v19 =	vld.idx.msk [tilespmem:v36+s1+$0x0], $0xffff  }
0x797: {  	v6 =	vmul.f32 v6, v25;
	v7 =	vmul.f32 v7, v26;
	v23 =	vld.idx.msk [tilespmem:v37+s1+$0x0], $0xffff  }
0x798: {  	v4 =	vmul.f32 v4, v27;
	v10 =	vmul.f32 v10, v28;
	v24 =	vld.idx.msk [tilespmem:v38+s1+$0x0], $0xffff  }
0x799: {  	v3 =	vmul.f32 v3, v29;
	v11 =	vmul.f32 v11, v30;
	v20 =	vld.idx.msk [tilespmem:v20+s1+$0x0], $0xffff  }
0x79a: {  	v5 =	vmul.f32 v5, v31;
	v13 =	vmul.f32 v13, v32;
	v21 =	vld.idx.msk [tilespmem:v21+s1+$0x0], $0xffff  }
0x79b: {  	v2 =	vmul.f32 v2, v33;
	v14 =	vmul.f32 v14, v34;
	v22 =	vld.idx.msk [tilespmem:v22+s1+$0x0], $0xffff  }
0x79c: {  	v15 =	vmul.f32 v15, v35;
	v16 =	vmul.f32 v16, v19;
	v25 =	vld [tilespmem:s16+$0x490]  }
0x79d: {  	v8 =	vadd.f32 v9, v8;
	v6 =	vadd.f32 v7, v6;
	v17 =	vmul.f32 v17, v23;
	v19 =	vld [tilespmem:s13+$0xFFFFFB80]  }
0x79e: {  	v4 =	vadd.f32 v10, v4;
	v3 =	vadd.f32 v11, v3;
	v9 =	vmul.f32 v18, v24;
	v7 =	vld [tilespmem:s13+$0xFFFFFC00]  }
0x79f: {  	v5 =	vadd.f32 v13, v5;
	v2 =	vadd.f32 v14, v2;
	v1 =	vmul.f32 v1, v20;
	v10 =	vld [tilespmem:s13+$0xFFFFFC80]  }
0x7a0: {  	v13 =	vadd.f32 v16, v15;
	v0 =	vmul.f32 v0, v21;
	v9 =	vadd.f32 v9, v17;
	v11 =	vld [tilespmem:s13+$0xFFFFFD00]  }
0x7a1: {  	v6 =	vadd.f32 v6, v8;
	v3 =	vadd.f32 v3, v4;
	v14 =	vld [tilespmem:s13+$0xFFFFFD80];
	v15 =	vmul.f32 v25, v22  }
0x7a2: {  	v2 =	vadd.f32 v2, v5;
	v5 =	vadd.f32 v9, v13;
	v4 =	vld [tilespmem:s13+$0xFFFFFE00]  }
0x7a3: {  	v1 =	vadd.f32 v1, v12;
	v8 =	vld [tilespmem:s13+$0xFFFFFE80];
	v0 =	vadd.f32 v15, v0  }
0x7a4: {  	v3 =	vadd.f32 v3, v6;
	v2 =	vadd.f32 v5, v2;
	v9 =	vld [tilespmem:s13+$0xFFFFFF00]  }
0x7a5: {  	v5 =	vld [tilespmem:s13+$0xFFFFFF80]  }
0x7a6: {  	v0 =	vadd.f32 v0, v1;
	v1 =	vadd.f32 v2, v3;
	v6 =	vld [tilespmem:s13+$0x0]  }
0x7a7: {  	v2 =	vld [tilespmem:s13+$0x80]  }
0x7a8: {  	v0 =	vadd.f32 v0, v1;
	v3 =	vld [tilespmem:s13+$0x100]  }
0x7a9: {  	s9 =	sadd.s32 $0x20, s9;
	v1 =	vld [tilespmem:s13+$0x180]  }
0x7aa: {  	v12 =	vld [tilespmem:s13+$0x200];
	[tilespmem:s9+$0x0] =	vst v0  }
0x7ab: {  	v0 =	vld [tilespmem:s13+$0x280]  }
0x7ac: {  	v13 =	vld [tilespmem:s13+$0xFFFFFB00]  }
0x7ad: {  	v15 =	vld [tilespmem:s13+$0x300]  }
0x7ae: {  	v16 =	vld [tilespmem:s13+$0x380]  }
0x7af: {  	v17 =	vld [tilespmem:s13+$0x400]  }
0x7b0: {  	v18 =	vld [tilespmem:s13+$0x480]  }
0x7b1: {  	v19 =	vld.idx.msk [tilespmem:v19+s1+$0x0], $0xffff  }
0x7b2: {  	v7 =	vld.idx.msk [tilespmem:v7+s1+$0x0], $0xffff  }
0x7b3: {  	v10 =	vld.idx.msk [tilespmem:v10+s1+$0x0], $0xffff  }
0x7b4: {  	v13 =	vld.idx.msk [tilespmem:v13+s1+$0x0], $0xffff  }
0x7b5: {  	v11 =	vld.idx.msk [tilespmem:v11+s1+$0x0], $0xffff  }
0x7b6: {  	v14 =	vld.idx.msk [tilespmem:v14+s1+$0x0], $0xffff  }
0x7b7: {  	v4 =	vld.idx.msk [tilespmem:v4+s1+$0x0], $0xffff  }
0x7b8: {  	v8 =	vld.idx.msk [tilespmem:v8+s1+$0x0], $0xffff  }
0x7b9: {  	v9 =	vld.idx.msk [tilespmem:v9+s1+$0x0], $0xffff  }
0x7ba: {  	v5 =	vld.idx.msk [tilespmem:v5+s1+$0x0], $0xffff  }
0x7bb: {  	v6 =	vld.idx.msk [tilespmem:v6+s1+$0x0], $0xffff  }
0x7bc: {  	v2 =	vld.idx.msk [tilespmem:v2+s1+$0x0], $0xffff  }
0x7bd: {  	v3 =	vld.idx.msk [tilespmem:v3+s1+$0x0], $0xffff  }
0x7be: {  	v1 =	vld.idx.msk [tilespmem:v1+s1+$0x0], $0xffff  }
0x7bf: {  	v12 =	vld.idx.msk [tilespmem:v12+s1+$0x0], $0xffff  }
0x7c0: {  	v20 =	vld.idx.msk [tilespmem:v0+s1+$0x0], $0xffff  }
0x7c1: {  	v0 =	vld [tilespmem:s16+$0xFFFFFB00]  }
0x7c2: {  	v21 =	vld [tilespmem:s16+$0xFFFFFB80]  }
0x7c3: {  	v22 =	vld [tilespmem:s16+$0xFFFFFC00]  }
0x7c4: {  	v23 =	vld [tilespmem:s16+$0xFFFFFC80]  }
0x7c5: {  	v24 =	vld [tilespmem:s16+$0xFFFFFD00]  }
0x7c6: {  	v25 =	vld [tilespmem:s16+$0xFFFFFD80];
	v0 =	vmul.f32 v0, v13  }
0x7c7: {  	v13 =	vld [tilespmem:s16+$0xFFFFFE00];
	v19 =	vmul.f32 v21, v19  }
0x7c8: {  	v21 =	vld [tilespmem:s16+$0xFFFFFE80];
	v7 =	vmul.f32 v22, v7  }
0x7c9: {  	v22 =	vld [tilespmem:s16+$0xFFFFFF00];
	v10 =	vmul.f32 v23, v10;
	v0 =	vadd.f32 v19, v0  }
0x7ca: {  	v19 =	vld [tilespmem:s16+$0xFFFFFF80];
	v11 =	vmul.f32 v24, v11  }
0x7cb: {  	v23 =	vld [tilespmem:s16+$0x0];
	v14 =	vmul.f32 v25, v14;
	v7 =	vadd.f32 v10, v7  }
0x7cc: {  	v10 =	vld [tilespmem:s16+$0x80];
	v4 =	vmul.f32 v13, v4  }
0x7cd: {  	v13 =	vld [tilespmem:s16+$0x100];
	v8 =	vmul.f32 v21, v8;
	v11 =	vadd.f32 v14, v11;
	v7 =	vadd.f32 v7, v0  }
0x7ce: {  	v14 =	vld [tilespmem:s16+$0x180];
	v9 =	vmul.f32 v22, v9  }
0x7cf: {  	v21 =	vld [tilespmem:s16+$0x200];
	v5 =	vmul.f32 v19, v5;
	v4 =	vadd.f32 v8, v4  }
0x7d0: {  	v8 =	vld [tilespmem:s16+$0x280];
	v6 =	vmul.f32 v23, v6  }
0x7d1: {  	v0 =	vld.idx.msk [tilespmem:v15+s1+$0x0], $0xffff;
	v10 =	vmul.f32 v10, v2;
	v9 =	vadd.f32 v5, v9;
	v4 =	vadd.f32 v4, v11  }
0x7d2: {  	v2 =	vld.idx.msk [tilespmem:v16+s1+$0x0], $0xffff;
	v11 =	vmul.f32 v13, v3  }
0x7d3: {  	v3 =	vld.idx.msk [tilespmem:v17+s1+$0x0], $0xffff;
	v1 =	vmul.f32 v14, v1;
	v10 =	vadd.f32 v10, v6;
	v5 =	vadd.f32 v4, v7  }
.Ltmp19:
0x7d4: {  	v4 =	vld.idx.msk [tilespmem:v18+s1+$0x0], $0xffff;
	v12 =	vmul.f32 v21, v12;
	(pc) =	sbr.rel @p1 .LBB2_33-.Ltmp19, $4  }
0x7d5: {  	v6 =	vld [tilespmem:s16+$0x300];
	v13 =	vmul.f32 v8, v20;
	v1 =	vadd.f32 v1, v11;
	v8 =	vadd.f32 v10, v9  }
0x7d6: {  	v7 =	vld [tilespmem:s16+$0x380]  }
0x7d7: {  	v9 =	vld [tilespmem:s16+$0x400];
	v11 =	vadd.f32 v13, v12  }
0x7d8: {  	v10 =	vld [tilespmem:s16+$0x480];
	s16 =	sadd.s32 $0x20, s16  }
0x7d9: {  	_ =	sdelay $0x2  }
0x7da: {  	v1 =	vadd.f32 v11, v1;
	v0 =	vmul.f32 v6, v0;
	v2 =	vmul.f32 v7, v2  }
0x7db: {  	v3 =	vmul.f32 v9, v3;
	v4 =	vmul.f32 v10, v4  }
0x7dc: {  	v1 =	vadd.f32 v1, v8  }
0x7dd: {  	v0 =	vadd.f32 v2, v0;
	v63 =	vadd.f32 v4, v3;
	_ =	sdelay $0x1  }
.Ltmp20:
0x7de: {  	v1 =	vadd.f32 v1, v5;
	v0 =	vadd.f32 v63, v0;
	(pc) =	sbr.rel @p0 .LBB2_36-.Ltmp20, $3  }
0x7df: {  	_ = 	snop  }
0x7e0: {  	v0 =	vadd.f32 v0, v1;
	_ =	sdelay $0x1  }
0x7e1: {  	[tilespmem:s9+$0xFFFFFFF0] =	vst v0  }
0x7e2: {  	s9 =	smul.u32 $0x1800, s8;
	_ =	sdelay $0x1  }
0x7e3: {  	s9 =	sshrl.u32 s9, $0x3  }
.Ltmp21:
0x7e4: {  	s13 =	sadd.s32 s3, s9;
	(pc) =	sbr.rel .LBB2_30-.Ltmp21, $4  }
0x7e5: {  	s8 =	sadd.s32 $0x1, s8;
	s9 =	sadd.s32 s4, s9;
	s13 =	sadd.s32 $0x6480, s13  }
0x7e6: {  	[tilespmem:s28], [sflag:$0x3] =	stream.linear.gather [hbm4b:s13+s1], $0xA00, $0x38;
	[tilespmem:$0x1C700] =	vst v63  }
0x7e7: {  	s14 =	sadd.s32 $0x100, s14;
	s10 =	sadd.s32 $0x100, s10;
	s9 =	sadd.s32 $0x480, s9  }
0x7e8: {  	[tilespmem:s5], [sflag:$0x3] =	stream.linear.gather [hbm4b:s9+s1], $0xA00, $0x38;
	[tilespmem:$0x1C700] =	vst v63  }
.LBB2_36:
0x7e9: {  	[hbm4b:s20+s24] =	stream.strided.scatter [tilespmem:s0], [sflag:$0x4], $0x1000, s25, s24, $0x38;
	[tilespmem:$0x1C700] =	vst v63  }
0x7ea: {  	_ =	swait.ge [sflag:s2], $0x1000  }
0x7eb: {  	[sflag:s2] =	ssyncset.done $0x0  }
0x7ec: {  	s8 =	simm.s32 $0x0;
	[sflag:s2] =	ssyncadd.s32 $0xFFFFF000  }
0x7ed: {  	[tilespmem:s8], [sflag:$0x1] =	stream.strided.gather [hbm4b:s21+s24], $0x18700, s25, s24, $0x38;
	[tilespmem:$0x1C700] =	vst v63  }
0x7ee: {  	_ = 	snop  }
0x7ef: {  	[tilespmem:s26], [sflag:$0x2] =	stream.linear.gather [hbm4b:s17+s8], $0xA00, $0x38;
	[tilespmem:$0x1C700] =	vst v63  }
0x7f0: {  	s9 =	simm.s32 $0x19F00  }
0x7f1: {  	[tilespmem:s9], [sflag:$0x2] =	stream.linear.gather [hbm4b:s4+s8], $0xA00, $0x38;
	[tilespmem:$0x1C700] =	vst v63  }
0x7f2: {  	_ = 	snop  }
0x7f3: {  	[tilespmem:s28], [sflag:$0x3] =	stream.linear.gather [hbm4b:s18+s8], $0xA00, $0x38;
	[tilespmem:$0x1C700] =	vst v63  }
0x7f4: {  	_ = 	snop  }
0x7f5: {  	[tilespmem:s5], [sflag:$0x3] =	stream.linear.gather [hbm4b:s19+s8], $0xA00, $0x38;
	[tilespmem:$0x1C700] =	vst v63  }
0x7f6: {  	_ =	swait.ge [sflag:s29], $0x18700  }
0x7f7: {  	[sflag:s29] =	ssyncset.done $0x0  }
0x7f8: {  	s10 =	simm.s32 $0x1B790;
	s9 =	simm.s32 $0x1B710;
	[sflag:s29] =	ssyncadd.s32 $0xFFFE7900  }
.LBB2_37:
0x7f9: {  	_ =	swait.ge [sflag:s30], $0xA00  }
0x7fa: {  	[sflag:s30] =	ssyncset.done $0x0  }
0x7fb: {  	[sflag:s30] =	ssyncadd.s32 $0xFFFFF600  }
0x7fc: {  	_ =	swait.ge [sflag:s30], $0xA00  }
0x7fd: {  	[sflag:s30] =	ssyncset.done $0x0  }
0x7fe: {  	s14 =	simm.s32 $0x1A400;
	[sflag:s30] =	ssyncadd.s32 $0xFFFFF600  }
0x7ff: {  	v0 =	vld [tilespmem:s14+$0x310]  }
0x800: {  	v1 =	vld [tilespmem:s14+$0x390]  }
0x801: {  	v2 =	vld [tilespmem:s14+$0x410]  }
0x802: {  	v3 =	vld [tilespmem:s14+$0xFFFFFB10]  }
0x803: {  	v4 =	vld [tilespmem:s14+$0xFFFFFB90]  }
0x804: {  	v5 =	vld [tilespmem:s14+$0xFFFFFC10]  }
0x805: {  	v6 =	vld [tilespmem:s14+$0xFFFFFC90]  }
0x806: {  	v7 =	vld [tilespmem:s14+$0xFFFFFD10]  }
0x807: {  	v8 =	vld [tilespmem:s14+$0xFFFFFD90]  }
0x808: {  	v9 =	vld [tilespmem:s14+$0xFFFFFE10]  }
0x809: {  	v10 =	vld [tilespmem:s14+$0xFFFFFE90]  }
0x80a: {  	v11 =	vld [tilespmem:s14+$0xFFFFFF10]  }
0x80b: {  	v12 =	vld [tilespmem:s14+$0xFFFFFF90]  }
0x80c: {  	v13 =	vld [tilespmem:s14+$0x10]  }
0x80d: {  	v14 =	vld [tilespmem:s14+$0x90]  }
0x80e: {  	v15 =	vld [tilespmem:s14+$0x110]  }
0x80f: {  	v16 =	vld [tilespmem:s14+$0x190]  }
0x810: {  	v17 =	vld [tilespmem:s14+$0x210]  }
0x811: {  	s13 =	simm.s32 $0x18C00;
	v18 =	vld [tilespmem:s14+$0x290]  }
0x812: {  	v19 =	vld [tilespmem:s13+$0x310]  }
0x813: {  	v20 =	vld [tilespmem:s13+$0x390]  }
0x814: {  	v21 =	vld [tilespmem:s13+$0x410]  }
0x815: {  	v22 =	vld [tilespmem:s13+$0x490]  }
0x816: {  	v23 =	vld [tilespmem:s13+$0xFFFFFB10]  }
0x817: {  	v24 =	vld [tilespmem:s13+$0xFFFFFB90]  }
0x818: {  	v25 =	vld [tilespmem:s13+$0xFFFFFC10]  }
0x819: {  	v26 =	vld [tilespmem:s13+$0xFFFFFC90]  }
0x81a: {  	v27 =	vld [tilespmem:s13+$0xFFFFFD10]  }
0x81b: {  	v28 =	vld [tilespmem:s13+$0xFFFFFD90]  }
0x81c: {  	v29 =	vld [tilespmem:s13+$0xFFFFFE10]  }
0x81d: {  	v30 =	vld [tilespmem:s13+$0xFFFFFE90]  }
0x81e: {  	v31 =	vld [tilespmem:s13+$0xFFFFFF10]  }
0x81f: {  	v32 =	vld [tilespmem:s13+$0xFFFFFF90]  }
0x820: {  	v33 =	vld [tilespmem:s13+$0x10]  }
0x821: {  	v34 =	vld [tilespmem:s13+$0x90]  }
0x822: {  	v35 =	vld [tilespmem:s13+$0x110]  }
0x823: {  	v36 =	vld [tilespmem:s13+$0x190]  }
0x824: {  	v37 =	vld [tilespmem:s13+$0x210]  }
0x825: {  	v38 =	vld [tilespmem:s13+$0x290]  }
0x826: {  	v39 =	vld [tilespmem:s14+$0x490]  }
0x827: {  	v40 =	vld [tilespmem:s13+$0xFFFFFB80]  }
0x828: {  	v41 =	vld [tilespmem:s13+$0xFFFFFC00]  }
0x829: {  	v42 =	vld [tilespmem:s13+$0xFFFFFC80]  }
0x82a: {  	v43 =	vld [tilespmem:s13+$0xFFFFFD00]  }
0x82b: {  	v44 =	vld [tilespmem:s13+$0xFFFFFD80]  }
0x82c: {  	v45 =	vld [tilespmem:s13+$0xFFFFFE00]  }
0x82d: {  	v46 =	vld [tilespmem:s13+$0xFFFFFE80]  }
0x82e: {  	v47 =	vld [tilespmem:s13+$0xFFFFFF00]  }
0x82f: {  	v48 =	vld [tilespmem:s13+$0xFFFFFF80]  }
0x830: {  	v49 =	vld [tilespmem:s13+$0x0]  }
0x831: {  	v50 =	vld [tilespmem:s13+$0x80]  }
0x832: {  	v51 =	vld [tilespmem:s13+$0x100]  }
0x833: {  	v52 =	vld [tilespmem:s13+$0x180]  }
0x834: {  	v53 =	vld [tilespmem:s13+$0x200]  }
0x835: {  	v54 =	vld [tilespmem:s13+$0x280]  }
0x836: {  	v55 =	vld [tilespmem:s13+$0xFFFFFB00]  }
0x837: {  	v56 =	vld [tilespmem:s13+$0x300]  }
0x838: {  	v57 =	vld [tilespmem:s13+$0x380]  }
0x839: {  	v58 =	vld [tilespmem:s13+$0x400]  }
0x83a: {  	v59 =	vld [tilespmem:s13+$0x480]  }
0x83b: {  	v61 =	vld [tilespmem:s14+$0x280]  }
0x83c: {  	v19 =	vld.idx.msk [tilespmem:v19+s1+$0x0], $0xffff  }
0x83d: {  	v23 =	vld.idx.msk [tilespmem:v23+s1+$0x0], $0xffff  }
0x83e: {  	v24 =	vld.idx.msk [tilespmem:v24+s1+$0x0], $0xffff  }
0x83f: {  	v25 =	vld.idx.msk [tilespmem:v25+s1+$0x0], $0xffff  }
0x840: {  	v26 =	vld.idx.msk [tilespmem:v26+s1+$0x0], $0xffff  }
0x841: {  	v27 =	vld.idx.msk [tilespmem:v27+s1+$0x0], $0xffff  }
0x842: {  	v28 =	vld.idx.msk [tilespmem:v28+s1+$0x0], $0xffff  }
0x843: {  	v29 =	vld.idx.msk [tilespmem:v29+s1+$0x0], $0xffff  }
0x844: {  	v30 =	vld.idx.msk [tilespmem:v30+s1+$0x0], $0xffff  }
0x845: {  	v31 =	vld.idx.msk [tilespmem:v31+s1+$0x0], $0xffff  }
0x846: {  	v32 =	vld.idx.msk [tilespmem:v32+s1+$0x0], $0xffff  }
0x847: {  	v33 =	vld.idx.msk [tilespmem:v33+s1+$0x0], $0xffff  }
0x848: {  	v34 =	vld.idx.msk [tilespmem:v34+s1+$0x0], $0xffff  }
0x849: {  	v35 =	vld.idx.msk [tilespmem:v35+s1+$0x0], $0xffff  }
0x84a: {  	v36 =	vld.idx.msk [tilespmem:v36+s1+$0x0], $0xffff  }
0x84b: {  	v37 =	vld.idx.msk [tilespmem:v37+s1+$0x0], $0xffff  }
0x84c: {  	v38 =	vld.idx.msk [tilespmem:v38+s1+$0x0], $0xffff  }
0x84d: {  	v20 =	vld.idx.msk [tilespmem:v20+s1+$0x0], $0xffff  }
0x84e: {  	v21 =	vld.idx.msk [tilespmem:v21+s1+$0x0], $0xffff  }
0x84f: {  	v22 =	vld.idx.msk [tilespmem:v22+s1+$0x0], $0xffff  }
0x850: {  	v40 =	vld.idx.msk [tilespmem:v40+s1+$0x0], $0xffff  }
0x851: {  	v41 =	vld.idx.msk [tilespmem:v41+s1+$0x0], $0xffff  }
0x852: {  	v42 =	vld.idx.msk [tilespmem:v42+s1+$0x0], $0xffff  }
0x853: {  	v55 =	vld.idx.msk [tilespmem:v55+s1+$0x0], $0xffff  }
0x854: {  	v43 =	vld.idx.msk [tilespmem:v43+s1+$0x0], $0xffff  }
0x855: {  	v44 =	vld.idx.msk [tilespmem:v44+s1+$0x0], $0xffff  }
0x856: {  	v45 =	vld.idx.msk [tilespmem:v45+s1+$0x0], $0xffff  }
0x857: {  	v46 =	vld.idx.msk [tilespmem:v46+s1+$0x0], $0xffff  }
0x858: {  	v47 =	vld.idx.msk [tilespmem:v47+s1+$0x0], $0xffff  }
0x859: {  	v48 =	vld.idx.msk [tilespmem:v48+s1+$0x0], $0xffff  }
0x85a: {  	v49 =	vld.idx.msk [tilespmem:v49+s1+$0x0], $0xffff;
	v0 =	vmul.f32 v0, v19  }
0x85b: {  	v63 =	vld.idx.msk [tilespmem:v53+s1+$0x0], $0xffff;
	v3 =	vmul.f32 v3, v23;
	v4 =	vmul.f32 v4, v24  }
0x85c: {  	v53 =	vld [tilespmem:s14+$0xFFFFFE00];
	v5 =	vmul.f32 v5, v25;
	v6 =	vmul.f32 v6, v26  }
0x85d: {  	v19 =	vld.idx.msk [tilespmem:v50+s1+$0x0], $0xffff;
	v7 =	vmul.f32 v7, v27;
	v8 =	vmul.f32 v8, v28  }
0x85e: {  	v23 =	vld.idx.msk [tilespmem:v51+s1+$0x0], $0xffff;
	v9 =	vmul.f32 v9, v29;
	v10 =	vmul.f32 v10, v30  }
0x85f: {  	v24 =	vld.idx.msk [tilespmem:v52+s1+$0x0], $0xffff;
	v11 =	vmul.f32 v11, v31;
	v12 =	vmul.f32 v12, v32  }
0x860: {  	v26 =	vld.idx.msk [tilespmem:v54+s1+$0x0], $0xffff;
	v13 =	vmul.f32 v13, v33;
	v14 =	vmul.f32 v14, v34  }
0x861: {  	v32 =	vld [tilespmem:s14+$0xFFFFFB00];
	v15 =	vmul.f32 v15, v35;
	v16 =	vmul.f32 v16, v36  }
0x862: {  	v34 =	vld [tilespmem:s14+$0xFFFFFB80];
	v17 =	vmul.f32 v17, v37;
	v3 =	vadd.f32 v4, v3;
	v4 =	vadd.f32 v6, v5  }
0x863: {  	v50 =	vld [tilespmem:s14+$0xFFFFFC00];
	v6 =	vmul.f32 v18, v38;
	v7 =	vadd.f32 v8, v7;
	v8 =	vadd.f32 v10, v9  }
0x864: {  	v1 =	vmul.f32 v1, v20;
	v51 =	vld [tilespmem:s14+$0xFFFFFD80];
	v10 =	vadd.f32 v12, v11;
	v11 =	vadd.f32 v14, v13  }
0x865: {  	v2 =	vmul.f32 v2, v21;
	v5 =	vld [tilespmem:s14+$0xFFFFFC80];
	v52 =	vadd.f32 v16, v15;
	v6 =	vadd.f32 v6, v17  }
0x866: {  	v54 =	vmul.f32 v39, v22;
	v3 =	vadd.f32 v4, v3;
	v4 =	vadd.f32 v8, v7;
	v7 =	vld [tilespmem:s14+$0xFFFFFE80]  }
0x867: {  	v9 =	vld [tilespmem:s14+$0xFFFFFD00];
	v8 =	vadd.f32 v11, v10;
	v6 =	vadd.f32 v6, v52  }
0x868: {  	v0 =	vadd.f32 v1, v0;
	v1 =	vadd.f32 v54, v2;
	v2 =	vld [tilespmem:s14+$0xFFFFFF80]  }
0x869: {  	v10 =	vld [tilespmem:s14+$0xFFFFFF00];
	v3 =	vadd.f32 v4, v3;
	v4 =	vadd.f32 v6, v8  }
0x86a: {  	v14 =	vmul.f32 v53, v45;
	v6 =	vld [tilespmem:s14+$0x0]  }
0x86b: {  	v0 =	vadd.f32 v1, v0;
	v11 =	vld [tilespmem:s14+$0x100];
	v7 =	vmul.f32 v7, v46;
	v1 =	vadd.f32 v4, v3  }
0x86c: {  	v8 =	vld [tilespmem:s14+$0x80];
	v3 =	vmul.f32 v32, v55;
	v4 =	vmul.f32 v34, v40  }
0x86d: {  	v55 =	vld [tilespmem:s14+$0x180];
	v60 =	vadd.f32 v0, v1;
	v0 =	vmul.f32 v50, v41;
	v1 =	vmul.f32 v5, v42  }
0x86e: {  	v5 =	vld [tilespmem:s14+$0x200];
	v3 =	vadd.f32 v4, v3;
	v4 =	vmul.f32 v9, v43;
	v9 =	vmul.f32 v51, v44  }
0x86f: {  	v12 =	vmul.f32 v61, v26;
	v7 =	vadd.f32 v7, v14;
	v62 =	vmul.f32 v6, v49;
	v6 =	vld [tilespmem:s14+$0x300]  }
0x870: {  	v11 =	vmul.f32 v11, v23;
	v1 =	vadd.f32 v1, v0;
	v0 =	vld.idx.msk [tilespmem:v56+s1+$0x0], $0xffff;
	v9 =	vadd.f32 v9, v4  }
0x871: {  	v4 =	vmul.f32 v10, v47;
	v10 =	vmul.f32 v2, v48;
	v2 =	vld.idx.msk [tilespmem:v57+s1+$0x0], $0xffff  }
0x872: {  	v8 =	vmul.f32 v8, v19;
	v1 =	vadd.f32 v1, v3;
	v3 =	vld.idx.msk [tilespmem:v58+s1+$0x0], $0xffff;
	v9 =	vadd.f32 v7, v9  }
0x873: {  	v13 =	vmul.f32 v55, v24;
	v10 =	vadd.f32 v10, v4;
	v4 =	vld.idx.msk [tilespmem:v59+s1+$0x0], $0xffff;
	v63 =	vmul.f32 v5, v63  }
0x874: {  	v8 =	vadd.f32 v8, v62;
	v7 =	vld [tilespmem:s14+$0x380];
	v5 =	vadd.f32 v9, v1  }
0x875: {  	v1 =	vadd.f32 v13, v11;
	v9 =	vld [tilespmem:s14+$0x400];
	v11 =	vadd.f32 v12, v63  }
0x876: {  	s15 =	simm.s32 $0x0;
	s16 =	simm.s32 $0x1A420;
	[tilespmem:s9+$0x0] =	vst v60;
	v8 =	vadd.f32 v8, v10;
	v10 =	vld [tilespmem:s14+$0x480];
	s14 =	smov.u32 s9  }
.LBB2_38:
0x877: {  	v12 =	vld [tilespmem:s16+$0x310];
	v11 =	vadd.f32 v11, v1  }
0x878: {  	v1 =	vld [tilespmem:s16+$0x390];
	v6 =	vmul.f32 v6, v0  }
0x879: {  	v0 =	vld [tilespmem:s16+$0x410];
	v2 =	vmul.f32 v7, v2;
	v7 =	vadd.f32 v11, v8  }
0x87a: {  	v8 =	vld [tilespmem:s16+$0xFFFFFB10];
	v3 =	vmul.f32 v9, v3  }
0x87b: {  	v9 =	vld [tilespmem:s16+$0xFFFFFB90];
	v4 =	vmul.f32 v10, v4;
	v2 =	vadd.f32 v2, v6;
	v5 =	vadd.f32 v7, v5  }
0x87c: {  	v6 =	vld [tilespmem:s16+$0xFFFFFC10]  }
0x87d: {  	v7 =	vld [tilespmem:s16+$0xFFFFFC90];
	v3 =	vadd.f32 v4, v3  }
0x87e: {  	v4 =	vld [tilespmem:s16+$0xFFFFFD10]  }
0x87f: {  	v10 =	vld [tilespmem:s16+$0xFFFFFD90];
	v2 =	vadd.f32 v3, v2  }
0x880: {  	v3 =	vld [tilespmem:s16+$0xFFFFFE10]  }
0x881: {  	v11 =	vld [tilespmem:s16+$0xFFFFFE90];
	v2 =	vadd.f32 v2, v5  }
0x882: {  	v5 =	vld [tilespmem:s16+$0xFFFFFF10]  }
0x883: {  	v13 =	vld [tilespmem:s16+$0xFFFFFF90];
	[tilespmem:s14+$0xFFFFFFF0] =	vst v2  }
0x884: {  	v2 =	vld [tilespmem:s16+$0x10]  }
0x885: {  	v14 =	vld [tilespmem:s16+$0x90]  }
0x886: {  	v15 =	vld [tilespmem:s16+$0x110]  }
0x887: {  	v16 =	vld [tilespmem:s16+$0x190]  }
0x888: {  	v17 =	vld [tilespmem:s16+$0x210]  }
0x889: {  	s13 =	sadd.s32 $0x20, s13;
	v18 =	vld [tilespmem:s16+$0x290]  }
0x88a: {  	v19 =	vld [tilespmem:s13+$0x310]  }
0x88b: {  	v20 =	vld [tilespmem:s13+$0x390]  }
0x88c: {  	v21 =	vld [tilespmem:s13+$0x410]  }
0x88d: {  	v22 =	vld [tilespmem:s13+$0x490]  }
0x88e: {  	v23 =	vld [tilespmem:s13+$0xFFFFFB10]  }
0x88f: {  	v24 =	vld [tilespmem:s13+$0xFFFFFB90]  }
0x890: {  	v25 =	vld [tilespmem:s13+$0xFFFFFC10]  }
0x891: {  	v26 =	vld [tilespmem:s13+$0xFFFFFC90]  }
0x892: {  	v27 =	vld [tilespmem:s13+$0xFFFFFD10]  }
0x893: {  	v28 =	vld [tilespmem:s13+$0xFFFFFD90]  }
0x894: {  	v29 =	vld [tilespmem:s13+$0xFFFFFE10]  }
0x895: {  	v30 =	vld [tilespmem:s13+$0xFFFFFE90]  }
0x896: {  	v31 =	vld [tilespmem:s13+$0xFFFFFF10]  }
0x897: {  	v32 =	vld [tilespmem:s13+$0xFFFFFF90]  }
0x898: {  	v33 =	vld [tilespmem:s13+$0x10]  }
0x899: {  	v34 =	vld [tilespmem:s13+$0x90]  }
0x89a: {  	v35 =	vld [tilespmem:s13+$0x110]  }
0x89b: {  	v36 =	vld [tilespmem:s13+$0x190]  }
0x89c: {  	v37 =	vld [tilespmem:s13+$0x210]  }
0x89d: {  	v38 =	vld [tilespmem:s13+$0x290]  }
0x89e: {  	v19 =	vld.idx.msk [tilespmem:v19+s1+$0x0], $0xffff  }
0x89f: {  	v23 =	vld.idx.msk [tilespmem:v23+s1+$0x0], $0xffff  }
0x8a0: {  	v24 =	vld.idx.msk [tilespmem:v24+s1+$0x0], $0xffff  }
0x8a1: {  	v25 =	vld.idx.msk [tilespmem:v25+s1+$0x0], $0xffff  }
0x8a2: {  	v26 =	vld.idx.msk [tilespmem:v26+s1+$0x0], $0xffff  }
0x8a3: {  	v27 =	vld.idx.msk [tilespmem:v27+s1+$0x0], $0xffff  }
0x8a4: {  	v28 =	vld.idx.msk [tilespmem:v28+s1+$0x0], $0xffff  }
0x8a5: {  	v29 =	vld.idx.msk [tilespmem:v29+s1+$0x0], $0xffff  }
0x8a6: {  	s15 =	sadd.s32 $0x2, s15;
	v30 =	vld.idx.msk [tilespmem:v30+s1+$0x0], $0xffff  }
0x8a7: {  	p0 =	slt.u32 s15, $0x6;
	v31 =	vld.idx.msk [tilespmem:v31+s1+$0x0], $0xffff  }
0x8a8: {  	v32 =	vld.idx.msk [tilespmem:v32+s1+$0x0], $0xffff  }
0x8a9: {  	v33 =	vld.idx.msk [tilespmem:v33+s1+$0x0], $0xffff  }
0x8aa: {  	v34 =	vld.idx.msk [tilespmem:v34+s1+$0x0], $0xffff  }
0x8ab: {  	v12 =	vmul.f32 v12, v19;
	v35 =	vld.idx.msk [tilespmem:v35+s1+$0x0], $0xffff  }
0x8ac: {  	v8 =	vmul.f32 v8, v23;
	v9 =	vmul.f32 v9, v24;
	v19 =	vld.idx.msk [tilespmem:v36+s1+$0x0], $0xffff  }
0x8ad: {  	v6 =	vmul.f32 v6, v25;
	v7 =	vmul.f32 v7, v26;
	v23 =	vld.idx.msk [tilespmem:v37+s1+$0x0], $0xffff  }
0x8ae: {  	v4 =	vmul.f32 v4, v27;
	v10 =	vmul.f32 v10, v28;
	v24 =	vld.idx.msk [tilespmem:v38+s1+$0x0], $0xffff  }
0x8af: {  	v3 =	vmul.f32 v3, v29;
	v11 =	vmul.f32 v11, v30;
	v20 =	vld.idx.msk [tilespmem:v20+s1+$0x0], $0xffff  }
0x8b0: {  	v5 =	vmul.f32 v5, v31;
	v13 =	vmul.f32 v13, v32;
	v21 =	vld.idx.msk [tilespmem:v21+s1+$0x0], $0xffff  }
0x8b1: {  	v2 =	vmul.f32 v2, v33;
	v14 =	vmul.f32 v14, v34;
	v22 =	vld.idx.msk [tilespmem:v22+s1+$0x0], $0xffff  }
0x8b2: {  	v15 =	vmul.f32 v15, v35;
	v16 =	vmul.f32 v16, v19;
	v25 =	vld [tilespmem:s16+$0x490]  }
0x8b3: {  	v8 =	vadd.f32 v9, v8;
	v6 =	vadd.f32 v7, v6;
	v17 =	vmul.f32 v17, v23;
	v19 =	vld [tilespmem:s13+$0xFFFFFB80]  }
0x8b4: {  	v4 =	vadd.f32 v10, v4;
	v3 =	vadd.f32 v11, v3;
	v9 =	vmul.f32 v18, v24;
	v7 =	vld [tilespmem:s13+$0xFFFFFC00]  }
0x8b5: {  	v5 =	vadd.f32 v13, v5;
	v2 =	vadd.f32 v14, v2;
	v1 =	vmul.f32 v1, v20;
	v10 =	vld [tilespmem:s13+$0xFFFFFC80]  }
0x8b6: {  	v13 =	vadd.f32 v16, v15;
	v0 =	vmul.f32 v0, v21;
	v9 =	vadd.f32 v9, v17;
	v11 =	vld [tilespmem:s13+$0xFFFFFD00]  }
0x8b7: {  	v6 =	vadd.f32 v6, v8;
	v3 =	vadd.f32 v3, v4;
	v14 =	vld [tilespmem:s13+$0xFFFFFD80];
	v15 =	vmul.f32 v25, v22  }
0x8b8: {  	v2 =	vadd.f32 v2, v5;
	v5 =	vadd.f32 v9, v13;
	v4 =	vld [tilespmem:s13+$0xFFFFFE00]  }
0x8b9: {  	v1 =	vadd.f32 v1, v12;
	v8 =	vld [tilespmem:s13+$0xFFFFFE80];
	v0 =	vadd.f32 v15, v0  }
0x8ba: {  	v3 =	vadd.f32 v3, v6;
	v2 =	vadd.f32 v5, v2;
	v9 =	vld [tilespmem:s13+$0xFFFFFF00]  }
0x8bb: {  	v5 =	vld [tilespmem:s13+$0xFFFFFF80]  }
0x8bc: {  	v0 =	vadd.f32 v0, v1;
	v1 =	vadd.f32 v2, v3;
	v6 =	vld [tilespmem:s13+$0x0]  }
0x8bd: {  	v2 =	vld [tilespmem:s13+$0x80]  }
0x8be: {  	v0 =	vadd.f32 v0, v1;
	v3 =	vld [tilespmem:s13+$0x100]  }
0x8bf: {  	s14 =	sadd.s32 $0x20, s14;
	v1 =	vld [tilespmem:s13+$0x180]  }
0x8c0: {  	v12 =	vld [tilespmem:s13+$0x200];
	[tilespmem:s14+$0x0] =	vst v0  }
0x8c1: {  	v0 =	vld [tilespmem:s13+$0x280]  }
0x8c2: {  	v13 =	vld [tilespmem:s13+$0xFFFFFB00]  }
0x8c3: {  	v15 =	vld [tilespmem:s13+$0x300]  }
0x8c4: {  	v16 =	vld [tilespmem:s13+$0x380]  }
0x8c5: {  	v17 =	vld [tilespmem:s13+$0x400]  }
0x8c6: {  	v18 =	vld [tilespmem:s13+$0x480]  }
0x8c7: {  	v19 =	vld.idx.msk [tilespmem:v19+s1+$0x0], $0xffff  }
0x8c8: {  	v7 =	vld.idx.msk [tilespmem:v7+s1+$0x0], $0xffff  }
0x8c9: {  	v10 =	vld.idx.msk [tilespmem:v10+s1+$0x0], $0xffff  }
0x8ca: {  	v13 =	vld.idx.msk [tilespmem:v13+s1+$0x0], $0xffff  }
0x8cb: {  	v11 =	vld.idx.msk [tilespmem:v11+s1+$0x0], $0xffff  }
0x8cc: {  	v14 =	vld.idx.msk [tilespmem:v14+s1+$0x0], $0xffff  }
0x8cd: {  	v4 =	vld.idx.msk [tilespmem:v4+s1+$0x0], $0xffff  }
0x8ce: {  	v8 =	vld.idx.msk [tilespmem:v8+s1+$0x0], $0xffff  }
0x8cf: {  	v9 =	vld.idx.msk [tilespmem:v9+s1+$0x0], $0xffff  }
0x8d0: {  	v5 =	vld.idx.msk [tilespmem:v5+s1+$0x0], $0xffff  }
0x8d1: {  	v6 =	vld.idx.msk [tilespmem:v6+s1+$0x0], $0xffff  }
0x8d2: {  	v2 =	vld.idx.msk [tilespmem:v2+s1+$0x0], $0xffff  }
0x8d3: {  	v3 =	vld.idx.msk [tilespmem:v3+s1+$0x0], $0xffff  }
0x8d4: {  	v1 =	vld.idx.msk [tilespmem:v1+s1+$0x0], $0xffff  }
0x8d5: {  	v12 =	vld.idx.msk [tilespmem:v12+s1+$0x0], $0xffff  }
0x8d6: {  	v20 =	vld.idx.msk [tilespmem:v0+s1+$0x0], $0xffff  }
0x8d7: {  	v0 =	vld [tilespmem:s16+$0xFFFFFB00]  }
0x8d8: {  	v21 =	vld [tilespmem:s16+$0xFFFFFB80]  }
0x8d9: {  	v22 =	vld [tilespmem:s16+$0xFFFFFC00]  }
0x8da: {  	v23 =	vld [tilespmem:s16+$0xFFFFFC80]  }
0x8db: {  	v24 =	vld [tilespmem:s16+$0xFFFFFD00]  }
0x8dc: {  	v25 =	vld [tilespmem:s16+$0xFFFFFD80];
	v0 =	vmul.f32 v0, v13  }
0x8dd: {  	v13 =	vld [tilespmem:s16+$0xFFFFFE00];
	v19 =	vmul.f32 v21, v19  }
0x8de: {  	v21 =	vld [tilespmem:s16+$0xFFFFFE80];
	v7 =	vmul.f32 v22, v7  }
0x8df: {  	v22 =	vld [tilespmem:s16+$0xFFFFFF00];
	v10 =	vmul.f32 v23, v10;
	v0 =	vadd.f32 v19, v0  }
0x8e0: {  	v19 =	vld [tilespmem:s16+$0xFFFFFF80];
	v11 =	vmul.f32 v24, v11  }
0x8e1: {  	v23 =	vld [tilespmem:s16+$0x0];
	v14 =	vmul.f32 v25, v14;
	v7 =	vadd.f32 v10, v7  }
0x8e2: {  	v10 =	vld [tilespmem:s16+$0x80];
	v4 =	vmul.f32 v13, v4  }
0x8e3: {  	v13 =	vld [tilespmem:s16+$0x100];
	v8 =	vmul.f32 v21, v8;
	v11 =	vadd.f32 v14, v11;
	v7 =	vadd.f32 v7, v0  }
0x8e4: {  	v14 =	vld [tilespmem:s16+$0x180];
	v9 =	vmul.f32 v22, v9  }
0x8e5: {  	v21 =	vld [tilespmem:s16+$0x200];
	v5 =	vmul.f32 v19, v5;
	v4 =	vadd.f32 v8, v4  }
0x8e6: {  	v8 =	vld [tilespmem:s16+$0x280];
	v6 =	vmul.f32 v23, v6  }
0x8e7: {  	v0 =	vld.idx.msk [tilespmem:v15+s1+$0x0], $0xffff;
	v10 =	vmul.f32 v10, v2;
	v9 =	vadd.f32 v5, v9;
	v4 =	vadd.f32 v4, v11  }
0x8e8: {  	v2 =	vld.idx.msk [tilespmem:v16+s1+$0x0], $0xffff;
	v11 =	vmul.f32 v13, v3  }
0x8e9: {  	v3 =	vld.idx.msk [tilespmem:v17+s1+$0x0], $0xffff;
	v1 =	vmul.f32 v14, v1;
	v10 =	vadd.f32 v10, v6;
	v5 =	vadd.f32 v4, v7  }
.Ltmp22:
0x8ea: {  	v4 =	vld.idx.msk [tilespmem:v18+s1+$0x0], $0xffff;
	v12 =	vmul.f32 v21, v12;
	(pc) =	sbr.rel @p0 .LBB2_38-.Ltmp22, $4  }
0x8eb: {  	v6 =	vld [tilespmem:s16+$0x300];
	v13 =	vmul.f32 v8, v20;
	v1 =	vadd.f32 v1, v11;
	v8 =	vadd.f32 v10, v9  }
0x8ec: {  	v7 =	vld [tilespmem:s16+$0x380]  }
0x8ed: {  	v9 =	vld [tilespmem:s16+$0x400];
	v11 =	vadd.f32 v13, v12  }
0x8ee: {  	v10 =	vld [tilespmem:s16+$0x480];
	s16 =	sadd.s32 $0x20, s16  }
0x8ef: {  	_ =	sdelay $0x2  }
0x8f0: {  	v1 =	vadd.f32 v11, v1;
	v0 =	vmul.f32 v6, v0;
	v2 =	vmul.f32 v7, v2  }
0x8f1: {  	v3 =	vmul.f32 v9, v3;
	v4 =	vmul.f32 v10, v4  }
0x8f2: {  	v1 =	vadd.f32 v1, v8  }
0x8f3: {  	v0 =	vadd.f32 v2, v0;
	v2 =	vadd.f32 v4, v3  }
0x8f4: {  	p0 =	seq.s32 s8, $0xF  }
0x8f5: {  	s13 =	smul.u32 @!p0 $0x1800, s8;
	v1 =	vadd.f32 v1, v5;
	v0 =	vadd.f32 v2, v0;
	_ =	sdelay $0x1  }
0x8f6: {  	s13 =	sshrl.u32 @!p0 s13, $0x3;
	v0 =	vadd.f32 v0, v1  }
0x8f7: {  	s16 =	simm.s32 @!p0 $0x18700;
	s15 =	sadd.s32 @!p0 s3, s13  }
0x8f8: {  	s13 =	sadd.s32 @!p0 s4, s13;
	[tilespmem:s14+$0xFFFFFFF0] =	vst v0;
	s14 =	sadd.s32 @!p0 $0x6300, s15;
	s15 =	simm.s32 @!p0 $0x0  }
0x8f9: {  	[tilespmem:s16], [sflag:$0x2] =	stream.linear.gather @!p0 [hbm4b:s14+s15], $0xA00, $0x38;
	[tilespmem:$0x1C700] =	vst v63  }
0x8fa: {  	s13 =	sadd.s32 @!p0 $0x300, s13;
	s14 =	simm.s32 @!p0 $0x19F00  }
0x8fb: {  	[tilespmem:s14], [sflag:$0x2] =	stream.linear.gather @!p0 [hbm4b:s13+s15], $0xA00, $0x38;
	[tilespmem:$0x1C700] =	vst v63  }
0x8fc: {  	_ =	swait.ge [sflag:s31], $0xA00  }
0x8fd: {  	[sflag:s31] =	ssyncset.done $0x0  }
0x8fe: {  	[sflag:s31] =	ssyncadd.s32 $0xFFFFF600  }
0x8ff: {  	_ =	swait.ge [sflag:s31], $0xA00  }
0x900: {  	[sflag:s31] =	ssyncset.done $0x0  }
0x901: {  	s16 =	simm.s32 $0x1B000;
	[sflag:s31] =	ssyncadd.s32 $0xFFFFF600  }
0x902: {  	v0 =	vld [tilespmem:s16+$0x310]  }
0x903: {  	v1 =	vld [tilespmem:s16+$0x390]  }
0x904: {  	v2 =	vld [tilespmem:s16+$0x410]  }
0x905: {  	v3 =	vld [tilespmem:s16+$0xFFFFFB10]  }
0x906: {  	v4 =	vld [tilespmem:s16+$0xFFFFFB90]  }
0x907: {  	v5 =	vld [tilespmem:s16+$0xFFFFFC10]  }
0x908: {  	v6 =	vld [tilespmem:s16+$0xFFFFFC90]  }
0x909: {  	v7 =	vld [tilespmem:s16+$0xFFFFFD10]  }
0x90a: {  	v8 =	vld [tilespmem:s16+$0xFFFFFD90]  }
0x90b: {  	v9 =	vld [tilespmem:s16+$0xFFFFFE10]  }
0x90c: {  	v10 =	vld [tilespmem:s16+$0xFFFFFE90]  }
0x90d: {  	v11 =	vld [tilespmem:s16+$0xFFFFFF10]  }
0x90e: {  	v12 =	vld [tilespmem:s16+$0xFFFFFF90]  }
0x90f: {  	v13 =	vld [tilespmem:s16+$0x10]  }
0x910: {  	v14 =	vld [tilespmem:s16+$0x90]  }
0x911: {  	v15 =	vld [tilespmem:s16+$0x110]  }
0x912: {  	v16 =	vld [tilespmem:s16+$0x190]  }
0x913: {  	v17 =	vld [tilespmem:s16+$0x210]  }
0x914: {  	s13 =	simm.s32 $0x19800;
	v18 =	vld [tilespmem:s16+$0x290]  }
0x915: {  	v19 =	vld [tilespmem:s13+$0x310]  }
0x916: {  	v20 =	vld [tilespmem:s13+$0x390]  }
0x917: {  	v21 =	vld [tilespmem:s13+$0x410]  }
0x918: {  	v22 =	vld [tilespmem:s13+$0x490]  }
0x919: {  	v23 =	vld [tilespmem:s13+$0xFFFFFB10]  }
0x91a: {  	v24 =	vld [tilespmem:s13+$0xFFFFFB90]  }
0x91b: {  	v25 =	vld [tilespmem:s13+$0xFFFFFC10]  }
0x91c: {  	v26 =	vld [tilespmem:s13+$0xFFFFFC90]  }
0x91d: {  	v27 =	vld [tilespmem:s13+$0xFFFFFD10]  }
0x91e: {  	v28 =	vld [tilespmem:s13+$0xFFFFFD90]  }
0x91f: {  	v29 =	vld [tilespmem:s13+$0xFFFFFE10]  }
0x920: {  	v30 =	vld [tilespmem:s13+$0xFFFFFE90]  }
0x921: {  	v31 =	vld [tilespmem:s13+$0xFFFFFF10]  }
0x922: {  	v32 =	vld [tilespmem:s13+$0xFFFFFF90]  }
0x923: {  	v33 =	vld [tilespmem:s13+$0x10]  }
0x924: {  	v34 =	vld [tilespmem:s13+$0x90]  }
0x925: {  	v35 =	vld [tilespmem:s13+$0x110]  }
0x926: {  	v36 =	vld [tilespmem:s13+$0x190]  }
0x927: {  	v37 =	vld [tilespmem:s13+$0x210]  }
0x928: {  	v38 =	vld [tilespmem:s13+$0x290]  }
0x929: {  	v39 =	vld [tilespmem:s16+$0x490]  }
0x92a: {  	v40 =	vld [tilespmem:s13+$0xFFFFFB80]  }
0x92b: {  	v41 =	vld [tilespmem:s13+$0xFFFFFC00]  }
0x92c: {  	v42 =	vld [tilespmem:s13+$0xFFFFFC80]  }
0x92d: {  	v43 =	vld [tilespmem:s13+$0xFFFFFD00]  }
0x92e: {  	v44 =	vld [tilespmem:s13+$0xFFFFFD80]  }
0x92f: {  	v45 =	vld [tilespmem:s13+$0xFFFFFE00]  }
0x930: {  	v46 =	vld [tilespmem:s13+$0xFFFFFE80]  }
0x931: {  	v47 =	vld [tilespmem:s13+$0xFFFFFF00]  }
0x932: {  	v48 =	vld [tilespmem:s13+$0xFFFFFF80]  }
0x933: {  	v49 =	vld [tilespmem:s13+$0x0]  }
0x934: {  	v50 =	vld [tilespmem:s13+$0x80]  }
0x935: {  	v51 =	vld [tilespmem:s13+$0x100]  }
0x936: {  	v52 =	vld [tilespmem:s13+$0x180]  }
0x937: {  	v53 =	vld [tilespmem:s13+$0x200]  }
0x938: {  	v54 =	vld [tilespmem:s13+$0x280]  }
0x939: {  	v55 =	vld [tilespmem:s13+$0xFFFFFB00]  }
0x93a: {  	v56 =	vld [tilespmem:s13+$0x300]  }
0x93b: {  	v57 =	vld [tilespmem:s13+$0x380]  }
0x93c: {  	v58 =	vld [tilespmem:s13+$0x400]  }
0x93d: {  	v59 =	vld [tilespmem:s13+$0x480]  }
0x93e: {  	v61 =	vld [tilespmem:s16+$0x280]  }
0x93f: {  	v19 =	vld.idx.msk [tilespmem:v19+s1+$0x0], $0xffff  }
0x940: {  	v23 =	vld.idx.msk [tilespmem:v23+s1+$0x0], $0xffff  }
0x941: {  	v24 =	vld.idx.msk [tilespmem:v24+s1+$0x0], $0xffff  }
0x942: {  	v25 =	vld.idx.msk [tilespmem:v25+s1+$0x0], $0xffff  }
0x943: {  	v26 =	vld.idx.msk [tilespmem:v26+s1+$0x0], $0xffff  }
0x944: {  	v27 =	vld.idx.msk [tilespmem:v27+s1+$0x0], $0xffff  }
0x945: {  	v28 =	vld.idx.msk [tilespmem:v28+s1+$0x0], $0xffff  }
0x946: {  	v29 =	vld.idx.msk [tilespmem:v29+s1+$0x0], $0xffff  }
0x947: {  	v30 =	vld.idx.msk [tilespmem:v30+s1+$0x0], $0xffff  }
0x948: {  	v31 =	vld.idx.msk [tilespmem:v31+s1+$0x0], $0xffff  }
0x949: {  	v32 =	vld.idx.msk [tilespmem:v32+s1+$0x0], $0xffff  }
0x94a: {  	v33 =	vld.idx.msk [tilespmem:v33+s1+$0x0], $0xffff  }
0x94b: {  	v34 =	vld.idx.msk [tilespmem:v34+s1+$0x0], $0xffff  }
0x94c: {  	v35 =	vld.idx.msk [tilespmem:v35+s1+$0x0], $0xffff  }
0x94d: {  	v36 =	vld.idx.msk [tilespmem:v36+s1+$0x0], $0xffff  }
0x94e: {  	v37 =	vld.idx.msk [tilespmem:v37+s1+$0x0], $0xffff  }
0x94f: {  	v38 =	vld.idx.msk [tilespmem:v38+s1+$0x0], $0xffff  }
0x950: {  	v20 =	vld.idx.msk [tilespmem:v20+s1+$0x0], $0xffff  }
0x951: {  	v21 =	vld.idx.msk [tilespmem:v21+s1+$0x0], $0xffff  }
0x952: {  	v22 =	vld.idx.msk [tilespmem:v22+s1+$0x0], $0xffff  }
0x953: {  	v40 =	vld.idx.msk [tilespmem:v40+s1+$0x0], $0xffff  }
0x954: {  	v41 =	vld.idx.msk [tilespmem:v41+s1+$0x0], $0xffff  }
0x955: {  	v42 =	vld.idx.msk [tilespmem:v42+s1+$0x0], $0xffff  }
0x956: {  	v55 =	vld.idx.msk [tilespmem:v55+s1+$0x0], $0xffff  }
0x957: {  	v43 =	vld.idx.msk [tilespmem:v43+s1+$0x0], $0xffff  }
0x958: {  	v44 =	vld.idx.msk [tilespmem:v44+s1+$0x0], $0xffff  }
0x959: {  	v45 =	vld.idx.msk [tilespmem:v45+s1+$0x0], $0xffff  }
0x95a: {  	v46 =	vld.idx.msk [tilespmem:v46+s1+$0x0], $0xffff  }
0x95b: {  	v47 =	vld.idx.msk [tilespmem:v47+s1+$0x0], $0xffff  }
0x95c: {  	v48 =	vld.idx.msk [tilespmem:v48+s1+$0x0], $0xffff  }
0x95d: {  	v49 =	vld.idx.msk [tilespmem:v49+s1+$0x0], $0xffff;
	v0 =	vmul.f32 v0, v19  }
0x95e: {  	v63 =	vld.idx.msk [tilespmem:v53+s1+$0x0], $0xffff;
	v3 =	vmul.f32 v3, v23;
	v4 =	vmul.f32 v4, v24  }
0x95f: {  	v53 =	vld [tilespmem:s16+$0xFFFFFE00];
	v5 =	vmul.f32 v5, v25;
	v6 =	vmul.f32 v6, v26  }
0x960: {  	v19 =	vld.idx.msk [tilespmem:v50+s1+$0x0], $0xffff;
	v7 =	vmul.f32 v7, v27;
	v8 =	vmul.f32 v8, v28  }
0x961: {  	v23 =	vld.idx.msk [tilespmem:v51+s1+$0x0], $0xffff;
	v9 =	vmul.f32 v9, v29;
	v10 =	vmul.f32 v10, v30  }
0x962: {  	v24 =	vld.idx.msk [tilespmem:v52+s1+$0x0], $0xffff;
	v11 =	vmul.f32 v11, v31;
	v12 =	vmul.f32 v12, v32  }
0x963: {  	v26 =	vld.idx.msk [tilespmem:v54+s1+$0x0], $0xffff;
	v13 =	vmul.f32 v13, v33;
	v14 =	vmul.f32 v14, v34  }
0x964: {  	v32 =	vld [tilespmem:s16+$0xFFFFFB00];
	v15 =	vmul.f32 v15, v35;
	v16 =	vmul.f32 v16, v36  }
0x965: {  	v34 =	vld [tilespmem:s16+$0xFFFFFB80];
	v17 =	vmul.f32 v17, v37;
	v3 =	vadd.f32 v4, v3;
	v4 =	vadd.f32 v6, v5  }
0x966: {  	v50 =	vld [tilespmem:s16+$0xFFFFFC00];
	v6 =	vmul.f32 v18, v38;
	v7 =	vadd.f32 v8, v7;
	v8 =	vadd.f32 v10, v9  }
0x967: {  	v1 =	vmul.f32 v1, v20;
	v51 =	vld [tilespmem:s16+$0xFFFFFD80];
	v10 =	vadd.f32 v12, v11;
	v11 =	vadd.f32 v14, v13  }
0x968: {  	v2 =	vmul.f32 v2, v21;
	v5 =	vld [tilespmem:s16+$0xFFFFFC80];
	v52 =	vadd.f32 v16, v15;
	v6 =	vadd.f32 v6, v17  }
0x969: {  	v54 =	vmul.f32 v39, v22;
	v3 =	vadd.f32 v4, v3;
	v4 =	vadd.f32 v8, v7;
	v7 =	vld [tilespmem:s16+$0xFFFFFE80]  }
0x96a: {  	v9 =	vld [tilespmem:s16+$0xFFFFFD00];
	v8 =	vadd.f32 v11, v10;
	v6 =	vadd.f32 v6, v52  }
0x96b: {  	v0 =	vadd.f32 v1, v0;
	v1 =	vadd.f32 v54, v2;
	v2 =	vld [tilespmem:s16+$0xFFFFFF80]  }
0x96c: {  	v10 =	vld [tilespmem:s16+$0xFFFFFF00];
	v3 =	vadd.f32 v4, v3;
	v4 =	vadd.f32 v6, v8  }
0x96d: {  	v14 =	vmul.f32 v53, v45;
	v6 =	vld [tilespmem:s16+$0x0]  }
0x96e: {  	v0 =	vadd.f32 v1, v0;
	v11 =	vld [tilespmem:s16+$0x100];
	v7 =	vmul.f32 v7, v46;
	v1 =	vadd.f32 v4, v3  }
0x96f: {  	v8 =	vld [tilespmem:s16+$0x80];
	v3 =	vmul.f32 v32, v55;
	v4 =	vmul.f32 v34, v40  }
0x970: {  	v55 =	vld [tilespmem:s16+$0x180];
	v60 =	vadd.f32 v0, v1;
	v0 =	vmul.f32 v50, v41;
	v1 =	vmul.f32 v5, v42  }
0x971: {  	v5 =	vld [tilespmem:s16+$0x200];
	v3 =	vadd.f32 v4, v3;
	v4 =	vmul.f32 v9, v43;
	v9 =	vmul.f32 v51, v44  }
0x972: {  	v12 =	vmul.f32 v61, v26;
	v7 =	vadd.f32 v7, v14;
	v62 =	vmul.f32 v6, v49;
	v6 =	vld [tilespmem:s16+$0x300]  }
0x973: {  	v11 =	vmul.f32 v11, v23;
	v1 =	vadd.f32 v1, v0;
	v0 =	vld.idx.msk [tilespmem:v56+s1+$0x0], $0xffff;
	v9 =	vadd.f32 v9, v4  }
0x974: {  	v4 =	vmul.f32 v10, v47;
	v10 =	vmul.f32 v2, v48;
	v2 =	vld.idx.msk [tilespmem:v57+s1+$0x0], $0xffff  }
0x975: {  	v8 =	vmul.f32 v8, v19;
	v1 =	vadd.f32 v1, v3;
	v3 =	vld.idx.msk [tilespmem:v58+s1+$0x0], $0xffff;
	v9 =	vadd.f32 v7, v9  }
0x976: {  	v13 =	vmul.f32 v55, v24;
	v10 =	vadd.f32 v10, v4;
	v4 =	vld.idx.msk [tilespmem:v59+s1+$0x0], $0xffff;
	v63 =	vmul.f32 v5, v63  }
0x977: {  	v8 =	vadd.f32 v8, v62;
	v7 =	vld [tilespmem:s16+$0x380];
	v5 =	vadd.f32 v9, v1  }
0x978: {  	v1 =	vadd.f32 v13, v11;
	v9 =	vld [tilespmem:s16+$0x400];
	v11 =	vadd.f32 v12, v63  }
0x979: {  	s15 =	simm.s32 $0x0;
	s14 =	smov.u32 s10;
	[tilespmem:s10+$0x0] =	vst v60;
	v8 =	vadd.f32 v8, v10;
	v10 =	vld [tilespmem:s16+$0x480];
	s16 =	simm.s32 $0x1B020  }
.LBB2_40:
0x97a: {  	v12 =	vld [tilespmem:s16+$0x310];
	v11 =	vadd.f32 v11, v1  }
0x97b: {  	v1 =	vld [tilespmem:s16+$0x390];
	v6 =	vmul.f32 v6, v0  }
0x97c: {  	v0 =	vld [tilespmem:s16+$0x410];
	v2 =	vmul.f32 v7, v2;
	v7 =	vadd.f32 v11, v8  }
0x97d: {  	v8 =	vld [tilespmem:s16+$0xFFFFFB10];
	v3 =	vmul.f32 v9, v3  }
0x97e: {  	v9 =	vld [tilespmem:s16+$0xFFFFFB90];
	v4 =	vmul.f32 v10, v4;
	v2 =	vadd.f32 v2, v6;
	v5 =	vadd.f32 v7, v5  }
0x97f: {  	v6 =	vld [tilespmem:s16+$0xFFFFFC10]  }
0x980: {  	v7 =	vld [tilespmem:s16+$0xFFFFFC90];
	v3 =	vadd.f32 v4, v3  }
0x981: {  	v4 =	vld [tilespmem:s16+$0xFFFFFD10]  }
0x982: {  	v10 =	vld [tilespmem:s16+$0xFFFFFD90];
	v2 =	vadd.f32 v3, v2  }
0x983: {  	v3 =	vld [tilespmem:s16+$0xFFFFFE10]  }
0x984: {  	v11 =	vld [tilespmem:s16+$0xFFFFFE90];
	v2 =	vadd.f32 v2, v5  }
0x985: {  	v5 =	vld [tilespmem:s16+$0xFFFFFF10]  }
0x986: {  	v13 =	vld [tilespmem:s16+$0xFFFFFF90];
	[tilespmem:s14+$0xFFFFFFF0] =	vst v2  }
0x987: {  	v2 =	vld [tilespmem:s16+$0x10]  }
0x988: {  	v14 =	vld [tilespmem:s16+$0x90]  }
0x989: {  	v15 =	vld [tilespmem:s16+$0x110]  }
0x98a: {  	v16 =	vld [tilespmem:s16+$0x190]  }
0x98b: {  	v17 =	vld [tilespmem:s16+$0x210]  }
0x98c: {  	s13 =	sadd.s32 $0x20, s13;
	v18 =	vld [tilespmem:s16+$0x290]  }
0x98d: {  	v19 =	vld [tilespmem:s13+$0x310]  }
0x98e: {  	v20 =	vld [tilespmem:s13+$0x390]  }
0x98f: {  	v21 =	vld [tilespmem:s13+$0x410]  }
0x990: {  	v22 =	vld [tilespmem:s13+$0x490]  }
0x991: {  	v23 =	vld [tilespmem:s13+$0xFFFFFB10]  }
0x992: {  	v24 =	vld [tilespmem:s13+$0xFFFFFB90]  }
0x993: {  	v25 =	vld [tilespmem:s13+$0xFFFFFC10]  }
0x994: {  	v26 =	vld [tilespmem:s13+$0xFFFFFC90]  }
0x995: {  	v27 =	vld [tilespmem:s13+$0xFFFFFD10]  }
0x996: {  	v28 =	vld [tilespmem:s13+$0xFFFFFD90]  }
0x997: {  	v29 =	vld [tilespmem:s13+$0xFFFFFE10]  }
0x998: {  	v30 =	vld [tilespmem:s13+$0xFFFFFE90]  }
0x999: {  	v31 =	vld [tilespmem:s13+$0xFFFFFF10]  }
0x99a: {  	v32 =	vld [tilespmem:s13+$0xFFFFFF90]  }
0x99b: {  	v33 =	vld [tilespmem:s13+$0x10]  }
0x99c: {  	v34 =	vld [tilespmem:s13+$0x90]  }
0x99d: {  	v35 =	vld [tilespmem:s13+$0x110]  }
0x99e: {  	v36 =	vld [tilespmem:s13+$0x190]  }
0x99f: {  	v37 =	vld [tilespmem:s13+$0x210]  }
0x9a0: {  	v38 =	vld [tilespmem:s13+$0x290]  }
0x9a1: {  	v19 =	vld.idx.msk [tilespmem:v19+s1+$0x0], $0xffff  }
0x9a2: {  	v23 =	vld.idx.msk [tilespmem:v23+s1+$0x0], $0xffff  }
0x9a3: {  	v24 =	vld.idx.msk [tilespmem:v24+s1+$0x0], $0xffff  }
0x9a4: {  	v25 =	vld.idx.msk [tilespmem:v25+s1+$0x0], $0xffff  }
0x9a5: {  	v26 =	vld.idx.msk [tilespmem:v26+s1+$0x0], $0xffff  }
0x9a6: {  	v27 =	vld.idx.msk [tilespmem:v27+s1+$0x0], $0xffff  }
0x9a7: {  	v28 =	vld.idx.msk [tilespmem:v28+s1+$0x0], $0xffff  }
0x9a8: {  	v29 =	vld.idx.msk [tilespmem:v29+s1+$0x0], $0xffff  }
0x9a9: {  	s15 =	sadd.s32 $0x2, s15;
	v30 =	vld.idx.msk [tilespmem:v30+s1+$0x0], $0xffff  }
0x9aa: {  	p1 =	slt.u32 s15, $0x6;
	v31 =	vld.idx.msk [tilespmem:v31+s1+$0x0], $0xffff  }
0x9ab: {  	v32 =	vld.idx.msk [tilespmem:v32+s1+$0x0], $0xffff  }
0x9ac: {  	v33 =	vld.idx.msk [tilespmem:v33+s1+$0x0], $0xffff  }
0x9ad: {  	v34 =	vld.idx.msk [tilespmem:v34+s1+$0x0], $0xffff  }
0x9ae: {  	v12 =	vmul.f32 v12, v19;
	v35 =	vld.idx.msk [tilespmem:v35+s1+$0x0], $0xffff  }
0x9af: {  	v8 =	vmul.f32 v8, v23;
	v9 =	vmul.f32 v9, v24;
	v19 =	vld.idx.msk [tilespmem:v36+s1+$0x0], $0xffff  }
0x9b0: {  	v6 =	vmul.f32 v6, v25;
	v7 =	vmul.f32 v7, v26;
	v23 =	vld.idx.msk [tilespmem:v37+s1+$0x0], $0xffff  }
0x9b1: {  	v4 =	vmul.f32 v4, v27;
	v10 =	vmul.f32 v10, v28;
	v24 =	vld.idx.msk [tilespmem:v38+s1+$0x0], $0xffff  }
0x9b2: {  	v3 =	vmul.f32 v3, v29;
	v11 =	vmul.f32 v11, v30;
	v20 =	vld.idx.msk [tilespmem:v20+s1+$0x0], $0xffff  }
0x9b3: {  	v5 =	vmul.f32 v5, v31;
	v13 =	vmul.f32 v13, v32;
	v21 =	vld.idx.msk [tilespmem:v21+s1+$0x0], $0xffff  }
0x9b4: {  	v2 =	vmul.f32 v2, v33;
	v14 =	vmul.f32 v14, v34;
	v22 =	vld.idx.msk [tilespmem:v22+s1+$0x0], $0xffff  }
0x9b5: {  	v15 =	vmul.f32 v15, v35;
	v16 =	vmul.f32 v16, v19;
	v25 =	vld [tilespmem:s16+$0x490]  }
0x9b6: {  	v8 =	vadd.f32 v9, v8;
	v6 =	vadd.f32 v7, v6;
	v17 =	vmul.f32 v17, v23;
	v19 =	vld [tilespmem:s13+$0xFFFFFB80]  }
0x9b7: {  	v4 =	vadd.f32 v10, v4;
	v3 =	vadd.f32 v11, v3;
	v9 =	vmul.f32 v18, v24;
	v7 =	vld [tilespmem:s13+$0xFFFFFC00]  }
0x9b8: {  	v5 =	vadd.f32 v13, v5;
	v2 =	vadd.f32 v14, v2;
	v1 =	vmul.f32 v1, v20;
	v10 =	vld [tilespmem:s13+$0xFFFFFC80]  }
0x9b9: {  	v13 =	vadd.f32 v16, v15;
	v0 =	vmul.f32 v0, v21;
	v9 =	vadd.f32 v9, v17;
	v11 =	vld [tilespmem:s13+$0xFFFFFD00]  }
0x9ba: {  	v6 =	vadd.f32 v6, v8;
	v3 =	vadd.f32 v3, v4;
	v14 =	vld [tilespmem:s13+$0xFFFFFD80];
	v15 =	vmul.f32 v25, v22  }
0x9bb: {  	v2 =	vadd.f32 v2, v5;
	v5 =	vadd.f32 v9, v13;
	v4 =	vld [tilespmem:s13+$0xFFFFFE00]  }
0x9bc: {  	v1 =	vadd.f32 v1, v12;
	v8 =	vld [tilespmem:s13+$0xFFFFFE80];
	v0 =	vadd.f32 v15, v0  }
0x9bd: {  	v3 =	vadd.f32 v3, v6;
	v2 =	vadd.f32 v5, v2;
	v9 =	vld [tilespmem:s13+$0xFFFFFF00]  }
0x9be: {  	v5 =	vld [tilespmem:s13+$0xFFFFFF80]  }
0x9bf: {  	v0 =	vadd.f32 v0, v1;
	v1 =	vadd.f32 v2, v3;
	v6 =	vld [tilespmem:s13+$0x0]  }
0x9c0: {  	v2 =	vld [tilespmem:s13+$0x80]  }
0x9c1: {  	v0 =	vadd.f32 v0, v1;
	v3 =	vld [tilespmem:s13+$0x100]  }
0x9c2: {  	s14 =	sadd.s32 $0x20, s14;
	v1 =	vld [tilespmem:s13+$0x180]  }
0x9c3: {  	v12 =	vld [tilespmem:s13+$0x200];
	[tilespmem:s14+$0x0] =	vst v0  }
0x9c4: {  	v0 =	vld [tilespmem:s13+$0x280]  }
0x9c5: {  	v13 =	vld [tilespmem:s13+$0xFFFFFB00]  }
0x9c6: {  	v15 =	vld [tilespmem:s13+$0x300]  }
0x9c7: {  	v16 =	vld [tilespmem:s13+$0x380]  }
0x9c8: {  	v17 =	vld [tilespmem:s13+$0x400]  }
0x9c9: {  	v18 =	vld [tilespmem:s13+$0x480]  }
0x9ca: {  	v19 =	vld.idx.msk [tilespmem:v19+s1+$0x0], $0xffff  }
0x9cb: {  	v7 =	vld.idx.msk [tilespmem:v7+s1+$0x0], $0xffff  }
0x9cc: {  	v10 =	vld.idx.msk [tilespmem:v10+s1+$0x0], $0xffff  }
0x9cd: {  	v13 =	vld.idx.msk [tilespmem:v13+s1+$0x0], $0xffff  }
0x9ce: {  	v11 =	vld.idx.msk [tilespmem:v11+s1+$0x0], $0xffff  }
0x9cf: {  	v14 =	vld.idx.msk [tilespmem:v14+s1+$0x0], $0xffff  }
0x9d0: {  	v4 =	vld.idx.msk [tilespmem:v4+s1+$0x0], $0xffff  }
0x9d1: {  	v8 =	vld.idx.msk [tilespmem:v8+s1+$0x0], $0xffff  }
0x9d2: {  	v9 =	vld.idx.msk [tilespmem:v9+s1+$0x0], $0xffff  }
0x9d3: {  	v5 =	vld.idx.msk [tilespmem:v5+s1+$0x0], $0xffff  }
0x9d4: {  	v6 =	vld.idx.msk [tilespmem:v6+s1+$0x0], $0xffff  }
0x9d5: {  	v2 =	vld.idx.msk [tilespmem:v2+s1+$0x0], $0xffff  }
0x9d6: {  	v3 =	vld.idx.msk [tilespmem:v3+s1+$0x0], $0xffff  }
0x9d7: {  	v1 =	vld.idx.msk [tilespmem:v1+s1+$0x0], $0xffff  }
0x9d8: {  	v12 =	vld.idx.msk [tilespmem:v12+s1+$0x0], $0xffff  }
0x9d9: {  	v20 =	vld.idx.msk [tilespmem:v0+s1+$0x0], $0xffff  }
0x9da: {  	v0 =	vld [tilespmem:s16+$0xFFFFFB00]  }
0x9db: {  	v21 =	vld [tilespmem:s16+$0xFFFFFB80]  }
0x9dc: {  	v22 =	vld [tilespmem:s16+$0xFFFFFC00]  }
0x9dd: {  	v23 =	vld [tilespmem:s16+$0xFFFFFC80]  }
0x9de: {  	v24 =	vld [tilespmem:s16+$0xFFFFFD00]  }
0x9df: {  	v25 =	vld [tilespmem:s16+$0xFFFFFD80];
	v0 =	vmul.f32 v0, v13  }
0x9e0: {  	v13 =	vld [tilespmem:s16+$0xFFFFFE00];
	v19 =	vmul.f32 v21, v19  }
0x9e1: {  	v21 =	vld [tilespmem:s16+$0xFFFFFE80];
	v7 =	vmul.f32 v22, v7  }
0x9e2: {  	v22 =	vld [tilespmem:s16+$0xFFFFFF00];
	v10 =	vmul.f32 v23, v10;
	v0 =	vadd.f32 v19, v0  }
0x9e3: {  	v19 =	vld [tilespmem:s16+$0xFFFFFF80];
	v11 =	vmul.f32 v24, v11  }
0x9e4: {  	v23 =	vld [tilespmem:s16+$0x0];
	v14 =	vmul.f32 v25, v14;
	v7 =	vadd.f32 v10, v7  }
0x9e5: {  	v10 =	vld [tilespmem:s16+$0x80];
	v4 =	vmul.f32 v13, v4  }
0x9e6: {  	v13 =	vld [tilespmem:s16+$0x100];
	v8 =	vmul.f32 v21, v8;
	v11 =	vadd.f32 v14, v11;
	v7 =	vadd.f32 v7, v0  }
0x9e7: {  	v14 =	vld [tilespmem:s16+$0x180];
	v9 =	vmul.f32 v22, v9  }
0x9e8: {  	v21 =	vld [tilespmem:s16+$0x200];
	v5 =	vmul.f32 v19, v5;
	v4 =	vadd.f32 v8, v4  }
0x9e9: {  	v8 =	vld [tilespmem:s16+$0x280];
	v6 =	vmul.f32 v23, v6  }
0x9ea: {  	v0 =	vld.idx.msk [tilespmem:v15+s1+$0x0], $0xffff;
	v10 =	vmul.f32 v10, v2;
	v9 =	vadd.f32 v5, v9;
	v4 =	vadd.f32 v4, v11  }
0x9eb: {  	v2 =	vld.idx.msk [tilespmem:v16+s1+$0x0], $0xffff;
	v11 =	vmul.f32 v13, v3  }
0x9ec: {  	v3 =	vld.idx.msk [tilespmem:v17+s1+$0x0], $0xffff;
	v1 =	vmul.f32 v14, v1;
	v10 =	vadd.f32 v10, v6;
	v5 =	vadd.f32 v4, v7  }
.Ltmp23:
0x9ed: {  	v4 =	vld.idx.msk [tilespmem:v18+s1+$0x0], $0xffff;
	v12 =	vmul.f32 v21, v12;
	(pc) =	sbr.rel @p1 .LBB2_40-.Ltmp23, $4  }
0x9ee: {  	v6 =	vld [tilespmem:s16+$0x300];
	v13 =	vmul.f32 v8, v20;
	v1 =	vadd.f32 v1, v11;
	v8 =	vadd.f32 v10, v9  }
0x9ef: {  	v7 =	vld [tilespmem:s16+$0x380]  }
0x9f0: {  	v9 =	vld [tilespmem:s16+$0x400];
	v11 =	vadd.f32 v13, v12  }
0x9f1: {  	v10 =	vld [tilespmem:s16+$0x480];
	s16 =	sadd.s32 $0x20, s16  }
0x9f2: {  	_ =	sdelay $0x2  }
0x9f3: {  	v1 =	vadd.f32 v11, v1;
	v0 =	vmul.f32 v6, v0;
	v2 =	vmul.f32 v7, v2  }
0x9f4: {  	v3 =	vmul.f32 v9, v3;
	v4 =	vmul.f32 v10, v4  }
0x9f5: {  	v1 =	vadd.f32 v1, v8  }
0x9f6: {  	v0 =	vadd.f32 v2, v0;
	v63 =	vadd.f32 v4, v3;
	_ =	sdelay $0x1  }
.Ltmp24:
0x9f7: {  	v1 =	vadd.f32 v1, v5;
	v0 =	vadd.f32 v63, v0;
	(pc) =	sbr.rel @p0 .LBB2_43-.Ltmp24, $3  }
0x9f8: {  	_ = 	snop  }
0x9f9: {  	v0 =	vadd.f32 v0, v1;
	_ =	sdelay $0x1  }
0x9fa: {  	[tilespmem:s14+$0xFFFFFFF0] =	vst v0  }
0x9fb: {  	s13 =	smul.u32 $0x1800, s8;
	_ =	sdelay $0x1  }
0x9fc: {  	s13 =	sshrl.u32 s13, $0x3  }
.Ltmp25:
0x9fd: {  	s14 =	sadd.s32 s3, s13;
	(pc) =	sbr.rel .LBB2_37-.Ltmp25, $4  }
0x9fe: {  	s8 =	sadd.s32 $0x1, s8;
	s13 =	sadd.s32 s4, s13;
	s14 =	sadd.s32 $0x6480, s14  }
0x9ff: {  	[tilespmem:s28], [sflag:$0x3] =	stream.linear.gather [hbm4b:s14+s1], $0xA00, $0x38;
	[tilespmem:$0x1C700] =	vst v63  }
0xa00: {  	s9 =	sadd.s32 $0x100, s9;
	s10 =	sadd.s32 $0x100, s10;
	s13 =	sadd.s32 $0x480, s13  }
0xa01: {  	[tilespmem:s5], [sflag:$0x3] =	stream.linear.gather [hbm4b:s13+s1], $0xA00, $0x38;
	[tilespmem:$0x1C700] =	vst v63  }
.LBB2_44:
0xa02: {  	_ =	sfence.sel $0x180000  }
0xa03: {  	[bflag:$0x0] =	sbarrier.arrive $0xFFFF  }
0xa04: {  	_ =	strace $0x90000047  }
0xa05: {  	s0 =	stileid.u32;
	[bflag:$0x2] =	sbarrier.arrive $0xFFFF  }
0xa06: {  	p0 =	sne.s32 s0, $0x0;
	s0 =	rddreg [dreg:$0x4]  }
0xa07: {  	s0 =	sadd.s32 @!p0 $0x100000, s0  }
0xa08: {  	[sflag:s0] =	ssyncadd.tile.s32 @!p0 $0x1;
	_ =	shalt  }
.Lfunc_end2:
_tile_overlayer_lowered:
.L_overlay_start_2:
0xa09: {  	(tag) =	ssettag $0x2  }
0xa0a: {  	s0 =	rddreg [dreg:$0x0];
	s2 =	stileid.u32  }
0xa0b: {  	s1 =	rddreg [dreg:$0x1];
	p0 =	sne.s32 s2, $0x0  }
0xa0c: {  	s3 =	rddreg [dreg:$0x2];
	[bflag:$0x3] =	sbarrier.arrive $0xFFFF;
	s2 =	simm.s32 @!p0 $0x1C04  }
0xa0d: {  	[timem:s3], [sflag:s2] =	dma.local @!p0 [hbm:s0], s1  }
0xa0e: {  	s0 =	simm.s32 @!p0 $0x4  }
0xa0f: {  	_ =	swait.ge @!p0 [sflag:s0], s1  }
0xa10: {  	s1 =	ssub.s32 @!p0 $0x0, s1;
	[sflag:s0] =	ssyncset.done @!p0 $0x0  }
0xa11: {  	[sflag:s0] =	ssyncadd.s32 @!p0 s1  }
0xa12: {  	[bflag:$0x3] =	sbarrier.arrive $0xFFFF  }
0xa13: {  	_ =	shalt  }

</sc_bundles>
